<compile_context>
chip_gen: v7x
topology: tpu7x:2x2x1
jax: 0.10.2.dev20260603
libtpu: 0.0.44.dev20260713+nightly
codegen_flags: <defaults>
</compile_context>

<pallas_src>
import functools

import jax
import jax.numpy as jnp
from jax import lax
from jax.experimental import pallas as pl
from jax.experimental.pallas import tpu as pltpu
from jax.experimental.pallas import tpu_sc as plsc

KB = 2048
NC = 19
ROWLEN = 2 * KB
HISTLEN = NC * ROWLEN
NWORKERS = 32
TOTAL = 4 * NC * 512 * 512
PER_W = TOTAL // NWORKERS
PIX_W = PER_W // NC
SUPER = 16 * NC
SUP_PER_CHUNK = 32
PCHUNK = SUPER * SUP_PER_CHUNK
LCHUNK = 16 * SUP_PER_CHUNK
NCHUNK = PER_W // PCHUNK


def _hist_sc_body(p_hbm, lab_hbm, out_hbm, pbuf, lbuf, hist,
                  psem0, psem1, lsem0, lsem1):
    wid = lax.axis_index("c") * 16 + lax.axis_index("s")
    pbase = wid * PER_W
    lbase = wid * PIX_W

    zeros16 = jnp.zeros((16,), jnp.float32)
    ones16 = jnp.ones((16,), jnp.float32)
    lane = lax.iota(jnp.int32, 16)
    phases = []
    for ph in range(NC):
        cvec = (16 * ph + lane) % NC
        basef = (cvec * KB).astype(jnp.float32)
        cap = cvec * KB + (KB - 1)
        phases.append((basef, cap))
    lane19 = lane * NC
    fgbase = NC * KB

    def zero_body(j, carry):
        hist[pl.ds(j * 16, 16)] = zeros16
        return carry
    lax.fori_loop(0, HISTLEN // 16, zero_body, 0)

    def start(ch, slot, psem, lsem):
        poff = pl.multiple_of(pbase + ch * PCHUNK, 8)
        loff = pl.multiple_of(lbase + ch * LCHUNK, 8)
        pltpu.async_copy(p_hbm.at[pl.ds(poff, PCHUNK)],
                         pbuf.at[pl.ds(slot * PCHUNK, PCHUNK)], psem)
        pltpu.async_copy(lab_hbm.at[pl.ds(loff, LCHUNK)],
                         lbuf.at[pl.ds(slot * LCHUNK, LCHUNK)], lsem)

    def wait(slot, psem, lsem):
        pltpu.make_async_copy(p_hbm.at[pl.ds(0, PCHUNK)],
                              pbuf.at[pl.ds(slot * PCHUNK, PCHUNK)],
                              psem).wait()
        pltpu.make_async_copy(lab_hbm.at[pl.ds(0, LCHUNK)],
                              lbuf.at[pl.ds(slot * LCHUNK, LCHUNK)],
                              lsem).wait()

    def process(slot):
        @plsc.parallel_loop(0, SUP_PER_CHUNK, unroll=2)
        def super_body(s):
            sp = slot * PCHUNK + s * SUPER
            for basef, cap in phases:
                p_vec = pbuf[pl.ds(sp, 16)]
                sp = sp + 16
                idx = jnp.minimum((p_vec * float(KB) + basef)
                                  .astype(jnp.int32), cap)
                plsc.addupdate_scatter(hist, [idx], ones16)

        @plsc.parallel_loop(0, SUP_PER_CHUNK, unroll=2)
        def fg_body(s):
            labs = lbuf[pl.ds(slot * LCHUNK + s * 16, 16)]
            pv = plsc.load_gather(
                pbuf, [slot * PCHUNK + s * SUPER + lane19 + labs])
            bins = jnp.minimum((pv * float(KB)).astype(jnp.int32), KB - 1)
            idx = fgbase + labs * KB + bins
            plsc.addupdate_scatter(hist, [idx], ones16)

    start(0, 0, psem0, lsem0)

    def pair_body(g, carry):
        start(2 * g + 1, 1, psem1, lsem1)
        wait(0, psem0, lsem0)
        process(0)

        @pl.when(2 * g + 2 < NCHUNK)
        def _():
            start(2 * g + 2, 0, psem0, lsem0)
        wait(1, psem1, lsem1)
        process(1)
        return carry
    lax.fori_loop(0, NCHUNK // 2, pair_body, 0)

    pltpu.sync_copy(hist, out_hbm.at[wid])


def _hist_call(p_flat, lab_flat):
    mesh = plsc.VectorSubcoreMesh(core_axis_name="c", subcore_axis_name="s")
    fn = functools.partial(
        pl.kernel,
        out_type=jax.ShapeDtypeStruct((NWORKERS, HISTLEN), jnp.float32),
        mesh=mesh,
        scratch_types=[
            pltpu.VMEM((2 * PCHUNK,), jnp.float32),
            pltpu.VMEM((2 * LCHUNK,), jnp.int32),
            pltpu.VMEM((HISTLEN,), jnp.float32),
            pltpu.SemaphoreType.DMA,
            pltpu.SemaphoreType.DMA,
            pltpu.SemaphoreType.DMA,
            pltpu.SemaphoreType.DMA,
        ],
        compiler_params=pltpu.CompilerParams(needs_layout_passes=False),
    )(_hist_sc_body)
    return fn(p_flat, lab_flat)


def _loss_body(h_ref, o_ref):
    h = jnp.sum(h_ref[...], axis=0)
    hall = h[0]
    h1 = h[1]

    def suffix(x):
        s = x
        for i in range(11):
            sh = 1 << i
            s = s + jnp.concatenate(
                [s[:, sh:], jnp.zeros((NC, sh), jnp.float32)], axis=1)
        return s

    SF = suffix(h1)
    SA = suffix(hall)
    G = SF[:, 0:1]

    ii = lax.broadcasted_iota(jnp.int32, (KB, KB), 0)
    jj = lax.broadcasted_iota(jnp.int32, (KB, KB), 1)
    perm = (ii + jj == KB).astype(jnp.float32)
    num = lax.dot_general(SF, perm, (((1,), (0,)), ((), ())),
                          precision=lax.Precision.HIGHEST)
    den = G + SA - SF
    f = num / jnp.maximum(den, 1.0)
    sum_f = jnp.sum(f, axis=1)

    present = (G[:, 0] > 0.0).astype(jnp.float32)
    loss_c = 1.0 - (sum_f + 0.5 * present) / float(KB)
    res = jnp.sum(loss_c * present) / jnp.maximum(jnp.sum(present), 1.0)
    o_ref[...] = jnp.broadcast_to(res, (1, 1))


def _loss_call(hists):
    return pl.pallas_call(
        _loss_body,
        out_shape=jax.ShapeDtypeStruct((1, 1), jnp.float32),
    )(hists)


def kernel(probas, labels):
    hists = _hist_call(probas.reshape(-1), labels.reshape(-1))
    out = _loss_call(hists.reshape(NWORKERS, 2, NC, KB))
    return out.reshape(())

# --- scband reference (transcript-rebuilt; emitter-appended) ---
"""Pipeline reference for scband-lovasz-softmax-loss-80547816669593 (READ-ONLY COPY).

The authoritative reference and input builder live on the scoring server;
editing this copy changes nothing except your own understanding.
"""

import jax, jax.numpy as jnp
import numpy as np


def lovasz_grad(gt_sorted):
    gts = gt_sorted.sum()
    intersection = gts - jnp.cumsum(gt_sorted, 0)
    union = gts + jnp.cumsum(1.0 - gt_sorted, 0)
    jaccard = 1.0 - intersection / union
    jaccard = jnp.concatenate([jaccard[:1], jaccard[1:] - jaccard[:-1]], 0)
    return jaccard


def setup_inputs(seed: int = 0) -> dict:
    key = jax.random.key(seed)
    k1, k2 = jax.random.split(key)
    probas = jax.random.uniform(k1, (4, 19, 512, 512), dtype=jnp.float32)
    labels = jax.random.randint(k2, (4, 512, 512), 0, 19)
    return {"probas": probas, "labels": labels}


def reference(probas, labels):
    C = probas.shape[1]
    pf = probas.reshape(-1, C)
    lf = labels.reshape(-1)
    losses = []
    presents = []
    for c in range(C):
        fg = (lf == c).astype(jnp.float32)
        present = (fg.sum() > 0).astype(jnp.float32)
        class_pred = pf[:, c]
        errors = jnp.abs(fg - class_pred)
        perm = jnp.argsort(-errors)
        errors_sorted = errors[perm]
        fg_sorted = fg[perm]
        losses.append(jnp.dot(errors_sorted, lovasz_grad(fg_sorted)))
        presents.append(present)
    losses = jnp.stack(losses)
    presents = jnp.stack(presents)
    # classes='present': average only over classes that appear in labels
    return jnp.sum(losses * presents) / jnp.maximum(jnp.sum(presents), 1.0)

if __name__ == "__main__":
    import jax
    _d = setup_inputs()
    print(jax.jit(kernel)(*tuple(_d.values())))

</pallas_src>

<mosaic_0001>
#map = affine_map<(d0, d1) -> (0)>
#map1 = affine_map<(d0, d1) -> (0, 0)>
module attributes {stable_mosaic.version = 14 : i64} {
  func.func @_hist_sc_body(%arg0: i32, %arg1: i32, %arg2: memref<19922944xf32, #tpu.memory_space<hbm>>, %arg3: memref<1048576xi32, #tpu.memory_space<hbm>>, %arg4: memref<32x77824xf32, #tpu.memory_space<hbm>>, %arg5: memref<19456xf32, #tpu.memory_space<vmem>>, %arg6: memref<1024xi32, #tpu.memory_space<vmem>>, %arg7: memref<77824xf32, #tpu.memory_space<vmem>>, %arg8: memref<!tpu.dma_semaphore, #tpu.memory_space<semaphore_mem>>, %arg9: memref<!tpu.dma_semaphore, #tpu.memory_space<semaphore_mem>>, %arg10: memref<!tpu.dma_semaphore, #tpu.memory_space<semaphore_mem>>, %arg11: memref<!tpu.dma_semaphore, #tpu.memory_space<semaphore_mem>>) attributes {dimension_semantics = [#tpu.dimension_semantics<core_parallel>, #tpu.dimension_semantics<subcore_parallel>], iteration_bounds = array<i64: 2, 16>, scalar_prefetch = 0 : i64, scratch_operands = 7 : i64, tpu.core_type = #tpu.core_type<sc_vector_subcore>, window_params = [{transform_indices = #map}, {transform_indices = #map}, {transform_indices = #map1}]} {
    %mul3A = arith.constant 16 : i32
    %mul3A_0 = arith.muli %arg0, %mul3A : i32
    %add3A = arith.addi %mul3A_0, %arg1 : i32
    %mul3A_1 = arith.constant 622592 : i32
    %mul3A_2 = arith.muli %add3A, %mul3A_1 : i32
    %mul3A_3 = arith.constant 32768 : i32
    %mul3A_4 = arith.muli %add3A, %mul3A_3 : i32
    %broadcast_in_dim3A = arith.constant 0.000000e+00 : f32
    %broadcast_in_dim3A_5 = vector.broadcast %broadcast_in_dim3A : f32 to vector<16xf32>
    %broadcast_in_dim3A_6 = arith.constant 1.000000e+00 : f32
    %broadcast_in_dim3A_7 = vector.broadcast %broadcast_in_dim3A_6 : f32 to vector<16xf32>
    %iota3A = tpu.iota {dimensions = array<i32: 0>} : vector<16xi32>
    %add3A_8 = arith.constant 0 : i32
    %add3A_9 = vector.broadcast %add3A_8 : i32 to vector<16xi32>
    %add3A_10 = arith.addi %add3A_9, %iota3A : vector<16xi32>
    %jit3A = arith.constant 19 : i32
    %eq3A = arith.constant 0 : i32
    %eq3A_11 = arith.cmpi eq, %jit3A, %eq3A : i32
    %jit3A_12 = arith.constant 1 : i32
    %select_n3A = arith.select %eq3A_11, %jit3A_12, %jit3A : i32
    %rem3A = vector.broadcast %select_n3A : i32 to vector<16xi32>
    %rem3A_13 = arith.remsi %add3A_10, %rem3A : vector<16xi32>
    %ne3A = arith.constant 0 : i32
    %ne3A_14 = vector.broadcast %ne3A : i32 to vector<16xi32>
    %ne3A_15 = arith.cmpi ne, %rem3A_13, %ne3A_14 : vector<16xi32>
    %lt3A = arith.constant 0 : i32
    %lt3A_16 = vector.broadcast %lt3A : i32 to vector<16xi32>
    %lt3A_17 = arith.cmpi slt, %rem3A_13, %lt3A_16 : vector<16xi32>
    %lt3A_18 = arith.constant 0 : i32
    %lt3A_19 = arith.cmpi slt, %select_n3A, %lt3A_18 : i32
    %ne3A_20 = vector.broadcast %lt3A_19 : i1 to vector<16xi1>
    %ne3A_21 = vector.broadcast %ne3A_20 : vector<16xi1> to vector<16xi1>
    %ne3A_22 = arith.xori %lt3A_17, %ne3A_21 : vector<16xi1>
    %and3A = arith.andi %ne3A_22, %ne3A_15 : vector<16xi1>
    %add3A_23 = vector.broadcast %select_n3A : i32 to vector<16xi32>
    %add3A_24 = arith.addi %rem3A_13, %add3A_23 : vector<16xi32>
    %select_n3A_25 = arith.select %and3A, %add3A_24, %rem3A_13 : vector<16xi1>, vector<16xi32>
    %mul3A_26 = arith.constant 2048 : i32
    %mul3A_27 = vector.broadcast %mul3A_26 : i32 to vector<16xi32>
    %mul3A_28 = arith.muli %select_n3A_25, %mul3A_27 : vector<16xi32>
    %convert_element_type3A = arith.sitofp %mul3A_28 : vector<16xi32> to vector<16xf32>
    %mul3A_29 = arith.constant 2048 : i32
    %mul3A_30 = vector.broadcast %mul3A_29 : i32 to vector<16xi32>
    %mul3A_31 = arith.muli %select_n3A_25, %mul3A_30 : vector<16xi32>
    %add3A_32 = arith.constant 2047 : i32
    %add3A_33 = vector.broadcast %add3A_32 : i32 to vector<16xi32>
    %add3A_34 = arith.addi %mul3A_31, %add3A_33 : vector<16xi32>
    %add3A_35 = arith.constant 16 : i32
    %add3A_36 = vector.broadcast %add3A_35 : i32 to vector<16xi32>
    %add3A_37 = arith.addi %add3A_36, %iota3A : vector<16xi32>
    %jit3A_38 = arith.constant 19 : i32
    %eq3A_39 = arith.constant 0 : i32
    %eq3A_40 = arith.cmpi eq, %jit3A_38, %eq3A_39 : i32
    %jit3A_41 = arith.constant 1 : i32
    %select_n3A_42 = arith.select %eq3A_40, %jit3A_41, %jit3A_38 : i32
    %rem3A_43 = vector.broadcast %select_n3A_42 : i32 to vector<16xi32>
    %rem3A_44 = arith.remsi %add3A_37, %rem3A_43 : vector<16xi32>
    %ne3A_45 = arith.constant 0 : i32
    %ne3A_46 = vector.broadcast %ne3A_45 : i32 to vector<16xi32>
    %ne3A_47 = arith.cmpi ne, %rem3A_44, %ne3A_46 : vector<16xi32>
    %lt3A_48 = arith.constant 0 : i32
    %lt3A_49 = vector.broadcast %lt3A_48 : i32 to vector<16xi32>
    %lt3A_50 = arith.cmpi slt, %rem3A_44, %lt3A_49 : vector<16xi32>
    %lt3A_51 = arith.constant 0 : i32
    %lt3A_52 = arith.cmpi slt, %select_n3A_42, %lt3A_51 : i32
    %ne3A_53 = vector.broadcast %lt3A_52 : i1 to vector<16xi1>
    %ne3A_54 = vector.broadcast %ne3A_53 : vector<16xi1> to vector<16xi1>
    %ne3A_55 = arith.xori %lt3A_50, %ne3A_54 : vector<16xi1>
    %and3A_56 = arith.andi %ne3A_55, %ne3A_47 : vector<16xi1>
    %add3A_57 = vector.broadcast %select_n3A_42 : i32 to vector<16xi32>
    %add3A_58 = arith.addi %rem3A_44, %add3A_57 : vector<16xi32>
    %select_n3A_59 = arith.select %and3A_56, %add3A_58, %rem3A_44 : vector<16xi1>, vector<16xi32>
    %mul3A_60 = arith.constant 2048 : i32
    %mul3A_61 = vector.broadcast %mul3A_60 : i32 to vector<16xi32>
    %mul3A_62 = arith.muli %select_n3A_59, %mul3A_61 : vector<16xi32>
    %convert_element_type3A_63 = arith.sitofp %mul3A_62 : vector<16xi32> to vector<16xf32>
    %mul3A_64 = arith.constant 2048 : i32
    %mul3A_65 = vector.broadcast %mul3A_64 : i32 to vector<16xi32>
    %mul3A_66 = arith.muli %select_n3A_59, %mul3A_65 : vector<16xi32>
    %add3A_67 = arith.constant 2047 : i32
    %add3A_68 = vector.broadcast %add3A_67 : i32 to vector<16xi32>
    %add3A_69 = arith.addi %mul3A_66, %add3A_68 : vector<16xi32>
    %add3A_70 = arith.constant 32 : i32
    %add3A_71 = vector.broadcast %add3A_70 : i32 to vector<16xi32>
    %add3A_72 = arith.addi %add3A_71, %iota3A : vector<16xi32>
    %jit3A_73 = arith.constant 19 : i32
    %eq3A_74 = arith.constant 0 : i32
    %eq3A_75 = arith.cmpi eq, %jit3A_73, %eq3A_74 : i32
    %jit3A_76 = arith.constant 1 : i32
    %select_n3A_77 = arith.select %eq3A_75, %jit3A_76, %jit3A_73 : i32
    %rem3A_78 = vector.broadcast %select_n3A_77 : i32 to vector<16xi32>
    %rem3A_79 = arith.remsi %add3A_72, %rem3A_78 : vector<16xi32>
    %ne3A_80 = arith.constant 0 : i32
    %ne3A_81 = vector.broadcast %ne3A_80 : i32 to vector<16xi32>
    %ne3A_82 = arith.cmpi ne, %rem3A_79, %ne3A_81 : vector<16xi32>
    %lt3A_83 = arith.constant 0 : i32
    %lt3A_84 = vector.broadcast %lt3A_83 : i32 to vector<16xi32>
    %lt3A_85 = arith.cmpi slt, %rem3A_79, %lt3A_84 : vector<16xi32>
    %lt3A_86 = arith.constant 0 : i32
    %lt3A_87 = arith.cmpi slt, %select_n3A_77, %lt3A_86 : i32
    %ne3A_88 = vector.broadcast %lt3A_87 : i1 to vector<16xi1>
    %ne3A_89 = vector.broadcast %ne3A_88 : vector<16xi1> to vector<16xi1>
    %ne3A_90 = arith.xori %lt3A_85, %ne3A_89 : vector<16xi1>
    %and3A_91 = arith.andi %ne3A_90, %ne3A_82 : vector<16xi1>
    %add3A_92 = vector.broadcast %select_n3A_77 : i32 to vector<16xi32>
    %add3A_93 = arith.addi %rem3A_79, %add3A_92 : vector<16xi32>
    %select_n3A_94 = arith.select %and3A_91, %add3A_93, %rem3A_79 : vector<16xi1>, vector<16xi32>
    %mul3A_95 = arith.constant 2048 : i32
    %mul3A_96 = vector.broadcast %mul3A_95 : i32 to vector<16xi32>
    %mul3A_97 = arith.muli %select_n3A_94, %mul3A_96 : vector<16xi32>
    %convert_element_type3A_98 = arith.sitofp %mul3A_97 : vector<16xi32> to vector<16xf32>
    %mul3A_99 = arith.constant 2048 : i32
    %mul3A_100 = vector.broadcast %mul3A_99 : i32 to vector<16xi32>
    %mul3A_101 = arith.muli %select_n3A_94, %mul3A_100 : vector<16xi32>
    %add3A_102 = arith.constant 2047 : i32
    %add3A_103 = vector.broadcast %add3A_102 : i32 to vector<16xi32>
    %add3A_104 = arith.addi %mul3A_101, %add3A_103 : vector<16xi32>
    %add3A_105 = arith.constant 48 : i32
    %add3A_106 = vector.broadcast %add3A_105 : i32 to vector<16xi32>
    %add3A_107 = arith.addi %add3A_106, %iota3A : vector<16xi32>
    %jit3A_108 = arith.constant 19 : i32
    %eq3A_109 = arith.constant 0 : i32
    %eq3A_110 = arith.cmpi eq, %jit3A_108, %eq3A_109 : i32
    %jit3A_111 = arith.constant 1 : i32
    %select_n3A_112 = arith.select %eq3A_110, %jit3A_111, %jit3A_108 : i32
    %rem3A_113 = vector.broadcast %select_n3A_112 : i32 to vector<16xi32>
    %rem3A_114 = arith.remsi %add3A_107, %rem3A_113 : vector<16xi32>
    %ne3A_115 = arith.constant 0 : i32
    %ne3A_116 = vector.broadcast %ne3A_115 : i32 to vector<16xi32>
    %ne3A_117 = arith.cmpi ne, %rem3A_114, %ne3A_116 : vector<16xi32>
    %lt3A_118 = arith.constant 0 : i32
    %lt3A_119 = vector.broadcast %lt3A_118 : i32 to vector<16xi32>
    %lt3A_120 = arith.cmpi slt, %rem3A_114, %lt3A_119 : vector<16xi32>
    %lt3A_121 = arith.constant 0 : i32
    %lt3A_122 = arith.cmpi slt, %select_n3A_112, %lt3A_121 : i32
    %ne3A_123 = vector.broadcast %lt3A_122 : i1 to vector<16xi1>
    %ne3A_124 = vector.broadcast %ne3A_123 : vector<16xi1> to vector<16xi1>
    %ne3A_125 = arith.xori %lt3A_120, %ne3A_124 : vector<16xi1>
    %and3A_126 = arith.andi %ne3A_125, %ne3A_117 : vector<16xi1>
    %add3A_127 = vector.broadcast %select_n3A_112 : i32 to vector<16xi32>
    %add3A_128 = arith.addi %rem3A_114, %add3A_127 : vector<16xi32>
    %select_n3A_129 = arith.select %and3A_126, %add3A_128, %rem3A_114 : vector<16xi1>, vector<16xi32>
    %mul3A_130 = arith.constant 2048 : i32
    %mul3A_131 = vector.broadcast %mul3A_130 : i32 to vector<16xi32>
    %mul3A_132 = arith.muli %select_n3A_129, %mul3A_131 : vector<16xi32>
    %convert_element_type3A_133 = arith.sitofp %mul3A_132 : vector<16xi32> to vector<16xf32>
    %mul3A_134 = arith.constant 2048 : i32
    %mul3A_135 = vector.broadcast %mul3A_134 : i32 to vector<16xi32>
    %mul3A_136 = arith.muli %select_n3A_129, %mul3A_135 : vector<16xi32>
    %add3A_137 = arith.constant 2047 : i32
    %add3A_138 = vector.broadcast %add3A_137 : i32 to vector<16xi32>
    %add3A_139 = arith.addi %mul3A_136, %add3A_138 : vector<16xi32>
    %add3A_140 = arith.constant 64 : i32
    %add3A_141 = vector.broadcast %add3A_140 : i32 to vector<16xi32>
    %add3A_142 = arith.addi %add3A_141, %iota3A : vector<16xi32>
    %jit3A_143 = arith.constant 19 : i32
    %eq3A_144 = arith.constant 0 : i32
    %eq3A_145 = arith.cmpi eq, %jit3A_143, %eq3A_144 : i32
    %jit3A_146 = arith.constant 1 : i32
    %select_n3A_147 = arith.select %eq3A_145, %jit3A_146, %jit3A_143 : i32
    %rem3A_148 = vector.broadcast %select_n3A_147 : i32 to vector<16xi32>
    %rem3A_149 = arith.remsi %add3A_142, %rem3A_148 : vector<16xi32>
    %ne3A_150 = arith.constant 0 : i32
    %ne3A_151 = vector.broadcast %ne3A_150 : i32 to vector<16xi32>
    %ne3A_152 = arith.cmpi ne, %rem3A_149, %ne3A_151 : vector<16xi32>
    %lt3A_153 = arith.constant 0 : i32
    %lt3A_154 = vector.broadcast %lt3A_153 : i32 to vector<16xi32>
    %lt3A_155 = arith.cmpi slt, %rem3A_149, %lt3A_154 : vector<16xi32>
    %lt3A_156 = arith.constant 0 : i32
    %lt3A_157 = arith.cmpi slt, %select_n3A_147, %lt3A_156 : i32
    %ne3A_158 = vector.broadcast %lt3A_157 : i1 to vector<16xi1>
    %ne3A_159 = vector.broadcast %ne3A_158 : vector<16xi1> to vector<16xi1>
    %ne3A_160 = arith.xori %lt3A_155, %ne3A_159 : vector<16xi1>
    %and3A_161 = arith.andi %ne3A_160, %ne3A_152 : vector<16xi1>
    %add3A_162 = vector.broadcast %select_n3A_147 : i32 to vector<16xi32>
    %add3A_163 = arith.addi %rem3A_149, %add3A_162 : vector<16xi32>
    %select_n3A_164 = arith.select %and3A_161, %add3A_163, %rem3A_149 : vector<16xi1>, vector<16xi32>
    %mul3A_165 = arith.constant 2048 : i32
    %mul3A_166 = vector.broadcast %mul3A_165 : i32 to vector<16xi32>
    %mul3A_167 = arith.muli %select_n3A_164, %mul3A_166 : vector<16xi32>
    %convert_element_type3A_168 = arith.sitofp %mul3A_167 : vector<16xi32> to vector<16xf32>
    %mul3A_169 = arith.constant 2048 : i32
    %mul3A_170 = vector.broadcast %mul3A_169 : i32 to vector<16xi32>
    %mul3A_171 = arith.muli %select_n3A_164, %mul3A_170 : vector<16xi32>
    %add3A_172 = arith.constant 2047 : i32
    %add3A_173 = vector.broadcast %add3A_172 : i32 to vector<16xi32>
    %add3A_174 = arith.addi %mul3A_171, %add3A_173 : vector<16xi32>
    %add3A_175 = arith.constant 80 : i32
    %add3A_176 = vector.broadcast %add3A_175 : i32 to vector<16xi32>
    %add3A_177 = arith.addi %add3A_176, %iota3A : vector<16xi32>
    %jit3A_178 = arith.constant 19 : i32
    %eq3A_179 = arith.constant 0 : i32
    %eq3A_180 = arith.cmpi eq, %jit3A_178, %eq3A_179 : i32
    %jit3A_181 = arith.constant 1 : i32
    %select_n3A_182 = arith.select %eq3A_180, %jit3A_181, %jit3A_178 : i32
    %rem3A_183 = vector.broadcast %select_n3A_182 : i32 to vector<16xi32>
    %rem3A_184 = arith.remsi %add3A_177, %rem3A_183 : vector<16xi32>
    %ne3A_185 = arith.constant 0 : i32
    %ne3A_186 = vector.broadcast %ne3A_185 : i32 to vector<16xi32>
    %ne3A_187 = arith.cmpi ne, %rem3A_184, %ne3A_186 : vector<16xi32>
    %lt3A_188 = arith.constant 0 : i32
    %lt3A_189 = vector.broadcast %lt3A_188 : i32 to vector<16xi32>
    %lt3A_190 = arith.cmpi slt, %rem3A_184, %lt3A_189 : vector<16xi32>
    %lt3A_191 = arith.constant 0 : i32
    %lt3A_192 = arith.cmpi slt, %select_n3A_182, %lt3A_191 : i32
    %ne3A_193 = vector.broadcast %lt3A_192 : i1 to vector<16xi1>
    %ne3A_194 = vector.broadcast %ne3A_193 : vector<16xi1> to vector<16xi1>
    %ne3A_195 = arith.xori %lt3A_190, %ne3A_194 : vector<16xi1>
    %and3A_196 = arith.andi %ne3A_195, %ne3A_187 : vector<16xi1>
    %add3A_197 = vector.broadcast %select_n3A_182 : i32 to vector<16xi32>
    %add3A_198 = arith.addi %rem3A_184, %add3A_197 : vector<16xi32>
    %select_n3A_199 = arith.select %and3A_196, %add3A_198, %rem3A_184 : vector<16xi1>, vector<16xi32>
    %mul3A_200 = arith.constant 2048 : i32
    %mul3A_201 = vector.broadcast %mul3A_200 : i32 to vector<16xi32>
    %mul3A_202 = arith.muli %select_n3A_199, %mul3A_201 : vector<16xi32>
    %convert_element_type3A_203 = arith.sitofp %mul3A_202 : vector<16xi32> to vector<16xf32>
    %mul3A_204 = arith.constant 2048 : i32
    %mul3A_205 = vector.broadcast %mul3A_204 : i32 to vector<16xi32>
    %mul3A_206 = arith.muli %select_n3A_199, %mul3A_205 : vector<16xi32>
    %add3A_207 = arith.constant 2047 : i32
    %add3A_208 = vector.broadcast %add3A_207 : i32 to vector<16xi32>
    %add3A_209 = arith.addi %mul3A_206, %add3A_208 : vector<16xi32>
    %add3A_210 = arith.constant 96 : i32
    %add3A_211 = vector.broadcast %add3A_210 : i32 to vector<16xi32>
    %add3A_212 = arith.addi %add3A_211, %iota3A : vector<16xi32>
    %jit3A_213 = arith.constant 19 : i32
    %eq3A_214 = arith.constant 0 : i32
    %eq3A_215 = arith.cmpi eq, %jit3A_213, %eq3A_214 : i32
    %jit3A_216 = arith.constant 1 : i32
    %select_n3A_217 = arith.select %eq3A_215, %jit3A_216, %jit3A_213 : i32
    %rem3A_218 = vector.broadcast %select_n3A_217 : i32 to vector<16xi32>
    %rem3A_219 = arith.remsi %add3A_212, %rem3A_218 : vector<16xi32>
    %ne3A_220 = arith.constant 0 : i32
    %ne3A_221 = vector.broadcast %ne3A_220 : i32 to vector<16xi32>
    %ne3A_222 = arith.cmpi ne, %rem3A_219, %ne3A_221 : vector<16xi32>
    %lt3A_223 = arith.constant 0 : i32
    %lt3A_224 = vector.broadcast %lt3A_223 : i32 to vector<16xi32>
    %lt3A_225 = arith.cmpi slt, %rem3A_219, %lt3A_224 : vector<16xi32>
    %lt3A_226 = arith.constant 0 : i32
    %lt3A_227 = arith.cmpi slt, %select_n3A_217, %lt3A_226 : i32
    %ne3A_228 = vector.broadcast %lt3A_227 : i1 to vector<16xi1>
    %ne3A_229 = vector.broadcast %ne3A_228 : vector<16xi1> to vector<16xi1>
    %ne3A_230 = arith.xori %lt3A_225, %ne3A_229 : vector<16xi1>
    %and3A_231 = arith.andi %ne3A_230, %ne3A_222 : vector<16xi1>
    %add3A_232 = vector.broadcast %select_n3A_217 : i32 to vector<16xi32>
    %add3A_233 = arith.addi %rem3A_219, %add3A_232 : vector<16xi32>
    %select_n3A_234 = arith.select %and3A_231, %add3A_233, %rem3A_219 : vector<16xi1>, vector<16xi32>
    %mul3A_235 = arith.constant 2048 : i32
    %mul3A_236 = vector.broadcast %mul3A_235 : i32 to vector<16xi32>
    %mul3A_237 = arith.muli %select_n3A_234, %mul3A_236 : vector<16xi32>
    %convert_element_type3A_238 = arith.sitofp %mul3A_237 : vector<16xi32> to vector<16xf32>
    %mul3A_239 = arith.constant 2048 : i32
    %mul3A_240 = vector.broadcast %mul3A_239 : i32 to vector<16xi32>
    %mul3A_241 = arith.muli %select_n3A_234, %mul3A_240 : vector<16xi32>
    %add3A_242 = arith.constant 2047 : i32
    %add3A_243 = vector.broadcast %add3A_242 : i32 to vector<16xi32>
    %add3A_244 = arith.addi %mul3A_241, %add3A_243 : vector<16xi32>
    %add3A_245 = arith.constant 112 : i32
    %add3A_246 = vector.broadcast %add3A_245 : i32 to vector<16xi32>
    %add3A_247 = arith.addi %add3A_246, %iota3A : vector<16xi32>
    %jit3A_248 = arith.constant 19 : i32
    %eq3A_249 = arith.constant 0 : i32
    %eq3A_250 = arith.cmpi eq, %jit3A_248, %eq3A_249 : i32
    %jit3A_251 = arith.constant 1 : i32
    %select_n3A_252 = arith.select %eq3A_250, %jit3A_251, %jit3A_248 : i32
    %rem3A_253 = vector.broadcast %select_n3A_252 : i32 to vector<16xi32>
    %rem3A_254 = arith.remsi %add3A_247, %rem3A_253 : vector<16xi32>
    %ne3A_255 = arith.constant 0 : i32
    %ne3A_256 = vector.broadcast %ne3A_255 : i32 to vector<16xi32>
    %ne3A_257 = arith.cmpi ne, %rem3A_254, %ne3A_256 : vector<16xi32>
    %lt3A_258 = arith.constant 0 : i32
    %lt3A_259 = vector.broadcast %lt3A_258 : i32 to vector<16xi32>
    %lt3A_260 = arith.cmpi slt, %rem3A_254, %lt3A_259 : vector<16xi32>
    %lt3A_261 = arith.constant 0 : i32
    %lt3A_262 = arith.cmpi slt, %select_n3A_252, %lt3A_261 : i32
    %ne3A_263 = vector.broadcast %lt3A_262 : i1 to vector<16xi1>
    %ne3A_264 = vector.broadcast %ne3A_263 : vector<16xi1> to vector<16xi1>
    %ne3A_265 = arith.xori %lt3A_260, %ne3A_264 : vector<16xi1>
    %and3A_266 = arith.andi %ne3A_265, %ne3A_257 : vector<16xi1>
    %add3A_267 = vector.broadcast %select_n3A_252 : i32 to vector<16xi32>
    %add3A_268 = arith.addi %rem3A_254, %add3A_267 : vector<16xi32>
    %select_n3A_269 = arith.select %and3A_266, %add3A_268, %rem3A_254 : vector<16xi1>, vector<16xi32>
    %mul3A_270 = arith.constant 2048 : i32
    %mul3A_271 = vector.broadcast %mul3A_270 : i32 to vector<16xi32>
    %mul3A_272 = arith.muli %select_n3A_269, %mul3A_271 : vector<16xi32>
    %convert_element_type3A_273 = arith.sitofp %mul3A_272 : vector<16xi32> to vector<16xf32>
    %mul3A_274 = arith.constant 2048 : i32
    %mul3A_275 = vector.broadcast %mul3A_274 : i32 to vector<16xi32>
    %mul3A_276 = arith.muli %select_n3A_269, %mul3A_275 : vector<16xi32>
    %add3A_277 = arith.constant 2047 : i32
    %add3A_278 = vector.broadcast %add3A_277 : i32 to vector<16xi32>
    %add3A_279 = arith.addi %mul3A_276, %add3A_278 : vector<16xi32>
    %add3A_280 = arith.constant 128 : i32
    %add3A_281 = vector.broadcast %add3A_280 : i32 to vector<16xi32>
    %add3A_282 = arith.addi %add3A_281, %iota3A : vector<16xi32>
    %jit3A_283 = arith.constant 19 : i32
    %eq3A_284 = arith.constant 0 : i32
    %eq3A_285 = arith.cmpi eq, %jit3A_283, %eq3A_284 : i32
    %jit3A_286 = arith.constant 1 : i32
    %select_n3A_287 = arith.select %eq3A_285, %jit3A_286, %jit3A_283 : i32
    %rem3A_288 = vector.broadcast %select_n3A_287 : i32 to vector<16xi32>
    %rem3A_289 = arith.remsi %add3A_282, %rem3A_288 : vector<16xi32>
    %ne3A_290 = arith.constant 0 : i32
    %ne3A_291 = vector.broadcast %ne3A_290 : i32 to vector<16xi32>
    %ne3A_292 = arith.cmpi ne, %rem3A_289, %ne3A_291 : vector<16xi32>
    %lt3A_293 = arith.constant 0 : i32
    %lt3A_294 = vector.broadcast %lt3A_293 : i32 to vector<16xi32>
    %lt3A_295 = arith.cmpi slt, %rem3A_289, %lt3A_294 : vector<16xi32>
    %lt3A_296 = arith.constant 0 : i32
    %lt3A_297 = arith.cmpi slt, %select_n3A_287, %lt3A_296 : i32
    %ne3A_298 = vector.broadcast %lt3A_297 : i1 to vector<16xi1>
    %ne3A_299 = vector.broadcast %ne3A_298 : vector<16xi1> to vector<16xi1>
    %ne3A_300 = arith.xori %lt3A_295, %ne3A_299 : vector<16xi1>
    %and3A_301 = arith.andi %ne3A_300, %ne3A_292 : vector<16xi1>
    %add3A_302 = vector.broadcast %select_n3A_287 : i32 to vector<16xi32>
    %add3A_303 = arith.addi %rem3A_289, %add3A_302 : vector<16xi32>
    %select_n3A_304 = arith.select %and3A_301, %add3A_303, %rem3A_289 : vector<16xi1>, vector<16xi32>
    %mul3A_305 = arith.constant 2048 : i32
    %mul3A_306 = vector.broadcast %mul3A_305 : i32 to vector<16xi32>
    %mul3A_307 = arith.muli %select_n3A_304, %mul3A_306 : vector<16xi32>
    %convert_element_type3A_308 = arith.sitofp %mul3A_307 : vector<16xi32> to vector<16xf32>
    %mul3A_309 = arith.constant 2048 : i32
    %mul3A_310 = vector.broadcast %mul3A_309 : i32 to vector<16xi32>
    %mul3A_311 = arith.muli %select_n3A_304, %mul3A_310 : vector<16xi32>
    %add3A_312 = arith.constant 2047 : i32
    %add3A_313 = vector.broadcast %add3A_312 : i32 to vector<16xi32>
    %add3A_314 = arith.addi %mul3A_311, %add3A_313 : vector<16xi32>
    %add3A_315 = arith.constant 144 : i32
    %add3A_316 = vector.broadcast %add3A_315 : i32 to vector<16xi32>
    %add3A_317 = arith.addi %add3A_316, %iota3A : vector<16xi32>
    %jit3A_318 = arith.constant 19 : i32
    %eq3A_319 = arith.constant 0 : i32
    %eq3A_320 = arith.cmpi eq, %jit3A_318, %eq3A_319 : i32
    %jit3A_321 = arith.constant 1 : i32
    %select_n3A_322 = arith.select %eq3A_320, %jit3A_321, %jit3A_318 : i32
    %rem3A_323 = vector.broadcast %select_n3A_322 : i32 to vector<16xi32>
    %rem3A_324 = arith.remsi %add3A_317, %rem3A_323 : vector<16xi32>
    %ne3A_325 = arith.constant 0 : i32
    %ne3A_326 = vector.broadcast %ne3A_325 : i32 to vector<16xi32>
    %ne3A_327 = arith.cmpi ne, %rem3A_324, %ne3A_326 : vector<16xi32>
    %lt3A_328 = arith.constant 0 : i32
    %lt3A_329 = vector.broadcast %lt3A_328 : i32 to vector<16xi32>
    %lt3A_330 = arith.cmpi slt, %rem3A_324, %lt3A_329 : vector<16xi32>
    %lt3A_331 = arith.constant 0 : i32
    %lt3A_332 = arith.cmpi slt, %select_n3A_322, %lt3A_331 : i32
    %ne3A_333 = vector.broadcast %lt3A_332 : i1 to vector<16xi1>
    %ne3A_334 = vector.broadcast %ne3A_333 : vector<16xi1> to vector<16xi1>
    %ne3A_335 = arith.xori %lt3A_330, %ne3A_334 : vector<16xi1>
    %and3A_336 = arith.andi %ne3A_335, %ne3A_327 : vector<16xi1>
    %add3A_337 = vector.broadcast %select_n3A_322 : i32 to vector<16xi32>
    %add3A_338 = arith.addi %rem3A_324, %add3A_337 : vector<16xi32>
    %select_n3A_339 = arith.select %and3A_336, %add3A_338, %rem3A_324 : vector<16xi1>, vector<16xi32>
    %mul3A_340 = arith.constant 2048 : i32
    %mul3A_341 = vector.broadcast %mul3A_340 : i32 to vector<16xi32>
    %mul3A_342 = arith.muli %select_n3A_339, %mul3A_341 : vector<16xi32>
    %convert_element_type3A_343 = arith.sitofp %mul3A_342 : vector<16xi32> to vector<16xf32>
    %mul3A_344 = arith.constant 2048 : i32
    %mul3A_345 = vector.broadcast %mul3A_344 : i32 to vector<16xi32>
    %mul3A_346 = arith.muli %select_n3A_339, %mul3A_345 : vector<16xi32>
    %add3A_347 = arith.constant 2047 : i32
    %add3A_348 = vector.broadcast %add3A_347 : i32 to vector<16xi32>
    %add3A_349 = arith.addi %mul3A_346, %add3A_348 : vector<16xi32>
    %add3A_350 = arith.constant 160 : i32
    %add3A_351 = vector.broadcast %add3A_350 : i32 to vector<16xi32>
    %add3A_352 = arith.addi %add3A_351, %iota3A : vector<16xi32>
    %jit3A_353 = arith.constant 19 : i32
    %eq3A_354 = arith.constant 0 : i32
    %eq3A_355 = arith.cmpi eq, %jit3A_353, %eq3A_354 : i32
    %jit3A_356 = arith.constant 1 : i32
    %select_n3A_357 = arith.select %eq3A_355, %jit3A_356, %jit3A_353 : i32
    %rem3A_358 = vector.broadcast %select_n3A_357 : i32 to vector<16xi32>
    %rem3A_359 = arith.remsi %add3A_352, %rem3A_358 : vector<16xi32>
    %ne3A_360 = arith.constant 0 : i32
    %ne3A_361 = vector.broadcast %ne3A_360 : i32 to vector<16xi32>
    %ne3A_362 = arith.cmpi ne, %rem3A_359, %ne3A_361 : vector<16xi32>
    %lt3A_363 = arith.constant 0 : i32
    %lt3A_364 = vector.broadcast %lt3A_363 : i32 to vector<16xi32>
    %lt3A_365 = arith.cmpi slt, %rem3A_359, %lt3A_364 : vector<16xi32>
    %lt3A_366 = arith.constant 0 : i32
    %lt3A_367 = arith.cmpi slt, %select_n3A_357, %lt3A_366 : i32
    %ne3A_368 = vector.broadcast %lt3A_367 : i1 to vector<16xi1>
    %ne3A_369 = vector.broadcast %ne3A_368 : vector<16xi1> to vector<16xi1>
    %ne3A_370 = arith.xori %lt3A_365, %ne3A_369 : vector<16xi1>
    %and3A_371 = arith.andi %ne3A_370, %ne3A_362 : vector<16xi1>
    %add3A_372 = vector.broadcast %select_n3A_357 : i32 to vector<16xi32>
    %add3A_373 = arith.addi %rem3A_359, %add3A_372 : vector<16xi32>
    %select_n3A_374 = arith.select %and3A_371, %add3A_373, %rem3A_359 : vector<16xi1>, vector<16xi32>
    %mul3A_375 = arith.constant 2048 : i32
    %mul3A_376 = vector.broadcast %mul3A_375 : i32 to vector<16xi32>
    %mul3A_377 = arith.muli %select_n3A_374, %mul3A_376 : vector<16xi32>
    %convert_element_type3A_378 = arith.sitofp %mul3A_377 : vector<16xi32> to vector<16xf32>
    %mul3A_379 = arith.constant 2048 : i32
    %mul3A_380 = vector.broadcast %mul3A_379 : i32 to vector<16xi32>
    %mul3A_381 = arith.muli %select_n3A_374, %mul3A_380 : vector<16xi32>
    %add3A_382 = arith.constant 2047 : i32
    %add3A_383 = vector.broadcast %add3A_382 : i32 to vector<16xi32>
    %add3A_384 = arith.addi %mul3A_381, %add3A_383 : vector<16xi32>
    %add3A_385 = arith.constant 176 : i32
    %add3A_386 = vector.broadcast %add3A_385 : i32 to vector<16xi32>
    %add3A_387 = arith.addi %add3A_386, %iota3A : vector<16xi32>
    %jit3A_388 = arith.constant 19 : i32
    %eq3A_389 = arith.constant 0 : i32
    %eq3A_390 = arith.cmpi eq, %jit3A_388, %eq3A_389 : i32
    %jit3A_391 = arith.constant 1 : i32
    %select_n3A_392 = arith.select %eq3A_390, %jit3A_391, %jit3A_388 : i32
    %rem3A_393 = vector.broadcast %select_n3A_392 : i32 to vector<16xi32>
    %rem3A_394 = arith.remsi %add3A_387, %rem3A_393 : vector<16xi32>
    %ne3A_395 = arith.constant 0 : i32
    %ne3A_396 = vector.broadcast %ne3A_395 : i32 to vector<16xi32>
    %ne3A_397 = arith.cmpi ne, %rem3A_394, %ne3A_396 : vector<16xi32>
    %lt3A_398 = arith.constant 0 : i32
    %lt3A_399 = vector.broadcast %lt3A_398 : i32 to vector<16xi32>
    %lt3A_400 = arith.cmpi slt, %rem3A_394, %lt3A_399 : vector<16xi32>
    %lt3A_401 = arith.constant 0 : i32
    %lt3A_402 = arith.cmpi slt, %select_n3A_392, %lt3A_401 : i32
    %ne3A_403 = vector.broadcast %lt3A_402 : i1 to vector<16xi1>
    %ne3A_404 = vector.broadcast %ne3A_403 : vector<16xi1> to vector<16xi1>
    %ne3A_405 = arith.xori %lt3A_400, %ne3A_404 : vector<16xi1>
    %and3A_406 = arith.andi %ne3A_405, %ne3A_397 : vector<16xi1>
    %add3A_407 = vector.broadcast %select_n3A_392 : i32 to vector<16xi32>
    %add3A_408 = arith.addi %rem3A_394, %add3A_407 : vector<16xi32>
    %select_n3A_409 = arith.select %and3A_406, %add3A_408, %rem3A_394 : vector<16xi1>, vector<16xi32>
    %mul3A_410 = arith.constant 2048 : i32
    %mul3A_411 = vector.broadcast %mul3A_410 : i32 to vector<16xi32>
    %mul3A_412 = arith.muli %select_n3A_409, %mul3A_411 : vector<16xi32>
    %convert_element_type3A_413 = arith.sitofp %mul3A_412 : vector<16xi32> to vector<16xf32>
    %mul3A_414 = arith.constant 2048 : i32
    %mul3A_415 = vector.broadcast %mul3A_414 : i32 to vector<16xi32>
    %mul3A_416 = arith.muli %select_n3A_409, %mul3A_415 : vector<16xi32>
    %add3A_417 = arith.constant 2047 : i32
    %add3A_418 = vector.broadcast %add3A_417 : i32 to vector<16xi32>
    %add3A_419 = arith.addi %mul3A_416, %add3A_418 : vector<16xi32>
    %add3A_420 = arith.constant 192 : i32
    %add3A_421 = vector.broadcast %add3A_420 : i32 to vector<16xi32>
    %add3A_422 = arith.addi %add3A_421, %iota3A : vector<16xi32>
    %jit3A_423 = arith.constant 19 : i32
    %eq3A_424 = arith.constant 0 : i32
    %eq3A_425 = arith.cmpi eq, %jit3A_423, %eq3A_424 : i32
    %jit3A_426 = arith.constant 1 : i32
    %select_n3A_427 = arith.select %eq3A_425, %jit3A_426, %jit3A_423 : i32
    %rem3A_428 = vector.broadcast %select_n3A_427 : i32 to vector<16xi32>
    %rem3A_429 = arith.remsi %add3A_422, %rem3A_428 : vector<16xi32>
    %ne3A_430 = arith.constant 0 : i32
    %ne3A_431 = vector.broadcast %ne3A_430 : i32 to vector<16xi32>
    %ne3A_432 = arith.cmpi ne, %rem3A_429, %ne3A_431 : vector<16xi32>
    %lt3A_433 = arith.constant 0 : i32
    %lt3A_434 = vector.broadcast %lt3A_433 : i32 to vector<16xi32>
    %lt3A_435 = arith.cmpi slt, %rem3A_429, %lt3A_434 : vector<16xi32>
    %lt3A_436 = arith.constant 0 : i32
    %lt3A_437 = arith.cmpi slt, %select_n3A_427, %lt3A_436 : i32
    %ne3A_438 = vector.broadcast %lt3A_437 : i1 to vector<16xi1>
    %ne3A_439 = vector.broadcast %ne3A_438 : vector<16xi1> to vector<16xi1>
    %ne3A_440 = arith.xori %lt3A_435, %ne3A_439 : vector<16xi1>
    %and3A_441 = arith.andi %ne3A_440, %ne3A_432 : vector<16xi1>
    %add3A_442 = vector.broadcast %select_n3A_427 : i32 to vector<16xi32>
    %add3A_443 = arith.addi %rem3A_429, %add3A_442 : vector<16xi32>
    %select_n3A_444 = arith.select %and3A_441, %add3A_443, %rem3A_429 : vector<16xi1>, vector<16xi32>
    %mul3A_445 = arith.constant 2048 : i32
    %mul3A_446 = vector.broadcast %mul3A_445 : i32 to vector<16xi32>
    %mul3A_447 = arith.muli %select_n3A_444, %mul3A_446 : vector<16xi32>
    %convert_element_type3A_448 = arith.sitofp %mul3A_447 : vector<16xi32> to vector<16xf32>
    %mul3A_449 = arith.constant 2048 : i32
    %mul3A_450 = vector.broadcast %mul3A_449 : i32 to vector<16xi32>
    %mul3A_451 = arith.muli %select_n3A_444, %mul3A_450 : vector<16xi32>
    %add3A_452 = arith.constant 2047 : i32
    %add3A_453 = vector.broadcast %add3A_452 : i32 to vector<16xi32>
    %add3A_454 = arith.addi %mul3A_451, %add3A_453 : vector<16xi32>
    %add3A_455 = arith.constant 208 : i32
    %add3A_456 = vector.broadcast %add3A_455 : i32 to vector<16xi32>
    %add3A_457 = arith.addi %add3A_456, %iota3A : vector<16xi32>
    %jit3A_458 = arith.constant 19 : i32
    %eq3A_459 = arith.constant 0 : i32
    %eq3A_460 = arith.cmpi eq, %jit3A_458, %eq3A_459 : i32
    %jit3A_461 = arith.constant 1 : i32
    %select_n3A_462 = arith.select %eq3A_460, %jit3A_461, %jit3A_458 : i32
    %rem3A_463 = vector.broadcast %select_n3A_462 : i32 to vector<16xi32>
    %rem3A_464 = arith.remsi %add3A_457, %rem3A_463 : vector<16xi32>
    %ne3A_465 = arith.constant 0 : i32
    %ne3A_466 = vector.broadcast %ne3A_465 : i32 to vector<16xi32>
    %ne3A_467 = arith.cmpi ne, %rem3A_464, %ne3A_466 : vector<16xi32>
    %lt3A_468 = arith.constant 0 : i32
    %lt3A_469 = vector.broadcast %lt3A_468 : i32 to vector<16xi32>
    %lt3A_470 = arith.cmpi slt, %rem3A_464, %lt3A_469 : vector<16xi32>
    %lt3A_471 = arith.constant 0 : i32
    %lt3A_472 = arith.cmpi slt, %select_n3A_462, %lt3A_471 : i32
    %ne3A_473 = vector.broadcast %lt3A_472 : i1 to vector<16xi1>
    %ne3A_474 = vector.broadcast %ne3A_473 : vector<16xi1> to vector<16xi1>
    %ne3A_475 = arith.xori %lt3A_470, %ne3A_474 : vector<16xi1>
    %and3A_476 = arith.andi %ne3A_475, %ne3A_467 : vector<16xi1>
    %add3A_477 = vector.broadcast %select_n3A_462 : i32 to vector<16xi32>
    %add3A_478 = arith.addi %rem3A_464, %add3A_477 : vector<16xi32>
    %select_n3A_479 = arith.select %and3A_476, %add3A_478, %rem3A_464 : vector<16xi1>, vector<16xi32>
    %mul3A_480 = arith.constant 2048 : i32
    %mul3A_481 = vector.broadcast %mul3A_480 : i32 to vector<16xi32>
    %mul3A_482 = arith.muli %select_n3A_479, %mul3A_481 : vector<16xi32>
    %convert_element_type3A_483 = arith.sitofp %mul3A_482 : vector<16xi32> to vector<16xf32>
    %mul3A_484 = arith.constant 2048 : i32
    %mul3A_485 = vector.broadcast %mul3A_484 : i32 to vector<16xi32>
    %mul3A_486 = arith.muli %select_n3A_479, %mul3A_485 : vector<16xi32>
    %add3A_487 = arith.constant 2047 : i32
    %add3A_488 = vector.broadcast %add3A_487 : i32 to vector<16xi32>
    %add3A_489 = arith.addi %mul3A_486, %add3A_488 : vector<16xi32>
    %add3A_490 = arith.constant 224 : i32
    %add3A_491 = vector.broadcast %add3A_490 : i32 to vector<16xi32>
    %add3A_492 = arith.addi %add3A_491, %iota3A : vector<16xi32>
    %jit3A_493 = arith.constant 19 : i32
    %eq3A_494 = arith.constant 0 : i32
    %eq3A_495 = arith.cmpi eq, %jit3A_493, %eq3A_494 : i32
    %jit3A_496 = arith.constant 1 : i32
    %select_n3A_497 = arith.select %eq3A_495, %jit3A_496, %jit3A_493 : i32
    %rem3A_498 = vector.broadcast %select_n3A_497 : i32 to vector<16xi32>
    %rem3A_499 = arith.remsi %add3A_492, %rem3A_498 : vector<16xi32>
    %ne3A_500 = arith.constant 0 : i32
    %ne3A_501 = vector.broadcast %ne3A_500 : i32 to vector<16xi32>
    %ne3A_502 = arith.cmpi ne, %rem3A_499, %ne3A_501 : vector<16xi32>
    %lt3A_503 = arith.constant 0 : i32
    %lt3A_504 = vector.broadcast %lt3A_503 : i32 to vector<16xi32>
    %lt3A_505 = arith.cmpi slt, %rem3A_499, %lt3A_504 : vector<16xi32>
    %lt3A_506 = arith.constant 0 : i32
    %lt3A_507 = arith.cmpi slt, %select_n3A_497, %lt3A_506 : i32
    %ne3A_508 = vector.broadcast %lt3A_507 : i1 to vector<16xi1>
    %ne3A_509 = vector.broadcast %ne3A_508 : vector<16xi1> to vector<16xi1>
    %ne3A_510 = arith.xori %lt3A_505, %ne3A_509 : vector<16xi1>
    %and3A_511 = arith.andi %ne3A_510, %ne3A_502 : vector<16xi1>
    %add3A_512 = vector.broadcast %select_n3A_497 : i32 to vector<16xi32>
    %add3A_513 = arith.addi %rem3A_499, %add3A_512 : vector<16xi32>
    %select_n3A_514 = arith.select %and3A_511, %add3A_513, %rem3A_499 : vector<16xi1>, vector<16xi32>
    %mul3A_515 = arith.constant 2048 : i32
    %mul3A_516 = vector.broadcast %mul3A_515 : i32 to vector<16xi32>
    %mul3A_517 = arith.muli %select_n3A_514, %mul3A_516 : vector<16xi32>
    %convert_element_type3A_518 = arith.sitofp %mul3A_517 : vector<16xi32> to vector<16xf32>
    %mul3A_519 = arith.constant 2048 : i32
    %mul3A_520 = vector.broadcast %mul3A_519 : i32 to vector<16xi32>
    %mul3A_521 = arith.muli %select_n3A_514, %mul3A_520 : vector<16xi32>
    %add3A_522 = arith.constant 2047 : i32
    %add3A_523 = vector.broadcast %add3A_522 : i32 to vector<16xi32>
    %add3A_524 = arith.addi %mul3A_521, %add3A_523 : vector<16xi32>
    %add3A_525 = arith.constant 240 : i32
    %add3A_526 = vector.broadcast %add3A_525 : i32 to vector<16xi32>
    %add3A_527 = arith.addi %add3A_526, %iota3A : vector<16xi32>
    %jit3A_528 = arith.constant 19 : i32
    %eq3A_529 = arith.constant 0 : i32
    %eq3A_530 = arith.cmpi eq, %jit3A_528, %eq3A_529 : i32
    %jit3A_531 = arith.constant 1 : i32
    %select_n3A_532 = arith.select %eq3A_530, %jit3A_531, %jit3A_528 : i32
    %rem3A_533 = vector.broadcast %select_n3A_532 : i32 to vector<16xi32>
    %rem3A_534 = arith.remsi %add3A_527, %rem3A_533 : vector<16xi32>
    %ne3A_535 = arith.constant 0 : i32
    %ne3A_536 = vector.broadcast %ne3A_535 : i32 to vector<16xi32>
    %ne3A_537 = arith.cmpi ne, %rem3A_534, %ne3A_536 : vector<16xi32>
    %lt3A_538 = arith.constant 0 : i32
    %lt3A_539 = vector.broadcast %lt3A_538 : i32 to vector<16xi32>
    %lt3A_540 = arith.cmpi slt, %rem3A_534, %lt3A_539 : vector<16xi32>
    %lt3A_541 = arith.constant 0 : i32
    %lt3A_542 = arith.cmpi slt, %select_n3A_532, %lt3A_541 : i32
    %ne3A_543 = vector.broadcast %lt3A_542 : i1 to vector<16xi1>
    %ne3A_544 = vector.broadcast %ne3A_543 : vector<16xi1> to vector<16xi1>
    %ne3A_545 = arith.xori %lt3A_540, %ne3A_544 : vector<16xi1>
    %and3A_546 = arith.andi %ne3A_545, %ne3A_537 : vector<16xi1>
    %add3A_547 = vector.broadcast %select_n3A_532 : i32 to vector<16xi32>
    %add3A_548 = arith.addi %rem3A_534, %add3A_547 : vector<16xi32>
    %select_n3A_549 = arith.select %and3A_546, %add3A_548, %rem3A_534 : vector<16xi1>, vector<16xi32>
    %mul3A_550 = arith.constant 2048 : i32
    %mul3A_551 = vector.broadcast %mul3A_550 : i32 to vector<16xi32>
    %mul3A_552 = arith.muli %select_n3A_549, %mul3A_551 : vector<16xi32>
    %convert_element_type3A_553 = arith.sitofp %mul3A_552 : vector<16xi32> to vector<16xf32>
    %mul3A_554 = arith.constant 2048 : i32
    %mul3A_555 = vector.broadcast %mul3A_554 : i32 to vector<16xi32>
    %mul3A_556 = arith.muli %select_n3A_549, %mul3A_555 : vector<16xi32>
    %add3A_557 = arith.constant 2047 : i32
    %add3A_558 = vector.broadcast %add3A_557 : i32 to vector<16xi32>
    %add3A_559 = arith.addi %mul3A_556, %add3A_558 : vector<16xi32>
    %add3A_560 = arith.constant 256 : i32
    %add3A_561 = vector.broadcast %add3A_560 : i32 to vector<16xi32>
    %add3A_562 = arith.addi %add3A_561, %iota3A : vector<16xi32>
    %jit3A_563 = arith.constant 19 : i32
    %eq3A_564 = arith.constant 0 : i32
    %eq3A_565 = arith.cmpi eq, %jit3A_563, %eq3A_564 : i32
    %jit3A_566 = arith.constant 1 : i32
    %select_n3A_567 = arith.select %eq3A_565, %jit3A_566, %jit3A_563 : i32
    %rem3A_568 = vector.broadcast %select_n3A_567 : i32 to vector<16xi32>
    %rem3A_569 = arith.remsi %add3A_562, %rem3A_568 : vector<16xi32>
    %ne3A_570 = arith.constant 0 : i32
    %ne3A_571 = vector.broadcast %ne3A_570 : i32 to vector<16xi32>
    %ne3A_572 = arith.cmpi ne, %rem3A_569, %ne3A_571 : vector<16xi32>
    %lt3A_573 = arith.constant 0 : i32
    %lt3A_574 = vector.broadcast %lt3A_573 : i32 to vector<16xi32>
    %lt3A_575 = arith.cmpi slt, %rem3A_569, %lt3A_574 : vector<16xi32>
    %lt3A_576 = arith.constant 0 : i32
    %lt3A_577 = arith.cmpi slt, %select_n3A_567, %lt3A_576 : i32
    %ne3A_578 = vector.broadcast %lt3A_577 : i1 to vector<16xi1>
    %ne3A_579 = vector.broadcast %ne3A_578 : vector<16xi1> to vector<16xi1>
    %ne3A_580 = arith.xori %lt3A_575, %ne3A_579 : vector<16xi1>
    %and3A_581 = arith.andi %ne3A_580, %ne3A_572 : vector<16xi1>
    %add3A_582 = vector.broadcast %select_n3A_567 : i32 to vector<16xi32>
    %add3A_583 = arith.addi %rem3A_569, %add3A_582 : vector<16xi32>
    %select_n3A_584 = arith.select %and3A_581, %add3A_583, %rem3A_569 : vector<16xi1>, vector<16xi32>
    %mul3A_585 = arith.constant 2048 : i32
    %mul3A_586 = vector.broadcast %mul3A_585 : i32 to vector<16xi32>
    %mul3A_587 = arith.muli %select_n3A_584, %mul3A_586 : vector<16xi32>
    %convert_element_type3A_588 = arith.sitofp %mul3A_587 : vector<16xi32> to vector<16xf32>
    %mul3A_589 = arith.constant 2048 : i32
    %mul3A_590 = vector.broadcast %mul3A_589 : i32 to vector<16xi32>
    %mul3A_591 = arith.muli %select_n3A_584, %mul3A_590 : vector<16xi32>
    %add3A_592 = arith.constant 2047 : i32
    %add3A_593 = vector.broadcast %add3A_592 : i32 to vector<16xi32>
    %add3A_594 = arith.addi %mul3A_591, %add3A_593 : vector<16xi32>
    %add3A_595 = arith.constant 272 : i32
    %add3A_596 = vector.broadcast %add3A_595 : i32 to vector<16xi32>
    %add3A_597 = arith.addi %add3A_596, %iota3A : vector<16xi32>
    %jit3A_598 = arith.constant 19 : i32
    %eq3A_599 = arith.constant 0 : i32
    %eq3A_600 = arith.cmpi eq, %jit3A_598, %eq3A_599 : i32
    %jit3A_601 = arith.constant 1 : i32
    %select_n3A_602 = arith.select %eq3A_600, %jit3A_601, %jit3A_598 : i32
    %rem3A_603 = vector.broadcast %select_n3A_602 : i32 to vector<16xi32>
    %rem3A_604 = arith.remsi %add3A_597, %rem3A_603 : vector<16xi32>
    %ne3A_605 = arith.constant 0 : i32
    %ne3A_606 = vector.broadcast %ne3A_605 : i32 to vector<16xi32>
    %ne3A_607 = arith.cmpi ne, %rem3A_604, %ne3A_606 : vector<16xi32>
    %lt3A_608 = arith.constant 0 : i32
    %lt3A_609 = vector.broadcast %lt3A_608 : i32 to vector<16xi32>
    %lt3A_610 = arith.cmpi slt, %rem3A_604, %lt3A_609 : vector<16xi32>
    %lt3A_611 = arith.constant 0 : i32
    %lt3A_612 = arith.cmpi slt, %select_n3A_602, %lt3A_611 : i32
    %ne3A_613 = vector.broadcast %lt3A_612 : i1 to vector<16xi1>
    %ne3A_614 = vector.broadcast %ne3A_613 : vector<16xi1> to vector<16xi1>
    %ne3A_615 = arith.xori %lt3A_610, %ne3A_614 : vector<16xi1>
    %and3A_616 = arith.andi %ne3A_615, %ne3A_607 : vector<16xi1>
    %add3A_617 = vector.broadcast %select_n3A_602 : i32 to vector<16xi32>
    %add3A_618 = arith.addi %rem3A_604, %add3A_617 : vector<16xi32>
    %select_n3A_619 = arith.select %and3A_616, %add3A_618, %rem3A_604 : vector<16xi1>, vector<16xi32>
    %mul3A_620 = arith.constant 2048 : i32
    %mul3A_621 = vector.broadcast %mul3A_620 : i32 to vector<16xi32>
    %mul3A_622 = arith.muli %select_n3A_619, %mul3A_621 : vector<16xi32>
    %convert_element_type3A_623 = arith.sitofp %mul3A_622 : vector<16xi32> to vector<16xf32>
    %mul3A_624 = arith.constant 2048 : i32
    %mul3A_625 = vector.broadcast %mul3A_624 : i32 to vector<16xi32>
    %mul3A_626 = arith.muli %select_n3A_619, %mul3A_625 : vector<16xi32>
    %add3A_627 = arith.constant 2047 : i32
    %add3A_628 = vector.broadcast %add3A_627 : i32 to vector<16xi32>
    %add3A_629 = arith.addi %mul3A_626, %add3A_628 : vector<16xi32>
    %add3A_630 = arith.constant 288 : i32
    %add3A_631 = vector.broadcast %add3A_630 : i32 to vector<16xi32>
    %add3A_632 = arith.addi %add3A_631, %iota3A : vector<16xi32>
    %jit3A_633 = arith.constant 19 : i32
    %eq3A_634 = arith.constant 0 : i32
    %eq3A_635 = arith.cmpi eq, %jit3A_633, %eq3A_634 : i32
    %jit3A_636 = arith.constant 1 : i32
    %select_n3A_637 = arith.select %eq3A_635, %jit3A_636, %jit3A_633 : i32
    %rem3A_638 = vector.broadcast %select_n3A_637 : i32 to vector<16xi32>
    %rem3A_639 = arith.remsi %add3A_632, %rem3A_638 : vector<16xi32>
    %ne3A_640 = arith.constant 0 : i32
    %ne3A_641 = vector.broadcast %ne3A_640 : i32 to vector<16xi32>
    %ne3A_642 = arith.cmpi ne, %rem3A_639, %ne3A_641 : vector<16xi32>
    %lt3A_643 = arith.constant 0 : i32
    %lt3A_644 = vector.broadcast %lt3A_643 : i32 to vector<16xi32>
    %lt3A_645 = arith.cmpi slt, %rem3A_639, %lt3A_644 : vector<16xi32>
    %lt3A_646 = arith.constant 0 : i32
    %lt3A_647 = arith.cmpi slt, %select_n3A_637, %lt3A_646 : i32
    %ne3A_648 = vector.broadcast %lt3A_647 : i1 to vector<16xi1>
    %ne3A_649 = vector.broadcast %ne3A_648 : vector<16xi1> to vector<16xi1>
    %ne3A_650 = arith.xori %lt3A_645, %ne3A_649 : vector<16xi1>
    %and3A_651 = arith.andi %ne3A_650, %ne3A_642 : vector<16xi1>
    %add3A_652 = vector.broadcast %select_n3A_637 : i32 to vector<16xi32>
    %add3A_653 = arith.addi %rem3A_639, %add3A_652 : vector<16xi32>
    %select_n3A_654 = arith.select %and3A_651, %add3A_653, %rem3A_639 : vector<16xi1>, vector<16xi32>
    %mul3A_655 = arith.constant 2048 : i32
    %mul3A_656 = vector.broadcast %mul3A_655 : i32 to vector<16xi32>
    %mul3A_657 = arith.muli %select_n3A_654, %mul3A_656 : vector<16xi32>
    %convert_element_type3A_658 = arith.sitofp %mul3A_657 : vector<16xi32> to vector<16xf32>
    %mul3A_659 = arith.constant 2048 : i32
    %mul3A_660 = vector.broadcast %mul3A_659 : i32 to vector<16xi32>
    %mul3A_661 = arith.muli %select_n3A_654, %mul3A_660 : vector<16xi32>
    %add3A_662 = arith.constant 2047 : i32
    %add3A_663 = vector.broadcast %add3A_662 : i32 to vector<16xi32>
    %add3A_664 = arith.addi %mul3A_661, %add3A_663 : vector<16xi32>
    %mul3A_665 = arith.constant 19 : i32
    %mul3A_666 = vector.broadcast %mul3A_665 : i32 to vector<16xi32>
    %mul3A_667 = arith.muli %iota3A, %mul3A_666 : vector<16xi32>
    %scan3A = arith.constant 0 : i32
    %scan3A_668 = arith.constant 0 : i32
    %scan3A_669 = arith.constant 4864 : i32
    %scan3A_670 = arith.addi %scan3A_668, %scan3A_669 : i32
    %scan3A_671 = arith.constant 1 : i32
    scf.for %scan3A_695 = %scan3A_668 to %scan3A_670 step %scan3A_671  : i32 {
      %mul3A_696 = arith.constant 16 : i32
      %mul3A_697 = arith.muli %scan3A_695, %mul3A_696 : i32
      %swap3A = arith.index_cast %mul3A_697 : i32 to index
      %swap3A_698 = tpu.vector_load %arg7[%swap3A] {strides = array<i32>} : memref<77824xf32, #tpu.memory_space<vmem>>, vector<16xf32>,
      tpu.vector_store %arg7[%swap3A], %broadcast_in_dim3A_5 {strides = array<i32>} : memref<77824xf32, #tpu.memory_space<vmem>>, vector<16xf32>,
    }
    %scan3A_672 = arith.constant 4864 : i32
    %add3A_673 = arith.constant 0 : i32
    %add3A_674 = arith.addi %mul3A_2, %add3A_673 : i32
    %multiple_of3A = tpu.assume_multiple %add3A_674, 8 : i32
    %add3A_675 = arith.constant 0 : i32
    %add3A_676 = arith.addi %mul3A_4, %add3A_675 : i32
    %multiple_of3A_677 = tpu.assume_multiple %add3A_676, 8 : i32
    %dma_start3A = arith.constant 0 : i32
    %dma_start3A_678 = tpu.memref_slice %arg5[%dma_start3A] : memref<19456xf32, #tpu.memory_space<vmem>> -> memref<9728xf32, #tpu.memory_space<vmem>>
    %dma_start3A_679 = tpu.memref_slice %arg2[%multiple_of3A] : memref<19922944xf32, #tpu.memory_space<hbm>> -> memref<9728xf32, #tpu.memory_space<hbm>>
    %dma_start3A_680 = arith.constant 0 : i32
    %dma_start3A_681 = tpu.memref_slice %arg5[%dma_start3A_680] : memref<19456xf32, #tpu.memory_space<vmem>> -> memref<9728xf32, #tpu.memory_space<vmem>>
    %dma_start3A_682 = tpu.memref_slice %arg2[%multiple_of3A] : memref<19922944xf32, #tpu.memory_space<hbm>> -> memref<9728xf32, #tpu.memory_space<hbm>>
    tpu.enqueue_dma source(%dma_start3A_682 : memref<9728xf32, #tpu.memory_space<hbm>>) target(%dma_start3A_681 : memref<9728xf32, #tpu.memory_space<vmem>>) target_semaphore(%arg8 : memref<!tpu.dma_semaphore, #tpu.memory_space<semaphore_mem>>)
    %dma_start3A_683 = arith.constant 0 : i32
    %dma_start3A_684 = tpu.memref_slice %arg6[%dma_start3A_683] : memref<1024xi32, #tpu.memory_space<vmem>> -> memref<512xi32, #tpu.memory_space<vmem>>
    %dma_start3A_685 = tpu.memref_slice %arg3[%multiple_of3A_677] : memref<1048576xi32, #tpu.memory_space<hbm>> -> memref<512xi32, #tpu.memory_space<hbm>>
    %dma_start3A_686 = arith.constant 0 : i32
    %dma_start3A_687 = tpu.memref_slice %arg6[%dma_start3A_686] : memref<1024xi32, #tpu.memory_space<vmem>> -> memref<512xi32, #tpu.memory_space<vmem>>
    %dma_start3A_688 = tpu.memref_slice %arg3[%multiple_of3A_677] : memref<1048576xi32, #tpu.memory_space<hbm>> -> memref<512xi32, #tpu.memory_space<hbm>>
    tpu.enqueue_dma source(%dma_start3A_688 : memref<512xi32, #tpu.memory_space<hbm>>) target(%dma_start3A_687 : memref<512xi32, #tpu.memory_space<vmem>>) target_semaphore(%arg10 : memref<!tpu.dma_semaphore, #tpu.memory_space<semaphore_mem>>)
    %scan3A_689 = arith.constant 0 : i32
    %scan3A_690 = arith.constant 0 : i32
    %scan3A_691 = arith.constant 32 : i32
    %scan3A_692 = arith.addi %scan3A_690, %scan3A_691 : i32
    %scan3A_693 = arith.constant 1 : i32
    scf.for %scan3A_695 = %scan3A_690 to %scan3A_692 step %scan3A_693  : i32 {
      %mul3A_696 = arith.constant 2 : i32
      %mul3A_697 = arith.muli %mul3A_696, %scan3A_695 : i32
      %add3A_698 = arith.constant 1 : i32
      %add3A_699 = arith.addi %mul3A_697, %add3A_698 : i32
      %mul3A_700 = arith.constant 9728 : i32
      %mul3A_701 = arith.muli %add3A_699, %mul3A_700 : i32
      %add3A_702 = arith.addi %mul3A_2, %mul3A_701 : i32
      %multiple_of3A_703 = tpu.assume_multiple %add3A_702, 8 : i32
      %mul3A_704 = arith.constant 512 : i32
      %mul3A_705 = arith.muli %add3A_699, %mul3A_704 : i32
      %add3A_706 = arith.addi %mul3A_4, %mul3A_705 : i32
      %multiple_of3A_707 = tpu.assume_multiple %add3A_706, 8 : i32
      %dma_start3A_708 = arith.constant 9728 : i32
      %dma_start3A_709 = tpu.memref_slice %arg5[%dma_start3A_708] : memref<19456xf32, #tpu.memory_space<vmem>> -> memref<9728xf32, #tpu.memory_space<vmem>>
      %dma_start3A_710 = tpu.memref_slice %arg2[%multiple_of3A_703] : memref<19922944xf32, #tpu.memory_space<hbm>> -> memref<9728xf32, #tpu.memory_space<hbm>>
      %dma_start3A_711 = arith.constant 9728 : i32
      %dma_start3A_712 = tpu.memref_slice %arg5[%dma_start3A_711] : memref<19456xf32, #tpu.memory_space<vmem>> -> memref<9728xf32, #tpu.memory_space<vmem>>
      %dma_start3A_713 = tpu.memref_slice %arg2[%multiple_of3A_703] : memref<19922944xf32, #tpu.memory_space<hbm>> -> memref<9728xf32, #tpu.memory_space<hbm>>
      tpu.enqueue_dma source(%dma_start3A_713 : memref<9728xf32, #tpu.memory_space<hbm>>) target(%dma_start3A_712 : memref<9728xf32, #tpu.memory_space<vmem>>) target_semaphore(%arg9 : memref<!tpu.dma_semaphore, #tpu.memory_space<semaphore_mem>>)
      %dma_start3A_714 = arith.constant 512 : i32
      %dma_start3A_715 = tpu.memref_slice %arg6[%dma_start3A_714] : memref<1024xi32, #tpu.memory_space<vmem>> -> memref<512xi32, #tpu.memory_space<vmem>>
      %dma_start3A_716 = tpu.memref_slice %arg3[%multiple_of3A_707] : memref<1048576xi32, #tpu.memory_space<hbm>> -> memref<512xi32, #tpu.memory_space<hbm>>
      %dma_start3A_717 = arith.constant 512 : i32
      %dma_start3A_718 = tpu.memref_slice %arg6[%dma_start3A_717] : memref<1024xi32, #tpu.memory_space<vmem>> -> memref<512xi32, #tpu.memory_space<vmem>>
      %dma_start3A_719 = tpu.memref_slice %arg3[%multiple_of3A_707] : memref<1048576xi32, #tpu.memory_space<hbm>> -> memref<512xi32, #tpu.memory_space<hbm>>
      tpu.enqueue_dma source(%dma_start3A_719 : memref<512xi32, #tpu.memory_space<hbm>>) target(%dma_start3A_718 : memref<512xi32, #tpu.memory_space<vmem>>) target_semaphore(%arg11 : memref<!tpu.dma_semaphore, #tpu.memory_space<semaphore_mem>>)
      %dma_wait3A = arith.constant 0 : i32
      %dma_wait3A_720 = tpu.memref_slice %arg5[%dma_wait3A] : memref<19456xf32, #tpu.memory_space<vmem>> -> memref<9728xf32, #tpu.memory_space<vmem>>
      %dma_wait3A_721 = arith.constant 0 : i32
      %dma_wait3A_722 = tpu.memref_slice %arg2[%dma_wait3A_721] : memref<19922944xf32, #tpu.memory_space<hbm>> -> memref<9728xf32, #tpu.memory_space<hbm>>
      %dma_wait3A_723 = arith.constant 0 : i32
      %dma_wait3A_724 = tpu.memref_slice %arg5[%dma_wait3A_723] : memref<19456xf32, #tpu.memory_space<vmem>> -> memref<9728xf32, #tpu.memory_space<vmem>>
      %dma_wait3A_725 = arith.constant 0 : i32
      %dma_wait3A_726 = tpu.memref_slice %arg2[%dma_wait3A_725] : memref<19922944xf32, #tpu.memory_space<hbm>> -> memref<9728xf32, #tpu.memory_space<hbm>>
      tpu.wait_dma2 semaphore(%arg8 : memref<!tpu.dma_semaphore, #tpu.memory_space<semaphore_mem>>) src(%dma_wait3A_726 : memref<9728xf32, #tpu.memory_space<hbm>>) dst(%dma_wait3A_724 : memref<9728xf32, #tpu.memory_space<vmem>>)
      %dma_wait3A_727 = arith.constant 0 : i32
      %dma_wait3A_728 = tpu.memref_slice %arg6[%dma_wait3A_727] : memref<1024xi32, #tpu.memory_space<vmem>> -> memref<512xi32, #tpu.memory_space<vmem>>
      %dma_wait3A_729 = arith.constant 0 : i32
      %dma_wait3A_730 = tpu.memref_slice %arg3[%dma_wait3A_729] : memref<1048576xi32, #tpu.memory_space<hbm>> -> memref<512xi32, #tpu.memory_space<hbm>>
      %dma_wait3A_731 = arith.constant 0 : i32
      %dma_wait3A_732 = tpu.memref_slice %arg6[%dma_wait3A_731] : memref<1024xi32, #tpu.memory_space<vmem>> -> memref<512xi32, #tpu.memory_space<vmem>>
      %dma_wait3A_733 = arith.constant 0 : i32
      %dma_wait3A_734 = tpu.memref_slice %arg3[%dma_wait3A_733] : memref<1048576xi32, #tpu.memory_space<hbm>> -> memref<512xi32, #tpu.memory_space<hbm>>
      tpu.wait_dma2 semaphore(%arg10 : memref<!tpu.dma_semaphore, #tpu.memory_space<semaphore_mem>>) src(%dma_wait3A_734 : memref<512xi32, #tpu.memory_space<hbm>>) dst(%dma_wait3A_732 : memref<512xi32, #tpu.memory_space<vmem>>)
      %parallel_loop3A = arith.constant 0 : i32
      %parallel_loop3A_735 = arith.constant 32 : i32
      %parallel_loop3A_736 = arith.constant 1 : i32
      scf.for %parallel_loop3A_770 = %parallel_loop3A to %parallel_loop3A_735 step %parallel_loop3A_736  : i32 {
        %parallel_loop3A_771 = arith.constant 304 : i32
        %parallel_loop3A_772 = arith.muli %parallel_loop3A_770, %parallel_loop3A_771 : i32
        %parallel_loop3A_773 = arith.constant 0 : i32
        %parallel_loop3A_774 = arith.addi %parallel_loop3A_773, %parallel_loop3A_772 : i32
        %parallel_loop3A_775 = arith.index_cast %parallel_loop3A_774 : i32 to index
        %parallel_loop3A_776 = tpu.vector_load %arg5[%parallel_loop3A_775] {strides = array<i32>} : memref<19456xf32, #tpu.memory_space<vmem>>, vector<16xf32>,
        %parallel_loop3A_777 = arith.constant 16 : i32
        %parallel_loop3A_778 = arith.addi %parallel_loop3A_774, %parallel_loop3A_777 : i32
        %parallel_loop3A_779 = arith.constant 2.048000e+03 : f32
        %parallel_loop3A_780 = vector.broadcast %parallel_loop3A_779 : f32 to vector<16xf32>
        %parallel_loop3A_781 = arith.mulf %parallel_loop3A_776, %parallel_loop3A_780 : vector<16xf32>
        %parallel_loop3A_782 = arith.addf %parallel_loop3A_781, %convert_element_type3A : vector<16xf32>
        %parallel_loop3A_783 = arith.fptosi %parallel_loop3A_782 : vector<16xf32> to vector<16xi32>
        %parallel_loop3A_784 = arith.minsi %parallel_loop3A_783, %add3A_34 : vector<16xi32>
        tpu.vector_store_idx %arg7[%parallel_loop3A_784], %broadcast_in_dim3A_7 {add = true} : memref<77824xf32, #tpu.memory_space<vmem>>[vector<16xi32>], vector<16xf32>,
        %parallel_loop3A_785 = arith.index_cast %parallel_loop3A_778 : i32 to index
        %parallel_loop3A_786 = tpu.vector_load %arg5[%parallel_loop3A_785] {strides = array<i32>} : memref<19456xf32, #tpu.memory_space<vmem>>, vector<16xf32>,
        %parallel_loop3A_787 = arith.constant 16 : i32
        %parallel_loop3A_788 = arith.addi %parallel_loop3A_778, %parallel_loop3A_787 : i32
        %parallel_loop3A_789 = arith.constant 2.048000e+03 : f32
        %parallel_loop3A_790 = vector.broadcast %parallel_loop3A_789 : f32 to vector<16xf32>
        %parallel_loop3A_791 = arith.mulf %parallel_loop3A_786, %parallel_loop3A_790 : vector<16xf32>
        %parallel_loop3A_792 = arith.addf %parallel_loop3A_791, %convert_element_type3A_63 : vector<16xf32>
        %parallel_loop3A_793 = arith.fptosi %parallel_loop3A_792 : vector<16xf32> to vector<16xi32>
        %parallel_loop3A_794 = arith.minsi %parallel_loop3A_793, %add3A_69 : vector<16xi32>
        tpu.vector_store_idx %arg7[%parallel_loop3A_794], %broadcast_in_dim3A_7 {add = true} : memref<77824xf32, #tpu.memory_space<vmem>>[vector<16xi32>], vector<16xf32>,
        %parallel_loop3A_795 = arith.index_cast %parallel_loop3A_788 : i32 to index
        %parallel_loop3A_796 = tpu.vector_load %arg5[%parallel_loop3A_795] {strides = array<i32>} : memref<19456xf32, #tpu.memory_space<vmem>>, vector<16xf32>,
        %parallel_loop3A_797 = arith.constant 16 : i32
        %parallel_loop3A_798 = arith.addi %parallel_loop3A_788, %parallel_loop3A_797 : i32
        %parallel_loop3A_799 = arith.constant 2.048000e+03 : f32
        %parallel_loop3A_800 = vector.broadcast %parallel_loop3A_799 : f32 to vector<16xf32>
        %parallel_loop3A_801 = arith.mulf %parallel_loop3A_796, %parallel_loop3A_800 : vector<16xf32>
        %parallel_loop3A_802 = arith.addf %parallel_loop3A_801, %convert_element_type3A_98 : vector<16xf32>
        %parallel_loop3A_803 = arith.fptosi %parallel_loop3A_802 : vector<16xf32> to vector<16xi32>
        %parallel_loop3A_804 = arith.minsi %parallel_loop3A_803, %add3A_104 : vector<16xi32>
        tpu.vector_store_idx %arg7[%parallel_loop3A_804], %broadcast_in_dim3A_7 {add = true} : memref<77824xf32, #tpu.memory_space<vmem>>[vector<16xi32>], vector<16xf32>,
        %parallel_loop3A_805 = arith.index_cast %parallel_loop3A_798 : i32 to index
        %parallel_loop3A_806 = tpu.vector_load %arg5[%parallel_loop3A_805] {strides = array<i32>} : memref<19456xf32, #tpu.memory_space<vmem>>, vector<16xf32>,
        %parallel_loop3A_807 = arith.constant 16 : i32
        %parallel_loop3A_808 = arith.addi %parallel_loop3A_798, %parallel_loop3A_807 : i32
        %parallel_loop3A_809 = arith.constant 2.048000e+03 : f32
        %parallel_loop3A_810 = vector.broadcast %parallel_loop3A_809 : f32 to vector<16xf32>
        %parallel_loop3A_811 = arith.mulf %parallel_loop3A_806, %parallel_loop3A_810 : vector<16xf32>
        %parallel_loop3A_812 = arith.addf %parallel_loop3A_811, %convert_element_type3A_133 : vector<16xf32>
        %parallel_loop3A_813 = arith.fptosi %parallel_loop3A_812 : vector<16xf32> to vector<16xi32>
        %parallel_loop3A_814 = arith.minsi %parallel_loop3A_813, %add3A_139 : vector<16xi32>
        tpu.vector_store_idx %arg7[%parallel_loop3A_814], %broadcast_in_dim3A_7 {add = true} : memref<77824xf32, #tpu.memory_space<vmem>>[vector<16xi32>], vector<16xf32>,
        %parallel_loop3A_815 = arith.index_cast %parallel_loop3A_808 : i32 to index
        %parallel_loop3A_816 = tpu.vector_load %arg5[%parallel_loop3A_815] {strides = array<i32>} : memref<19456xf32, #tpu.memory_space<vmem>>, vector<16xf32>,
        %parallel_loop3A_817 = arith.constant 16 : i32
        %parallel_loop3A_818 = arith.addi %parallel_loop3A_808, %parallel_loop3A_817 : i32
        %parallel_loop3A_819 = arith.constant 2.048000e+03 : f32
        %parallel_loop3A_820 = vector.broadcast %parallel_loop3A_819 : f32 to vector<16xf32>
        %parallel_loop3A_821 = arith.mulf %parallel_loop3A_816, %parallel_loop3A_820 : vector<16xf32>
        %parallel_loop3A_822 = arith.addf %parallel_loop3A_821, %convert_element_type3A_168 : vector<16xf32>
        %parallel_loop3A_823 = arith.fptosi %parallel_loop3A_822 : vector<16xf32> to vector<16xi32>
        %parallel_loop3A_824 = arith.minsi %parallel_loop3A_823, %add3A_174 : vector<16xi32>
        tpu.vector_store_idx %arg7[%parallel_loop3A_824], %broadcast_in_dim3A_7 {add = true} : memref<77824xf32, #tpu.memory_space<vmem>>[vector<16xi32>], vector<16xf32>,
        %parallel_loop3A_825 = arith.index_cast %parallel_loop3A_818 : i32 to index
        %parallel_loop3A_826 = tpu.vector_load %arg5[%parallel_loop3A_825] {strides = array<i32>} : memref<19456xf32, #tpu.memory_space<vmem>>, vector<16xf32>,
        %parallel_loop3A_827 = arith.constant 16 : i32
        %parallel_loop3A_828 = arith.addi %parallel_loop3A_818, %parallel_loop3A_827 : i32
        %parallel_loop3A_829 = arith.constant 2.048000e+03 : f32
        %parallel_loop3A_830 = vector.broadcast %parallel_loop3A_829 : f32 to vector<16xf32>
        %parallel_loop3A_831 = arith.mulf %parallel_loop3A_826, %parallel_loop3A_830 : vector<16xf32>
        %parallel_loop3A_832 = arith.addf %parallel_loop3A_831, %convert_element_type3A_203 : vector<16xf32>
        %parallel_loop3A_833 = arith.fptosi %parallel_loop3A_832 : vector<16xf32> to vector<16xi32>
        %parallel_loop3A_834 = arith.minsi %parallel_loop3A_833, %add3A_209 : vector<16xi32>
        tpu.vector_store_idx %arg7[%parallel_loop3A_834], %broadcast_in_dim3A_7 {add = true} : memref<77824xf32, #tpu.memory_space<vmem>>[vector<16xi32>], vector<16xf32>,
        %parallel_loop3A_835 = arith.index_cast %parallel_loop3A_828 : i32 to index
        %parallel_loop3A_836 = tpu.vector_load %arg5[%parallel_loop3A_835] {strides = array<i32>} : memref<19456xf32, #tpu.memory_space<vmem>>, vector<16xf32>,
        %parallel_loop3A_837 = arith.constant 16 : i32
        %parallel_loop3A_838 = arith.addi %parallel_loop3A_828, %parallel_loop3A_837 : i32
        %parallel_loop3A_839 = arith.constant 2.048000e+03 : f32
        %parallel_loop3A_840 = vector.broadcast %parallel_loop3A_839 : f32 to vector<16xf32>
        %parallel_loop3A_841 = arith.mulf %parallel_loop3A_836, %parallel_loop3A_840 : vector<16xf32>
        %parallel_loop3A_842 = arith.addf %parallel_loop3A_841, %convert_element_type3A_238 : vector<16xf32>
        %parallel_loop3A_843 = arith.fptosi %parallel_loop3A_842 : vector<16xf32> to vector<16xi32>
        %parallel_loop3A_844 = arith.minsi %parallel_loop3A_843, %add3A_244 : vector<16xi32>
        tpu.vector_store_idx %arg7[%parallel_loop3A_844], %broadcast_in_dim3A_7 {add = true} : memref<77824xf32, #tpu.memory_space<vmem>>[vector<16xi32>], vector<16xf32>,
        %parallel_loop3A_845 = arith.index_cast %parallel_loop3A_838 : i32 to index
        %parallel_loop3A_846 = tpu.vector_load %arg5[%parallel_loop3A_845] {strides = array<i32>} : memref<19456xf32, #tpu.memory_space<vmem>>, vector<16xf32>,
        %parallel_loop3A_847 = arith.constant 16 : i32
        %parallel_loop3A_848 = arith.addi %parallel_loop3A_838, %parallel_loop3A_847 : i32
        %parallel_loop3A_849 = arith.constant 2.048000e+03 : f32
        %parallel_loop3A_850 = vector.broadcast %parallel_loop3A_849 : f32 to vector<16xf32>
        %parallel_loop3A_851 = arith.mulf %parallel_loop3A_846, %parallel_loop3A_850 : vector<16xf32>
        %parallel_loop3A_852 = arith.addf %parallel_loop3A_851, %convert_element_type3A_273 : vector<16xf32>
        %parallel_loop3A_853 = arith.fptosi %parallel_loop3A_852 : vector<16xf32> to vector<16xi32>
        %parallel_loop3A_854 = arith.minsi %parallel_loop3A_853, %add3A_279 : vector<16xi32>
        tpu.vector_store_idx %arg7[%parallel_loop3A_854], %broadcast_in_dim3A_7 {add = true} : memref<77824xf32, #tpu.memory_space<vmem>>[vector<16xi32>], vector<16xf32>,
        %parallel_loop3A_855 = arith.index_cast %parallel_loop3A_848 : i32 to index
        %parallel_loop3A_856 = tpu.vector_load %arg5[%parallel_loop3A_855] {strides = array<i32>} : memref<19456xf32, #tpu.memory_space<vmem>>, vector<16xf32>,
        %parallel_loop3A_857 = arith.constant 16 : i32
        %parallel_loop3A_858 = arith.addi %parallel_loop3A_848, %parallel_loop3A_857 : i32
        %parallel_loop3A_859 = arith.constant 2.048000e+03 : f32
        %parallel_loop3A_860 = vector.broadcast %parallel_loop3A_859 : f32 to vector<16xf32>
        %parallel_loop3A_861 = arith.mulf %parallel_loop3A_856, %parallel_loop3A_860 : vector<16xf32>
        %parallel_loop3A_862 = arith.addf %parallel_loop3A_861, %convert_element_type3A_308 : vector<16xf32>
        %parallel_loop3A_863 = arith.fptosi %parallel_loop3A_862 : vector<16xf32> to vector<16xi32>
        %parallel_loop3A_864 = arith.minsi %parallel_loop3A_863, %add3A_314 : vector<16xi32>
        tpu.vector_store_idx %arg7[%parallel_loop3A_864], %broadcast_in_dim3A_7 {add = true} : memref<77824xf32, #tpu.memory_space<vmem>>[vector<16xi32>], vector<16xf32>,
        %parallel_loop3A_865 = arith.index_cast %parallel_loop3A_858 : i32 to index
        %parallel_loop3A_866 = tpu.vector_load %arg5[%parallel_loop3A_865] {strides = array<i32>} : memref<19456xf32, #tpu.memory_space<vmem>>, vector<16xf32>,
        %parallel_loop3A_867 = arith.constant 16 : i32
        %parallel_loop3A_868 = arith.addi %parallel_loop3A_858, %parallel_loop3A_867 : i32
        %parallel_loop3A_869 = arith.constant 2.048000e+03 : f32
        %parallel_loop3A_870 = vector.broadcast %parallel_loop3A_869 : f32 to vector<16xf32>
        %parallel_loop3A_871 = arith.mulf %parallel_loop3A_866, %parallel_loop3A_870 : vector<16xf32>
        %parallel_loop3A_872 = arith.addf %parallel_loop3A_871, %convert_element_type3A_343 : vector<16xf32>
        %parallel_loop3A_873 = arith.fptosi %parallel_loop3A_872 : vector<16xf32> to vector<16xi32>
        %parallel_loop3A_874 = arith.minsi %parallel_loop3A_873, %add3A_349 : vector<16xi32>
        tpu.vector_store_idx %arg7[%parallel_loop3A_874], %broadcast_in_dim3A_7 {add = true} : memref<77824xf32, #tpu.memory_space<vmem>>[vector<16xi32>], vector<16xf32>,
        %parallel_loop3A_875 = arith.index_cast %parallel_loop3A_868 : i32 to index
        %parallel_loop3A_876 = tpu.vector_load %arg5[%parallel_loop3A_875] {strides = array<i32>} : memref<19456xf32, #tpu.memory_space<vmem>>, vector<16xf32>,
        %parallel_loop3A_877 = arith.constant 16 : i32
        %parallel_loop3A_878 = arith.addi %parallel_loop3A_868, %parallel_loop3A_877 : i32
        %parallel_loop3A_879 = arith.constant 2.048000e+03 : f32
        %parallel_loop3A_880 = vector.broadcast %parallel_loop3A_879 : f32 to vector<16xf32>
        %parallel_loop3A_881 = arith.mulf %parallel_loop3A_876, %parallel_loop3A_880 : vector<16xf32>
        %parallel_loop3A_882 = arith.addf %parallel_loop3A_881, %convert_element_type3A_378 : vector<16xf32>
        %parallel_loop3A_883 = arith.fptosi %parallel_loop3A_882 : vector<16xf32> to vector<16xi32>
        %parallel_loop3A_884 = arith.minsi %parallel_loop3A_883, %add3A_384 : vector<16xi32>
        tpu.vector_store_idx %arg7[%parallel_loop3A_884], %broadcast_in_dim3A_7 {add = true} : memref<77824xf32, #tpu.memory_space<vmem>>[vector<16xi32>], vector<16xf32>,
        %parallel_loop3A_885 = arith.index_cast %parallel_loop3A_878 : i32 to index
        %parallel_loop3A_886 = tpu.vector_load %arg5[%parallel_loop3A_885] {strides = array<i32>} : memref<19456xf32, #tpu.memory_space<vmem>>, vector<16xf32>,
        %parallel_loop3A_887 = arith.constant 16 : i32
        %parallel_loop3A_888 = arith.addi %parallel_loop3A_878, %parallel_loop3A_887 : i32
        %parallel_loop3A_889 = arith.constant 2.048000e+03 : f32
        %parallel_loop3A_890 = vector.broadcast %parallel_loop3A_889 : f32 to vector<16xf32>
        %parallel_loop3A_891 = arith.mulf %parallel_loop3A_886, %parallel_loop3A_890 : vector<16xf32>
        %parallel_loop3A_892 = arith.addf %parallel_loop3A_891, %convert_element_type3A_413 : vector<16xf32>
        %parallel_loop3A_893 = arith.fptosi %parallel_loop3A_892 : vector<16xf32> to vector<16xi32>
        %parallel_loop3A_894 = arith.minsi %parallel_loop3A_893, %add3A_419 : vector<16xi32>
        tpu.vector_store_idx %arg7[%parallel_loop3A_894], %broadcast_in_dim3A_7 {add = true} : memref<77824xf32, #tpu.memory_space<vmem>>[vector<16xi32>], vector<16xf32>,
        %parallel_loop3A_895 = arith.index_cast %parallel_loop3A_888 : i32 to index
        %parallel_loop3A_896 = tpu.vector_load %arg5[%parallel_loop3A_895] {strides = array<i32>} : memref<19456xf32, #tpu.memory_space<vmem>>, vector<16xf32>,
        %parallel_loop3A_897 = arith.constant 16 : i32
        %parallel_loop3A_898 = arith.addi %parallel_loop3A_888, %parallel_loop3A_897 : i32
        %parallel_loop3A_899 = arith.constant 2.048000e+03 : f32
        %parallel_loop3A_900 = vector.broadcast %parallel_loop3A_899 : f32 to vector<16xf32>
        %parallel_loop3A_901 = arith.mulf %parallel_loop3A_896, %parallel_loop3A_900 : vector<16xf32>
        %parallel_loop3A_902 = arith.addf %parallel_loop3A_901, %convert_element_type3A_448 : vector<16xf32>
        %parallel_loop3A_903 = arith.fptosi %parallel_loop3A_902 : vector<16xf32> to vector<16xi32>
        %parallel_loop3A_904 = arith.minsi %parallel_loop3A_903, %add3A_454 : vector<16xi32>
        tpu.vector_store_idx %arg7[%parallel_loop3A_904], %broadcast_in_dim3A_7 {add = true} : memref<77824xf32, #tpu.memory_space<vmem>>[vector<16xi32>], vector<16xf32>,
        %parallel_loop3A_905 = arith.index_cast %parallel_loop3A_898 : i32 to index
        %parallel_loop3A_906 = tpu.vector_load %arg5[%parallel_loop3A_905] {strides = array<i32>} : memref<19456xf32, #tpu.memory_space<vmem>>, vector<16xf32>,
        %parallel_loop3A_907 = arith.constant 16 : i32
        %parallel_loop3A_908 = arith.addi %parallel_loop3A_898, %parallel_loop3A_907 : i32
        %parallel_loop3A_909 = arith.constant 2.048000e+03 : f32
        %parallel_loop3A_910 = vector.broadcast %parallel_loop3A_909 : f32 to vector<16xf32>
        %parallel_loop3A_911 = arith.mulf %parallel_loop3A_906, %parallel_loop3A_910 : vector<16xf32>
        %parallel_loop3A_912 = arith.addf %parallel_loop3A_911, %convert_element_type3A_483 : vector<16xf32>
        %parallel_loop3A_913 = arith.fptosi %parallel_loop3A_912 : vector<16xf32> to vector<16xi32>
        %parallel_loop3A_914 = arith.minsi %parallel_loop3A_913, %add3A_489 : vector<16xi32>
        tpu.vector_store_idx %arg7[%parallel_loop3A_914], %broadcast_in_dim3A_7 {add = true} : memref<77824xf32, #tpu.memory_space<vmem>>[vector<16xi32>], vector<16xf32>,
        %parallel_loop3A_915 = arith.index_cast %parallel_loop3A_908 : i32 to index
        %parallel_loop3A_916 = tpu.vector_load %arg5[%parallel_loop3A_915] {strides = array<i32>} : memref<19456xf32, #tpu.memory_space<vmem>>, vector<16xf32>,
        %parallel_loop3A_917 = arith.constant 16 : i32
        %parallel_loop3A_918 = arith.addi %parallel_loop3A_908, %parallel_loop3A_917 : i32
        %parallel_loop3A_919 = arith.constant 2.048000e+03 : f32
        %parallel_loop3A_920 = vector.broadcast %parallel_loop3A_919 : f32 to vector<16xf32>
        %parallel_loop3A_921 = arith.mulf %parallel_loop3A_916, %parallel_loop3A_920 : vector<16xf32>
        %parallel_loop3A_922 = arith.addf %parallel_loop3A_921, %convert_element_type3A_518 : vector<16xf32>
        %parallel_loop3A_923 = arith.fptosi %parallel_loop3A_922 : vector<16xf32> to vector<16xi32>
        %parallel_loop3A_924 = arith.minsi %parallel_loop3A_923, %add3A_524 : vector<16xi32>
        tpu.vector_store_idx %arg7[%parallel_loop3A_924], %broadcast_in_dim3A_7 {add = true} : memref<77824xf32, #tpu.memory_space<vmem>>[vector<16xi32>], vector<16xf32>,
        %parallel_loop3A_925 = arith.index_cast %parallel_loop3A_918 : i32 to index
        %parallel_loop3A_926 = tpu.vector_load %arg5[%parallel_loop3A_925] {strides = array<i32>} : memref<19456xf32, #tpu.memory_space<vmem>>, vector<16xf32>,
        %parallel_loop3A_927 = arith.constant 16 : i32
        %parallel_loop3A_928 = arith.addi %parallel_loop3A_918, %parallel_loop3A_927 : i32
        %parallel_loop3A_929 = arith.constant 2.048000e+03 : f32
        %parallel_loop3A_930 = vector.broadcast %parallel_loop3A_929 : f32 to vector<16xf32>
        %parallel_loop3A_931 = arith.mulf %parallel_loop3A_926, %parallel_loop3A_930 : vector<16xf32>
        %parallel_loop3A_932 = arith.addf %parallel_loop3A_931, %convert_element_type3A_553 : vector<16xf32>
        %parallel_loop3A_933 = arith.fptosi %parallel_loop3A_932 : vector<16xf32> to vector<16xi32>
        %parallel_loop3A_934 = arith.minsi %parallel_loop3A_933, %add3A_559 : vector<16xi32>
        tpu.vector_store_idx %arg7[%parallel_loop3A_934], %broadcast_in_dim3A_7 {add = true} : memref<77824xf32, #tpu.memory_space<vmem>>[vector<16xi32>], vector<16xf32>,
        %parallel_loop3A_935 = arith.index_cast %parallel_loop3A_928 : i32 to index
        %parallel_loop3A_936 = tpu.vector_load %arg5[%parallel_loop3A_935] {strides = array<i32>} : memref<19456xf32, #tpu.memory_space<vmem>>, vector<16xf32>,
        %parallel_loop3A_937 = arith.constant 16 : i32
        %parallel_loop3A_938 = arith.addi %parallel_loop3A_928, %parallel_loop3A_937 : i32
        %parallel_loop3A_939 = arith.constant 2.048000e+03 : f32
        %parallel_loop3A_940 = vector.broadcast %parallel_loop3A_939 : f32 to vector<16xf32>
        %parallel_loop3A_941 = arith.mulf %parallel_loop3A_936, %parallel_loop3A_940 : vector<16xf32>
        %parallel_loop3A_942 = arith.addf %parallel_loop3A_941, %convert_element_type3A_588 : vector<16xf32>
        %parallel_loop3A_943 = arith.fptosi %parallel_loop3A_942 : vector<16xf32> to vector<16xi32>
        %parallel_loop3A_944 = arith.minsi %parallel_loop3A_943, %add3A_594 : vector<16xi32>
        tpu.vector_store_idx %arg7[%parallel_loop3A_944], %broadcast_in_dim3A_7 {add = true} : memref<77824xf32, #tpu.memory_space<vmem>>[vector<16xi32>], vector<16xf32>,
        %parallel_loop3A_945 = arith.index_cast %parallel_loop3A_938 : i32 to index
        %parallel_loop3A_946 = tpu.vector_load %arg5[%parallel_loop3A_945] {strides = array<i32>} : memref<19456xf32, #tpu.memory_space<vmem>>, vector<16xf32>,
        %parallel_loop3A_947 = arith.constant 16 : i32
        %parallel_loop3A_948 = arith.addi %parallel_loop3A_938, %parallel_loop3A_947 : i32
        %parallel_loop3A_949 = arith.constant 2.048000e+03 : f32
        %parallel_loop3A_950 = vector.broadcast %parallel_loop3A_949 : f32 to vector<16xf32>
        %parallel_loop3A_951 = arith.mulf %parallel_loop3A_946, %parallel_loop3A_950 : vector<16xf32>
        %parallel_loop3A_952 = arith.addf %parallel_loop3A_951, %convert_element_type3A_623 : vector<16xf32>
        %parallel_loop3A_953 = arith.fptosi %parallel_loop3A_952 : vector<16xf32> to vector<16xi32>
        %parallel_loop3A_954 = arith.minsi %parallel_loop3A_953, %add3A_629 : vector<16xi32>
        tpu.vector_store_idx %arg7[%parallel_loop3A_954], %broadcast_in_dim3A_7 {add = true} : memref<77824xf32, #tpu.memory_space<vmem>>[vector<16xi32>], vector<16xf32>,
        %parallel_loop3A_955 = arith.index_cast %parallel_loop3A_948 : i32 to index
        %parallel_loop3A_956 = tpu.vector_load %arg5[%parallel_loop3A_955] {strides = array<i32>} : memref<19456xf32, #tpu.memory_space<vmem>>, vector<16xf32>,
        %parallel_loop3A_957 = arith.constant 16 : i32
        %parallel_loop3A_958 = arith.addi %parallel_loop3A_948, %parallel_loop3A_957 : i32
        %parallel_loop3A_959 = arith.constant 2.048000e+03 : f32
        %parallel_loop3A_960 = vector.broadcast %parallel_loop3A_959 : f32 to vector<16xf32>
        %parallel_loop3A_961 = arith.mulf %parallel_loop3A_956, %parallel_loop3A_960 : vector<16xf32>
        %parallel_loop3A_962 = arith.addf %parallel_loop3A_961, %convert_element_type3A_658 : vector<16xf32>
        %parallel_loop3A_963 = arith.fptosi %parallel_loop3A_962 : vector<16xf32> to vector<16xi32>
        %parallel_loop3A_964 = arith.minsi %parallel_loop3A_963, %add3A_664 : vector<16xi32>
        tpu.vector_store_idx %arg7[%parallel_loop3A_964], %broadcast_in_dim3A_7 {add = true} : memref<77824xf32, #tpu.memory_space<vmem>>[vector<16xi32>], vector<16xf32>,
      } {sc.loop_unroll_factor = 2 : i64, sc.parallel_access}
      %parallel_loop3A_737 = arith.constant 0 : i32
      %parallel_loop3A_738 = arith.constant 32 : i32
      %parallel_loop3A_739 = arith.constant 1 : i32
      scf.for %parallel_loop3A_770 = %parallel_loop3A_737 to %parallel_loop3A_738 step %parallel_loop3A_739  : i32 {
        %parallel_loop3A_771 = arith.constant 16 : i32
        %parallel_loop3A_772 = arith.muli %parallel_loop3A_770, %parallel_loop3A_771 : i32
        %parallel_loop3A_773 = arith.constant 0 : i32
        %parallel_loop3A_774 = arith.addi %parallel_loop3A_773, %parallel_loop3A_772 : i32
        %parallel_loop3A_775 = arith.index_cast %parallel_loop3A_774 : i32 to index
        %parallel_loop3A_776 = tpu.vector_load %arg6[%parallel_loop3A_775] {strides = array<i32>} : memref<1024xi32, #tpu.memory_space<vmem>>, vector<16xi32>,
        %parallel_loop3A_777 = arith.constant 304 : i32
        %parallel_loop3A_778 = arith.muli %parallel_loop3A_770, %parallel_loop3A_777 : i32
        %parallel_loop3A_779 = arith.constant 0 : i32
        %parallel_loop3A_780 = arith.addi %parallel_loop3A_779, %parallel_loop3A_778 : i32
        %parallel_loop3A_781 = vector.broadcast %parallel_loop3A_780 : i32 to vector<16xi32>
        %parallel_loop3A_782 = arith.addi %parallel_loop3A_781, %mul3A_667 : vector<16xi32>
        %parallel_loop3A_783 = arith.addi %parallel_loop3A_782, %parallel_loop3A_776 : vector<16xi32>
        %parallel_loop3A_784 = tpu.vector_load_idx %arg5[%parallel_loop3A_783] : memref<19456xf32, #tpu.memory_space<vmem>>[vector<16xi32>], vector<16xf32>,
        %parallel_loop3A_785 = arith.constant 2.048000e+03 : f32
        %parallel_loop3A_786 = vector.broadcast %parallel_loop3A_785 : f32 to vector<16xf32>
        %parallel_loop3A_787 = arith.mulf %parallel_loop3A_784, %parallel_loop3A_786 : vector<16xf32>
        %parallel_loop3A_788 = arith.fptosi %parallel_loop3A_787 : vector<16xf32> to vector<16xi32>
        %parallel_loop3A_789 = arith.constant 2047 : i32
        %parallel_loop3A_790 = vector.broadcast %parallel_loop3A_789 : i32 to vector<16xi32>
        %parallel_loop3A_791 = arith.minsi %parallel_loop3A_788, %parallel_loop3A_790 : vector<16xi32>
        %parallel_loop3A_792 = arith.constant 2048 : i32
        %parallel_loop3A_793 = vector.broadcast %parallel_loop3A_792 : i32 to vector<16xi32>
        %parallel_loop3A_794 = arith.muli %parallel_loop3A_776, %parallel_loop3A_793 : vector<16xi32>
        %parallel_loop3A_795 = arith.constant 38912 : i32
        %parallel_loop3A_796 = vector.broadcast %parallel_loop3A_795 : i32 to vector<16xi32>
        %parallel_loop3A_797 = arith.addi %parallel_loop3A_796, %parallel_loop3A_794 : vector<16xi32>
        %parallel_loop3A_798 = arith.addi %parallel_loop3A_797, %parallel_loop3A_791 : vector<16xi32>
        tpu.vector_store_idx %arg7[%parallel_loop3A_798], %broadcast_in_dim3A_7 {add = true} : memref<77824xf32, #tpu.memory_space<vmem>>[vector<16xi32>], vector<16xf32>,
      } {sc.loop_unroll_factor = 2 : i64, sc.parallel_access}
      %mul3A_740 = arith.constant 2 : i32
      %mul3A_741 = arith.muli %mul3A_740, %scan3A_695 : i32
      %add3A_742 = arith.constant 2 : i32
      %add3A_743 = arith.addi %mul3A_741, %add3A_742 : i32
      %lt3A_744 = arith.constant 64 : i32
      %lt3A_745 = arith.cmpi slt, %add3A_743, %lt3A_744 : i32
      %convert_element_type3A_746 = arith.extui %lt3A_745 : i1 to i32
      %cond3A = arith.constant 0 : i32
      %cond3A_747 = arith.cmpi ne, %convert_element_type3A_746, %cond3A : i32
      scf.if %cond3A_747 {
        %mul3A_770 = arith.constant 2 : i32
        %mul3A_771 = arith.muli %mul3A_770, %scan3A_695 : i32
        %add3A_772 = arith.constant 2 : i32
        %add3A_773 = arith.addi %mul3A_771, %add3A_772 : i32
        %mul3A_774 = arith.constant 9728 : i32
        %mul3A_775 = arith.muli %add3A_773, %mul3A_774 : i32
        %add3A_776 = arith.addi %mul3A_2, %mul3A_775 : i32
        %multiple_of3A_777 = tpu.assume_multiple %add3A_776, 8 : i32
        %mul3A_778 = arith.constant 512 : i32
        %mul3A_779 = arith.muli %add3A_773, %mul3A_778 : i32
        %add3A_780 = arith.addi %mul3A_4, %mul3A_779 : i32
        %multiple_of3A_781 = tpu.assume_multiple %add3A_780, 8 : i32
        %dma_start3A_782 = arith.constant 0 : i32
        %dma_start3A_783 = tpu.memref_slice %arg5[%dma_start3A_782] : memref<19456xf32, #tpu.memory_space<vmem>> -> memref<9728xf32, #tpu.memory_space<vmem>>
        %dma_start3A_784 = tpu.memref_slice %arg2[%multiple_of3A_777] : memref<19922944xf32, #tpu.memory_space<hbm>> -> memref<9728xf32, #tpu.memory_space<hbm>>
        %dma_start3A_785 = arith.constant 0 : i32
        %dma_start3A_786 = tpu.memref_slice %arg5[%dma_start3A_785] : memref<19456xf32, #tpu.memory_space<vmem>> -> memref<9728xf32, #tpu.memory_space<vmem>>
        %dma_start3A_787 = tpu.memref_slice %arg2[%multiple_of3A_777] : memref<19922944xf32, #tpu.memory_space<hbm>> -> memref<9728xf32, #tpu.memory_space<hbm>>
        tpu.enqueue_dma source(%dma_start3A_787 : memref<9728xf32, #tpu.memory_space<hbm>>) target(%dma_start3A_786 : memref<9728xf32, #tpu.memory_space<vmem>>) target_semaphore(%arg8 : memref<!tpu.dma_semaphore, #tpu.memory_space<semaphore_mem>>)
        %dma_start3A_788 = arith.constant 0 : i32
        %dma_start3A_789 = tpu.memref_slice %arg6[%dma_start3A_788] : memref<1024xi32, #tpu.memory_space<vmem>> -> memref<512xi32, #tpu.memory_space<vmem>>
        %dma_start3A_790 = tpu.memref_slice %arg3[%multiple_of3A_781] : memref<1048576xi32, #tpu.memory_space<hbm>> -> memref<512xi32, #tpu.memory_space<hbm>>
        %dma_start3A_791 = arith.constant 0 : i32
        %dma_start3A_792 = tpu.memref_slice %arg6[%dma_start3A_791] : memref<1024xi32, #tpu.memory_space<vmem>> -> memref<512xi32, #tpu.memory_space<vmem>>
        %dma_start3A_793 = tpu.memref_slice %arg3[%multiple_of3A_781] : memref<1048576xi32, #tpu.memory_space<hbm>> -> memref<512xi32, #tpu.memory_space<hbm>>
        tpu.enqueue_dma source(%dma_start3A_793 : memref<512xi32, #tpu.memory_space<hbm>>) target(%dma_start3A_792 : memref<512xi32, #tpu.memory_space<vmem>>) target_semaphore(%arg10 : memref<!tpu.dma_semaphore, #tpu.memory_space<semaphore_mem>>)
      } else {
      }
      %dma_wait3A_748 = arith.constant 9728 : i32
      %dma_wait3A_749 = tpu.memref_slice %arg5[%dma_wait3A_748] : memref<19456xf32, #tpu.memory_space<vmem>> -> memref<9728xf32, #tpu.memory_space<vmem>>
      %dma_wait3A_750 = arith.constant 0 : i32
      %dma_wait3A_751 = tpu.memref_slice %arg2[%dma_wait3A_750] : memref<19922944xf32, #tpu.memory_space<hbm>> -> memref<9728xf32, #tpu.memory_space<hbm>>
      %dma_wait3A_752 = arith.constant 9728 : i32
      %dma_wait3A_753 = tpu.memref_slice %arg5[%dma_wait3A_752] : memref<19456xf32, #tpu.memory_space<vmem>> -> memref<9728xf32, #tpu.memory_space<vmem>>
      %dma_wait3A_754 = arith.constant 0 : i32
      %dma_wait3A_755 = tpu.memref_slice %arg2[%dma_wait3A_754] : memref<19922944xf32, #tpu.memory_space<hbm>> -> memref<9728xf32, #tpu.memory_space<hbm>>
      tpu.wait_dma2 semaphore(%arg9 : memref<!tpu.dma_semaphore, #tpu.memory_space<semaphore_mem>>) src(%dma_wait3A_755 : memref<9728xf32, #tpu.memory_space<hbm>>) dst(%dma_wait3A_753 : memref<9728xf32, #tpu.memory_space<vmem>>)
      %dma_wait3A_756 = arith.constant 512 : i32
      %dma_wait3A_757 = tpu.memref_slice %arg6[%dma_wait3A_756] : memref<1024xi32, #tpu.memory_space<vmem>> -> memref<512xi32, #tpu.memory_space<vmem>>
      %dma_wait3A_758 = arith.constant 0 : i32
      %dma_wait3A_759 = tpu.memref_slice %arg3[%dma_wait3A_758] : memref<1048576xi32, #tpu.memory_space<hbm>> -> memref<512xi32, #tpu.memory_space<hbm>>
      %dma_wait3A_760 = arith.constant 512 : i32
      %dma_wait3A_761 = tpu.memref_slice %arg6[%dma_wait3A_760] : memref<1024xi32, #tpu.memory_space<vmem>> -> memref<512xi32, #tpu.memory_space<vmem>>
      %dma_wait3A_762 = arith.constant 0 : i32
      %dma_wait3A_763 = tpu.memref_slice %arg3[%dma_wait3A_762] : memref<1048576xi32, #tpu.memory_space<hbm>> -> memref<512xi32, #tpu.memory_space<hbm>>
      tpu.wait_dma2 semaphore(%arg11 : memref<!tpu.dma_semaphore, #tpu.memory_space<semaphore_mem>>) src(%dma_wait3A_763 : memref<512xi32, #tpu.memory_space<hbm>>) dst(%dma_wait3A_761 : memref<512xi32, #tpu.memory_space<vmem>>)
      %parallel_loop3A_764 = arith.constant 0 : i32
      %parallel_loop3A_765 = arith.constant 32 : i32
      %parallel_loop3A_766 = arith.constant 1 : i32
      scf.for %parallel_loop3A_770 = %parallel_loop3A_764 to %parallel_loop3A_765 step %parallel_loop3A_766  : i32 {
        %parallel_loop3A_771 = arith.constant 304 : i32
        %parallel_loop3A_772 = arith.muli %parallel_loop3A_770, %parallel_loop3A_771 : i32
        %parallel_loop3A_773 = arith.constant 9728 : i32
        %parallel_loop3A_774 = arith.addi %parallel_loop3A_773, %parallel_loop3A_772 : i32
        %parallel_loop3A_775 = arith.index_cast %parallel_loop3A_774 : i32 to index
        %parallel_loop3A_776 = tpu.vector_load %arg5[%parallel_loop3A_775] {strides = array<i32>} : memref<19456xf32, #tpu.memory_space<vmem>>, vector<16xf32>,
        %parallel_loop3A_777 = arith.constant 16 : i32
        %parallel_loop3A_778 = arith.addi %parallel_loop3A_774, %parallel_loop3A_777 : i32
        %parallel_loop3A_779 = arith.constant 2.048000e+03 : f32
        %parallel_loop3A_780 = vector.broadcast %parallel_loop3A_779 : f32 to vector<16xf32>
        %parallel_loop3A_781 = arith.mulf %parallel_loop3A_776, %parallel_loop3A_780 : vector<16xf32>
        %parallel_loop3A_782 = arith.addf %parallel_loop3A_781, %convert_element_type3A : vector<16xf32>
        %parallel_loop3A_783 = arith.fptosi %parallel_loop3A_782 : vector<16xf32> to vector<16xi32>
        %parallel_loop3A_784 = arith.minsi %parallel_loop3A_783, %add3A_34 : vector<16xi32>
        tpu.vector_store_idx %arg7[%parallel_loop3A_784], %broadcast_in_dim3A_7 {add = true} : memref<77824xf32, #tpu.memory_space<vmem>>[vector<16xi32>], vector<16xf32>,
        %parallel_loop3A_785 = arith.index_cast %parallel_loop3A_778 : i32 to index
        %parallel_loop3A_786 = tpu.vector_load %arg5[%parallel_loop3A_785] {strides = array<i32>} : memref<19456xf32, #tpu.memory_space<vmem>>, vector<16xf32>,
        %parallel_loop3A_787 = arith.constant 16 : i32
        %parallel_loop3A_788 = arith.addi %parallel_loop3A_778, %parallel_loop3A_787 : i32
        %parallel_loop3A_789 = arith.constant 2.048000e+03 : f32
        %parallel_loop3A_790 = vector.broadcast %parallel_loop3A_789 : f32 to vector<16xf32>
        %parallel_loop3A_791 = arith.mulf %parallel_loop3A_786, %parallel_loop3A_790 : vector<16xf32>
        %parallel_loop3A_792 = arith.addf %parallel_loop3A_791, %convert_element_type3A_63 : vector<16xf32>
        %parallel_loop3A_793 = arith.fptosi %parallel_loop3A_792 : vector<16xf32> to vector<16xi32>
        %parallel_loop3A_794 = arith.minsi %parallel_loop3A_793, %add3A_69 : vector<16xi32>
        tpu.vector_store_idx %arg7[%parallel_loop3A_794], %broadcast_in_dim3A_7 {add = true} : memref<77824xf32, #tpu.memory_space<vmem>>[vector<16xi32>], vector<16xf32>,
        %parallel_loop3A_795 = arith.index_cast %parallel_loop3A_788 : i32 to index
        %parallel_loop3A_796 = tpu.vector_load %arg5[%parallel_loop3A_795] {strides = array<i32>} : memref<19456xf32, #tpu.memory_space<vmem>>, vector<16xf32>,
        %parallel_loop3A_797 = arith.constant 16 : i32
        %parallel_loop3A_798 = arith.addi %parallel_loop3A_788, %parallel_loop3A_797 : i32
        %parallel_loop3A_799 = arith.constant 2.048000e+03 : f32
        %parallel_loop3A_800 = vector.broadcast %parallel_loop3A_799 : f32 to vector<16xf32>
        %parallel_loop3A_801 = arith.mulf %parallel_loop3A_796, %parallel_loop3A_800 : vector<16xf32>
        %parallel_loop3A_802 = arith.addf %parallel_loop3A_801, %convert_element_type3A_98 : vector<16xf32>
        %parallel_loop3A_803 = arith.fptosi %parallel_loop3A_802 : vector<16xf32> to vector<16xi32>
        %parallel_loop3A_804 = arith.minsi %parallel_loop3A_803, %add3A_104 : vector<16xi32>
        tpu.vector_store_idx %arg7[%parallel_loop3A_804], %broadcast_in_dim3A_7 {add = true} : memref<77824xf32, #tpu.memory_space<vmem>>[vector<16xi32>], vector<16xf32>,
        %parallel_loop3A_805 = arith.index_cast %parallel_loop3A_798 : i32 to index
        %parallel_loop3A_806 = tpu.vector_load %arg5[%parallel_loop3A_805] {strides = array<i32>} : memref<19456xf32, #tpu.memory_space<vmem>>, vector<16xf32>,
        %parallel_loop3A_807 = arith.constant 16 : i32
        %parallel_loop3A_808 = arith.addi %parallel_loop3A_798, %parallel_loop3A_807 : i32
        %parallel_loop3A_809 = arith.constant 2.048000e+03 : f32
        %parallel_loop3A_810 = vector.broadcast %parallel_loop3A_809 : f32 to vector<16xf32>
        %parallel_loop3A_811 = arith.mulf %parallel_loop3A_806, %parallel_loop3A_810 : vector<16xf32>
        %parallel_loop3A_812 = arith.addf %parallel_loop3A_811, %convert_element_type3A_133 : vector<16xf32>
        %parallel_loop3A_813 = arith.fptosi %parallel_loop3A_812 : vector<16xf32> to vector<16xi32>
        %parallel_loop3A_814 = arith.minsi %parallel_loop3A_813, %add3A_139 : vector<16xi32>
        tpu.vector_store_idx %arg7[%parallel_loop3A_814], %broadcast_in_dim3A_7 {add = true} : memref<77824xf32, #tpu.memory_space<vmem>>[vector<16xi32>], vector<16xf32>,
        %parallel_loop3A_815 = arith.index_cast %parallel_loop3A_808 : i32 to index
        %parallel_loop3A_816 = tpu.vector_load %arg5[%parallel_loop3A_815] {strides = array<i32>} : memref<19456xf32, #tpu.memory_space<vmem>>, vector<16xf32>,
        %parallel_loop3A_817 = arith.constant 16 : i32
        %parallel_loop3A_818 = arith.addi %parallel_loop3A_808, %parallel_loop3A_817 : i32
        %parallel_loop3A_819 = arith.constant 2.048000e+03 : f32
        %parallel_loop3A_820 = vector.broadcast %parallel_loop3A_819 : f32 to vector<16xf32>
        %parallel_loop3A_821 = arith.mulf %parallel_loop3A_816, %parallel_loop3A_820 : vector<16xf32>
        %parallel_loop3A_822 = arith.addf %parallel_loop3A_821, %convert_element_type3A_168 : vector<16xf32>
        %parallel_loop3A_823 = arith.fptosi %parallel_loop3A_822 : vector<16xf32> to vector<16xi32>
        %parallel_loop3A_824 = arith.minsi %parallel_loop3A_823, %add3A_174 : vector<16xi32>
        tpu.vector_store_idx %arg7[%parallel_loop3A_824], %broadcast_in_dim3A_7 {add = true} : memref<77824xf32, #tpu.memory_space<vmem>>[vector<16xi32>], vector<16xf32>,
        %parallel_loop3A_825 = arith.index_cast %parallel_loop3A_818 : i32 to index
        %parallel_loop3A_826 = tpu.vector_load %arg5[%parallel_loop3A_825] {strides = array<i32>} : memref<19456xf32, #tpu.memory_space<vmem>>, vector<16xf32>,
        %parallel_loop3A_827 = arith.constant 16 : i32
        %parallel_loop3A_828 = arith.addi %parallel_loop3A_818, %parallel_loop3A_827 : i32
        %parallel_loop3A_829 = arith.constant 2.048000e+03 : f32
        %parallel_loop3A_830 = vector.broadcast %parallel_loop3A_829 : f32 to vector<16xf32>
        %parallel_loop3A_831 = arith.mulf %parallel_loop3A_826, %parallel_loop3A_830 : vector<16xf32>
        %parallel_loop3A_832 = arith.addf %parallel_loop3A_831, %convert_element_type3A_203 : vector<16xf32>
        %parallel_loop3A_833 = arith.fptosi %parallel_loop3A_832 : vector<16xf32> to vector<16xi32>
        %parallel_loop3A_834 = arith.minsi %parallel_loop3A_833, %add3A_209 : vector<16xi32>
        tpu.vector_store_idx %arg7[%parallel_loop3A_834], %broadcast_in_dim3A_7 {add = true} : memref<77824xf32, #tpu.memory_space<vmem>>[vector<16xi32>], vector<16xf32>,
        %parallel_loop3A_835 = arith.index_cast %parallel_loop3A_828 : i32 to index
        %parallel_loop3A_836 = tpu.vector_load %arg5[%parallel_loop3A_835] {strides = array<i32>} : memref<19456xf32, #tpu.memory_space<vmem>>, vector<16xf32>,
        %parallel_loop3A_837 = arith.constant 16 : i32
        %parallel_loop3A_838 = arith.addi %parallel_loop3A_828, %parallel_loop3A_837 : i32
        %parallel_loop3A_839 = arith.constant 2.048000e+03 : f32
        %parallel_loop3A_840 = vector.broadcast %parallel_loop3A_839 : f32 to vector<16xf32>
        %parallel_loop3A_841 = arith.mulf %parallel_loop3A_836, %parallel_loop3A_840 : vector<16xf32>
        %parallel_loop3A_842 = arith.addf %parallel_loop3A_841, %convert_element_type3A_238 : vector<16xf32>
        %parallel_loop3A_843 = arith.fptosi %parallel_loop3A_842 : vector<16xf32> to vector<16xi32>
        %parallel_loop3A_844 = arith.minsi %parallel_loop3A_843, %add3A_244 : vector<16xi32>
        tpu.vector_store_idx %arg7[%parallel_loop3A_844], %broadcast_in_dim3A_7 {add = true} : memref<77824xf32, #tpu.memory_space<vmem>>[vector<16xi32>], vector<16xf32>,
        %parallel_loop3A_845 = arith.index_cast %parallel_loop3A_838 : i32 to index
        %parallel_loop3A_846 = tpu.vector_load %arg5[%parallel_loop3A_845] {strides = array<i32>} : memref<19456xf32, #tpu.memory_space<vmem>>, vector<16xf32>,
        %parallel_loop3A_847 = arith.constant 16 : i32
        %parallel_loop3A_848 = arith.addi %parallel_loop3A_838, %parallel_loop3A_847 : i32
        %parallel_loop3A_849 = arith.constant 2.048000e+03 : f32
        %parallel_loop3A_850 = vector.broadcast %parallel_loop3A_849 : f32 to vector<16xf32>
        %parallel_loop3A_851 = arith.mulf %parallel_loop3A_846, %parallel_loop3A_850 : vector<16xf32>
        %parallel_loop3A_852 = arith.addf %parallel_loop3A_851, %convert_element_type3A_273 : vector<16xf32>
        %parallel_loop3A_853 = arith.fptosi %parallel_loop3A_852 : vector<16xf32> to vector<16xi32>
        %parallel_loop3A_854 = arith.minsi %parallel_loop3A_853, %add3A_279 : vector<16xi32>
        tpu.vector_store_idx %arg7[%parallel_loop3A_854], %broadcast_in_dim3A_7 {add = true} : memref<77824xf32, #tpu.memory_space<vmem>>[vector<16xi32>], vector<16xf32>,
        %parallel_loop3A_855 = arith.index_cast %parallel_loop3A_848 : i32 to index
        %parallel_loop3A_856 = tpu.vector_load %arg5[%parallel_loop3A_855] {strides = array<i32>} : memref<19456xf32, #tpu.memory_space<vmem>>, vector<16xf32>,
        %parallel_loop3A_857 = arith.constant 16 : i32
        %parallel_loop3A_858 = arith.addi %parallel_loop3A_848, %parallel_loop3A_857 : i32
        %parallel_loop3A_859 = arith.constant 2.048000e+03 : f32
        %parallel_loop3A_860 = vector.broadcast %parallel_loop3A_859 : f32 to vector<16xf32>
        %parallel_loop3A_861 = arith.mulf %parallel_loop3A_856, %parallel_loop3A_860 : vector<16xf32>
        %parallel_loop3A_862 = arith.addf %parallel_loop3A_861, %convert_element_type3A_308 : vector<16xf32>
        %parallel_loop3A_863 = arith.fptosi %parallel_loop3A_862 : vector<16xf32> to vector<16xi32>
        %parallel_loop3A_864 = arith.minsi %parallel_loop3A_863, %add3A_314 : vector<16xi32>
        tpu.vector_store_idx %arg7[%parallel_loop3A_864], %broadcast_in_dim3A_7 {add = true} : memref<77824xf32, #tpu.memory_space<vmem>>[vector<16xi32>], vector<16xf32>,
        %parallel_loop3A_865 = arith.index_cast %parallel_loop3A_858 : i32 to index
        %parallel_loop3A_866 = tpu.vector_load %arg5[%parallel_loop3A_865] {strides = array<i32>} : memref<19456xf32, #tpu.memory_space<vmem>>, vector<16xf32>,
        %parallel_loop3A_867 = arith.constant 16 : i32
        %parallel_loop3A_868 = arith.addi %parallel_loop3A_858, %parallel_loop3A_867 : i32
        %parallel_loop3A_869 = arith.constant 2.048000e+03 : f32
        %parallel_loop3A_870 = vector.broadcast %parallel_loop3A_869 : f32 to vector<16xf32>
        %parallel_loop3A_871 = arith.mulf %parallel_loop3A_866, %parallel_loop3A_870 : vector<16xf32>
        %parallel_loop3A_872 = arith.addf %parallel_loop3A_871, %convert_element_type3A_343 : vector<16xf32>
        %parallel_loop3A_873 = arith.fptosi %parallel_loop3A_872 : vector<16xf32> to vector<16xi32>
        %parallel_loop3A_874 = arith.minsi %parallel_loop3A_873, %add3A_349 : vector<16xi32>
        tpu.vector_store_idx %arg7[%parallel_loop3A_874], %broadcast_in_dim3A_7 {add = true} : memref<77824xf32, #tpu.memory_space<vmem>>[vector<16xi32>], vector<16xf32>,
        %parallel_loop3A_875 = arith.index_cast %parallel_loop3A_868 : i32 to index
        %parallel_loop3A_876 = tpu.vector_load %arg5[%parallel_loop3A_875] {strides = array<i32>} : memref<19456xf32, #tpu.memory_space<vmem>>, vector<16xf32>,
        %parallel_loop3A_877 = arith.constant 16 : i32
        %parallel_loop3A_878 = arith.addi %parallel_loop3A_868, %parallel_loop3A_877 : i32
        %parallel_loop3A_879 = arith.constant 2.048000e+03 : f32
        %parallel_loop3A_880 = vector.broadcast %parallel_loop3A_879 : f32 to vector<16xf32>
        %parallel_loop3A_881 = arith.mulf %parallel_loop3A_876, %parallel_loop3A_880 : vector<16xf32>
        %parallel_loop3A_882 = arith.addf %parallel_loop3A_881, %convert_element_type3A_378 : vector<16xf32>
        %parallel_loop3A_883 = arith.fptosi %parallel_loop3A_882 : vector<16xf32> to vector<16xi32>
        %parallel_loop3A_884 = arith.minsi %parallel_loop3A_883, %add3A_384 : vector<16xi32>
        tpu.vector_store_idx %arg7[%parallel_loop3A_884], %broadcast_in_dim3A_7 {add = true} : memref<77824xf32, #tpu.memory_space<vmem>>[vector<16xi32>], vector<16xf32>,
        %parallel_loop3A_885 = arith.index_cast %parallel_loop3A_878 : i32 to index
        %parallel_loop3A_886 = tpu.vector_load %arg5[%parallel_loop3A_885] {strides = array<i32>} : memref<19456xf32, #tpu.memory_space<vmem>>, vector<16xf32>,
        %parallel_loop3A_887 = arith.constant 16 : i32
        %parallel_loop3A_888 = arith.addi %parallel_loop3A_878, %parallel_loop3A_887 : i32
        %parallel_loop3A_889 = arith.constant 2.048000e+03 : f32
        %parallel_loop3A_890 = vector.broadcast %parallel_loop3A_889 : f32 to vector<16xf32>
        %parallel_loop3A_891 = arith.mulf %parallel_loop3A_886, %parallel_loop3A_890 : vector<16xf32>
        %parallel_loop3A_892 = arith.addf %parallel_loop3A_891, %convert_element_type3A_413 : vector<16xf32>
        %parallel_loop3A_893 = arith.fptosi %parallel_loop3A_892 : vector<16xf32> to vector<16xi32>
        %parallel_loop3A_894 = arith.minsi %parallel_loop3A_893, %add3A_419 : vector<16xi32>
        tpu.vector_store_idx %arg7[%parallel_loop3A_894], %broadcast_in_dim3A_7 {add = true} : memref<77824xf32, #tpu.memory_space<vmem>>[vector<16xi32>], vector<16xf32>,
        %parallel_loop3A_895 = arith.index_cast %parallel_loop3A_888 : i32 to index
        %parallel_loop3A_896 = tpu.vector_load %arg5[%parallel_loop3A_895] {strides = array<i32>} : memref<19456xf32, #tpu.memory_space<vmem>>, vector<16xf32>,
        %parallel_loop3A_897 = arith.constant 16 : i32
        %parallel_loop3A_898 = arith.addi %parallel_loop3A_888, %parallel_loop3A_897 : i32
        %parallel_loop3A_899 = arith.constant 2.048000e+03 : f32
        %parallel_loop3A_900 = vector.broadcast %parallel_loop3A_899 : f32 to vector<16xf32>
        %parallel_loop3A_901 = arith.mulf %parallel_loop3A_896, %parallel_loop3A_900 : vector<16xf32>
        %parallel_loop3A_902 = arith.addf %parallel_loop3A_901, %convert_element_type3A_448 : vector<16xf32>
        %parallel_loop3A_903 = arith.fptosi %parallel_loop3A_902 : vector<16xf32> to vector<16xi32>
        %parallel_loop3A_904 = arith.minsi %parallel_loop3A_903, %add3A_454 : vector<16xi32>
        tpu.vector_store_idx %arg7[%parallel_loop3A_904], %broadcast_in_dim3A_7 {add = true} : memref<77824xf32, #tpu.memory_space<vmem>>[vector<16xi32>], vector<16xf32>,
        %parallel_loop3A_905 = arith.index_cast %parallel_loop3A_898 : i32 to index
        %parallel_loop3A_906 = tpu.vector_load %arg5[%parallel_loop3A_905] {strides = array<i32>} : memref<19456xf32, #tpu.memory_space<vmem>>, vector<16xf32>,
        %parallel_loop3A_907 = arith.constant 16 : i32
        %parallel_loop3A_908 = arith.addi %parallel_loop3A_898, %parallel_loop3A_907 : i32
        %parallel_loop3A_909 = arith.constant 2.048000e+03 : f32
        %parallel_loop3A_910 = vector.broadcast %parallel_loop3A_909 : f32 to vector<16xf32>
        %parallel_loop3A_911 = arith.mulf %parallel_loop3A_906, %parallel_loop3A_910 : vector<16xf32>
        %parallel_loop3A_912 = arith.addf %parallel_loop3A_911, %convert_element_type3A_483 : vector<16xf32>
        %parallel_loop3A_913 = arith.fptosi %parallel_loop3A_912 : vector<16xf32> to vector<16xi32>
        %parallel_loop3A_914 = arith.minsi %parallel_loop3A_913, %add3A_489 : vector<16xi32>
        tpu.vector_store_idx %arg7[%parallel_loop3A_914], %broadcast_in_dim3A_7 {add = true} : memref<77824xf32, #tpu.memory_space<vmem>>[vector<16xi32>], vector<16xf32>,
        %parallel_loop3A_915 = arith.index_cast %parallel_loop3A_908 : i32 to index
        %parallel_loop3A_916 = tpu.vector_load %arg5[%parallel_loop3A_915] {strides = array<i32>} : memref<19456xf32, #tpu.memory_space<vmem>>, vector<16xf32>,
        %parallel_loop3A_917 = arith.constant 16 : i32
        %parallel_loop3A_918 = arith.addi %parallel_loop3A_908, %parallel_loop3A_917 : i32
        %parallel_loop3A_919 = arith.constant 2.048000e+03 : f32
        %parallel_loop3A_920 = vector.broadcast %parallel_loop3A_919 : f32 to vector<16xf32>
        %parallel_loop3A_921 = arith.mulf %parallel_loop3A_916, %parallel_loop3A_920 : vector<16xf32>
        %parallel_loop3A_922 = arith.addf %parallel_loop3A_921, %convert_element_type3A_518 : vector<16xf32>
        %parallel_loop3A_923 = arith.fptosi %parallel_loop3A_922 : vector<16xf32> to vector<16xi32>
        %parallel_loop3A_924 = arith.minsi %parallel_loop3A_923, %add3A_524 : vector<16xi32>
        tpu.vector_store_idx %arg7[%parallel_loop3A_924], %broadcast_in_dim3A_7 {add = true} : memref<77824xf32, #tpu.memory_space<vmem>>[vector<16xi32>], vector<16xf32>,
        %parallel_loop3A_925 = arith.index_cast %parallel_loop3A_918 : i32 to index
        %parallel_loop3A_926 = tpu.vector_load %arg5[%parallel_loop3A_925] {strides = array<i32>} : memref<19456xf32, #tpu.memory_space<vmem>>, vector<16xf32>,
        %parallel_loop3A_927 = arith.constant 16 : i32
        %parallel_loop3A_928 = arith.addi %parallel_loop3A_918, %parallel_loop3A_927 : i32
        %parallel_loop3A_929 = arith.constant 2.048000e+03 : f32
        %parallel_loop3A_930 = vector.broadcast %parallel_loop3A_929 : f32 to vector<16xf32>
        %parallel_loop3A_931 = arith.mulf %parallel_loop3A_926, %parallel_loop3A_930 : vector<16xf32>
        %parallel_loop3A_932 = arith.addf %parallel_loop3A_931, %convert_element_type3A_553 : vector<16xf32>
        %parallel_loop3A_933 = arith.fptosi %parallel_loop3A_932 : vector<16xf32> to vector<16xi32>
        %parallel_loop3A_934 = arith.minsi %parallel_loop3A_933, %add3A_559 : vector<16xi32>
        tpu.vector_store_idx %arg7[%parallel_loop3A_934], %broadcast_in_dim3A_7 {add = true} : memref<77824xf32, #tpu.memory_space<vmem>>[vector<16xi32>], vector<16xf32>,
        %parallel_loop3A_935 = arith.index_cast %parallel_loop3A_928 : i32 to index
        %parallel_loop3A_936 = tpu.vector_load %arg5[%parallel_loop3A_935] {strides = array<i32>} : memref<19456xf32, #tpu.memory_space<vmem>>, vector<16xf32>,
        %parallel_loop3A_937 = arith.constant 16 : i32
        %parallel_loop3A_938 = arith.addi %parallel_loop3A_928, %parallel_loop3A_937 : i32
        %parallel_loop3A_939 = arith.constant 2.048000e+03 : f32
        %parallel_loop3A_940 = vector.broadcast %parallel_loop3A_939 : f32 to vector<16xf32>
        %parallel_loop3A_941 = arith.mulf %parallel_loop3A_936, %parallel_loop3A_940 : vector<16xf32>
        %parallel_loop3A_942 = arith.addf %parallel_loop3A_941, %convert_element_type3A_588 : vector<16xf32>
        %parallel_loop3A_943 = arith.fptosi %parallel_loop3A_942 : vector<16xf32> to vector<16xi32>
        %parallel_loop3A_944 = arith.minsi %parallel_loop3A_943, %add3A_594 : vector<16xi32>
        tpu.vector_store_idx %arg7[%parallel_loop3A_944], %broadcast_in_dim3A_7 {add = true} : memref<77824xf32, #tpu.memory_space<vmem>>[vector<16xi32>], vector<16xf32>,
        %parallel_loop3A_945 = arith.index_cast %parallel_loop3A_938 : i32 to index
        %parallel_loop3A_946 = tpu.vector_load %arg5[%parallel_loop3A_945] {strides = array<i32>} : memref<19456xf32, #tpu.memory_space<vmem>>, vector<16xf32>,
        %parallel_loop3A_947 = arith.constant 16 : i32
        %parallel_loop3A_948 = arith.addi %parallel_loop3A_938, %parallel_loop3A_947 : i32
        %parallel_loop3A_949 = arith.constant 2.048000e+03 : f32
        %parallel_loop3A_950 = vector.broadcast %parallel_loop3A_949 : f32 to vector<16xf32>
        %parallel_loop3A_951 = arith.mulf %parallel_loop3A_946, %parallel_loop3A_950 : vector<16xf32>
        %parallel_loop3A_952 = arith.addf %parallel_loop3A_951, %convert_element_type3A_623 : vector<16xf32>
        %parallel_loop3A_953 = arith.fptosi %parallel_loop3A_952 : vector<16xf32> to vector<16xi32>
        %parallel_loop3A_954 = arith.minsi %parallel_loop3A_953, %add3A_629 : vector<16xi32>
        tpu.vector_store_idx %arg7[%parallel_loop3A_954], %broadcast_in_dim3A_7 {add = true} : memref<77824xf32, #tpu.memory_space<vmem>>[vector<16xi32>], vector<16xf32>,
        %parallel_loop3A_955 = arith.index_cast %parallel_loop3A_948 : i32 to index
        %parallel_loop3A_956 = tpu.vector_load %arg5[%parallel_loop3A_955] {strides = array<i32>} : memref<19456xf32, #tpu.memory_space<vmem>>, vector<16xf32>,
        %parallel_loop3A_957 = arith.constant 16 : i32
        %parallel_loop3A_958 = arith.addi %parallel_loop3A_948, %parallel_loop3A_957 : i32
        %parallel_loop3A_959 = arith.constant 2.048000e+03 : f32
        %parallel_loop3A_960 = vector.broadcast %parallel_loop3A_959 : f32 to vector<16xf32>
        %parallel_loop3A_961 = arith.mulf %parallel_loop3A_956, %parallel_loop3A_960 : vector<16xf32>
        %parallel_loop3A_962 = arith.addf %parallel_loop3A_961, %convert_element_type3A_658 : vector<16xf32>
        %parallel_loop3A_963 = arith.fptosi %parallel_loop3A_962 : vector<16xf32> to vector<16xi32>
        %parallel_loop3A_964 = arith.minsi %parallel_loop3A_963, %add3A_664 : vector<16xi32>
        tpu.vector_store_idx %arg7[%parallel_loop3A_964], %broadcast_in_dim3A_7 {add = true} : memref<77824xf32, #tpu.memory_space<vmem>>[vector<16xi32>], vector<16xf32>,
      } {sc.loop_unroll_factor = 2 : i64, sc.parallel_access}
      %parallel_loop3A_767 = arith.constant 0 : i32
      %parallel_loop3A_768 = arith.constant 32 : i32
      %parallel_loop3A_769 = arith.constant 1 : i32
      scf.for %parallel_loop3A_770 = %parallel_loop3A_767 to %parallel_loop3A_768 step %parallel_loop3A_769  : i32 {
        %parallel_loop3A_771 = arith.constant 16 : i32
        %parallel_loop3A_772 = arith.muli %parallel_loop3A_770, %parallel_loop3A_771 : i32
        %parallel_loop3A_773 = arith.constant 512 : i32
        %parallel_loop3A_774 = arith.addi %parallel_loop3A_773, %parallel_loop3A_772 : i32
        %parallel_loop3A_775 = arith.index_cast %parallel_loop3A_774 : i32 to index
        %parallel_loop3A_776 = tpu.vector_load %arg6[%parallel_loop3A_775] {strides = array<i32>} : memref<1024xi32, #tpu.memory_space<vmem>>, vector<16xi32>,
        %parallel_loop3A_777 = arith.constant 304 : i32
        %parallel_loop3A_778 = arith.muli %parallel_loop3A_770, %parallel_loop3A_777 : i32
        %parallel_loop3A_779 = arith.constant 9728 : i32
        %parallel_loop3A_780 = arith.addi %parallel_loop3A_779, %parallel_loop3A_778 : i32
        %parallel_loop3A_781 = vector.broadcast %parallel_loop3A_780 : i32 to vector<16xi32>
        %parallel_loop3A_782 = arith.addi %parallel_loop3A_781, %mul3A_667 : vector<16xi32>
        %parallel_loop3A_783 = arith.addi %parallel_loop3A_782, %parallel_loop3A_776 : vector<16xi32>
        %parallel_loop3A_784 = tpu.vector_load_idx %arg5[%parallel_loop3A_783] : memref<19456xf32, #tpu.memory_space<vmem>>[vector<16xi32>], vector<16xf32>,
        %parallel_loop3A_785 = arith.constant 2.048000e+03 : f32
        %parallel_loop3A_786 = vector.broadcast %parallel_loop3A_785 : f32 to vector<16xf32>
        %parallel_loop3A_787 = arith.mulf %parallel_loop3A_784, %parallel_loop3A_786 : vector<16xf32>
        %parallel_loop3A_788 = arith.fptosi %parallel_loop3A_787 : vector<16xf32> to vector<16xi32>
        %parallel_loop3A_789 = arith.constant 2047 : i32
        %parallel_loop3A_790 = vector.broadcast %parallel_loop3A_789 : i32 to vector<16xi32>
        %parallel_loop3A_791 = arith.minsi %parallel_loop3A_788, %parallel_loop3A_790 : vector<16xi32>
        %parallel_loop3A_792 = arith.constant 2048 : i32
        %parallel_loop3A_793 = vector.broadcast %parallel_loop3A_792 : i32 to vector<16xi32>
        %parallel_loop3A_794 = arith.muli %parallel_loop3A_776, %parallel_loop3A_793 : vector<16xi32>
        %parallel_loop3A_795 = arith.constant 38912 : i32
        %parallel_loop3A_796 = vector.broadcast %parallel_loop3A_795 : i32 to vector<16xi32>
        %parallel_loop3A_797 = arith.addi %parallel_loop3A_796, %parallel_loop3A_794 : vector<16xi32>
        %parallel_loop3A_798 = arith.addi %parallel_loop3A_797, %parallel_loop3A_791 : vector<16xi32>
        tpu.vector_store_idx %arg7[%parallel_loop3A_798], %broadcast_in_dim3A_7 {add = true} : memref<77824xf32, #tpu.memory_space<vmem>>[vector<16xi32>], vector<16xf32>,
      } {sc.loop_unroll_factor = 2 : i64, sc.parallel_access}
    }
    %scan3A_694 = arith.constant 32 : i32
    "tpu.region"() ({
      %run_scoped3A = tpu.sem_alloc : memref<!tpu.dma_semaphore, #tpu.memory_space<semaphore_mem>>
      %dma_start3A_695 = arith.constant 0 : i32
      %dma_start3A_696 = tpu.memref_slice %arg4[%add3A, %dma_start3A_695] : memref<32x77824xf32, #tpu.memory_space<hbm>> -> memref<1x77824xf32, #tpu.memory_space<hbm>>
      %dma_start3A_697 = tpu.memref_squeeze %dma_start3A_696 : memref<1x77824xf32, #tpu.memory_space<hbm>> -> memref<77824xf32, #tpu.memory_space<hbm>>
      %dma_start3A_698 = arith.constant 0 : i32
      %dma_start3A_699 = tpu.memref_slice %arg4[%add3A, %dma_start3A_698] : memref<32x77824xf32, #tpu.memory_space<hbm>> -> memref<1x77824xf32, #tpu.memory_space<hbm>>
      %dma_start3A_700 = tpu.memref_squeeze %dma_start3A_699 : memref<1x77824xf32, #tpu.memory_space<hbm>> -> memref<77824xf32, #tpu.memory_space<hbm>>
      tpu.enqueue_dma source(%arg7 : memref<77824xf32, #tpu.memory_space<vmem>>) target(%dma_start3A_700 : memref<77824xf32, #tpu.memory_space<hbm>>) target_semaphore(%run_scoped3A : memref<!tpu.dma_semaphore, #tpu.memory_space<semaphore_mem>>)
      %dma_wait3A = arith.constant 0 : i32
      %dma_wait3A_701 = tpu.memref_slice %arg4[%add3A, %dma_wait3A] : memref<32x77824xf32, #tpu.memory_space<hbm>> -> memref<1x77824xf32, #tpu.memory_space<hbm>>
      %dma_wait3A_702 = tpu.memref_squeeze %dma_wait3A_701 : memref<1x77824xf32, #tpu.memory_space<hbm>> -> memref<77824xf32, #tpu.memory_space<hbm>>
      %dma_wait3A_703 = arith.constant 0 : i32
      %dma_wait3A_704 = tpu.memref_slice %arg4[%add3A, %dma_wait3A_703] : memref<32x77824xf32, #tpu.memory_space<hbm>> -> memref<1x77824xf32, #tpu.memory_space<hbm>>
      %dma_wait3A_705 = tpu.memref_squeeze %dma_wait3A_704 : memref<1x77824xf32, #tpu.memory_space<hbm>> -> memref<77824xf32, #tpu.memory_space<hbm>>
      tpu.wait_dma2 semaphore(%run_scoped3A : memref<!tpu.dma_semaphore, #tpu.memory_space<semaphore_mem>>) src(%arg7 : memref<77824xf32, #tpu.memory_space<vmem>>) dst(%dma_wait3A_705 : memref<77824xf32, #tpu.memory_space<hbm>>)
      tpu.yield
    }) : () -> ()
    return
  }
}

module attributes {stable_mosaic.version = 14 : i64} {
  func.func @_loss_body(%arg0: memref<32x2x19x2048xf32, #tpu.memory_space<vmem>>, %arg1: memref<1x1xf32, #tpu.memory_space<vmem>>) attributes {dimension_semantics = [], scalar_prefetch = 0 : i64, scratch_operands = 0 : i64, tpu.core_type = #tpu.core_type<tc>} {
    %get3A = arith.constant 0 : index
    %get3A_0 = arith.constant 0 : index
    %get3A_1 = arith.constant 0 : index
    %get3A_2 = arith.constant 0 : index
    %get3A_3 = vector.load %arg0[%get3A, %get3A_0, %get3A_1, %get3A_2] : memref<32x2x19x2048xf32, #tpu.memory_space<vmem>>, vector<32x2x19x2048xf32>
    %reduce_sum3A = arith.constant dense<0.000000e+00> : vector<2x19x2048xf32>
    %reduce_sum3A_4 = vector.multi_reduction <add>, %get3A_3, %reduce_sum3A [0] : vector<32x2x19x2048xf32> to vector<2x19x2048xf32>
    %slice3A = vector.extract_strided_slice %reduce_sum3A_4 {offsets = [0, 0, 0], sizes = [1, 19, 2048], strides = [1, 1, 1]} : vector<2x19x2048xf32> to vector<1x19x2048xf32>
    %squeeze3A = vector.shape_cast %slice3A : vector<1x19x2048xf32> to vector<19x2048xf32>
    %slice3A_5 = vector.extract_strided_slice %reduce_sum3A_4 {offsets = [1, 0, 0], sizes = [1, 19, 2048], strides = [1, 1, 1]} : vector<2x19x2048xf32> to vector<1x19x2048xf32>
    %squeeze3A_6 = vector.shape_cast %slice3A_5 : vector<1x19x2048xf32> to vector<19x2048xf32>
    %slice3A_7 = vector.extract_strided_slice %squeeze3A_6 {offsets = [0, 1], sizes = [19, 2047], strides = [1, 1]} : vector<19x2048xf32> to vector<19x2047xf32>
    %broadcast_in_dim3A = arith.constant 0.000000e+00 : f32
    %broadcast_in_dim3A_8 = vector.broadcast %broadcast_in_dim3A : f32 to vector<19x1xf32>
    %concatenate3A = tpu.concatenate %slice3A_7, %broadcast_in_dim3A_8 in 1 : vector<19x2047xf32>, vector<19x1xf32> -> vector<19x2048xf32>
    %add3A = arith.addf %squeeze3A_6, %concatenate3A : vector<19x2048xf32>
    %slice3A_9 = vector.extract_strided_slice %add3A {offsets = [0, 2], sizes = [19, 2046], strides = [1, 1]} : vector<19x2048xf32> to vector<19x2046xf32>
    %broadcast_in_dim3A_10 = arith.constant 0.000000e+00 : f32
    %broadcast_in_dim3A_11 = vector.broadcast %broadcast_in_dim3A_10 : f32 to vector<19x2xf32>
    %concatenate3A_12 = tpu.concatenate %slice3A_9, %broadcast_in_dim3A_11 in 1 : vector<19x2046xf32>, vector<19x2xf32> -> vector<19x2048xf32>
    %add3A_13 = arith.addf %add3A, %concatenate3A_12 : vector<19x2048xf32>
    %slice3A_14 = vector.extract_strided_slice %add3A_13 {offsets = [0, 4], sizes = [19, 2044], strides = [1, 1]} : vector<19x2048xf32> to vector<19x2044xf32>
    %broadcast_in_dim3A_15 = arith.constant 0.000000e+00 : f32
    %broadcast_in_dim3A_16 = vector.broadcast %broadcast_in_dim3A_15 : f32 to vector<19x4xf32>
    %concatenate3A_17 = tpu.concatenate %slice3A_14, %broadcast_in_dim3A_16 in 1 : vector<19x2044xf32>, vector<19x4xf32> -> vector<19x2048xf32>
    %add3A_18 = arith.addf %add3A_13, %concatenate3A_17 : vector<19x2048xf32>
    %slice3A_19 = vector.extract_strided_slice %add3A_18 {offsets = [0, 8], sizes = [19, 2040], strides = [1, 1]} : vector<19x2048xf32> to vector<19x2040xf32>
    %broadcast_in_dim3A_20 = arith.constant 0.000000e+00 : f32
    %broadcast_in_dim3A_21 = vector.broadcast %broadcast_in_dim3A_20 : f32 to vector<19x8xf32>
    %concatenate3A_22 = tpu.concatenate %slice3A_19, %broadcast_in_dim3A_21 in 1 : vector<19x2040xf32>, vector<19x8xf32> -> vector<19x2048xf32>
    %add3A_23 = arith.addf %add3A_18, %concatenate3A_22 : vector<19x2048xf32>
    %slice3A_24 = vector.extract_strided_slice %add3A_23 {offsets = [0, 16], sizes = [19, 2032], strides = [1, 1]} : vector<19x2048xf32> to vector<19x2032xf32>
    %broadcast_in_dim3A_25 = arith.constant 0.000000e+00 : f32
    %broadcast_in_dim3A_26 = vector.broadcast %broadcast_in_dim3A_25 : f32 to vector<19x16xf32>
    %concatenate3A_27 = tpu.concatenate %slice3A_24, %broadcast_in_dim3A_26 in 1 : vector<19x2032xf32>, vector<19x16xf32> -> vector<19x2048xf32>
    %add3A_28 = arith.addf %add3A_23, %concatenate3A_27 : vector<19x2048xf32>
    %slice3A_29 = vector.extract_strided_slice %add3A_28 {offsets = [0, 32], sizes = [19, 2016], strides = [1, 1]} : vector<19x2048xf32> to vector<19x2016xf32>
    %broadcast_in_dim3A_30 = arith.constant 0.000000e+00 : f32
    %broadcast_in_dim3A_31 = vector.broadcast %broadcast_in_dim3A_30 : f32 to vector<19x32xf32>
    %concatenate3A_32 = tpu.concatenate %slice3A_29, %broadcast_in_dim3A_31 in 1 : vector<19x2016xf32>, vector<19x32xf32> -> vector<19x2048xf32>
    %add3A_33 = arith.addf %add3A_28, %concatenate3A_32 : vector<19x2048xf32>
    %slice3A_34 = vector.extract_strided_slice %add3A_33 {offsets = [0, 64], sizes = [19, 1984], strides = [1, 1]} : vector<19x2048xf32> to vector<19x1984xf32>
    %broadcast_in_dim3A_35 = arith.constant 0.000000e+00 : f32
    %broadcast_in_dim3A_36 = vector.broadcast %broadcast_in_dim3A_35 : f32 to vector<19x64xf32>
    %concatenate3A_37 = tpu.concatenate %slice3A_34, %broadcast_in_dim3A_36 in 1 : vector<19x1984xf32>, vector<19x64xf32> -> vector<19x2048xf32>
    %add3A_38 = arith.addf %add3A_33, %concatenate3A_37 : vector<19x2048xf32>
    %slice3A_39 = vector.extract_strided_slice %add3A_38 {offsets = [0, 128], sizes = [19, 1920], strides = [1, 1]} : vector<19x2048xf32> to vector<19x1920xf32>
    %broadcast_in_dim3A_40 = arith.constant 0.000000e+00 : f32
    %broadcast_in_dim3A_41 = vector.broadcast %broadcast_in_dim3A_40 : f32 to vector<19x128xf32>
    %concatenate3A_42 = tpu.concatenate %slice3A_39, %broadcast_in_dim3A_41 in 1 : vector<19x1920xf32>, vector<19x128xf32> -> vector<19x2048xf32>
    %add3A_43 = arith.addf %add3A_38, %concatenate3A_42 : vector<19x2048xf32>
    %slice3A_44 = vector.extract_strided_slice %add3A_43 {offsets = [0, 256], sizes = [19, 1792], strides = [1, 1]} : vector<19x2048xf32> to vector<19x1792xf32>
    %broadcast_in_dim3A_45 = arith.constant 0.000000e+00 : f32
    %broadcast_in_dim3A_46 = vector.broadcast %broadcast_in_dim3A_45 : f32 to vector<19x256xf32>
    %concatenate3A_47 = tpu.concatenate %slice3A_44, %broadcast_in_dim3A_46 in 1 : vector<19x1792xf32>, vector<19x256xf32> -> vector<19x2048xf32>
    %add3A_48 = arith.addf %add3A_43, %concatenate3A_47 : vector<19x2048xf32>
    %slice3A_49 = vector.extract_strided_slice %add3A_48 {offsets = [0, 512], sizes = [19, 1536], strides = [1, 1]} : vector<19x2048xf32> to vector<19x1536xf32>
    %broadcast_in_dim3A_50 = arith.constant 0.000000e+00 : f32
    %broadcast_in_dim3A_51 = vector.broadcast %broadcast_in_dim3A_50 : f32 to vector<19x512xf32>
    %concatenate3A_52 = tpu.concatenate %slice3A_49, %broadcast_in_dim3A_51 in 1 : vector<19x1536xf32>, vector<19x512xf32> -> vector<19x2048xf32>
    %add3A_53 = arith.addf %add3A_48, %concatenate3A_52 : vector<19x2048xf32>
    %slice3A_54 = vector.extract_strided_slice %add3A_53 {offsets = [0, 1024], sizes = [19, 1024], strides = [1, 1]} : vector<19x2048xf32> to vector<19x1024xf32>
    %broadcast_in_dim3A_55 = arith.constant 0.000000e+00 : f32
    %broadcast_in_dim3A_56 = vector.broadcast %broadcast_in_dim3A_55 : f32 to vector<19x1024xf32>
    %concatenate3A_57 = tpu.concatenate %slice3A_54, %broadcast_in_dim3A_56 in 1 : vector<19x1024xf32>, vector<19x1024xf32> -> vector<19x2048xf32>
    %add3A_58 = arith.addf %add3A_53, %concatenate3A_57 : vector<19x2048xf32>
    %slice3A_59 = vector.extract_strided_slice %squeeze3A {offsets = [0, 1], sizes = [19, 2047], strides = [1, 1]} : vector<19x2048xf32> to vector<19x2047xf32>
    %broadcast_in_dim3A_60 = arith.constant 0.000000e+00 : f32
    %broadcast_in_dim3A_61 = vector.broadcast %broadcast_in_dim3A_60 : f32 to vector<19x1xf32>
    %concatenate3A_62 = tpu.concatenate %slice3A_59, %broadcast_in_dim3A_61 in 1 : vector<19x2047xf32>, vector<19x1xf32> -> vector<19x2048xf32>
    %add3A_63 = arith.addf %squeeze3A, %concatenate3A_62 : vector<19x2048xf32>
    %slice3A_64 = vector.extract_strided_slice %add3A_63 {offsets = [0, 2], sizes = [19, 2046], strides = [1, 1]} : vector<19x2048xf32> to vector<19x2046xf32>
    %broadcast_in_dim3A_65 = arith.constant 0.000000e+00 : f32
    %broadcast_in_dim3A_66 = vector.broadcast %broadcast_in_dim3A_65 : f32 to vector<19x2xf32>
    %concatenate3A_67 = tpu.concatenate %slice3A_64, %broadcast_in_dim3A_66 in 1 : vector<19x2046xf32>, vector<19x2xf32> -> vector<19x2048xf32>
    %add3A_68 = arith.addf %add3A_63, %concatenate3A_67 : vector<19x2048xf32>
    %slice3A_69 = vector.extract_strided_slice %add3A_68 {offsets = [0, 4], sizes = [19, 2044], strides = [1, 1]} : vector<19x2048xf32> to vector<19x2044xf32>
    %broadcast_in_dim3A_70 = arith.constant 0.000000e+00 : f32
    %broadcast_in_dim3A_71 = vector.broadcast %broadcast_in_dim3A_70 : f32 to vector<19x4xf32>
    %concatenate3A_72 = tpu.concatenate %slice3A_69, %broadcast_in_dim3A_71 in 1 : vector<19x2044xf32>, vector<19x4xf32> -> vector<19x2048xf32>
    %add3A_73 = arith.addf %add3A_68, %concatenate3A_72 : vector<19x2048xf32>
    %slice3A_74 = vector.extract_strided_slice %add3A_73 {offsets = [0, 8], sizes = [19, 2040], strides = [1, 1]} : vector<19x2048xf32> to vector<19x2040xf32>
    %broadcast_in_dim3A_75 = arith.constant 0.000000e+00 : f32
    %broadcast_in_dim3A_76 = vector.broadcast %broadcast_in_dim3A_75 : f32 to vector<19x8xf32>
    %concatenate3A_77 = tpu.concatenate %slice3A_74, %broadcast_in_dim3A_76 in 1 : vector<19x2040xf32>, vector<19x8xf32> -> vector<19x2048xf32>
    %add3A_78 = arith.addf %add3A_73, %concatenate3A_77 : vector<19x2048xf32>
    %slice3A_79 = vector.extract_strided_slice %add3A_78 {offsets = [0, 16], sizes = [19, 2032], strides = [1, 1]} : vector<19x2048xf32> to vector<19x2032xf32>
    %broadcast_in_dim3A_80 = arith.constant 0.000000e+00 : f32
    %broadcast_in_dim3A_81 = vector.broadcast %broadcast_in_dim3A_80 : f32 to vector<19x16xf32>
    %concatenate3A_82 = tpu.concatenate %slice3A_79, %broadcast_in_dim3A_81 in 1 : vector<19x2032xf32>, vector<19x16xf32> -> vector<19x2048xf32>
    %add3A_83 = arith.addf %add3A_78, %concatenate3A_82 : vector<19x2048xf32>
    %slice3A_84 = vector.extract_strided_slice %add3A_83 {offsets = [0, 32], sizes = [19, 2016], strides = [1, 1]} : vector<19x2048xf32> to vector<19x2016xf32>
    %broadcast_in_dim3A_85 = arith.constant 0.000000e+00 : f32
    %broadcast_in_dim3A_86 = vector.broadcast %broadcast_in_dim3A_85 : f32 to vector<19x32xf32>
    %concatenate3A_87 = tpu.concatenate %slice3A_84, %broadcast_in_dim3A_86 in 1 : vector<19x2016xf32>, vector<19x32xf32> -> vector<19x2048xf32>
    %add3A_88 = arith.addf %add3A_83, %concatenate3A_87 : vector<19x2048xf32>
    %slice3A_89 = vector.extract_strided_slice %add3A_88 {offsets = [0, 64], sizes = [19, 1984], strides = [1, 1]} : vector<19x2048xf32> to vector<19x1984xf32>
    %broadcast_in_dim3A_90 = arith.constant 0.000000e+00 : f32
    %broadcast_in_dim3A_91 = vector.broadcast %broadcast_in_dim3A_90 : f32 to vector<19x64xf32>
    %concatenate3A_92 = tpu.concatenate %slice3A_89, %broadcast_in_dim3A_91 in 1 : vector<19x1984xf32>, vector<19x64xf32> -> vector<19x2048xf32>
    %add3A_93 = arith.addf %add3A_88, %concatenate3A_92 : vector<19x2048xf32>
    %slice3A_94 = vector.extract_strided_slice %add3A_93 {offsets = [0, 128], sizes = [19, 1920], strides = [1, 1]} : vector<19x2048xf32> to vector<19x1920xf32>
    %broadcast_in_dim3A_95 = arith.constant 0.000000e+00 : f32
    %broadcast_in_dim3A_96 = vector.broadcast %broadcast_in_dim3A_95 : f32 to vector<19x128xf32>
    %concatenate3A_97 = tpu.concatenate %slice3A_94, %broadcast_in_dim3A_96 in 1 : vector<19x1920xf32>, vector<19x128xf32> -> vector<19x2048xf32>
    %add3A_98 = arith.addf %add3A_93, %concatenate3A_97 : vector<19x2048xf32>
    %slice3A_99 = vector.extract_strided_slice %add3A_98 {offsets = [0, 256], sizes = [19, 1792], strides = [1, 1]} : vector<19x2048xf32> to vector<19x1792xf32>
    %broadcast_in_dim3A_100 = arith.constant 0.000000e+00 : f32
    %broadcast_in_dim3A_101 = vector.broadcast %broadcast_in_dim3A_100 : f32 to vector<19x256xf32>
    %concatenate3A_102 = tpu.concatenate %slice3A_99, %broadcast_in_dim3A_101 in 1 : vector<19x1792xf32>, vector<19x256xf32> -> vector<19x2048xf32>
    %add3A_103 = arith.addf %add3A_98, %concatenate3A_102 : vector<19x2048xf32>
    %slice3A_104 = vector.extract_strided_slice %add3A_103 {offsets = [0, 512], sizes = [19, 1536], strides = [1, 1]} : vector<19x2048xf32> to vector<19x1536xf32>
    %broadcast_in_dim3A_105 = arith.constant 0.000000e+00 : f32
    %broadcast_in_dim3A_106 = vector.broadcast %broadcast_in_dim3A_105 : f32 to vector<19x512xf32>
    %concatenate3A_107 = tpu.concatenate %slice3A_104, %broadcast_in_dim3A_106 in 1 : vector<19x1536xf32>, vector<19x512xf32> -> vector<19x2048xf32>
    %add3A_108 = arith.addf %add3A_103, %concatenate3A_107 : vector<19x2048xf32>
    %slice3A_109 = vector.extract_strided_slice %add3A_108 {offsets = [0, 1024], sizes = [19, 1024], strides = [1, 1]} : vector<19x2048xf32> to vector<19x1024xf32>
    %broadcast_in_dim3A_110 = arith.constant 0.000000e+00 : f32
    %broadcast_in_dim3A_111 = vector.broadcast %broadcast_in_dim3A_110 : f32 to vector<19x1024xf32>
    %concatenate3A_112 = tpu.concatenate %slice3A_109, %broadcast_in_dim3A_111 in 1 : vector<19x1024xf32>, vector<19x1024xf32> -> vector<19x2048xf32>
    %add3A_113 = arith.addf %add3A_108, %concatenate3A_112 : vector<19x2048xf32>
    %slice3A_114 = vector.extract_strided_slice %add3A_58 {offsets = [0, 0], sizes = [19, 1], strides = [1, 1]} : vector<19x2048xf32> to vector<19x1xf32>
    %iota3A = tpu.iota {dimensions = array<i32: 0>} : vector<2048x2048xi32>
    %iota3A_115 = tpu.iota {dimensions = array<i32: 1>} : vector<2048x2048xi32>
    %add3A_116 = arith.addi %iota3A, %iota3A_115 : vector<2048x2048xi32>
    %eq3A = arith.constant 2048 : i32
    %eq3A_117 = vector.broadcast %eq3A : i32 to vector<2048x2048xi32>
    %eq3A_118 = arith.cmpi eq, %add3A_116, %eq3A_117 : vector<2048x2048xi32>
    %convert_element_type3A = arith.extui %eq3A_118 : vector<2048x2048xi1> to vector<2048x2048xi32>
    %convert_element_type3A_119 = arith.sitofp %convert_element_type3A : vector<2048x2048xi32> to vector<2048x2048xf32>
    %dot_general3A = arith.constant dense<0.000000e+00> : vector<19x2048xf32>
    %dot_general3A_120 = tpu.matmul %add3A_58, %convert_element_type3A_119, %dot_general3A {dimension_numbers = #tpu.dot_dimension_numbers<[1], [0], [0], [1], [0, 0, 1, 1], [], []>, precision = #tpu.contract_precision<fp32>, transpose_lhs_hint = false} : vector<19x2048xf32>, vector<2048x2048xf32>, vector<19x2048xf32> -> vector<19x2048xf32>
    %add3A_121 = vector.broadcast %slice3A_114 : vector<19x1xf32> to vector<19x2048xf32>
    %add3A_122 = arith.addf %add3A_121, %add3A_113 : vector<19x2048xf32>
    %sub3A = arith.subf %add3A_122, %add3A_58 : vector<19x2048xf32>
    %max3A = arith.constant 1.000000e+00 : f32
    %max3A_123 = vector.broadcast %max3A : f32 to vector<19x2048xf32>
    %max3A_124 = arith.maximumf %sub3A, %max3A_123 : vector<19x2048xf32>
    %div3A = arith.divf %dot_general3A_120, %max3A_124 : vector<19x2048xf32>
    %reduce_sum3A_125 = arith.constant dense<0.000000e+00> : vector<19xf32>
    %reduce_sum3A_126 = vector.multi_reduction <add>, %div3A, %reduce_sum3A_125 [1] : vector<19x2048xf32> to vector<19xf32>
    %squeeze3A_127 = vector.shape_cast %slice3A_114 : vector<19x1xf32> to vector<19xf32>
    %gt3A = arith.constant 0.000000e+00 : f32
    %gt3A_128 = vector.broadcast %gt3A : f32 to vector<19xf32>
    %gt3A_129 = arith.cmpf ogt, %squeeze3A_127, %gt3A_128 : vector<19xf32>
    %convert_element_type3A_130 = arith.extui %gt3A_129 : vector<19xi1> to vector<19xi32>
    %convert_element_type3A_131 = arith.sitofp %convert_element_type3A_130 : vector<19xi32> to vector<19xf32>
    %mul3A = arith.constant 5.000000e-01 : f32
    %mul3A_132 = vector.broadcast %mul3A : f32 to vector<19xf32>
    %mul3A_133 = arith.mulf %mul3A_132, %convert_element_type3A_131 : vector<19xf32>
    %add3A_134 = arith.addf %reduce_sum3A_126, %mul3A_133 : vector<19xf32>
    %div3A_135 = arith.constant 2.048000e+03 : f32
    %div3A_136 = vector.broadcast %div3A_135 : f32 to vector<19xf32>
    %div3A_137 = arith.divf %add3A_134, %div3A_136 : vector<19xf32>
    %sub3A_138 = arith.constant 1.000000e+00 : f32
    %sub3A_139 = vector.broadcast %sub3A_138 : f32 to vector<19xf32>
    %sub3A_140 = arith.subf %sub3A_139, %div3A_137 : vector<19xf32>
    %mul3A_141 = arith.mulf %sub3A_140, %convert_element_type3A_131 : vector<19xf32>
    %reduce_sum3A_142 = vector.shape_cast %mul3A_141 : vector<19xf32> to vector<1x19xf32>
    %reduce_sum3A_143 = arith.constant dense<0.000000e+00> : vector<1xf32>
    %reduce_sum3A_144 = vector.multi_reduction <add>, %reduce_sum3A_142, %reduce_sum3A_143 [1] : vector<1x19xf32> to vector<1xf32>
    %reduce_sum3A_145 = vector.shape_cast %reduce_sum3A_144 : vector<1xf32> to vector<1x1xf32>
    %reduce_sum3A_146 = vector.extract %reduce_sum3A_145[0, 0] : f32 from vector<1x1xf32>
    %reduce_sum3A_147 = vector.shape_cast %convert_element_type3A_131 : vector<19xf32> to vector<1x19xf32>
    %reduce_sum3A_148 = arith.constant dense<0.000000e+00> : vector<1xf32>
    %reduce_sum3A_149 = vector.multi_reduction <add>, %reduce_sum3A_147, %reduce_sum3A_148 [1] : vector<1x19xf32> to vector<1xf32>
    %reduce_sum3A_150 = vector.shape_cast %reduce_sum3A_149 : vector<1xf32> to vector<1x1xf32>
    %reduce_sum3A_151 = vector.extract %reduce_sum3A_150[0, 0] : f32 from vector<1x1xf32>
    %max3A_152 = arith.constant 1.000000e+00 : f32
    %max3A_153 = arith.maximumf %reduce_sum3A_151, %max3A_152 : f32
    %div3A_154 = arith.divf %reduce_sum3A_146, %max3A_153 : f32
    %broadcast_in_dim3A_155 = vector.broadcast %div3A_154 : f32 to vector<1x1xf32>
    %swap3A = arith.constant 0 : index
    %swap3A_156 = arith.constant 0 : index
    %swap3A_157 = vector.load %arg1[%swap3A, %swap3A_156] : memref<1x1xf32, #tpu.memory_space<vmem>>, vector<1x1xf32>
    tpu.vector_store %arg1[%swap3A, %swap3A_156], %broadcast_in_dim3A_155 {strides = array<i32>} : memref<1x1xf32, #tpu.memory_space<vmem>>, vector<1x1xf32>,
    return
  }
}

</mosaic_0001>

<sc_bundles>
// kernel: kernel.4.cloned.1.call-start
scs
__scs_entry_jumppad:
0x0: {  	(pc) =	sbr.rel $0x88, $3  }
0x1: {  	(tag) =	ssettag $0x0;
	lr =	simm.s32 $0x1  }
0x2: {  	[smem:$0x3F9F] =	sst lr;
	_ =	strace $0xD0000000  }
0x3: {  	_ = 	snop  }
0x4: {  	_ = 	snop  }
0x5: {  	_ = 	snop  }
0x6: {  	_ = 	snop  }
0x7: {  	_ = 	snop  }
__scs_overlays_trampoline_lowered:
0x8: {  	[smem:$0x3FAE] =	sst s0  }
0x9: {  	[smem:$0x3FAF] =	sst s1  }
0xa: {  	[smem:$0x3FB0] =	sst s2  }
0xb: {  	[smem:$0x3FB1] =	sst s3  }
0xc: {  	[smem:$0x3FB2] =	sst s4  }
0xd: {  	[smem:$0x3FB3] =	sst s5  }
0xe: {  	[smem:$0x3FB4] =	sst s6  }
0xf: {  	[smem:$0x3FB5] =	sst s7  }
0x10: {  	[smem:$0x3FB6] =	sst s8  }
0x11: {  	[smem:$0x3FB7] =	sst s9;
	s0 =	simm.s32 @!p0 $0x0  }
0x12: {  	s1 =	sld [smem:$0x3F9D];
	s0 =	simm.s32 @p0 $0x1  }
0x13: {  	[smem:$0x3FB8] =	sst s0;
	s0 =	simm.s32 @!p1 $0x0  }
0x14: {  	s2 =	sld [smem:$0x3F9C];
	s0 =	simm.s32 @p1 $0x1  }
0x15: {  	[smem:$0x3FB9] =	sst s0;
	s0 =	simm.s32 @!p2 $0x0  }
0x16: {  	s3 =	sld [smem:$0x3FDB];
	s0 =	simm.s32 @p2 $0x1  }
0x17: {  	s4 =	simm.s32 $0x1BF5;
	[smem:$0x3FBB] =	sst s0  }
0x18: {  	s0 =	sld [smem:$0x3F9E];
	_ =	swait.ge [sflag:s4], $0x0  }
0x19: {  	s7 =	sld [smem:$0x3F9F]  }
0x1a: {  	s8 =	sadd.s32 $0xFFFFE003, lr  }
0x1b: {  	s9 =	sadd.s32 $0xFFFFFEF7, lr;
	s5 =	simm.s32 $0xFFFFFFFF;
	p2 =	slt.u32 s8, $0xFFFFF086  }
0x1c: {  	p1 =	slt.u32 s9, $0xF7A;
	s5 =	simm.s32 @!p2 $0x0  }
0x1d: {  	s5 =	simm.s32 @p1 $0x1;
	p0 =	seq.s32 s7, s2  }
0x1e: {  	s7 =	smul.u32 @!p0 $0xF7A, s2;
	p2 =	seq.s32 @!p0 s5, $0x0  }
0x1f: {  	s9 =	smul.u32 $0xF7A, s1;
	s8 =	simm.s32 @!p0 $0x1BF5;
	p2 =	por !p2, p0  }
0x20: {  	[sflag:s8] =	ssyncset.s32 @!p0 $0xFFFFF086;
	s6 =	sadd.s32 @!p0 s3, s7;
	s7 =	simm.s32 @!p0 $0x108  }
0x21: {  	s3 =	sadd.s32 s3, s9;
	s6 =	sadd.s32 @!p0 $0x88, s6;
	s7 =	simm.s32 @p2 $0x1082  }
0x22: {  	[simem:s7], [sflag:s8] =	dma.local @!p0 [hbm:s6], $0xF7A  }
0x23: {  	s9 =	sor.u32 $0xD0000000, s2;
	s6 =	simm.s32 $0x108;
	_ =	swait.ge @!p0 [sflag:s8], $0x0  }
0x24: {  	s3 =	sadd.s32 $0x88, s3;
	s6 =	simm.s32 @!p1 $0x1082;
	[sflag:s4] =	ssyncset.s32 $0xFFFFF086  }
0x25: {  	[simem:s6], [sflag:s4] =	dma.local [hbm:s3], $0xF7A  }
0x26: {  	[smem:$0x3F9F] =	sst s1;
	(tag) =	ssettag s2;
	_ =	strace s9  }
0x27: {  	s1 =	sld [smem:$0x3FAF]  }
0x28: {  	s2 =	sld [smem:$0x3FB0]  }
0x29: {  	s4 =	sld [smem:$0x3FB2]  }
0x2a: {  	p0 =	seq.s32 s5, $0x0;
	s5 =	sld [smem:$0x3FB3]  }
0x2b: {  	s6 =	sld [smem:$0x3FB4]  }
0x2c: {  	s7 =	sld [smem:$0x3FB5]  }
0x2d: {  	s3 =	simm.s32 $0x108;
	s8 =	sld [smem:$0x3FB6]  }
0x2e: {  	s3 =	simm.s32 @!p0 $0x1082;
	s9 =	sld [smem:$0x3FB7]  }
0x2f: {  	lr =	sadd.s32 s0, s3;
	s0 =	sld [smem:$0x3FAE]  }
0x30: {  	s3 =	sld [smem:$0x3FB1]  }
0x31: {  	[smem:$0x3FBA] =	sst s10  }
0x32: {  	s10 =	sld [smem:$0x3FB8];
	_ =	sdelay $0x3  }
0x33: {  	p0 =	seq.s32 s10, $0x1;
	s10 =	sld [smem:$0x3FBA];
	_ =	sdelay $0x3  }
0x34: {  	[smem:$0x3FBA] =	sst s10  }
0x35: {  	s10 =	sld [smem:$0x3FB9];
	_ =	sdelay $0x3  }
0x36: {  	p1 =	seq.s32 s10, $0x1;
	s10 =	sld [smem:$0x3FBA];
	_ =	sdelay $0x3  }
0x37: {  	[smem:$0x3FBA] =	sst s10  }
0x38: {  	s10 =	sld [smem:$0x3FBB]  }
0x39: {  	_ = 	snop;
	(pc) =	sbr.ind lr, $3  }
0x3a: {  	_ = 	snop  }
0x3b: {  	_ = 	snop  }
0x3c: {  	p2 =	seq.s32 s10, $0x1;
	s10 =	sld [smem:$0x3FBA]  }
0x3d: {  	_ =	shalt  }
0x3e: {  	_ =	shalt  }
0x3f: {  	_ =	shalt  }
0x40: {  	_ =	shalt  }
0x41: {  	_ =	shalt  }
0x42: {  	_ =	shalt  }
0x43: {  	_ =	shalt  }
0x44: {  	_ =	shalt  }
0x45: {  	_ =	shalt  }
0x46: {  	_ =	shalt  }
0x47: {  	_ =	shalt  }
0x48: {  	_ =	shalt  }
0x49: {  	_ =	shalt  }
0x4a: {  	_ =	shalt  }
0x4b: {  	_ =	shalt  }
0x4c: {  	_ =	shalt  }
0x4d: {  	_ =	shalt  }
0x4e: {  	_ =	shalt  }
0x4f: {  	_ =	shalt  }
0x50: {  	_ =	shalt  }
0x51: {  	_ =	shalt  }
0x52: {  	_ =	shalt  }
0x53: {  	_ =	shalt  }
0x54: {  	_ =	shalt  }
0x55: {  	_ =	shalt  }
0x56: {  	_ =	shalt  }
0x57: {  	_ =	shalt  }
0x58: {  	_ =	shalt  }
0x59: {  	_ =	shalt  }
0x5a: {  	_ =	shalt  }
0x5b: {  	_ =	shalt  }
0x5c: {  	_ =	shalt  }
0x5d: {  	_ =	shalt  }
0x5e: {  	_ =	shalt  }
0x5f: {  	_ =	shalt  }
0x60: {  	_ =	shalt  }
0x61: {  	_ =	shalt  }
0x62: {  	_ =	shalt  }
0x63: {  	_ =	shalt  }
0x64: {  	_ =	shalt  }
0x65: {  	_ =	shalt  }
0x66: {  	_ =	shalt  }
0x67: {  	_ =	shalt  }
0x68: {  	_ =	shalt  }
0x69: {  	_ =	shalt  }
0x6a: {  	_ =	shalt  }
0x6b: {  	_ =	shalt  }
0x6c: {  	_ =	shalt  }
0x6d: {  	_ =	shalt  }
0x6e: {  	_ =	shalt  }
0x6f: {  	_ =	shalt  }
0x70: {  	_ =	shalt  }
0x71: {  	_ =	shalt  }
0x72: {  	_ =	shalt  }
0x73: {  	_ =	shalt  }
0x74: {  	_ =	shalt  }
0x75: {  	_ =	shalt  }
0x76: {  	_ =	shalt  }
0x77: {  	_ =	shalt  }
0x78: {  	_ =	shalt  }
0x79: {  	_ =	shalt  }
0x7a: {  	_ =	shalt  }
0x7b: {  	_ =	shalt  }
0x7c: {  	_ =	shalt  }
0x7d: {  	_ =	shalt  }
0x7e: {  	_ =	shalt  }
0x7f: {  	_ =	shalt  }
0x80: {  	_ =	shalt  }
0x81: {  	_ =	shalt  }
0x82: {  	_ =	shalt  }
0x83: {  	_ =	shalt  }
0x84: {  	_ =	shalt  }
0x85: {  	_ =	shalt  }
0x86: {  	_ =	shalt  }
0x87: {  	_ =	shalt  }
.Lfunc_end0:
.L_simem_size_0:
called_computation.1_lowered:
.L_overlay_start_0:
0x88: {  	s2 =	sld [smem:$0x3FD9]  }
0x89: {  	s3 =	sld [smem:$0x3FFE];
	_ =	sdelay $0x1  }
0x8a: {  	s1 =	srdreg.scid  }
0x8b: {  	s0 =	sand.u32 $0x1, s1  }
0x8c: {  	s16 =	sshll.u32 s0, $0xA;
	s2 =	sadd.s32 s3, s2  }
0x8d: {  	s2 =	sadd.s32 s2, s16  }
0x8e: {  	[smem:$0x3FC6] =	sst s2  }
0x8f: {  	_ = 	snop  }
0x90: {  	(tm) =	ssettm $0x1  }
0x91: {  	s17 =	sld [smem:$0x3FFB];
	_ =	sdelay $0x3  }
0x92: {  	_ =	strace s17  }
0x93: {  	s2 =	sld [smem:$0x3FFC];
	_ =	sdelay $0x3  }
0x94: {  	_ =	strace s2  }
0x95: {  	s2 =	sld [smem:$0x3FFD];
	_ =	sdelay $0x3  }
0x96: {  	_ =	strace s2  }
0x97: {  	_ =	strace $0x8FFFFFFF  }
0x98: {  	s18 =	sld [smem:$0x3FDB];
	_ =	sdelay $0x1  }
0x99: {  	s19 =	simm.s32 $_scs_section_size  }
0x9a: {  	s4 =	simm.s32 $_size__tile_overlayer_lowered;
	s5 =	simm.s32 $_tile_overlayer_lowered  }
0x9b: {  	s22 =	simm.s32 $0x1BFF;
	s21 =	sshll.u32 s5, $0x1;
	s2 =	sadd.s32 s19, s18  }
0x9c: {  	s6 =	simm.s32 $0x0;
	s20 =	sshll.u32 s4, $0x1;
	s4 =	sadd.s32 s21, s2  }
0x9d: {  	[timem:s6], [sflag:s22] =	dma.local [hbm:s4], s20  }
0x9e: {  	_ =	swait.ge [sflag:s22], s20  }
0x9f: {  	s3 =	ssub.s32 $0x0, s20;
	[sflag:s22] =	ssyncset.done $0x0  }
0xa0: {  	[sflag:s22] =	ssyncadd.s32 s3;
	_ =	sdelay $0x1  }
0xa1: {  	s23 =	simm.s32 $0x1B8B  }
0xa2: {  	_ =	swait.ge [sflag:s23], $0x1  }
0xa3: {  	[sflag:s23] =	ssyncset.done $0x0  }
0xa4: {  	s25 =	simm.s32 $0x1B8E;
	s24 =	sld [smem:$0x3FFE];
	[sflag:s23] =	ssyncadd.s32 $0xFFFFFFFF  }
0xa5: {  	s26 =	simm.s32 $execute0_lowered;
	[smem:$0x3FD2] =	sst s25  }
0xa6: {  	s4 =	sshll.u32 s26, $0x1;
	_ =	strace $0x80000049;
	[dreg:$0x1] =	wrdreg $0xFFFFFFFF  }
0xa7: {  	s28 =	simm.s32 $_size_execute0_lowered;
	s2 =	sadd.s32 s2, s4;
	[dreg:$0x0] =	wrdreg $0x0  }
0xa8: {  	s4 =	sshll.u32 s28, $0x1;
	[dreg:$0x2] =	wrdreg s2  }
0xa9: {  	[dreg:$0x3] =	wrdreg s4  }
0xaa: {  	[dreg:$0x4] =	wrdreg $0xC0  }
0xab: {  	_ =	task [dreg:s6], $0x5FFFF  }
0xac: {  	[dreg:$0x1] =	wrdreg $0xFFFFFFFF  }
0xad: {  	[dreg:$0x0] =	wrdreg $0x60  }
0xae: {  	[dreg:$0x2] =	wrdreg s24  }
0xaf: {  	[dreg:$0x3] =	wrdreg $0x9  }
0xb0: {  	_ =	task.clear_ibuf [dreg:s6], $0x4FFFF;
	_ =	strace $0x90000049  }
0xb1: {  	s29 =	simm.s32 $0x9;
	_ =	strace $0x8000004B  }
0xb2: {  	_ =	swait.ge [sflag:s29], $0x1  }
0xb3: {  	[sflag:s29] =	ssyncadd.s32 $0xFFFFFFFF  }
0xb4: {  	_ =	strace $0x9000004B  }
0xb5: {  	_ =	sfence  }
0xb6: {  	s30 =	sld [smem:$0x0];
	_ =	sdelay $0x2  }
0xb7: {  	s31 =	sshll.u32 s1, $0xD;
	s1 =	sshrl.u32 s1, $0x2  }
0xb8: {  	s3 =	sand.u32 $0x4000, s31;
	s1 =	sadd.s32 s1, s30  }
0xb9: {  	s0 =	sor.u32 s3, s0;
	s1 =	sshll.u32 s1, $0x11  }
0xba: {  	s0 =	sor.u32 s1, s0  }
0xbb: {  	s0 =	sadd.s32 $0x8F2B, s0  }
0xbc: {  	[sflag:s0] =	ssyncadd.remote.s32 $0x1  }
0xbd: {  	_ =	sfence.sel $0xFFFF  }
0xbe: {  	[dreg:$0x0] =	wrdreg $0xFFFFFFFF;
	(pc) =	sbr.abs _section_cstart, $3  }
0xbf: {  	[dreg:$0x1] =	wrdreg $0xFFFFFFFF  }
0xc0: {  	_ =	task.clear_ibuf [dreg:s6], $0x2FFFF;
	_ =	strace $0x9FFFFFFF  }
0xc1: {  	(tm) =	ssettm $0x7FFFFFFF  }
tec
execute0_lowered:
.L_overlay_start_1:
0x0: {  	(tag) =	ssettag $0x1  }
0x1: {  	vm14 =	vcmask $0x300;
	v0 =	vimm.f32 $3.072000000e+04  }
0x2: {  	vm13 =	vcmask $0x704;
	vm12 =	vcmask $0xB08;
	vm11 =	vcmask $0xF0C  }
0x3: {  	vm10 =	vcmask $0x1310;
	vm9 =	vcmask $0x1714;
	vm8 =	vcmask $0x1B18  }
0x4: {  	vm7 =	vcmask $0x1F1C;
	vm6 =	vcmask $0x2320;
	vm5 =	vcmask $0x2724  }
0x5: {  	vm4 =	vcmask $0x2B28;
	vm3 =	vcmask $0x2F2C;
	vm2 =	vcmask $0x3330  }
0x6: {  	vm1 =	vcmask $0x3734;
	vm0 =	vcmask $0x3B38;
	v4 =	vimm.f32 $2.457600000e+04  }
0x7: {  	v6 =	vimm.s32 $0x67FF;
	v7 =	vimm.f32 $1.843200000e+04;
	v8 =	vimm.s32 $0x4FFF  }
0x8: {  	v9 =	vimm.f32 $1.228800000e+04;
	v10 =	vimm.s32 $0x37FF;
	v11 =	vimm.f32 $6.144000000e+03  }
0x9: {  	v12 =	vimm.s32 $0x1FFF;
	v14 =	vimm.s32 $0x7FF;
	v15 =	vimm.f32 $3.276800000e+04  }
0xa: {  	v16 =	vimm.f32 $2.662400000e+04;
	v18 =	vimm.s32 $0x6FFF;
	v19 =	vimm.f32 $2.048000000e+04  }
0xb: {  	v20 =	vimm.s32 $0x57FF;
	v21 =	vimm.f32 $1.433600000e+04;
	v22 =	vimm.s32 $0x3FFF  }
0xc: {  	v23 =	vimm.f32 $8.192000000e+03;
	v24 =	vimm.s32 $0x27FF;
	v25 =	vimm.f32 $2.048000000e+03  }
0xd: {  	v26 =	vimm.s32 $0xFFF;
	v27 =	vimm.f32 $3.481600000e+04;
	v28 =	vimm.f32 $2.867200000e+04  }
0xe: {  	v29 =	vimm.s32 $0x77FF;
	v32 =	vimm.s32 $0x5FFF;
	v33 =	vimm.f32 $1.638400000e+04  }
0xf: {  	v34 =	vimm.s32 $0x47FF;
	v35 =	vimm.f32 $1.024000000e+04;
	v36 =	vimm.s32 $0x2FFF  }
0x10: {  	v37 =	vimm.f32 $4.096000000e+03;
	v38 =	vimm.s32 $0x17FF;
	v39 =	vimm.f32 $3.686400000e+04  }
0x11: {  	v0 =	vsel vm14, $0x0, v0;
	v5 =	vsel vm14, $0x47000000, v4;
	v4 =	vimm.f32 $1.000000000e+00  }
0x12: {  	v6 =	vsel vm14, $0x87FF, v6;
	v7 =	vsel vm14, $0x46D00000, v7;
	v8 =	vsel vm14, $0x6FFF, v8  }
0x13: {  	v9 =	vsel vm14, $0x46A00000, v9;
	v10 =	vsel vm14, $0x57FF, v10;
	v11 =	vsel vm14, $0x46600000, v11  }
0x14: {  	v12 =	vsel vm14, $0x3FFF, v12;
	v14 =	vsel vm14, $0x27FF, v14;
	v15 =	vsel vm14, $0x45000000, v15  }
0x15: {  	v16 =	vsel vm14, $0x47080000, v16;
	v18 =	vsel vm14, $0x8FFF, v18;
	v19 =	vsel vm14, $0x46E00000, v19  }
0x16: {  	v20 =	vsel vm14, $0x77FF, v20;
	v21 =	vsel vm14, $0x46B00000, v21;
	v22 =	vsel vm14, $0x5FFF, v22  }
0x17: {  	v23 =	vsel vm14, $0x46800000, v23;
	v24 =	vsel vm14, $0x47FF, v24;
	v25 =	vsel vm14, $0x46200000, v25  }
0x18: {  	v26 =	vsel vm14, $0x2FFF, v26;
	v27 =	vsel vm14, $0x45800000, v27;
	v28 =	vsel vm14, $0x47100000, v28  }
0x19: {  	v29 =	vsel vm14, $0x97FF, v29;
	v32 =	vsel vm14, $0x7FFF, v32;
	v33 =	vsel vm14, $0x46C00000, v33  }
0x1a: {  	v34 =	vsel vm14, $0x67FF, v34;
	v35 =	vsel vm14, $0x46900000, v35;
	v36 =	vsel vm14, $0x4FFF, v36  }
0x1b: {  	v37 =	vsel vm14, $0x46400000, v37;
	v38 =	vsel vm14, $0x37FF, v38;
	v39 =	vsel vm14, $0x45C00000, v39  }
0x1c: {  	v0 =	vsel vm13, $0x45000000, v0;
	v5 =	vsel vm13, $0x47080000, v5;
	v6 =	vsel vm13, $0x8FFF, v6  }
0x1d: {  	v7 =	vsel vm13, $0x46E00000, v7;
	v8 =	vsel vm13, $0x77FF, v8;
	v9 =	vsel vm13, $0x46B00000, v9  }
0x1e: {  	v10 =	vsel vm13, $0x5FFF, v10;
	v11 =	vsel vm13, $0x46800000, v11;
	v12 =	vsel vm13, $0x47FF, v12  }
0x1f: {  	v14 =	vsel vm13, $0x2FFF, v14;
	v15 =	vsel vm13, $0x45800000, v15;
	v16 =	vsel vm13, $0x47100000, v16  }
0x20: {  	v18 =	vsel vm13, $0x97FF, v18;
	v19 =	vsel vm13, $0x46F00000, v19;
	v20 =	vsel vm13, $0x7FFF, v20  }
0x21: {  	v21 =	vsel vm13, $0x46C00000, v21;
	v22 =	vsel vm13, $0x67FF, v22;
	v23 =	vsel vm13, $0x46900000, v23  }
0x22: {  	v24 =	vsel vm13, $0x4FFF, v24;
	v25 =	vsel vm13, $0x46400000, v25;
	v26 =	vsel vm13, $0x37FF, v26  }
0x23: {  	v27 =	vsel vm13, $0x45C00000, v27;
	v28 =	vsel vm13, $0x0, v28;
	v29 =	vsel vm13, $0x7FF, v29  }
0x24: {  	v32 =	vsel vm13, $0x87FF, v32;
	v33 =	vsel vm13, $0x46D00000, v33;
	v34 =	vsel vm13, $0x6FFF, v34  }
0x25: {  	v35 =	vsel vm13, $0x46A00000, v35;
	v36 =	vsel vm13, $0x57FF, v36;
	v37 =	vsel vm13, $0x46600000, v37  }
0x26: {  	v38 =	vsel vm13, $0x3FFF, v38;
	v39 =	vsel vm13, $0x46000000, v39;
	v0 =	vsel vm12, $0x45800000, v0  }
0x27: {  	v5 =	vsel vm12, $0x47100000, v5;
	v6 =	vsel vm12, $0x97FF, v6;
	v7 =	vsel vm12, $0x46F00000, v7  }
0x28: {  	v8 =	vsel vm12, $0x7FFF, v8;
	v9 =	vsel vm12, $0x46C00000, v9;
	v10 =	vsel vm12, $0x67FF, v10  }
0x29: {  	v11 =	vsel vm12, $0x46900000, v11;
	v12 =	vsel vm12, $0x4FFF, v12;
	v14 =	vsel vm12, $0x37FF, v14  }
0x2a: {  	v15 =	vsel vm12, $0x45C00000, v15;
	v16 =	vsel vm12, $0x0, v16;
	v18 =	vsel vm12, $0x7FF, v18  }
0x2b: {  	v19 =	vsel vm12, $0x47000000, v19;
	v20 =	vsel vm12, $0x87FF, v20;
	v21 =	vsel vm12, $0x46D00000, v21  }
0x2c: {  	v22 =	vsel vm12, $0x6FFF, v22;
	v23 =	vsel vm12, $0x46A00000, v23;
	v24 =	vsel vm12, $0x57FF, v24  }
0x2d: {  	v25 =	vsel vm12, $0x46600000, v25;
	v26 =	vsel vm12, $0x3FFF, v26;
	v27 =	vsel vm12, $0x46000000, v27  }
0x2e: {  	v28 =	vsel vm12, $0x45000000, v28;
	v29 =	vsel vm12, $0xFFF, v29;
	v32 =	vsel vm12, $0x8FFF, v32  }
0x2f: {  	v33 =	vsel vm12, $0x46E00000, v33;
	v34 =	vsel vm12, $0x77FF, v34;
	v35 =	vsel vm12, $0x46B00000, v35  }
0x30: {  	v36 =	vsel vm12, $0x5FFF, v36;
	v37 =	vsel vm12, $0x46800000, v37;
	v38 =	vsel vm12, $0x47FF, v38  }
0x31: {  	v39 =	vsel vm12, $0x46200000, v39;
	v0 =	vsel vm11, $0x45C00000, v0;
	v5 =	vsel vm11, $0x0, v5  }
0x32: {  	v6 =	vsel vm11, $0x7FF, v6;
	v7 =	vsel vm11, $0x47000000, v7;
	v8 =	vsel vm11, $0x87FF, v8  }
0x33: {  	v9 =	vsel vm11, $0x46D00000, v9;
	v10 =	vsel vm11, $0x6FFF, v10;
	v11 =	vsel vm11, $0x46A00000, v11  }
0x34: {  	v12 =	vsel vm11, $0x57FF, v12;
	v14 =	vsel vm11, $0x3FFF, v14;
	v15 =	vsel vm11, $0x46000000, v15  }
0x35: {  	v16 =	vsel vm11, $0x45000000, v16;
	v18 =	vsel vm11, $0xFFF, v18;
	v19 =	vsel vm11, $0x47080000, v19  }
0x36: {  	v20 =	vsel vm11, $0x8FFF, v20;
	v21 =	vsel vm11, $0x46E00000, v21;
	v22 =	vsel vm11, $0x77FF, v22  }
0x37: {  	v23 =	vsel vm11, $0x46B00000, v23;
	v24 =	vsel vm11, $0x5FFF, v24;
	v25 =	vsel vm11, $0x46800000, v25  }
0x38: {  	v26 =	vsel vm11, $0x47FF, v26;
	v27 =	vsel vm11, $0x46200000, v27;
	v28 =	vsel vm11, $0x45800000, v28  }
0x39: {  	v29 =	vsel vm11, $0x17FF, v29;
	v32 =	vsel vm11, $0x97FF, v32;
	v33 =	vsel vm11, $0x46F00000, v33  }
0x3a: {  	v34 =	vsel vm11, $0x7FFF, v34;
	v35 =	vsel vm11, $0x46C00000, v35;
	v36 =	vsel vm11, $0x67FF, v36  }
0x3b: {  	v37 =	vsel vm11, $0x46900000, v37;
	v38 =	vsel vm11, $0x4FFF, v38;
	v39 =	vsel vm11, $0x46400000, v39  }
0x3c: {  	v0 =	vsel vm10, $0x46000000, v0;
	v5 =	vsel vm10, $0x45000000, v5;
	v6 =	vsel vm10, $0xFFF, v6  }
0x3d: {  	v7 =	vsel vm10, $0x47080000, v7;
	v8 =	vsel vm10, $0x8FFF, v8;
	v9 =	vsel vm10, $0x46E00000, v9  }
0x3e: {  	v10 =	vsel vm10, $0x77FF, v10;
	v11 =	vsel vm10, $0x46B00000, v11;
	v12 =	vsel vm10, $0x5FFF, v12  }
0x3f: {  	v14 =	vsel vm10, $0x47FF, v14;
	v15 =	vsel vm10, $0x46200000, v15;
	v16 =	vsel vm10, $0x45800000, v16  }
0x40: {  	v18 =	vsel vm10, $0x17FF, v18;
	v19 =	vsel vm10, $0x47100000, v19;
	v20 =	vsel vm10, $0x97FF, v20  }
0x41: {  	v21 =	vsel vm10, $0x46F00000, v21;
	v22 =	vsel vm10, $0x7FFF, v22;
	v23 =	vsel vm10, $0x46C00000, v23  }
0x42: {  	v24 =	vsel vm10, $0x67FF, v24;
	v25 =	vsel vm10, $0x46900000, v25;
	v26 =	vsel vm10, $0x4FFF, v26  }
0x43: {  	v27 =	vsel vm10, $0x46400000, v27;
	v28 =	vsel vm10, $0x45C00000, v28;
	v29 =	vsel vm10, $0x1FFF, v29  }
0x44: {  	v32 =	vsel vm10, $0x7FF, v32;
	v33 =	vsel vm10, $0x47000000, v33;
	v34 =	vsel vm10, $0x87FF, v34  }
0x45: {  	v35 =	vsel vm10, $0x46D00000, v35;
	v36 =	vsel vm10, $0x6FFF, v36;
	v37 =	vsel vm10, $0x46A00000, v37  }
0x46: {  	v38 =	vsel vm10, $0x57FF, v38;
	v39 =	vsel vm10, $0x46600000, v39;
	v0 =	vsel vm9, $0x46200000, v0  }
0x47: {  	v5 =	vsel vm9, $0x45800000, v5;
	v6 =	vsel vm9, $0x17FF, v6;
	v7 =	vsel vm9, $0x47100000, v7  }
0x48: {  	v8 =	vsel vm9, $0x97FF, v8;
	v9 =	vsel vm9, $0x46F00000, v9;
	v10 =	vsel vm9, $0x7FFF, v10  }
0x49: {  	v11 =	vsel vm9, $0x46C00000, v11;
	v12 =	vsel vm9, $0x67FF, v12;
	v14 =	vsel vm9, $0x4FFF, v14  }
0x4a: {  	v15 =	vsel vm9, $0x46400000, v15;
	v16 =	vsel vm9, $0x45C00000, v16;
	v18 =	vsel vm9, $0x1FFF, v18  }
0x4b: {  	v19 =	vsel vm9, $0x0, v19;
	v20 =	vsel vm9, $0x7FF, v20;
	v21 =	vsel vm9, $0x47000000, v21  }
0x4c: {  	v22 =	vsel vm9, $0x87FF, v22;
	v23 =	vsel vm9, $0x46D00000, v23;
	v24 =	vsel vm9, $0x6FFF, v24  }
0x4d: {  	v25 =	vsel vm9, $0x46A00000, v25;
	v26 =	vsel vm9, $0x57FF, v26;
	v27 =	vsel vm9, $0x46600000, v27  }
0x4e: {  	v28 =	vsel vm9, $0x46000000, v28;
	v29 =	vsel vm9, $0x27FF, v29;
	v32 =	vsel vm9, $0xFFF, v32  }
0x4f: {  	v33 =	vsel vm9, $0x47080000, v33;
	v34 =	vsel vm9, $0x8FFF, v34;
	v35 =	vsel vm9, $0x46E00000, v35  }
0x50: {  	v36 =	vsel vm9, $0x77FF, v36;
	v37 =	vsel vm9, $0x46B00000, v37;
	v38 =	vsel vm9, $0x5FFF, v38  }
0x51: {  	v39 =	vsel vm9, $0x46800000, v39;
	v0 =	vsel vm8, $0x46400000, v0;
	v5 =	vsel vm8, $0x45C00000, v5  }
0x52: {  	v6 =	vsel vm8, $0x1FFF, v6;
	v7 =	vsel vm8, $0x0, v7;
	v8 =	vsel vm8, $0x7FF, v8  }
0x53: {  	v9 =	vsel vm8, $0x47000000, v9;
	v10 =	vsel vm8, $0x87FF, v10;
	v11 =	vsel vm8, $0x46D00000, v11  }
0x54: {  	v12 =	vsel vm8, $0x6FFF, v12;
	v14 =	vsel vm8, $0x57FF, v14;
	v15 =	vsel vm8, $0x46600000, v15  }
0x55: {  	v16 =	vsel vm8, $0x46000000, v16;
	v18 =	vsel vm8, $0x27FF, v18;
	v19 =	vsel vm8, $0x45000000, v19  }
0x56: {  	v20 =	vsel vm8, $0xFFF, v20;
	v21 =	vsel vm8, $0x47080000, v21;
	v22 =	vsel vm8, $0x8FFF, v22  }
0x57: {  	v23 =	vsel vm8, $0x46E00000, v23;
	v24 =	vsel vm8, $0x77FF, v24;
	v25 =	vsel vm8, $0x46B00000, v25  }
0x58: {  	v26 =	vsel vm8, $0x5FFF, v26;
	v27 =	vsel vm8, $0x46800000, v27;
	v28 =	vsel vm8, $0x46200000, v28  }
0x59: {  	v29 =	vsel vm8, $0x2FFF, v29;
	v32 =	vsel vm8, $0x17FF, v32;
	v33 =	vsel vm8, $0x47100000, v33  }
0x5a: {  	v34 =	vsel vm8, $0x97FF, v34;
	v35 =	vsel vm8, $0x46F00000, v35;
	v36 =	vsel vm8, $0x7FFF, v36  }
0x5b: {  	v37 =	vsel vm8, $0x46C00000, v37;
	v38 =	vsel vm8, $0x67FF, v38;
	v39 =	vsel vm8, $0x46900000, v39  }
0x5c: {  	v0 =	vsel vm7, $0x46600000, v0;
	v5 =	vsel vm7, $0x46000000, v5;
	v6 =	vsel vm7, $0x27FF, v6  }
0x5d: {  	v7 =	vsel vm7, $0x45000000, v7;
	v8 =	vsel vm7, $0xFFF, v8;
	v9 =	vsel vm7, $0x47080000, v9  }
0x5e: {  	v10 =	vsel vm7, $0x8FFF, v10;
	v11 =	vsel vm7, $0x46E00000, v11;
	v12 =	vsel vm7, $0x77FF, v12  }
0x5f: {  	v14 =	vsel vm7, $0x5FFF, v14;
	v15 =	vsel vm7, $0x46800000, v15;
	v16 =	vsel vm7, $0x46200000, v16  }
0x60: {  	v18 =	vsel vm7, $0x2FFF, v18;
	v19 =	vsel vm7, $0x45800000, v19;
	v20 =	vsel vm7, $0x17FF, v20  }
0x61: {  	v21 =	vsel vm7, $0x47100000, v21;
	v22 =	vsel vm7, $0x97FF, v22;
	v23 =	vsel vm7, $0x46F00000, v23  }
0x62: {  	v24 =	vsel vm7, $0x7FFF, v24;
	v25 =	vsel vm7, $0x46C00000, v25;
	v26 =	vsel vm7, $0x67FF, v26  }
0x63: {  	v27 =	vsel vm7, $0x46900000, v27;
	v28 =	vsel vm7, $0x46400000, v28;
	v29 =	vsel vm7, $0x37FF, v29  }
0x64: {  	v32 =	vsel vm7, $0x1FFF, v32;
	v33 =	vsel vm7, $0x0, v33;
	v34 =	vsel vm7, $0x7FF, v34  }
0x65: {  	v35 =	vsel vm7, $0x47000000, v35;
	v36 =	vsel vm7, $0x87FF, v36;
	v37 =	vsel vm7, $0x46D00000, v37  }
0x66: {  	v38 =	vsel vm7, $0x6FFF, v38;
	v39 =	vsel vm7, $0x46A00000, v39;
	v0 =	vsel vm6, $0x46800000, v0  }
0x67: {  	v5 =	vsel vm6, $0x46200000, v5;
	v6 =	vsel vm6, $0x2FFF, v6;
	v7 =	vsel vm6, $0x45800000, v7  }
0x68: {  	v8 =	vsel vm6, $0x17FF, v8;
	v9 =	vsel vm6, $0x47100000, v9;
	v10 =	vsel vm6, $0x97FF, v10  }
0x69: {  	v11 =	vsel vm6, $0x46F00000, v11;
	v12 =	vsel vm6, $0x7FFF, v12;
	v14 =	vsel vm6, $0x67FF, v14  }
0x6a: {  	v15 =	vsel vm6, $0x46900000, v15;
	v16 =	vsel vm6, $0x46400000, v16;
	v18 =	vsel vm6, $0x37FF, v18  }
0x6b: {  	v19 =	vsel vm6, $0x45C00000, v19;
	v20 =	vsel vm6, $0x1FFF, v20;
	v21 =	vsel vm6, $0x0, v21  }
0x6c: {  	v22 =	vsel vm6, $0x7FF, v22;
	v23 =	vsel vm6, $0x47000000, v23;
	v24 =	vsel vm6, $0x87FF, v24  }
0x6d: {  	v25 =	vsel vm6, $0x46D00000, v25;
	v26 =	vsel vm6, $0x6FFF, v26;
	v27 =	vsel vm6, $0x46A00000, v27  }
0x6e: {  	v28 =	vsel vm6, $0x46600000, v28;
	v29 =	vsel vm6, $0x3FFF, v29;
	v32 =	vsel vm6, $0x27FF, v32  }
0x6f: {  	v33 =	vsel vm6, $0x45000000, v33;
	v34 =	vsel vm6, $0xFFF, v34;
	v35 =	vsel vm6, $0x47080000, v35  }
0x70: {  	v36 =	vsel vm6, $0x8FFF, v36;
	v37 =	vsel vm6, $0x46E00000, v37;
	v38 =	vsel vm6, $0x77FF, v38  }
0x71: {  	v39 =	vsel vm6, $0x46B00000, v39;
	v0 =	vsel vm5, $0x46900000, v0;
	v5 =	vsel vm5, $0x46400000, v5  }
0x72: {  	v6 =	vsel vm5, $0x37FF, v6;
	v7 =	vsel vm5, $0x45C00000, v7;
	v8 =	vsel vm5, $0x1FFF, v8  }
0x73: {  	v9 =	vsel vm5, $0x0, v9;
	v10 =	vsel vm5, $0x7FF, v10;
	v11 =	vsel vm5, $0x47000000, v11  }
0x74: {  	v12 =	vsel vm5, $0x87FF, v12;
	v14 =	vsel vm5, $0x6FFF, v14;
	v15 =	vsel vm5, $0x46A00000, v15  }
0x75: {  	v16 =	vsel vm5, $0x46600000, v16;
	v18 =	vsel vm5, $0x3FFF, v18;
	v19 =	vsel vm5, $0x46000000, v19  }
0x76: {  	v20 =	vsel vm5, $0x27FF, v20;
	v21 =	vsel vm5, $0x45000000, v21;
	v22 =	vsel vm5, $0xFFF, v22  }
0x77: {  	v23 =	vsel vm5, $0x47080000, v23;
	v24 =	vsel vm5, $0x8FFF, v24;
	v25 =	vsel vm5, $0x46E00000, v25  }
0x78: {  	v26 =	vsel vm5, $0x77FF, v26;
	v27 =	vsel vm5, $0x46B00000, v27;
	v28 =	vsel vm5, $0x46800000, v28  }
0x79: {  	v29 =	vsel vm5, $0x47FF, v29;
	v32 =	vsel vm5, $0x2FFF, v32;
	v33 =	vsel vm5, $0x45800000, v33  }
0x7a: {  	v34 =	vsel vm5, $0x17FF, v34;
	v35 =	vsel vm5, $0x47100000, v35;
	v36 =	vsel vm5, $0x97FF, v36  }
0x7b: {  	v37 =	vsel vm5, $0x46F00000, v37;
	v38 =	vsel vm5, $0x7FFF, v38;
	v39 =	vsel vm5, $0x46C00000, v39  }
0x7c: {  	v0 =	vsel vm4, $0x46A00000, v0;
	v5 =	vsel vm4, $0x46600000, v5;
	v6 =	vsel vm4, $0x3FFF, v6  }
0x7d: {  	v7 =	vsel vm4, $0x46000000, v7;
	v8 =	vsel vm4, $0x27FF, v8;
	v9 =	vsel vm4, $0x45000000, v9  }
0x7e: {  	v10 =	vsel vm4, $0xFFF, v10;
	v11 =	vsel vm4, $0x47080000, v11;
	v12 =	vsel vm4, $0x8FFF, v12  }
0x7f: {  	v14 =	vsel vm4, $0x77FF, v14;
	v15 =	vsel vm4, $0x46B00000, v15;
	v16 =	vsel vm4, $0x46800000, v16  }
0x80: {  	v18 =	vsel vm4, $0x47FF, v18;
	v19 =	vsel vm4, $0x46200000, v19;
	v20 =	vsel vm4, $0x2FFF, v20  }
0x81: {  	v21 =	vsel vm4, $0x45800000, v21;
	v22 =	vsel vm4, $0x17FF, v22;
	v23 =	vsel vm4, $0x47100000, v23  }
0x82: {  	v24 =	vsel vm4, $0x97FF, v24;
	v25 =	vsel vm4, $0x46F00000, v25;
	v26 =	vsel vm4, $0x7FFF, v26  }
0x83: {  	v27 =	vsel vm4, $0x46C00000, v27;
	v28 =	vsel vm4, $0x46900000, v28;
	v29 =	vsel vm4, $0x4FFF, v29  }
0x84: {  	v32 =	vsel vm4, $0x37FF, v32;
	v33 =	vsel vm4, $0x45C00000, v33;
	v34 =	vsel vm4, $0x1FFF, v34  }
0x85: {  	v35 =	vsel vm4, $0x0, v35;
	v36 =	vsel vm4, $0x7FF, v36;
	v37 =	vsel vm4, $0x47000000, v37  }
0x86: {  	v38 =	vsel vm4, $0x87FF, v38;
	v39 =	vsel vm4, $0x46D00000, v39;
	v0 =	vsel vm3, $0x46B00000, v0  }
0x87: {  	v5 =	vsel vm3, $0x46800000, v5;
	v6 =	vsel vm3, $0x47FF, v6;
	v7 =	vsel vm3, $0x46200000, v7  }
0x88: {  	v8 =	vsel vm3, $0x2FFF, v8;
	v9 =	vsel vm3, $0x45800000, v9;
	v10 =	vsel vm3, $0x17FF, v10  }
0x89: {  	v11 =	vsel vm3, $0x47100000, v11;
	v12 =	vsel vm3, $0x97FF, v12;
	v14 =	vsel vm3, $0x7FFF, v14  }
0x8a: {  	v15 =	vsel vm3, $0x46C00000, v15;
	v16 =	vsel vm3, $0x46900000, v16;
	v18 =	vsel vm3, $0x4FFF, v18  }
0x8b: {  	v19 =	vsel vm3, $0x46400000, v19;
	v20 =	vsel vm3, $0x37FF, v20;
	v21 =	vsel vm3, $0x45C00000, v21  }
0x8c: {  	v22 =	vsel vm3, $0x1FFF, v22;
	v23 =	vsel vm3, $0x0, v23;
	v24 =	vsel vm3, $0x7FF, v24  }
0x8d: {  	v25 =	vsel vm3, $0x47000000, v25;
	v26 =	vsel vm3, $0x87FF, v26;
	v27 =	vsel vm3, $0x46D00000, v27  }
0x8e: {  	v28 =	vsel vm3, $0x46A00000, v28;
	v29 =	vsel vm3, $0x57FF, v29;
	v32 =	vsel vm3, $0x3FFF, v32  }
0x8f: {  	v33 =	vsel vm3, $0x46000000, v33;
	v34 =	vsel vm3, $0x27FF, v34;
	v35 =	vsel vm3, $0x45000000, v35  }
0x90: {  	v36 =	vsel vm3, $0xFFF, v36;
	v37 =	vsel vm3, $0x47080000, v37;
	v38 =	vsel vm3, $0x8FFF, v38  }
0x91: {  	v39 =	vsel vm3, $0x46E00000, v39;
	v1 =	vsel vm2, $0x46C00000, v0;
	v0 =	vlaneseq.u32  }
0x92: {  	v5 =	vsel vm2, $0x46900000, v5;
	v6 =	vsel vm2, $0x4FFF, v6;
	v7 =	vsel vm2, $0x46400000, v7  }
0x93: {  	v8 =	vsel vm2, $0x37FF, v8;
	v9 =	vsel vm2, $0x45C00000, v9;
	v10 =	vsel vm2, $0x1FFF, v10  }
0x94: {  	v11 =	vsel vm2, $0x0, v11;
	v12 =	vsel vm2, $0x7FF, v12;
	v14 =	vsel vm2, $0x87FF, v14  }
0x95: {  	v15 =	vsel vm2, $0x46D00000, v15;
	v16 =	vsel vm2, $0x46A00000, v16;
	v18 =	vsel vm2, $0x57FF, v18  }
0x96: {  	v19 =	vsel vm2, $0x46600000, v19;
	v20 =	vsel vm2, $0x3FFF, v20;
	v21 =	vsel vm2, $0x46000000, v21  }
0x97: {  	v22 =	vsel vm2, $0x27FF, v22;
	v23 =	vsel vm2, $0x45000000, v23;
	v24 =	vsel vm2, $0xFFF, v24  }
0x98: {  	v25 =	vsel vm2, $0x47080000, v25;
	v26 =	vsel vm2, $0x8FFF, v26;
	v27 =	vsel vm2, $0x46E00000, v27  }
0x99: {  	v30 =	vsel vm2, $0x46B00000, v28;
	v29 =	vsel vm2, $0x5FFF, v29;
	v32 =	vsel vm2, $0x47FF, v32  }
0x9a: {  	v33 =	vsel vm2, $0x46200000, v33;
	v34 =	vsel vm2, $0x2FFF, v34;
	v35 =	vsel vm2, $0x45800000, v35  }
0x9b: {  	v36 =	vsel vm2, $0x17FF, v36;
	v37 =	vsel vm2, $0x47100000, v37;
	v38 =	vsel vm2, $0x97FF, v38  }
0x9c: {  	v39 =	vsel vm2, $0x46F00000, v39;
	v2 =	vsel vm1, $0x46D00000, v1;
	v40 =	vmul.u32 $0x800, v0  }
0x9d: {  	v1 =	vimm.f32 $0.0e+00;
	v5 =	vsel vm1, $0x46A00000, v5;
	v6 =	vsel vm1, $0x57FF, v6  }
0x9e: {  	v7 =	vsel vm1, $0x46600000, v7;
	v8 =	vsel vm1, $0x3FFF, v8;
	v9 =	vsel vm1, $0x46000000, v9  }
0x9f: {  	v10 =	vsel vm1, $0x27FF, v10;
	v11 =	vsel vm1, $0x45000000, v11;
	v12 =	vsel vm1, $0xFFF, v12  }
0xa0: {  	v14 =	vsel vm1, $0x8FFF, v14;
	v15 =	vsel vm1, $0x46E00000, v15;
	v17 =	vsel vm1, $0x46B00000, v16  }
0xa1: {  	v18 =	vsel vm1, $0x5FFF, v18;
	v19 =	vsel vm1, $0x46800000, v19;
	v20 =	vsel vm1, $0x47FF, v20  }
0xa2: {  	v21 =	vsel vm1, $0x46200000, v21;
	v22 =	vsel vm1, $0x2FFF, v22;
	v23 =	vsel vm1, $0x45800000, v23  }
0xa3: {  	v24 =	vsel vm1, $0x17FF, v24;
	v25 =	vsel vm1, $0x47100000, v25;
	v26 =	vsel vm1, $0x97FF, v26  }
0xa4: {  	v27 =	vsel vm1, $0x46F00000, v27;
	v30 =	vsel vm1, $0x46C00000, v30;
	v31 =	vsel vm1, $0x67FF, v29  }
0xa5: {  	v32 =	vsel vm1, $0x4FFF, v32;
	v33 =	vsel vm1, $0x46400000, v33;
	v34 =	vsel vm1, $0x37FF, v34  }
0xa6: {  	v35 =	vsel vm1, $0x45C00000, v35;
	v36 =	vsel vm1, $0x1FFF, v36;
	v37 =	vsel vm1, $0x0, v37  }
0xa7: {  	v38 =	vsel vm1, $0x7FF, v38;
	v39 =	vsel vm1, $0x47000000, v39;
	v2 =	vsel vm0, $0x46E00000, v2  }
0xa8: {  	v5 =	vsel vm0, $0x46B00000, v5;
	v6 =	vsel vm0, $0x5FFF, v6;
	v7 =	vsel vm0, $0x46800000, v7  }
0xa9: {  	v8 =	vsel vm0, $0x47FF, v8;
	v9 =	vsel vm0, $0x46200000, v9;
	v10 =	vsel vm0, $0x2FFF, v10  }
0xaa: {  	v13 =	vsel vm14, $0x46000000, v1;
	v11 =	vsel vm0, $0x45800000, v11;
	v12 =	vsel vm0, $0x17FF, v12  }
0xab: {  	v14 =	vsel vm0, $0x97FF, v14;
	v15 =	vsel vm0, $0x46F00000, v15;
	v17 =	vsel vm0, $0x46C00000, v17  }
0xac: {  	v18 =	vsel vm0, $0x67FF, v18;
	v19 =	vsel vm0, $0x46900000, v19;
	v20 =	vsel vm0, $0x4FFF, v20  }
0xad: {  	v21 =	vsel vm0, $0x46400000, v21;
	v22 =	vsel vm0, $0x37FF, v22;
	v23 =	vsel vm0, $0x45C00000, v23  }
0xae: {  	v29 =	vsel vm0, $0x46D00000, v30;
	v30 =	vsel vm0, $0x6FFF, v31;
	v31 =	vimm.f32 $2.252800000e+04  }
0xaf: {  	v24 =	vsel vm0, $0x1FFF, v24;
	v25 =	vsel vm0, $0x0, v25;
	v31 =	vsel vm14, $0x46F00000, v31  }
0xb0: {  	s0 =	srdreg.scid;
	v26 =	vsel vm0, $0x7FF, v26;
	v13 =	vsel vm13, $0x46200000, v13;
	v31 =	vsel vm13, $0x47000000, v31  }
0xb1: {  	s0 =	sand.u32 $0x1, s0;
	v27 =	vsel vm0, $0x47000000, v27;
	v13 =	vsel vm12, $0x46400000, v13;
	v31 =	vsel vm12, $0x47080000, v31  }
0xb2: {  	s5 =	stileid.u32;
	s3 =	sshll.u32 s0, $0x4;
	v32 =	vsel vm0, $0x57FF, v32;
	v13 =	vsel vm11, $0x46600000, v13;
	v31 =	vsel vm11, $0x47100000, v31  }
0xb3: {  	s1 =	rddreg [dreg:$0x0];
	s2 =	simm.s32 $0x0;
	s7 =	sor.u32 s5, s3;
	v33 =	vsel vm0, $0x46600000, v33;
	v13 =	vsel vm10, $0x46800000, v13;
	v31 =	vsel vm10, $0x0, v31  }
0xb4: {  	[smem:$0x7FF] =	sst s2;
	s0 =	ssub.s32 $0x2, s0;
	s3 =	sshrl.u32 s7, $0x3;
	v34 =	vsel vm0, $0x3FFF, v34;
	v13 =	vsel vm9, $0x46900000, v13;
	v31 =	vsel vm9, $0x45000000, v31  }
0xb5: {  	s5 =	sshll.u32 s5, $0x7;
	s8 =	sshrl.u32 s0, $0x1;
	s4 =	smul.u32 $0x98000, s3;
	v35 =	vsel vm0, $0x46000000, v35;
	v13 =	vsel vm8, $0x46A00000, v13;
	v31 =	vsel vm8, $0x45800000, v31  }
0xb6: {  	_ =	strace $0x8000004A;
	s5 =	sand.u32 $0x380, s5;
	s0 =	ssub.s32 s0, s8;
	v36 =	vsel vm0, $0x27FF, v36;
	v13 =	vsel vm7, $0x46B00000, v13;
	v31 =	vsel vm7, $0x45C00000, v31  }
0xb7: {  	s0 =	smax.u32 s0, $0x1;
	s6 =	sor.u32 s5, s4;
	s4 =	smul.u32 $0x98000, s7;
	v37 =	vsel vm0, $0x45000000, v37;
	v13 =	vsel vm6, $0x46C00000, v13;
	v31 =	vsel vm6, $0x46000000, v31  }
0xb8: {  	s3 =	sadd.s32 $0xA00, s1;
	[dreg:$0x5] =	wrdreg s0;
	s6 =	sshrl.u32 s6, $0x3;
	v38 =	vsel vm0, $0xFFF, v38;
	v13 =	vsel vm5, $0x46D00000, v13;
	v31 =	vsel vm5, $0x46200000, v31  }
0xb9: {  	s5 =	sadd.s32 $0x260A00, s1;
	s1 =	sadd.s32 s6, s1;
	s31 =	sshrl.u32 s4, $0x3;
	v39 =	vsel vm0, $0x47080000, v39;
	v13 =	vsel vm4, $0x46E00000, v13;
	v31 =	vsel vm4, $0x46400000, v31  }
0xba: {  	s6 =	sshll.u32 s7, $0xF;
	s7 =	sshll.u32 s7, $0xC;
	s8 =	sadd.s32 s3, s31;
	v3 =	vor.u32 $0x7FF, v40;
	v13 =	vsel vm3, $0x46F00000, v13;
	v31 =	vsel vm3, $0x46600000, v31  }
0xbb: {  	s16 =	simm.s32 $0x5000;
	s7 =	sadd.s32 s5, s7;
	[dreg:$0x2] =	wrdreg s8;
	v16 =	vadd.s32 $0xFFF, v40;
	v13 =	vsel vm2, $0x47000000, v13;
	v31 =	vsel vm2, $0x46800000, v31  }
0xbc: {  	s18 =	simm.s32 $0x4;
	s1 =	sadd.s32 $0x280A00, s1;
	[dreg:$0x3] =	wrdreg s7;
	v28 =	vadd.s32 $0x17FF, v40;
	v13 =	vsel vm1, $0x47080000, v13;
	v31 =	vsel vm1, $0x46900000, v31  }
0xbd: {  	s23 =	simm.s32 $0x0;
	[dreg:$0x4] =	wrdreg s1;
	s7 =	simm.s32 $0x0;
	v40 =	vadd.s32 $0x1FFF, v40;
	v13 =	vsel vm0, $0x47100000, v13;
	v31 =	vsel vm0, $0x46A00000, v31  }
.LBB2_1:
0xbe: {  	s0 =	simm.s32 $0x40;
	s1 =	simm.s32 $0x0  }
.LBB2_2:
0xbf: {  	p0 =	sne.s32 s0, $0x4BFC0;
	[tilespmem:s1+$0x5000] =	vst v1;
	s1 =	smov.u32 s0;
	s0 =	sadd.s32 $0x40, s0  }
.Ltmp0:
0xc0: {  	(pc) =	sbr.rel @p0 .LBB2_2-.Ltmp0, $2  }
0xc1: {  	_ =	sdelay $0x2  }
0xc2: {  	s1 =	sshra.s32 s1, $0x2  }
0xc3: {  	[dreg:$0x6] =	wrdreg s7  }
0xc4: {  	[tilespmem:s1+$0x5000] =	vst v1;
	s0 =	rddreg [dreg:$0x2]  }
0xc5: {  	[tilespmem:s23], [sflag:$0x1] =	stream.linear.gather [hbm4b:s0+s23], $0x2600, $0x38;
	[tilespmem:$0x18000] =	vst v63  }
0xc6: {  	s30 =	rddreg [dreg:$0x3];
	s31 =	simm.s32 $0x4C00;
	s24 =	simm.s32 $0x0  }
0xc7: {  	[tilespmem:s31], [sflag:$0x3] =	stream.linear.gather [hbm4b:s30+s23], $0x200, $0x38;
	[tilespmem:$0x18000] =	vst v63  }
.LBB2_4:
0xc8: {  	s0 =	sshllo.u32 s24, $0x1  }
0xc9: {  	s1 =	smul.u32 $0x2600, s0;
	_ =	sdelay $0x1  }
0xca: {  	s0 =	sshll.u32 s0, $0x9;
	s1 =	sadd.s32 s4, s1  }
0xcb: {  	s0 =	sadd.s32 s6, s0;
	s1 =	sshrl.u32 s1, $0x3  }
0xcc: {  	s7 =	simm.s32 $0x2600;
	s0 =	sshrl.u32 s0, $0x3;
	s1 =	sadd.s32 s3, s1  }
0xcd: {  	[tilespmem:s7], [sflag:$0x2] =	stream.linear.gather [hbm4b:s1+s23], $0x2600, $0x38;
	[tilespmem:$0x18000] =	vst v63  }
0xce: {  	s10 =	simm.s32 $0x4E00;
	s11 =	simm.s32 $0x1;
	s0 =	sadd.s32 s5, s0  }
0xcf: {  	[tilespmem:s10], [sflag:$0x4] =	stream.linear.gather [hbm4b:s0+s23], $0x200, $0x38;
	[tilespmem:$0x18000] =	vst v63  }
0xd0: {  	_ =	swait.ge [sflag:s11], $0x2600  }
0xd1: {  	[sflag:s11] =	ssyncset.done $0x0  }
0xd2: {  	s12 =	simm.s32 $0x3;
	[sflag:s11] =	ssyncadd.s32 $0xFFFFDA00  }
0xd3: {  	_ =	swait.ge [sflag:s12], $0x200  }
0xd4: {  	[sflag:s12] =	ssyncset.done $0x0  }
0xd5: {  	s25 =	simm.s32 $0x130;
	[sflag:s12] =	ssyncadd.s32 $0xFFFFFE00  }
0xd6: {  	v41 =	vld [tilespmem:s25+$0x0];
	_ =	sdelay $0x4  }
0xd7: {  	v41 =	vmul.f32 $2.048000000e+03, v41;
	_ =	sdelay $0x1  }
0xd8: {  	v41 =	vadd.f32 v2, v41;
	_ =	sdelay $0x1  }
0xd9: {  	v41 =	vtrunc.f32 v41  }
0xda: {  	v41 =	vcvt.f32.s32 v41;
	_ =	sdelay $0x1  }
0xdb: {  	vm0 =	vlt.s32 v41, v3  }
0xdc: {  	v41 =	vsel vm0, v41, v3;
	_ =	sdelay $0x3  }
0xdd: {  	v42 =	vld [tilespmem:s25+$0xFFFFFED0]  }
0xde: {  	[tilespmem:v41+s16+$0x0] =	vst.idx.add.f32.msk $0xffff, v4  }
0xdf: {  	v41 =	vld [tilespmem:s25+$0x10];
	_ =	sdelay $0x2  }
0xe0: {  	v42 =	vmul.f32 $2.048000000e+03, v42;
	_ =	sdelay $0x1  }
0xe1: {  	v42 =	vadd.f32 v2, v42;
	v41 =	vmul.f32 $2.048000000e+03, v41;
	_ =	sdelay $0x1  }
0xe2: {  	v42 =	vtrunc.f32 v42;
	v41 =	vadd.f32 v5, v41  }
0xe3: {  	v42 =	vcvt.f32.s32 v42  }
0xe4: {  	v41 =	vtrunc.f32 v41  }
0xe5: {  	vm8 =	vlt.s32 v42, v3;
	v41 =	vcvt.f32.s32 v41  }
0xe6: {  	v42 =	vsel vm8, v42, v3  }
0xe7: {  	vm9 =	vlt.s32 v41, v6  }
0xe8: {  	v41 =	vsel vm9, v41, v6;
	_ =	sdelay $0x2  }
0xe9: {  	[tilespmem:v42+s16+$0x0] =	vst.idx.add.f32.msk $0xffff, v4  }
0xea: {  	v42 =	vld [tilespmem:s25+$0xFFFFFEE0]  }
0xeb: {  	[tilespmem:v41+s16+$0x0] =	vst.idx.add.f32.msk $0xffff, v4  }
0xec: {  	v41 =	vld [tilespmem:s25+$0x20];
	_ =	sdelay $0x4  }
0xed: {  	v41 =	vmul.f32 $2.048000000e+03, v41;
	_ =	sdelay $0x1  }
0xee: {  	v41 =	vadd.f32 v7, v41;
	_ =	sdelay $0x1  }
0xef: {  	v41 =	vtrunc.f32 v41  }
0xf0: {  	v41 =	vcvt.f32.s32 v41;
	_ =	sdelay $0x1  }
0xf1: {  	vm10 =	vlt.s32 v41, v8  }
0xf2: {  	v41 =	vsel vm10, v41, v8;
	_ =	sdelay $0x4  }
0xf3: {  	[tilespmem:v41+s16+$0x0] =	vst.idx.add.f32.msk $0xffff, v4  }
0xf4: {  	v41 =	vld [tilespmem:s25+$0x30]  }
0xf5: {  	v42 =	vmul.f32 $2.048000000e+03, v42;
	_ =	sdelay $0x1  }
0xf6: {  	v42 =	vadd.f32 v5, v42;
	_ =	sdelay $0x1  }
0xf7: {  	v42 =	vtrunc.f32 v42;
	v41 =	vmul.f32 $2.048000000e+03, v41  }
0xf8: {  	v42 =	vcvt.f32.s32 v42  }
0xf9: {  	s26 =	simm.s32 $0x390;
	v41 =	vadd.f32 v9, v41  }
0xfa: {  	vm12 =	vlt.s32 v42, v6;
	v43 =	vld [tilespmem:s26+$0x0]  }
0xfb: {  	v42 =	vsel vm12, v42, v6;
	v41 =	vtrunc.f32 v41  }
0xfc: {  	v41 =	vcvt.f32.s32 v41;
	_ =	sdelay $0x1  }
0xfd: {  	vm11 =	vlt.s32 v41, v10  }
0xfe: {  	v43 =	vmul.f32 $2.048000000e+03, v43;
	v41 =	vsel vm11, v41, v10  }
0xff: {  	[tilespmem:v42+s16+$0x0] =	vst.idx.add.f32.msk $0xffff, v4  }
0x100: {  	v56 =	vld [tilespmem:s25+$0xFFFFFEF0];
	v43 =	vadd.f32 v2, v43;
	_ =	sdelay $0x1  }
0x101: {  	v43 =	vtrunc.f32 v43  }
0x102: {  	v55 =	vcvt.f32.s32 v43;
	[tilespmem:v41+s16+$0x0] =	vst.idx.add.f32.msk $0xffff, v4  }
0x103: {  	v41 =	vld [tilespmem:s25+$0x40]  }
0x104: {  	v43 =	vmul.f32 $2.048000000e+03, v56;
	vm13 =	vlt.s32 v55, v3  }
0x105: {  	v42 =	vsel vm13, v55, v3  }
0x106: {  	v43 =	vadd.f32 v7, v43;
	_ =	sdelay $0x1  }
0x107: {  	v44 =	vld [tilespmem:s26+$0xFFFFFED0];
	v43 =	vtrunc.f32 v43;
	v41 =	vmul.f32 $2.048000000e+03, v41  }
0x108: {  	v43 =	vcvt.f32.s32 v43  }
0x109: {  	[tilespmem:v42+s16+$0x0] =	vst.idx.add.f32.msk $0xffff, v4;
	v41 =	vadd.f32 v11, v41  }
0x10a: {  	vm15 =	vlt.s32 v43, v8;
	v58 =	vld [tilespmem:s26+$0x10]  }
0x10b: {  	v43 =	vsel vm15, v43, v8;
	v41 =	vtrunc.f32 v41  }
0x10c: {  	v57 =	vmul.f32 $2.048000000e+03, v44;
	v41 =	vcvt.f32.s32 v41;
	_ =	sdelay $0x1  }
0x10d: {  	v42 =	vadd.f32 v2, v57;
	vm14 =	vlt.s32 v41, v12  }
0x10e: {  	v44 =	vmul.f32 $2.048000000e+03, v58;
	v41 =	vsel vm14, v41, v12  }
0x10f: {  	v42 =	vtrunc.f32 v42;
	[tilespmem:v43+s16+$0x0] =	vst.idx.add.f32.msk $0xffff, v4  }
0x110: {  	v42 =	vcvt.f32.s32 v42;
	v60 =	vld [tilespmem:s25+$0xFFFFFF00];
	v44 =	vadd.f32 v5, v44;
	_ =	sdelay $0x1  }
0x111: {  	vm4 =	vlt.s32 v42, v3;
	v44 =	vtrunc.f32 v44  }
0x112: {  	s13 =	sand.u32 $0x3FE0, s23;
	v42 =	vsel vm4, v42, v3;
	v59 =	vcvt.f32.s32 v44;
	[tilespmem:v41+s16+$0x0] =	vst.idx.add.f32.msk $0xffff, v4  }
0x113: {  	v41 =	vld [tilespmem:s13+$0x180]  }
0x114: {  	v44 =	vmul.f32 $2.048000000e+03, v60;
	vm5 =	vlt.s32 v59, v6  }
0x115: {  	v61 =	vsel vm5, v59, v6  }
0x116: {  	v44 =	vadd.f32 v9, v44  }
0x117: {  	[tilespmem:v42+s16+$0x0] =	vst.idx.add.f32.msk $0xffff, v4  }
0x118: {  	v62 =	vld [tilespmem:s26+$0xFFFFFEE0];
	v44 =	vtrunc.f32 v44;
	v41 =	vmul.f32 $2.048000000e+03, v41  }
0x119: {  	v44 =	vcvt.f32.s32 v44  }
0x11a: {  	[tilespmem:v61+s16+$0x0] =	vst.idx.add.f32.msk $0xffff, v4;
	v41 =	vadd.f32 v13, v41  }
0x11b: {  	vm7 =	vlt.s32 v44, v10;
	v48 =	vld [tilespmem:s26+$0x20]  }
0x11c: {  	v44 =	vsel vm7, v44, v10;
	v41 =	vtrunc.f32 v41  }
0x11d: {  	v63 =	vmul.f32 $2.048000000e+03, v62;
	v41 =	vcvt.f32.s32 v41;
	_ =	sdelay $0x1  }
0x11e: {  	v42 =	vadd.f32 v5, v63;
	vm6 =	vlt.s32 v41, v14  }
0x11f: {  	v43 =	vmul.f32 $2.048000000e+03, v48;
	v41 =	vsel vm6, v41, v14  }
0x120: {  	v42 =	vtrunc.f32 v42;
	[tilespmem:v44+s16+$0x0] =	vst.idx.add.f32.msk $0xffff, v4  }
0x121: {  	v42 =	vcvt.f32.s32 v42;
	v44 =	vld [tilespmem:s25+$0xFFFFFF10];
	v43 =	vadd.f32 v7, v43;
	_ =	sdelay $0x1  }
0x122: {  	vm8 =	vlt.s32 v42, v6;
	v43 =	vtrunc.f32 v43  }
0x123: {  	v42 =	vsel vm8, v42, v6;
	v43 =	vcvt.f32.s32 v43;
	[tilespmem:v41+s16+$0x0] =	vst.idx.add.f32.msk $0xffff, v4  }
0x124: {  	v41 =	vld [tilespmem:s25+$0x60]  }
0x125: {  	v44 =	vmul.f32 $2.048000000e+03, v44;
	vm9 =	vlt.s32 v43, v8  }
0x126: {  	v49 =	vsel vm9, v43, v8  }
0x127: {  	v44 =	vadd.f32 v11, v44  }
0x128: {  	[tilespmem:v42+s16+$0x0] =	vst.idx.add.f32.msk $0xffff, v4  }
0x129: {  	v50 =	vld [tilespmem:s26+$0xFFFFFEF0];
	v44 =	vtrunc.f32 v44;
	v41 =	vmul.f32 $2.048000000e+03, v41  }
0x12a: {  	v44 =	vcvt.f32.s32 v44  }
0x12b: {  	[tilespmem:v49+s16+$0x0] =	vst.idx.add.f32.msk $0xffff, v4;
	v41 =	vadd.f32 v15, v41  }
0x12c: {  	vm11 =	vlt.s32 v44, v12;
	v52 =	vld [tilespmem:s26+$0x30]  }
0x12d: {  	v44 =	vsel vm11, v44, v12;
	v41 =	vtrunc.f32 v41  }
0x12e: {  	v51 =	vmul.f32 $2.048000000e+03, v50;
	v41 =	vcvt.f32.s32 v41;
	_ =	sdelay $0x1  }
0x12f: {  	v42 =	vadd.f32 v7, v51;
	vm10 =	vlt.s32 v41, v16  }
0x130: {  	v43 =	vmul.f32 $2.048000000e+03, v52;
	v41 =	vsel vm10, v41, v16  }
0x131: {  	v42 =	vtrunc.f32 v42;
	[tilespmem:v44+s16+$0x0] =	vst.idx.add.f32.msk $0xffff, v4  }
0x132: {  	v42 =	vcvt.f32.s32 v42;
	v44 =	vld [tilespmem:s25+$0xFFFFFF20];
	v43 =	vadd.f32 v9, v43;
	_ =	sdelay $0x1  }
0x133: {  	vm12 =	vlt.s32 v42, v8;
	v43 =	vtrunc.f32 v43  }
0x134: {  	v42 =	vsel vm12, v42, v8;
	v43 =	vcvt.f32.s32 v43;
	[tilespmem:v41+s16+$0x0] =	vst.idx.add.f32.msk $0xffff, v4  }
0x135: {  	v41 =	vld [tilespmem:s25+$0x70]  }
0x136: {  	v44 =	vmul.f32 $2.048000000e+03, v44;
	vm13 =	vlt.s32 v43, v10  }
0x137: {  	v53 =	vsel vm13, v43, v10  }
0x138: {  	v44 =	vadd.f32 v13, v44  }
0x139: {  	[tilespmem:v42+s16+$0x0] =	vst.idx.add.f32.msk $0xffff, v4  }
0x13a: {  	v54 =	vld [tilespmem:s26+$0xFFFFFF00];
	v44 =	vtrunc.f32 v44;
	v41 =	vmul.f32 $2.048000000e+03, v41  }
0x13b: {  	v44 =	vcvt.f32.s32 v44  }
0x13c: {  	[tilespmem:v53+s16+$0x0] =	vst.idx.add.f32.msk $0xffff, v4;
	v41 =	vadd.f32 v17, v41  }
0x13d: {  	vm15 =	vlt.s32 v44, v14;
	v56 =	vld [tilespmem:s26+$0x40]  }
0x13e: {  	s28 =	simm.s32 $0x5F0;
	v44 =	vsel vm15, v44, v14;
	v41 =	vtrunc.f32 v41  }
0x13f: {  	v45 =	vld [tilespmem:s28+$0x0];
	v55 =	vmul.f32 $2.048000000e+03, v54;
	v41 =	vcvt.f32.s32 v41;
	_ =	sdelay $0x1  }
0x140: {  	v42 =	vadd.f32 v9, v55;
	vm14 =	vlt.s32 v41, v18  }
0x141: {  	v43 =	vmul.f32 $2.048000000e+03, v56;
	v41 =	vsel vm14, v41, v18  }
0x142: {  	v42 =	vtrunc.f32 v42;
	[tilespmem:v44+s16+$0x0] =	vst.idx.add.f32.msk $0xffff, v4  }
0x143: {  	v45 =	vmul.f32 $2.048000000e+03, v45;
	v42 =	vcvt.f32.s32 v42;
	v58 =	vld [tilespmem:s25+$0xFFFFFF30];
	v43 =	vadd.f32 v11, v43  }
0x144: {  	v46 =	vld [tilespmem:s28+$0xFFFFFED0]  }
0x145: {  	v45 =	vadd.f32 v2, v45;
	vm4 =	vlt.s32 v42, v10;
	v43 =	vtrunc.f32 v43  }
0x146: {  	v42 =	vsel vm4, v42, v10;
	v43 =	vcvt.f32.s32 v43;
	[tilespmem:v41+s16+$0x0] =	vst.idx.add.f32.msk $0xffff, v4  }
0x147: {  	v45 =	vtrunc.f32 v45;
	v41 =	vld [tilespmem:s25+$0x80]  }
0x148: {  	v45 =	vcvt.f32.s32 v45;
	v62 =	vmul.f32 $2.048000000e+03, v58;
	vm6 =	vlt.s32 v43, v12  }
0x149: {  	v60 =	vmul.f32 $2.048000000e+03, v46;
	v59 =	vsel vm6, v43, v12  }
0x14a: {  	vm5 =	vlt.s32 v45, v3;
	v44 =	vadd.f32 v15, v62  }
0x14b: {  	v57 =	vsel vm5, v45, v3;
	[tilespmem:v42+s16+$0x0] =	vst.idx.add.f32.msk $0xffff, v4;
	v43 =	vadd.f32 v2, v60  }
0x14c: {  	v61 =	vld [tilespmem:s26+$0xFFFFFF10];
	v44 =	vtrunc.f32 v44;
	v41 =	vmul.f32 $2.048000000e+03, v41  }
0x14d: {  	s14 =	simm.s32 $0x260;
	v43 =	vtrunc.f32 v43;
	v44 =	vcvt.f32.s32 v44  }
0x14e: {  	s9 =	sand.u32 $0x3FE0, s14;
	v48 =	vcvt.f32.s32 v43;
	[tilespmem:v59+s16+$0x0] =	vst.idx.add.f32.msk $0xffff, v4;
	v41 =	vadd.f32 v19, v41  }
0x14f: {  	vm9 =	vlt.s32 v44, v16;
	v49 =	vld [tilespmem:s9+$0x180]  }
0x150: {  	[tilespmem:v57+s16+$0x0] =	vst.idx.add.f32.msk $0xffff, v4;
	vm8 =	vlt.s32 v48, v3;
	v44 =	vsel vm9, v44, v16;
	v41 =	vtrunc.f32 v41  }
0x151: {  	v63 =	vld [tilespmem:s28+$0x10];
	v46 =	vmul.f32 $2.048000000e+03, v61;
	v50 =	vsel vm8, v48, v3;
	v41 =	vcvt.f32.s32 v41;
	_ =	sdelay $0x1  }
0x152: {  	v51 =	vadd.f32 v11, v46;
	vm7 =	vlt.s32 v41, v20  }
0x153: {  	v43 =	vmul.f32 $2.048000000e+03, v49;
	v41 =	vsel vm7, v41, v20  }
0x154: {  	v42 =	vtrunc.f32 v51;
	[tilespmem:v44+s16+$0x0] =	vst.idx.add.f32.msk $0xffff, v4  }
0x155: {  	v45 =	vmul.f32 $2.048000000e+03, v63;
	v42 =	vcvt.f32.s32 v42;
	[tilespmem:v50+s16+$0x0] =	vst.idx.add.f32.msk $0xffff, v4;
	v43 =	vadd.f32 v13, v43  }
0x156: {  	v54 =	vld [tilespmem:s28+$0xFFFFFEE0]  }
0x157: {  	v45 =	vadd.f32 v5, v45;
	vm10 =	vlt.s32 v42, v12;
	v56 =	vld [tilespmem:s25+$0xFFFFFF40];
	v43 =	vtrunc.f32 v43  }
0x158: {  	v42 =	vsel vm10, v42, v12;
	v43 =	vcvt.f32.s32 v43;
	[tilespmem:v41+s16+$0x0] =	vst.idx.add.f32.msk $0xffff, v4  }
0x159: {  	v45 =	vtrunc.f32 v45;
	v52 =	vld [tilespmem:s25+$0x90]  }
0x15a: {  	v45 =	vcvt.f32.s32 v45;
	vm12 =	vlt.s32 v43, v14  }
0x15b: {  	v57 =	vmul.f32 $2.048000000e+03, v54;
	v43 =	vsel vm12, v43, v14  }
0x15c: {  	vm11 =	vlt.s32 v45, v6  }
0x15d: {  	v55 =	vsel vm11, v45, v6;
	[tilespmem:v42+s16+$0x0] =	vst.idx.add.f32.msk $0xffff, v4;
	v58 =	vmul.f32 $2.048000000e+03, v56;
	v42 =	vadd.f32 v5, v57  }
0x15e: {  	v53 =	vmul.f32 $2.048000000e+03, v52  }
0x15f: {  	v44 =	vadd.f32 v17, v58;
	v42 =	vtrunc.f32 v42  }
0x160: {  	v42 =	vcvt.f32.s32 v42;
	[tilespmem:v43+s16+$0x0] =	vst.idx.add.f32.msk $0xffff, v4;
	v41 =	vadd.f32 v21, v53  }
0x161: {  	v44 =	vtrunc.f32 v44;
	v43 =	vld [tilespmem:s26+$0x60]  }
0x162: {  	[tilespmem:v55+s16+$0x0] =	vst.idx.add.f32.msk $0xffff, v4;
	v44 =	vcvt.f32.s32 v44;
	vm14 =	vlt.s32 v42, v6;
	v41 =	vtrunc.f32 v41  }
0x163: {  	v60 =	vld [tilespmem:s26+$0xFFFFFF20];
	v42 =	vsel vm14, v42, v6;
	v41 =	vcvt.f32.s32 v41  }
0x164: {  	v59 =	vld [tilespmem:s28+$0x20];
	vm15 =	vlt.s32 v44, v18  }
0x165: {  	v44 =	vsel vm15, v44, v18;
	vm13 =	vlt.s32 v41, v22  }
0x166: {  	v43 =	vmul.f32 $2.048000000e+03, v43;
	v41 =	vsel vm13, v41, v22;
	_ =	sdelay $0x1  }
0x167: {  	v46 =	vmul.f32 $2.048000000e+03, v60;
	[tilespmem:v42+s16+$0x0] =	vst.idx.add.f32.msk $0xffff, v4;
	v43 =	vadd.f32 v15, v43  }
0x168: {  	v61 =	vmul.f32 $2.048000000e+03, v59;
	v49 =	vld [tilespmem:s28+$0xFFFFFEF0]  }
0x169: {  	v46 =	vadd.f32 v13, v46;
	[tilespmem:v44+s16+$0x0] =	vst.idx.add.f32.msk $0xffff, v4;
	v43 =	vtrunc.f32 v43  }
0x16a: {  	v43 =	vcvt.f32.s32 v43;
	[tilespmem:v41+s16+$0x0] =	vst.idx.add.f32.msk $0xffff, v4;
	v41 =	vadd.f32 v7, v61  }
0x16b: {  	v46 =	vtrunc.f32 v46;
	v62 =	vld [tilespmem:s25+$0xA0]  }
0x16c: {  	v48 =	vcvt.f32.s32 v46;
	v44 =	vld [tilespmem:s13+$0x80];
	vm6 =	vlt.s32 v43, v16;
	v41 =	vtrunc.f32 v41  }
0x16d: {  	v46 =	vmul.f32 $2.048000000e+03, v49;
	v43 =	vsel vm6, v43, v16;
	v41 =	vcvt.f32.s32 v41;
	_ =	sdelay $0x1  }
0x16e: {  	v51 =	vadd.f32 v7, v46;
	vm4 =	vlt.s32 v41, v8  }
0x16f: {  	v63 =	vmul.f32 $2.048000000e+03, v62;
	v41 =	vsel vm4, v41, v8  }
0x170: {  	v50 =	vmul.f32 $2.048000000e+03, v44;
	v44 =	vtrunc.f32 v51  }
0x171: {  	[tilespmem:v43+s16+$0x0] =	vst.idx.add.f32.msk $0xffff, v4;
	v53 =	vcvt.f32.s32 v44;
	v42 =	vadd.f32 v23, v63  }
0x172: {  	vm5 =	vlt.s32 v48, v14;
	v54 =	vld [tilespmem:s26+$0x70]  }
0x173: {  	v45 =	vsel vm5, v48, v14;
	vm8 =	vlt.s32 v53, v8;
	v42 =	vtrunc.f32 v42  }
0x174: {  	v43 =	vsel vm8, v53, v8;
	v42 =	vcvt.f32.s32 v42;
	[tilespmem:v41+s16+$0x0] =	vst.idx.add.f32.msk $0xffff, v4  }
0x175: {  	v52 =	vld [tilespmem:s28+$0x30]  }
0x176: {  	v41 =	vadd.f32 v19, v50;
	vm7 =	vlt.s32 v42, v24  }
0x177: {  	v44 =	vmul.f32 $2.048000000e+03, v54;
	v42 =	vsel vm7, v42, v24  }
0x178: {  	[tilespmem:v45+s16+$0x0] =	vst.idx.add.f32.msk $0xffff, v4;
	v41 =	vtrunc.f32 v41  }
0x179: {  	v44 =	vadd.f32 v17, v44;
	[tilespmem:v43+s16+$0x0] =	vst.idx.add.f32.msk $0xffff, v4;
	v41 =	vcvt.f32.s32 v41  }
0x17a: {  	v58 =	vld [tilespmem:s28+$0xFFFFFF00];
	v55 =	vmul.f32 $2.048000000e+03, v52  }
0x17b: {  	v45 =	vld [tilespmem:s26+$0xFFFFFF30];
	v44 =	vtrunc.f32 v44;
	vm9 =	vlt.s32 v41, v20  }
0x17c: {  	v60 =	vcvt.f32.s32 v44;
	v41 =	vsel vm9, v41, v20;
	[tilespmem:v42+s16+$0x0] =	vst.idx.add.f32.msk $0xffff, v4;
	v42 =	vadd.f32 v9, v55  }
0x17d: {  	v56 =	vld [tilespmem:s25+$0xB0]  }
0x17e: {  	vm11 =	vlt.s32 v60, v18;
	v42 =	vtrunc.f32 v42  }
0x17f: {  	s29 =	simm.s32 $0x850;
	v43 =	vsel vm11, v60, v18;
	v46 =	vmul.f32 $2.048000000e+03, v58;
	v42 =	vcvt.f32.s32 v42  }
0x180: {  	v47 =	vld [tilespmem:s29+$0x0]  }
0x181: {  	v63 =	vadd.f32 v9, v46;
	[tilespmem:v41+s16+$0x0] =	vst.idx.add.f32.msk $0xffff, v4;
	vm10 =	vlt.s32 v42, v10  }
0x182: {  	v45 =	vmul.f32 $2.048000000e+03, v45;
	v61 =	vld [tilespmem:s25+$0xFFFFFF60];
	v57 =	vmul.f32 $2.048000000e+03, v56;
	v42 =	vsel vm10, v42, v10  }
0x183: {  	v44 =	vtrunc.f32 v63  }
0x184: {  	v45 =	vadd.f32 v15, v45;
	[tilespmem:v43+s16+$0x0] =	vst.idx.add.f32.msk $0xffff, v4;
	v44 =	vcvt.f32.s32 v44;
	v59 =	vadd.f32 v25, v57  }
0x185: {  	v49 =	vmul.f32 $2.048000000e+03, v47;
	v50 =	vld [tilespmem:s26+$0x80]  }
0x186: {  	v45 =	vtrunc.f32 v45;
	vm14 =	vlt.s32 v44, v10;
	v41 =	vtrunc.f32 v59  }
0x187: {  	v44 =	vsel vm14, v44, v10;
	v62 =	vmul.f32 $2.048000000e+03, v61;
	v41 =	vcvt.f32.s32 v41;
	[tilespmem:v42+s16+$0x0] =	vst.idx.add.f32.msk $0xffff, v4  }
0x188: {  	v45 =	vcvt.f32.s32 v45;
	v48 =	vld [tilespmem:s28+$0x40]  }
0x189: {  	v43 =	vadd.f32 v2, v49;
	v42 =	vadd.f32 v21, v62;
	vm13 =	vlt.s32 v41, v26  }
0x18a: {  	v47 =	vmul.f32 $2.048000000e+03, v50;
	v41 =	vsel vm13, v41, v26  }
0x18b: {  	vm12 =	vlt.s32 v45, v16;
	v43 =	vtrunc.f32 v43;
	v42 =	vtrunc.f32 v42  }
0x18c: {  	v43 =	vcvt.f32.s32 v43;
	v47 =	vadd.f32 v19, v47;
	[tilespmem:v44+s16+$0x0] =	vst.idx.add.f32.msk $0xffff, v4;
	v42 =	vcvt.f32.s32 v42  }
0x18d: {  	v45 =	vsel vm12, v45, v16;
	v51 =	vmul.f32 $2.048000000e+03, v48;
	v48 =	vld [tilespmem:s29+$0xFFFFFED0]  }
0x18e: {  	vm4 =	vlt.s32 v43, v3;
	v47 =	vtrunc.f32 v47;
	v56 =	vld [tilespmem:s28+$0xFFFFFF10];
	vm15 =	vlt.s32 v42, v22  }
0x18f: {  	v47 =	vcvt.f32.s32 v47;
	v42 =	vsel vm15, v42, v22;
	[tilespmem:v41+s16+$0x0] =	vst.idx.add.f32.msk $0xffff, v4;
	v41 =	vadd.f32 v11, v51  }
0x190: {  	v43 =	vsel vm4, v43, v3  }
0x191: {  	vm6 =	vlt.s32 v47, v20;
	v52 =	vld [tilespmem:s25+$0xC0];
	v41 =	vtrunc.f32 v41  }
0x192: {  	[tilespmem:v45+s16+$0x0] =	vst.idx.add.f32.msk $0xffff, v4;
	v60 =	vsel vm6, v47, v20;
	v41 =	vcvt.f32.s32 v41;
	v57 =	vmul.f32 $2.048000000e+03, v48  }
0x193: {  	v53 =	vld [tilespmem:s26+$0xFFFFFF40]  }
0x194: {  	v46 =	vmul.f32 $2.048000000e+03, v56;
	[tilespmem:v42+s16+$0x0] =	vst.idx.add.f32.msk $0xffff, v4;
	vm5 =	vlt.s32 v41, v12;
	v42 =	vadd.f32 v2, v57  }
0x195: {  	[tilespmem:v43+s16+$0x0] =	vst.idx.add.f32.msk $0xffff, v4;
	v41 =	vsel vm5, v41, v12  }
0x196: {  	v61 =	vld [tilespmem:s29+$0x10];
	v63 =	vadd.f32 v11, v46;
	v54 =	vmul.f32 $2.048000000e+03, v52;
	v42 =	vtrunc.f32 v42  }
0x197: {  	[tilespmem:v60+s16+$0x0] =	vst.idx.add.f32.msk $0xffff, v4;
	v62 =	vcvt.f32.s32 v42  }
0x198: {  	v58 =	vld [tilespmem:s25+$0xFFFFFF70];
	v44 =	vadd.f32 v27, v54;
	v42 =	vtrunc.f32 v63  }
0x199: {  	v54 =	vld [tilespmem:s26+$0x90];
	v42 =	vcvt.f32.s32 v42;
	vm9 =	vlt.s32 v62, v3  }
0x19a: {  	s15 =	simm.s32 $0x4C0;
	v55 =	vmul.f32 $2.048000000e+03, v53;
	v44 =	vtrunc.f32 v44;
	[tilespmem:v41+s16+$0x0] =	vst.idx.add.f32.msk $0xffff, v4;
	v41 =	vsel vm9, v62, v3  }
0x19b: {  	s17 =	sand.u32 $0x3FE0, s15;
	v59 =	vcvt.f32.s32 v44;
	vm10 =	vlt.s32 v42, v12  }
0x19c: {  	v45 =	vadd.f32 v17, v55;
	v53 =	vmul.f32 $2.048000000e+03, v61;
	v52 =	vld [tilespmem:s17+$0x180];
	v42 =	vsel vm10, v42, v12  }
0x19d: {  	vm7 =	vlt.s32 v59, v28  }
0x19e: {  	v45 =	vtrunc.f32 v45;
	v44 =	vadd.f32 v5, v53;
	v43 =	vsel vm7, v59, v28  }
0x19f: {  	v48 =	vmul.f32 $2.048000000e+03, v58;
	v58 =	vmul.f32 $2.048000000e+03, v54;
	[tilespmem:v41+s16+$0x0] =	vst.idx.add.f32.msk $0xffff, v4  }
0x1a0: {  	v45 =	vcvt.f32.s32 v45;
	v44 =	vtrunc.f32 v44;
	v60 =	vld [tilespmem:s29+$0xFFFFFEE0]  }
0x1a1: {  	v57 =	vcvt.f32.s32 v44;
	v44 =	vadd.f32 v21, v58;
	v55 =	vmul.f32 $2.048000000e+03, v52;
	[tilespmem:v42+s16+$0x0] =	vst.idx.add.f32.msk $0xffff, v4  }
0x1a2: {  	vm8 =	vlt.s32 v45, v18;
	v48 =	vadd.f32 v23, v48;
	v63 =	vld [tilespmem:s28+$0xFFFFFF20]  }
0x1a3: {  	v45 =	vsel vm8, v45, v18;
	v44 =	vtrunc.f32 v44;
	[tilespmem:v43+s16+$0x0] =	vst.idx.add.f32.msk $0xffff, v4;
	v43 =	vadd.f32 v13, v55  }
0x1a4: {  	v48 =	vtrunc.f32 v48;
	vm11 =	vlt.s32 v57, v6;
	v44 =	vcvt.f32.s32 v44  }
0x1a5: {  	v59 =	vcvt.f32.s32 v48;
	v41 =	vsel vm11, v57, v6;
	v56 =	vld [tilespmem:s13+$0x200];
	v43 =	vtrunc.f32 v43  }
0x1a6: {  	vm13 =	vlt.s32 v44, v22;
	v43 =	vcvt.f32.s32 v43;
	v47 =	vmul.f32 $2.048000000e+03, v60  }
0x1a7: {  	vm12 =	vlt.s32 v59, v24;
	v44 =	vsel vm13, v44, v22  }
0x1a8: {  	[tilespmem:v45+s16+$0x0] =	vst.idx.add.f32.msk $0xffff, v4;
	v52 =	vmul.f32 $2.048000000e+03, v63;
	vm1 =	vlt.s32 v43, v14;
	v47 =	vadd.f32 v5, v47  }
0x1a9: {  	v61 =	vld [tilespmem:s9+$0x80];
	v45 =	vsel vm12, v59, v24;
	v43 =	vsel vm1, v43, v14  }
0x1aa: {  	[tilespmem:v41+s16+$0x0] =	vst.idx.add.f32.msk $0xffff, v4;
	v62 =	vmul.f32 $2.048000000e+03, v56;
	v41 =	vadd.f32 v13, v52;
	v47 =	vtrunc.f32 v47  }
0x1ab: {  	v53 =	vld [tilespmem:s29+$0x20];
	v54 =	vcvt.f32.s32 v47  }
0x1ac: {  	[tilespmem:v44+s16+$0x0] =	vst.idx.add.f32.msk $0xffff, v4;
	v42 =	vadd.f32 v29, v62;
	v41 =	vtrunc.f32 v41  }
0x1ad: {  	v44 =	vld [tilespmem:s26+$0xA0];
	v41 =	vcvt.f32.s32 v41;
	vm15 =	vlt.s32 v54, v6  }
0x1ae: {  	v42 =	vtrunc.f32 v42;
	[tilespmem:v43+s16+$0x0] =	vst.idx.add.f32.msk $0xffff, v4;
	v43 =	vsel vm15, v54, v6  }
0x1af: {  	v48 =	vmul.f32 $2.048000000e+03, v61;
	[tilespmem:v45+s16+$0x0] =	vst.idx.add.f32.msk $0xffff, v4;
	v42 =	vcvt.f32.s32 v42;
	vm4 =	vlt.s32 v41, v14  }
0x1b0: {  	v55 =	vld [tilespmem:s28+$0x60];
	v41 =	vsel vm4, v41, v14  }
0x1b1: {  	v48 =	vadd.f32 v19, v48;
	v57 =	vld [tilespmem:s25+$0xFFFFFF80];
	vm14 =	vlt.s32 v42, v30  }
0x1b2: {  	v61 =	vmul.f32 $2.048000000e+03, v44;
	v42 =	vsel vm14, v42, v30  }
0x1b3: {  	v56 =	vtrunc.f32 v48;
	v46 =	vmul.f32 $2.048000000e+03, v53;
	[tilespmem:v43+s16+$0x0] =	vst.idx.add.f32.msk $0xffff, v4  }
0x1b4: {  	v45 =	vcvt.f32.s32 v56;
	v43 =	vadd.f32 v23, v61;
	v63 =	vld [tilespmem:s29+$0xFFFFFEF0]  }
0x1b5: {  	v58 =	vadd.f32 v7, v46;
	v59 =	vmul.f32 $2.048000000e+03, v55;
	[tilespmem:v41+s16+$0x0] =	vst.idx.add.f32.msk $0xffff, v4  }
0x1b6: {  	vm5 =	vlt.s32 v45, v20;
	v62 =	vmul.f32 $2.048000000e+03, v57;
	v53 =	vld [tilespmem:s28+$0xFFFFFF30];
	v43 =	vtrunc.f32 v43  }
0x1b7: {  	[tilespmem:v42+s16+$0x0] =	vst.idx.add.f32.msk $0xffff, v4;
	v42 =	vtrunc.f32 v58;
	v46 =	vadd.f32 v15, v59;
	v43 =	vcvt.f32.s32 v43  }
0x1b8: {  	v45 =	vsel vm5, v45, v20;
	v60 =	vld [tilespmem:s25+$0xE0];
	v42 =	vcvt.f32.s32 v42  }
0x1b9: {  	v44 =	vadd.f32 v25, v62;
	v46 =	vtrunc.f32 v46;
	vm8 =	vlt.s32 v43, v24  }
0x1ba: {  	vm6 =	vlt.s32 v42, v8;
	v48 =	vmul.f32 $2.048000000e+03, v63;
	v43 =	vsel vm8, v43, v24  }
0x1bb: {  	v46 =	vcvt.f32.s32 v46;
	v42 =	vsel vm6, v42, v8  }
0x1bc: {  	v44 =	vtrunc.f32 v44;
	v47 =	vmul.f32 $2.048000000e+03, v53;
	v48 =	vadd.f32 v7, v48  }
0x1bd: {  	[tilespmem:v45+s16+$0x0] =	vst.idx.add.f32.msk $0xffff, v4;
	v44 =	vcvt.f32.s32 v44;
	vm7 =	vlt.s32 v46, v16;
	v52 =	vmul.f32 $2.048000000e+03, v60  }
0x1be: {  	v55 =	vld [tilespmem:s26+$0xFFFFFF60];
	v54 =	vsel vm7, v46, v16;
	v47 =	vadd.f32 v15, v47;
	v48 =	vtrunc.f32 v48  }
0x1bf: {  	vm9 =	vlt.s32 v44, v26;
	v57 =	vcvt.f32.s32 v48;
	[tilespmem:v43+s16+$0x0] =	vst.idx.add.f32.msk $0xffff, v4  }
0x1c0: {  	v44 =	vsel vm9, v44, v26;
	v41 =	vadd.f32 v31, v52;
	v59 =	vtrunc.f32 v47;
	[tilespmem:v42+s16+$0x0] =	vst.idx.add.f32.msk $0xffff, v4  }
0x1c1: {  	v60 =	vld [tilespmem:s26+$0xB0];
	v43 =	vcvt.f32.s32 v59;
	vm11 =	vlt.s32 v57, v8  }
0x1c2: {  	v41 =	vtrunc.f32 v41;
	v42 =	vld [tilespmem:s29+$0x30];
	v46 =	vsel vm11, v57, v8  }
0x1c3: {  	v41 =	vcvt.f32.s32 v41;
	[tilespmem:v54+s16+$0x0] =	vst.idx.add.f32.msk $0xffff, v4;
	vm12 =	vlt.s32 v43, v16  }
0x1c4: {  	v58 =	vld [tilespmem:s28+$0x70];
	v43 =	vsel vm12, v43, v16  }
0x1c5: {  	v56 =	vmul.f32 $2.048000000e+03, v55;
	[tilespmem:v44+s16+$0x0] =	vst.idx.add.f32.msk $0xffff, v4;
	vm10 =	vlt.s32 v41, v32  }
0x1c6: {  	v53 =	vld [tilespmem:s25+$0xFFFFFF90];
	v41 =	vsel vm10, v41, v32;
	v52 =	vmul.f32 $2.048000000e+03, v60  }
0x1c7: {  	v45 =	vadd.f32 v21, v56;
	v42 =	vmul.f32 $2.048000000e+03, v42;
	[tilespmem:v46+s16+$0x0] =	vst.idx.add.f32.msk $0xffff, v4  }
0x1c8: {  	v44 =	vadd.f32 v25, v52;
	v46 =	vld [tilespmem:s29+$0xFFFFFF00]  }
0x1c9: {  	v45 =	vtrunc.f32 v45;
	v61 =	vadd.f32 v9, v42;
	v62 =	vmul.f32 $2.048000000e+03, v58;
	[tilespmem:v43+s16+$0x0] =	vst.idx.add.f32.msk $0xffff, v4  }
0x1ca: {  	v45 =	vcvt.f32.s32 v45;
	v54 =	vtrunc.f32 v44;
	v55 =	vld [tilespmem:s28+$0xFFFFFF40]  }
0x1cb: {  	[tilespmem:v41+s16+$0x0] =	vst.idx.add.f32.msk $0xffff, v4;
	v41 =	vtrunc.f32 v61;
	v42 =	vadd.f32 v17, v62;
	v43 =	vcvt.f32.s32 v54  }
0x1cc: {  	vm13 =	vlt.s32 v45, v22;
	v63 =	vld [tilespmem:s25+$0xF0];
	v41 =	vcvt.f32.s32 v41  }
0x1cd: {  	s30 =	simm.s32 $0xAB0;
	v45 =	vsel vm13, v45, v22;
	v42 =	vtrunc.f32 v42;
	vm4 =	vlt.s32 v43, v26  }
0x1ce: {  	v49 =	vld [tilespmem:s30+$0x0];
	vm14 =	vlt.s32 v41, v10;
	v46 =	vmul.f32 $2.048000000e+03, v46;
	v43 =	vsel vm4, v43, v26  }
0x1cf: {  	v47 =	vmul.f32 $2.048000000e+03, v53;
	v42 =	vcvt.f32.s32 v42;
	v41 =	vsel vm14, v41, v10  }
0x1d0: {  	v61 =	vld [tilespmem:s30+$0xFFFFFED0];
	v44 =	vmul.f32 $2.048000000e+03, v55;
	v46 =	vadd.f32 v9, v46  }
0x1d1: {  	v57 =	vadd.f32 v27, v47;
	vm15 =	vlt.s32 v42, v18;
	v48 =	vmul.f32 $2.048000000e+03, v63  }
0x1d2: {  	[tilespmem:v45+s16+$0x0] =	vst.idx.add.f32.msk $0xffff, v4;
	v42 =	vsel vm15, v42, v18;
	v44 =	vadd.f32 v17, v44;
	v46 =	vtrunc.f32 v46  }
0x1d3: {  	v59 =	vmul.f32 $2.048000000e+03, v49;
	v46 =	vcvt.f32.s32 v46;
	[tilespmem:v43+s16+$0x0] =	vst.idx.add.f32.msk $0xffff, v4  }
0x1d4: {  	v48 =	vadd.f32 v33, v48;
	v44 =	vtrunc.f32 v44;
	[tilespmem:v41+s16+$0x0] =	vst.idx.add.f32.msk $0xffff, v4;
	v41 =	vtrunc.f32 v57  }
0x1d5: {  	v63 =	vld [tilespmem:s26+$0xC0];
	v44 =	vcvt.f32.s32 v44;
	v57 =	vmul.f32 $2.048000000e+03, v61  }
0x1d6: {  	v56 =	vtrunc.f32 v48;
	v58 =	vld [tilespmem:s29+$0x40];
	v41 =	vcvt.f32.s32 v41  }
0x1d7: {  	vm6 =	vlt.s32 v46, v10;
	v45 =	vcvt.f32.s32 v56;
	[tilespmem:v42+s16+$0x0] =	vst.idx.add.f32.msk $0xffff, v4;
	v42 =	vadd.f32 v2, v59  }
0x1d8: {  	v62 =	vsel vm6, v46, v10;
	vm8 =	vlt.s32 v44, v18;
	v46 =	vadd.f32 v2, v57  }
0x1d9: {  	v60 =	vld [tilespmem:s28+$0x80];
	vm7 =	vlt.s32 v41, v28;
	vm5 =	vlt.s32 v45, v34;
	v42 =	vtrunc.f32 v42  }
0x1da: {  	v46 =	vtrunc.f32 v46;
	v45 =	vsel vm5, v45, v34;
	v56 =	vmul.f32 $2.048000000e+03, v63  }
0x1db: {  	v55 =	vsel vm8, v44, v18;
	v42 =	vcvt.f32.s32 v42;
	v47 =	vmul.f32 $2.048000000e+03, v58  }
0x1dc: {  	v50 =	vld [tilespmem:s26+$0xFFFFFF70];
	v41 =	vsel vm7, v41, v28;
	v46 =	vcvt.f32.s32 v46;
	v44 =	vadd.f32 v27, v56  }
0x1dd: {  	vm9 =	vlt.s32 v42, v3;
	[tilespmem:v62+s16+$0x0] =	vst.idx.add.f32.msk $0xffff, v4;
	v52 =	vadd.f32 v11, v47  }
0x1de: {  	vm13 =	vlt.s32 v46, v3;
	v53 =	vmul.f32 $2.048000000e+03, v60;
	v58 =	vld [tilespmem:s29+$0xFFFFFF10];
	v44 =	vtrunc.f32 v44  }
0x1df: {  	v42 =	vsel vm9, v42, v3;
	[tilespmem:v45+s16+$0x0] =	vst.idx.add.f32.msk $0xffff, v4;
	v45 =	vtrunc.f32 v52;
	v44 =	vcvt.f32.s32 v44  }
0x1e0: {  	[tilespmem:v55+s16+$0x0] =	vst.idx.add.f32.msk $0xffff, v4;
	v46 =	vsel vm13, v46, v3;
	v47 =	vadd.f32 v19, v53;
	v45 =	vcvt.f32.s32 v45  }
0x1e1: {  	v54 =	vld [tilespmem:s25+$0x100];
	vm12 =	vlt.s32 v44, v28  }
0x1e2: {  	[tilespmem:v41+s16+$0x0] =	vst.idx.add.f32.msk $0xffff, v4;
	v47 =	vtrunc.f32 v47;
	vm10 =	vlt.s32 v45, v12;
	v44 =	vsel vm12, v44, v28  }
0x1e3: {  	v60 =	vld [tilespmem:s25+$0xFFFFFFA0];
	v47 =	vcvt.f32.s32 v47;
	v62 =	vmul.f32 $2.048000000e+03, v58;
	v45 =	vsel vm10, v45, v12  }
0x1e4: {  	[tilespmem:v42+s16+$0x0] =	vst.idx.add.f32.msk $0xffff, v4  }
0x1e5: {  	[tilespmem:v46+s16+$0x0] =	vst.idx.add.f32.msk $0xffff, v4;
	vm11 =	vlt.s32 v47, v20;
	v42 =	vadd.f32 v11, v62  }
0x1e6: {  	v63 =	vld [tilespmem:s30+$0x10];
	v48 =	vmul.f32 $2.048000000e+03, v54;
	v47 =	vsel vm11, v47, v20  }
0x1e7: {  	v42 =	vtrunc.f32 v42;
	[tilespmem:v44+s16+$0x0] =	vst.idx.add.f32.msk $0xffff, v4  }
0x1e8: {  	s20 =	simm.s32 $0x720;
	v59 =	vmul.f32 $2.048000000e+03, v50;
	v61 =	vadd.f32 v35, v48;
	v42 =	vcvt.f32.s32 v42;
	[tilespmem:v45+s16+$0x0] =	vst.idx.add.f32.msk $0xffff, v4  }
0x1e9: {  	s8 =	sand.u32 $0x3FE0, s20;
	v54 =	vld [tilespmem:s9+$0x200]  }
0x1ea: {  	v41 =	vadd.f32 v23, v59;
	v43 =	vtrunc.f32 v61;
	v45 =	vld [tilespmem:s8+$0x180];
	vm15 =	vlt.s32 v42, v12  }
0x1eb: {  	v43 =	vcvt.f32.s32 v43;
	[tilespmem:v47+s16+$0x0] =	vst.idx.add.f32.msk $0xffff, v4;
	v42 =	vsel vm15, v42, v12  }
0x1ec: {  	v41 =	vtrunc.f32 v41;
	v48 =	vmul.f32 $2.048000000e+03, v63;
	v47 =	vld [tilespmem:s28+$0x90]  }
0x1ed: {  	v41 =	vcvt.f32.s32 v41;
	v58 =	vld [tilespmem:s30+$0xFFFFFEE0];
	v55 =	vmul.f32 $2.048000000e+03, v60;
	vm14 =	vlt.s32 v43, v36  }
0x1ee: {  	v53 =	vadd.f32 v5, v48;
	v43 =	vsel vm14, v43, v36;
	v60 =	vmul.f32 $2.048000000e+03, v54  }
0x1ef: {  	vm4 =	vlt.s32 v41, v24;
	v45 =	vmul.f32 $2.048000000e+03, v45  }
0x1f0: {  	v41 =	vsel vm4, v41, v24;
	v44 =	vtrunc.f32 v53;
	[tilespmem:v42+s16+$0x0] =	vst.idx.add.f32.msk $0xffff, v4;
	v42 =	vadd.f32 v29, v60  }
0x1f1: {  	v44 =	vcvt.f32.s32 v44;
	v56 =	vadd.f32 v13, v45;
	v57 =	vmul.f32 $2.048000000e+03, v47  }
0x1f2: {  	v47 =	vmul.f32 $2.048000000e+03, v58;
	v42 =	vtrunc.f32 v42  }
0x1f3: {  	vm5 =	vlt.s32 v44, v6;
	[tilespmem:v43+s16+$0x0] =	vst.idx.add.f32.msk $0xffff, v4;
	v43 =	vtrunc.f32 v56;
	v42 =	vcvt.f32.s32 v42  }
0x1f4: {  	v52 =	vld [tilespmem:s17+$0x80];
	v44 =	vsel vm5, v44, v6;
	v45 =	vadd.f32 v21, v57;
	v43 =	vcvt.f32.s32 v43  }
0x1f5: {  	v61 =	vld [tilespmem:s29+$0xFFFFFF20];
	v62 =	vadd.f32 v5, v47;
	vm9 =	vlt.s32 v42, v30  }
0x1f6: {  	[tilespmem:v41+s16+$0x0] =	vst.idx.add.f32.msk $0xffff, v4;
	v45 =	vtrunc.f32 v45;
	vm6 =	vlt.s32 v43, v14;
	v42 =	vsel vm9, v42, v30  }
0x1f7: {  	v58 =	vld [tilespmem:s26+$0xFFFFFF80];
	v41 =	vtrunc.f32 v62;
	v45 =	vcvt.f32.s32 v45;
	v43 =	vsel vm6, v43, v14  }
0x1f8: {  	v59 =	vld [tilespmem:s25+$0x110];
	v41 =	vcvt.f32.s32 v41  }
0x1f9: {  	v46 =	vadd.f32 v29, v55;
	[tilespmem:v44+s16+$0x0] =	vst.idx.add.f32.msk $0xffff, v4;
	vm7 =	vlt.s32 v45, v22  }
0x1fa: {  	v48 =	vmul.f32 $2.048000000e+03, v61;
	v53 =	vld [tilespmem:s30+$0x20];
	vm10 =	vlt.s32 v41, v6;
	v45 =	vsel vm7, v45, v22  }
0x1fb: {  	v41 =	vsel vm10, v41, v6;
	[tilespmem:v42+s16+$0x0] =	vst.idx.add.f32.msk $0xffff, v4  }
0x1fc: {  	v46 =	vtrunc.f32 v46;
	v63 =	vmul.f32 $2.048000000e+03, v52;
	v48 =	vadd.f32 v13, v48;
	[tilespmem:v43+s16+$0x0] =	vst.idx.add.f32.msk $0xffff, v4  }
0x1fd: {  	v46 =	vcvt.f32.s32 v46;
	v50 =	vmul.f32 $2.048000000e+03, v59;
	v60 =	vld [tilespmem:s26+$0xE0]  }
0x1fe: {  	v54 =	vadd.f32 v19, v63;
	v48 =	vtrunc.f32 v48;
	v55 =	vld [tilespmem:s29+$0x60]  }
0x1ff: {  	vm8 =	vlt.s32 v46, v30;
	v52 =	vadd.f32 v37, v50;
	v56 =	vcvt.f32.s32 v48;
	[tilespmem:v45+s16+$0x0] =	vst.idx.add.f32.msk $0xffff, v4  }
0x200: {  	v46 =	vsel vm8, v46, v30;
	v43 =	vtrunc.f32 v54;
	v49 =	vmul.f32 $2.048000000e+03, v53;
	[tilespmem:v41+s16+$0x0] =	vst.idx.add.f32.msk $0xffff, v4  }
0x201: {  	v44 =	vtrunc.f32 v52;
	v43 =	vcvt.f32.s32 v43;
	vm12 =	vlt.s32 v56, v14;
	v57 =	vld [tilespmem:s28+$0xA0]  }
0x202: {  	v50 =	vmul.f32 $2.048000000e+03, v58;
	v44 =	vcvt.f32.s32 v44;
	v59 =	vsel vm12, v56, v14;
	v52 =	vld [tilespmem:s30+$0xFFFFFEF0]  }
0x203: {  	v49 =	vadd.f32 v7, v49;
	vm13 =	vlt.s32 v43, v20;
	v54 =	vmul.f32 $2.048000000e+03, v60  }
0x204: {  	vm11 =	vlt.s32 v44, v38;
	v43 =	vsel vm13, v43, v20;
	v47 =	vmul.f32 $2.048000000e+03, v55  }
0x205: {  	v61 =	vtrunc.f32 v49;
	v44 =	vsel vm11, v44, v38;
	v42 =	vadd.f32 v31, v54  }
0x206: {  	[tilespmem:v46+s16+$0x0] =	vst.idx.add.f32.msk $0xffff, v4;
	v41 =	vcvt.f32.s32 v61;
	v62 =	vadd.f32 v15, v47;
	v63 =	vmul.f32 $2.048000000e+03, v57  }
0x207: {  	[tilespmem:v59+s16+$0x0] =	vst.idx.add.f32.msk $0xffff, v4;
	v48 =	vmul.f32 $2.048000000e+03, v52;
	v42 =	vtrunc.f32 v42  }
0x208: {  	vm14 =	vlt.s32 v41, v8;
	v57 =	vld [tilespmem:s29+$0xFFFFFF30];
	v46 =	vtrunc.f32 v62;
	v42 =	vcvt.f32.s32 v42  }
0x209: {  	v56 =	vadd.f32 v25, v50;
	v41 =	vsel vm14, v41, v8;
	[tilespmem:v43+s16+$0x0] =	vst.idx.add.f32.msk $0xffff, v4;
	v55 =	vcvt.f32.s32 v46  }
0x20a: {  	v53 =	vld [tilespmem:s25+$0xFFFFFFB0];
	v47 =	vadd.f32 v23, v63;
	v48 =	vadd.f32 v7, v48;
	vm6 =	vlt.s32 v42, v32  }
0x20b: {  	[tilespmem:v44+s16+$0x0] =	vst.idx.add.f32.msk $0xffff, v4;
	v46 =	vtrunc.f32 v56;
	vm15 =	vlt.s32 v55, v16;
	v42 =	vsel vm6, v42, v32  }
0x20c: {  	v43 =	vld [tilespmem:s28+$0xFFFFFF60];
	v47 =	vtrunc.f32 v47;
	v46 =	vcvt.f32.s32 v46;
	v45 =	vsel vm15, v55, v16  }
0x20d: {  	v59 =	vld [tilespmem:s25+$0x120];
	v58 =	vcvt.f32.s32 v47;
	v60 =	vmul.f32 $2.048000000e+03, v57  }
0x20e: {  	v48 =	vtrunc.f32 v48;
	[tilespmem:v41+s16+$0x0] =	vst.idx.add.f32.msk $0xffff, v4;
	vm5 =	vlt.s32 v46, v26  }
0x20f: {  	v61 =	vld [tilespmem:s30+$0x30];
	vm4 =	vlt.s32 v58, v24;
	v46 =	vsel vm5, v46, v26;
	v41 =	vadd.f32 v15, v60  }
0x210: {  	v48 =	vcvt.f32.s32 v48;
	v44 =	vsel vm4, v58, v24;
	[tilespmem:v42+s16+$0x0] =	vst.idx.add.f32.msk $0xffff, v4  }
0x211: {  	v41 =	vtrunc.f32 v41;
	[tilespmem:v45+s16+$0x0] =	vst.idx.add.f32.msk $0xffff, v4  }
0x212: {  	vm7 =	vlt.s32 v48, v8;
	v41 =	vcvt.f32.s32 v41;
	v42 =	vld [tilespmem:s26+$0xF0]  }
0x213: {  	v49 =	vmul.f32 $2.048000000e+03, v53;
	v53 =	vsel vm7, v48, v8;
	v63 =	vld [tilespmem:s29+$0x70]  }
0x214: {  	v55 =	vmul.f32 $2.048000000e+03, v61;
	[tilespmem:v46+s16+$0x0] =	vst.idx.add.f32.msk $0xffff, v4;
	vm8 =	vlt.s32 v41, v16  }
0x215: {  	[tilespmem:v44+s16+$0x0] =	vst.idx.add.f32.msk $0xffff, v4;
	v41 =	vsel vm8, v41, v16  }
0x216: {  	v43 =	vmul.f32 $2.048000000e+03, v43;
	v46 =	vadd.f32 v9, v55;
	v56 =	vld [tilespmem:s26+$0xFFFFFF90]  }
0x217: {  	v62 =	vadd.f32 v31, v49;
	v47 =	vmul.f32 $2.048000000e+03, v59;
	v54 =	vld [tilespmem:s28+$0xB0]  }
0x218: {  	v43 =	vadd.f32 v21, v43;
	[tilespmem:v53+s16+$0x0] =	vst.idx.add.f32.msk $0xffff, v4;
	v57 =	vtrunc.f32 v46;
	v60 =	vmul.f32 $2.048000000e+03, v42  }
0x219: {  	v59 =	vld [tilespmem:s30+$0xFFFFFF00];
	v45 =	vcvt.f32.s32 v57;
	v49 =	vmul.f32 $2.048000000e+03, v63  }
0x21a: {  	v52 =	vtrunc.f32 v62;
	v43 =	vtrunc.f32 v43;
	[tilespmem:v41+s16+$0x0] =	vst.idx.add.f32.msk $0xffff, v4;
	v41 =	vadd.f32 v33, v60  }
0x21b: {  	v44 =	vcvt.f32.s32 v52;
	vm10 =	vlt.s32 v45, v10;
	v58 =	vadd.f32 v17, v49  }
0x21c: {  	s31 =	simm.s32 $0xD10;
	v48 =	vmul.f32 $2.048000000e+03, v54;
	v45 =	vsel vm10, v45, v10;
	v41 =	vtrunc.f32 v41  }
0x21d: {  	v51 =	vld [tilespmem:s31+$0x0];
	vm9 =	vlt.s32 v44, v32;
	v46 =	vtrunc.f32 v58;
	v41 =	vcvt.f32.s32 v41  }
0x21e: {  	v44 =	vsel vm9, v44, v32;
	v48 =	vadd.f32 v25, v48;
	v61 =	vcvt.f32.s32 v46  }
0x21f: {  	v63 =	vld [tilespmem:s31+$0xFFFFFED0];
	v50 =	vmul.f32 $2.048000000e+03, v56;
	v49 =	vmul.f32 $2.048000000e+03, v59;
	vm14 =	vlt.s32 v41, v34  }
0x220: {  	v62 =	vld [tilespmem:s29+$0xFFFFFF40];
	v48 =	vtrunc.f32 v48;
	vm11 =	vlt.s32 v61, v18;
	v41 =	vsel vm14, v41, v34  }
0x221: {  	v49 =	vadd.f32 v9, v49;
	v48 =	vcvt.f32.s32 v48;
	[tilespmem:v45+s16+$0x0] =	vst.idx.add.f32.msk $0xffff, v4;
	v42 =	vsel vm11, v61, v18  }
0x222: {  	v47 =	vadd.f32 v39, v47;
	v43 =	vcvt.f32.s32 v43;
	v55 =	vmul.f32 $2.048000000e+03, v51;
	v56 =	vld [tilespmem:s30+$0x40]  }
0x223: {  	v50 =	vadd.f32 v27, v50;
	v54 =	vtrunc.f32 v49;
	vm13 =	vlt.s32 v48, v26  }
0x224: {  	[tilespmem:v44+s16+$0x0] =	vst.idx.add.f32.msk $0xffff, v4;
	v44 =	vmul.f32 $2.048000000e+03, v63;
	v45 =	vcvt.f32.s32 v54;
	v48 =	vsel vm13, v48, v26  }
0x225: {  	vm12 =	vlt.s32 v43, v22;
	v49 =	vadd.f32 v2, v55;
	v46 =	vmul.f32 $2.048000000e+03, v62;
	[tilespmem:v41+s16+$0x0] =	vst.idx.add.f32.msk $0xffff, v4  }
0x226: {  	v57 =	vtrunc.f32 v50;
	v44 =	vadd.f32 v2, v44;
	vm4 =	vlt.s32 v45, v10;
	[tilespmem:v42+s16+$0x0] =	vst.idx.add.f32.msk $0xffff, v4  }
0x227: {  	v46 =	vadd.f32 v17, v46;
	v45 =	vsel vm4, v45, v10;
	v62 =	vmul.f32 $2.048000000e+03, v56;
	v63 =	vld [tilespmem:s26+$0x100]  }
0x228: {  	v43 =	vsel vm12, v43, v22;
	v59 =	vtrunc.f32 v49;
	v42 =	vcvt.f32.s32 v57;
	v58 =	vld [tilespmem:s29+$0x80]  }
0x229: {  	v44 =	vtrunc.f32 v44;
	v46 =	vtrunc.f32 v46;
	[tilespmem:v48+s16+$0x0] =	vst.idx.add.f32.msk $0xffff, v4;
	v56 =	vadd.f32 v11, v62  }
0x22a: {  	v44 =	vcvt.f32.s32 v44;
	v61 =	vcvt.f32.s32 v46;
	vm5 =	vlt.s32 v42, v28;
	v60 =	vld [tilespmem:s28+$0xC0]  }
0x22b: {  	v48 =	vcvt.f32.s32 v59;
	v42 =	vsel vm5, v42, v28;
	v59 =	vtrunc.f32 v56  }
0x22c: {  	vm9 =	vlt.s32 v44, v3;
	vm6 =	vlt.s32 v61, v18;
	[tilespmem:v45+s16+$0x0] =	vst.idx.add.f32.msk $0xffff, v4;
	v45 =	vcvt.f32.s32 v59  }
0x22d: {  	[tilespmem:v43+s16+$0x0] =	vst.idx.add.f32.msk $0xffff, v4;
	v44 =	vsel vm9, v44, v3;
	v43 =	vsel vm6, v61, v18;
	v57 =	vmul.f32 $2.048000000e+03, v58  }
0x22e: {  	v61 =	vld [tilespmem:s30+$0xFFFFFF10];
	vm2 =	vlt.s32 v48, v3;
	v62 =	vmul.f32 $2.048000000e+03, v63;
	vm7 =	vlt.s32 v45, v12  }
0x22f: {  	v58 =	vld [tilespmem:s28+$0xFFFFFF70];
	v46 =	vadd.f32 v19, v57;
	v49 =	vmul.f32 $2.048000000e+03, v60;
	v60 =	vsel vm2, v48, v3  }
0x230: {  	v47 =	vtrunc.f32 v47;
	[tilespmem:v42+s16+$0x0] =	vst.idx.add.f32.msk $0xffff, v4;
	v45 =	vsel vm7, v45, v12;
	v42 =	vadd.f32 v35, v62  }
0x231: {  	v47 =	vcvt.f32.s32 v47;
	v52 =	vld [tilespmem:s25+$0xFFFFFFC0];
	v46 =	vtrunc.f32 v46  }
0x232: {  	v63 =	vld [tilespmem:s26+$0xFFFFFFA0];
	v42 =	vtrunc.f32 v42;
	v46 =	vcvt.f32.s32 v46  }
0x233: {  	vm15 =	vlt.s32 v47, v40;
	[tilespmem:v44+s16+$0x0] =	vst.idx.add.f32.msk $0xffff, v4;
	v49 =	vadd.f32 v27, v49;
	v42 =	vcvt.f32.s32 v42  }
0x234: {  	v57 =	vmul.f32 $2.048000000e+03, v58;
	v58 =	vmul.f32 $2.048000000e+03, v61;
	vm8 =	vlt.s32 v46, v20;
	[tilespmem:v60+s16+$0x0] =	vst.idx.add.f32.msk $0xffff, v4  }
0x235: {  	s21 =	simm.s32 $0x980;
	v49 =	vtrunc.f32 v49;
	[tilespmem:v45+s16+$0x0] =	vst.idx.add.f32.msk $0xffff, v4;
	vm11 =	vlt.s32 v42, v36;
	v46 =	vsel vm8, v46, v20  }
0x236: {  	s0 =	sand.u32 $0x3FE0, s21;
	v52 =	vmul.f32 $2.048000000e+03, v52;
	v56 =	vcvt.f32.s32 v49;
	v59 =	vld [tilespmem:s31+$0x10];
	v42 =	vsel vm11, v42, v36  }
0x237: {  	v41 =	vsel vm15, v47, v40;
	v47 =	vadd.f32 v11, v58;
	v60 =	vmul.f32 $2.048000000e+03, v63;
	v61 =	vld [tilespmem:s0+$0x180]  }
0x238: {  	v52 =	vadd.f32 v33, v52;
	[tilespmem:v43+s16+$0x0] =	vst.idx.add.f32.msk $0xffff, v4;
	vm10 =	vlt.s32 v56, v28  }
0x239: {  	v47 =	vtrunc.f32 v47;
	v43 =	vsel vm10, v56, v28;
	v45 =	vadd.f32 v29, v60;
	v60 =	vld [tilespmem:s31+$0xFFFFFEE0]  }
0x23a: {  	v49 =	vadd.f32 v23, v57;
	v47 =	vcvt.f32.s32 v47;
	[tilespmem:v46+s16+$0x0] =	vst.idx.add.f32.msk $0xffff, v4  }
0x23b: {  	v52 =	vtrunc.f32 v52;
	v48 =	vmul.f32 $2.048000000e+03, v59;
	[tilespmem:v42+s16+$0x0] =	vst.idx.add.f32.msk $0xffff, v4  }
0x23c: {  	v62 =	vtrunc.f32 v49;
	vm12 =	vlt.s32 v47, v12;
	v58 =	vmul.f32 $2.048000000e+03, v61;
	v63 =	vld [tilespmem:s29+$0x90]  }
0x23d: {  	v55 =	vtrunc.f32 v45;
	v46 =	vcvt.f32.s32 v62;
	v61 =	vld [tilespmem:s26+$0x110];
	v56 =	vadd.f32 v5, v48  }
0x23e: {  	v47 =	vsel vm12, v47, v12;
	v59 =	vcvt.f32.s32 v52;
	[tilespmem:v43+s16+$0x0] =	vst.idx.add.f32.msk $0xffff, v4;
	v44 =	vadd.f32 v13, v58  }
0x23f: {  	vm13 =	vlt.s32 v46, v24;
	v42 =	vmul.f32 $2.048000000e+03, v60;
	v57 =	vld [tilespmem:s17+$0x200];
	v45 =	vtrunc.f32 v56  }
0x240: {  	v50 =	vld [tilespmem:s8+$0x80];
	v46 =	vsel vm13, v46, v24;
	v44 =	vtrunc.f32 v44;
	v45 =	vcvt.f32.s32 v45  }
0x241: {  	vm15 =	vlt.s32 v59, v34;
	v42 =	vadd.f32 v5, v42;
	v44 =	vcvt.f32.s32 v44  }
0x242: {  	v49 =	vmul.f32 $2.048000000e+03, v63;
	v63 =	vsel vm15, v59, v34;
	vm4 =	vlt.s32 v45, v6  }
0x243: {  	v43 =	vcvt.f32.s32 v55;
	[tilespmem:v47+s16+$0x0] =	vst.idx.add.f32.msk $0xffff, v4;
	vm5 =	vlt.s32 v44, v14;
	v45 =	vsel vm4, v45, v6  }
0x244: {  	v56 =	vld [tilespmem:s30+$0xFFFFFF20];
	v52 =	vmul.f32 $2.048000000e+03, v61;
	v48 =	vmul.f32 $2.048000000e+03, v57;
	v60 =	vsel vm5, v44, v14  }
0x245: {  	v50 =	vmul.f32 $2.048000000e+03, v50;
	vm14 =	vlt.s32 v43, v30;
	v62 =	vadd.f32 v21, v49;
	[tilespmem:v46+s16+$0x0] =	vst.idx.add.f32.msk $0xffff, v4  }
0x246: {  	v42 =	vtrunc.f32 v42;
	v52 =	vadd.f32 v37, v52;
	v59 =	vld [tilespmem:s28+$0xFFFFFF80];
	v58 =	vadd.f32 v29, v48  }
0x247: {  	v43 =	vsel vm14, v43, v30;
	v42 =	vcvt.f32.s32 v42;
	v57 =	vtrunc.f32 v62;
	[tilespmem:v63+s16+$0x0] =	vst.idx.add.f32.msk $0xffff, v4  }
0x248: {  	v55 =	vtrunc.f32 v52;
	v61 =	vtrunc.f32 v58;
	[tilespmem:v45+s16+$0x0] =	vst.idx.add.f32.msk $0xffff, v4  }
0x249: {  	vm8 =	vlt.s32 v42, v6;
	v46 =	vcvt.f32.s32 v57;
	v44 =	vcvt.f32.s32 v61;
	[tilespmem:v60+s16+$0x0] =	vst.idx.add.f32.msk $0xffff, v4  }
0x24a: {  	v42 =	vsel vm8, v42, v6;
	v62 =	vmul.f32 $2.048000000e+03, v56;
	v63 =	vadd.f32 v19, v50;
	v54 =	vld [tilespmem:s31+$0x20]  }
0x24b: {  	v57 =	vcvt.f32.s32 v55;
	vm6 =	vlt.s32 v46, v22;
	v58 =	vld [tilespmem:s30+$0x60];
	vm7 =	vlt.s32 v44, v30  }
0x24c: {  	[tilespmem:v43+s16+$0x0] =	vst.idx.add.f32.msk $0xffff, v4;
	v49 =	vadd.f32 v13, v62;
	v45 =	vtrunc.f32 v63;
	v44 =	vsel vm7, v44, v30  }
0x24d: {  	v47 =	vld [tilespmem:s26+$0xFFFFFFB0];
	vm9 =	vlt.s32 v57, v38;
	v46 =	vsel vm6, v46, v22;
	v56 =	vmul.f32 $2.048000000e+03, v59  }
0x24e: {  	v63 =	vld [tilespmem:s13+$0x100];
	v45 =	vcvt.f32.s32 v45;
	v48 =	vsel vm9, v57, v38  }
0x24f: {  	v49 =	vtrunc.f32 v49;
	[tilespmem:v42+s16+$0x0] =	vst.idx.add.f32.msk $0xffff, v4;
	v43 =	vadd.f32 v25, v56;
	v61 =	vmul.f32 $2.048000000e+03, v54  }
0x250: {  	v59 =	vcvt.f32.s32 v49;
	vm10 =	vlt.s32 v45, v20;
	v42 =	vld [tilespmem:s31+$0xFFFFFEF0];
	v51 =	vmul.f32 $2.048000000e+03, v58  }
0x251: {  	v45 =	vsel vm10, v45, v20;
	[tilespmem:v44+s16+$0x0] =	vst.idx.add.f32.msk $0xffff, v4;
	v44 =	vadd.f32 v7, v61  }
0x252: {  	v43 =	vtrunc.f32 v43;
	vm11 =	vlt.s32 v59, v14;
	[tilespmem:v46+s16+$0x0] =	vst.idx.add.f32.msk $0xffff, v4;
	v51 =	vadd.f32 v15, v51  }
0x253: {  	v43 =	vcvt.f32.s32 v43;
	v46 =	vsel vm11, v59, v14;
	v62 =	vld [tilespmem:s28+$0xE0];
	v44 =	vtrunc.f32 v44  }
0x254: {  	v60 =	vld [tilespmem:s29+$0xA0];
	v51 =	vtrunc.f32 v51;
	v44 =	vcvt.f32.s32 v44  }
0x255: {  	[tilespmem:v48+s16+$0x0] =	vst.idx.add.f32.msk $0xffff, v4;
	vm12 =	vlt.s32 v43, v26;
	v55 =	vcvt.f32.s32 v51  }
0x256: {  	v48 =	vld [tilespmem:s26+$0x120];
	v42 =	vmul.f32 $2.048000000e+03, v42;
	v43 =	vsel vm12, v43, v26;
	vm13 =	vlt.s32 v44, v8  }
0x257: {  	v47 =	vmul.f32 $2.048000000e+03, v47;
	[tilespmem:v45+s16+$0x0] =	vst.idx.add.f32.msk $0xffff, v4;
	vm14 =	vlt.s32 v55, v16;
	v44 =	vsel vm13, v44, v8  }
0x258: {  	v42 =	vadd.f32 v7, v42;
	[tilespmem:v46+s16+$0x0] =	vst.idx.add.f32.msk $0xffff, v4;
	v50 =	vmul.f32 $2.048000000e+03, v62;
	v46 =	vsel vm14, v55, v16  }
0x259: {  	v58 =	vld [tilespmem:s29+$0xFFFFFF60];
	v49 =	vmul.f32 $2.048000000e+03, v60  }
0x25a: {  	v47 =	vadd.f32 v31, v47;
	v56 =	vld [tilespmem:s30+$0xFFFFFF30];
	v42 =	vtrunc.f32 v42;
	v50 =	vadd.f32 v31, v50  }
0x25b: {  	v52 =	vmul.f32 $2.048000000e+03, v63;
	v42 =	vcvt.f32.s32 v42;
	v49 =	vadd.f32 v23, v49;
	[tilespmem:v43+s16+$0x0] =	vst.idx.add.f32.msk $0xffff, v4  }
0x25c: {  	v47 =	vtrunc.f32 v47;
	v50 =	vtrunc.f32 v50;
	[tilespmem:v44+s16+$0x0] =	vst.idx.add.f32.msk $0xffff, v4  }
0x25d: {  	vm5 =	vlt.s32 v42, v8;
	v49 =	vtrunc.f32 v49;
	v59 =	vcvt.f32.s32 v50;
	[tilespmem:v46+s16+$0x0] =	vst.idx.add.f32.msk $0xffff, v4  }
0x25e: {  	v48 =	vmul.f32 $2.048000000e+03, v48;
	v42 =	vsel vm5, v42, v8;
	v57 =	vcvt.f32.s32 v49;
	v63 =	vld [tilespmem:s31+$0x30]  }
0x25f: {  	v53 =	vcvt.f32.s32 v47;
	v62 =	vmul.f32 $2.048000000e+03, v56;
	v55 =	vld [tilespmem:s30+$0x70];
	vm4 =	vlt.s32 v59, v32  }
0x260: {  	v54 =	vadd.f32 v39, v48;
	vm15 =	vlt.s32 v57, v24;
	v43 =	vsel vm4, v59, v32  }
0x261: {  	v61 =	vld [tilespmem:s28+$0xFFFFFF90];
	v44 =	vadd.f32 v15, v62;
	v45 =	vsel vm15, v57, v24  }
0x262: {  	vm6 =	vlt.s32 v53, v32;
	v49 =	vmul.f32 $2.048000000e+03, v58;
	v56 =	vtrunc.f32 v54  }
0x263: {  	v60 =	vadd.f32 v35, v52;
	v44 =	vtrunc.f32 v44;
	[tilespmem:v42+s16+$0x0] =	vst.idx.add.f32.msk $0xffff, v4;
	v58 =	vmul.f32 $2.048000000e+03, v63  }
0x264: {  	v49 =	vadd.f32 v21, v49;
	v44 =	vcvt.f32.s32 v44;
	v42 =	vld [tilespmem:s31+$0xFFFFFF00];
	v48 =	vmul.f32 $2.048000000e+03, v55  }
0x265: {  	v50 =	vtrunc.f32 v60;
	v46 =	vsel vm6, v53, v32;
	[tilespmem:v43+s16+$0x0] =	vst.idx.add.f32.msk $0xffff, v4;
	v43 =	vadd.f32 v9, v58  }
0x266: {  	v52 =	vmul.f32 $2.048000000e+03, v61;
	vm7 =	vlt.s32 v44, v16;
	[tilespmem:v45+s16+$0x0] =	vst.idx.add.f32.msk $0xffff, v4;
	v48 =	vadd.f32 v17, v48  }
0x267: {  	v50 =	vcvt.f32.s32 v50;
	v44 =	vsel vm7, v44, v16;
	v57 =	vld [tilespmem:s29+$0xB0];
	v43 =	vtrunc.f32 v43  }
0x268: {  	s1 =	simm.s32 $0xF70;
	v48 =	vtrunc.f32 v48;
	v43 =	vcvt.f32.s32 v43  }
0x269: {  	v53 =	vld [tilespmem:s1+$0x0];
	v49 =	vtrunc.f32 v49;
	v52 =	vadd.f32 v27, v52;
	v60 =	vcvt.f32.s32 v48  }
0x26a: {  	vm4 =	vlt.s32 v50, v36;
	v42 =	vmul.f32 $2.048000000e+03, v42;
	v59 =	vld [tilespmem:s28+$0xF0];
	vm10 =	vlt.s32 v43, v10  }
0x26b: {  	v49 =	vcvt.f32.s32 v49;
	[tilespmem:v46+s16+$0x0] =	vst.idx.add.f32.msk $0xffff, v4;
	vm11 =	vlt.s32 v60, v18;
	v43 =	vsel vm10, v43, v10  }
0x26c: {  	v54 =	vadd.f32 v9, v42;
	[tilespmem:v44+s16+$0x0] =	vst.idx.add.f32.msk $0xffff, v4;
	v47 =	vmul.f32 $2.048000000e+03, v57;
	v44 =	vsel vm11, v60, v18  }
0x26d: {  	v50 =	vsel vm4, v50, v36;
	vm9 =	vlt.s32 v49, v22;
	v52 =	vtrunc.f32 v52;
	v46 =	vld [tilespmem:s26+$0xFFFFFFC0]  }
0x26e: {  	v45 =	vcvt.f32.s32 v56;
	v61 =	vld [tilespmem:s30+$0xFFFFFF40];
	v54 =	vtrunc.f32 v54;
	v47 =	vadd.f32 v25, v47  }
0x26f: {  	v49 =	vsel vm9, v49, v22;
	v63 =	vld [tilespmem:s1+$0xFFFFFED0];
	v58 =	vcvt.f32.s32 v54;
	v51 =	vmul.f32 $2.048000000e+03, v59  }
0x270: {  	v52 =	vcvt.f32.s32 v52;
	vm8 =	vlt.s32 v45, v40;
	v47 =	vtrunc.f32 v47;
	[tilespmem:v43+s16+$0x0] =	vst.idx.add.f32.msk $0xffff, v4  }
0x271: {  	vm15 =	vlt.s32 v58, v10;
	v51 =	vadd.f32 v33, v51;
	v47 =	vcvt.f32.s32 v47;
	[tilespmem:v44+s16+$0x0] =	vst.idx.add.f32.msk $0xffff, v4  }
0x272: {  	vm13 =	vlt.s32 v52, v28;
	v57 =	vmul.f32 $2.048000000e+03, v53;
	v53 =	vsel vm15, v58, v10;
	v59 =	vld [tilespmem:s31+$0x40]  }
0x273: {  	v48 =	vmul.f32 $2.048000000e+03, v61;
	v62 =	vtrunc.f32 v51;
	vm12 =	vlt.s32 v47, v26;
	v61 =	vld [tilespmem:s30+$0x80]  }
0x274: {  	[tilespmem:v49+s16+$0x0] =	vst.idx.add.f32.msk $0xffff, v4;
	v49 =	vcvt.f32.s32 v62;
	v43 =	vadd.f32 v2, v57;
	v47 =	vsel vm12, v47, v26  }
0x275: {  	v52 =	vsel vm13, v52, v28;
	[tilespmem:v50+s16+$0x0] =	vst.idx.add.f32.msk $0xffff, v4;
	v42 =	vsel vm8, v45, v40;
	v46 =	vmul.f32 $2.048000000e+03, v46  }
0x276: {  	v45 =	vld [tilespmem:s29+$0xFFFFFF70];
	v48 =	vadd.f32 v17, v48;
	vm14 =	vlt.s32 v49, v34;
	v43 =	vtrunc.f32 v43  }
0x277: {  	[tilespmem:v53+s16+$0x0] =	vst.idx.add.f32.msk $0xffff, v4;
	v49 =	vsel vm14, v49, v34;
	v43 =	vcvt.f32.s32 v43;
	v54 =	vmul.f32 $2.048000000e+03, v59  }
0x278: {  	v46 =	vadd.f32 v33, v46;
	v60 =	vmul.f32 $2.048000000e+03, v63;
	v53 =	vld [tilespmem:s31+$0xFFFFFF10];
	v51 =	vmul.f32 $2.048000000e+03, v61  }
0x279: {  	v48 =	vtrunc.f32 v48;
	vm6 =	vlt.s32 v43, v3;
	[tilespmem:v47+s16+$0x0] =	vst.idx.add.f32.msk $0xffff, v4;
	v56 =	vadd.f32 v11, v54  }
0x27a: {  	v62 =	vcvt.f32.s32 v48;
	v43 =	vsel vm6, v43, v3;
	v63 =	vld [tilespmem:s29+$0xC0];
	v51 =	vadd.f32 v19, v51  }
0x27b: {  	[tilespmem:v52+s16+$0x0] =	vst.idx.add.f32.msk $0xffff, v4;
	v46 =	vtrunc.f32 v46;
	v52 =	vtrunc.f32 v56  }
0x27c: {  	vm5 =	vlt.s32 v62, v18;
	[tilespmem:v49+s16+$0x0] =	vst.idx.add.f32.msk $0xffff, v4;
	v57 =	vtrunc.f32 v51;
	v52 =	vcvt.f32.s32 v52  }
0x27d: {  	v45 =	vmul.f32 $2.048000000e+03, v45;
	v47 =	vsel vm5, v62, v18;
	v49 =	vld [tilespmem:s28+$0x100];
	v50 =	vcvt.f32.s32 v57  }
0x27e: {  	[tilespmem:v41+s16+$0x0] =	vst.idx.add.f32.msk $0xffff, v4;
	v44 =	vadd.f32 v2, v60;
	v60 =	vmul.f32 $2.048000000e+03, v53;
	vm8 =	vlt.s32 v52, v12  }
0x27f: {  	[tilespmem:v43+s16+$0x0] =	vst.idx.add.f32.msk $0xffff, v4;
	v48 =	vmul.f32 $2.048000000e+03, v63;
	vm9 =	vlt.s32 v50, v20;
	v52 =	vsel vm8, v52, v12  }
0x280: {  	v44 =	vtrunc.f32 v44;
	v43 =	vadd.f32 v11, v60;
	v61 =	vld [tilespmem:s1+$0x10];
	v50 =	vsel vm9, v50, v20  }
0x281: {  	v46 =	vcvt.f32.s32 v46;
	v44 =	vcvt.f32.s32 v44;
	v54 =	vld [tilespmem:s28+$0xFFFFFFA0];
	v48 =	vadd.f32 v27, v48  }
0x282: {  	v45 =	vadd.f32 v23, v45;
	[tilespmem:v47+s16+$0x0] =	vst.idx.add.f32.msk $0xffff, v4;
	v43 =	vtrunc.f32 v43;
	v49 =	vmul.f32 $2.048000000e+03, v49  }
0x283: {  	vm7 =	vlt.s32 v44, v3;
	v62 =	vld [tilespmem:s0+$0x80];
	v43 =	vcvt.f32.s32 v43;
	v58 =	vtrunc.f32 v48  }
0x284: {  	s10 =	simm.s32 $0xBE0;
	v44 =	vsel vm7, v44, v3;
	v59 =	vadd.f32 v35, v49;
	v47 =	vcvt.f32.s32 v58;
	[tilespmem:v52+s16+$0x0] =	vst.idx.add.f32.msk $0xffff, v4  }
0x285: {  	s11 =	sand.u32 $0x3FE0, s10;
	vm14 =	vlt.s32 v46, v34;
	vm13 =	vlt.s32 v43, v12;
	v49 =	vmul.f32 $2.048000000e+03, v61;
	[tilespmem:v50+s16+$0x0] =	vst.idx.add.f32.msk $0xffff, v4  }
0x286: {  	v43 =	vsel vm13, v43, v12;
	v48 =	vtrunc.f32 v59;
	vm10 =	vlt.s32 v47, v28;
	v52 =	vld [tilespmem:s11+$0x180]  }
0x287: {  	v56 =	vmul.f32 $2.048000000e+03, v54;
	v48 =	vcvt.f32.s32 v48;
	v63 =	vsel vm10, v47, v28;
	v50 =	vld [tilespmem:s30+$0x90]  }
0x288: {  	v45 =	vtrunc.f32 v45;
	v46 =	vsel vm14, v46, v34;
	v51 =	vld [tilespmem:s25+$0xFFFFFFE0];
	v49 =	vadd.f32 v5, v49  }
0x289: {  	v45 =	vcvt.f32.s32 v45;
	[tilespmem:v44+s16+$0x0] =	vst.idx.add.f32.msk $0xffff, v4;
	v47 =	vadd.f32 v29, v56;
	vm11 =	vlt.s32 v48, v36  }
0x28a: {  	v58 =	vmul.f32 $2.048000000e+03, v62;
	v62 =	vld [tilespmem:s1+$0xFFFFFEE0];
	v49 =	vtrunc.f32 v49;
	v48 =	vsel vm11, v48, v36  }
0x28b: {  	vm12 =	vlt.s32 v45, v24;
	v47 =	vtrunc.f32 v47;
	[tilespmem:v43+s16+$0x0] =	vst.idx.add.f32.msk $0xffff, v4;
	v52 =	vmul.f32 $2.048000000e+03, v52  }
0x28c: {  	v57 =	vsel vm12, v45, v24;
	v47 =	vcvt.f32.s32 v47;
	[tilespmem:v63+s16+$0x0] =	vst.idx.add.f32.msk $0xffff, v4;
	v50 =	vmul.f32 $2.048000000e+03, v50  }
0x28d: {  	v51 =	vmul.f32 $2.048000000e+03, v51;
	v60 =	vcvt.f32.s32 v49;
	v59 =	vld [tilespmem:s8+$0x200];
	v52 =	vadd.f32 v13, v52  }
0x28e: {  	v45 =	vadd.f32 v19, v58;
	v43 =	vld [tilespmem:s31+$0xFFFFFF20];
	vm15 =	vlt.s32 v47, v30;
	v50 =	vadd.f32 v21, v50  }
0x28f: {  	vm4 =	vlt.s32 v60, v6;
	v47 =	vsel vm15, v47, v30;
	[tilespmem:v48+s16+$0x0] =	vst.idx.add.f32.msk $0xffff, v4;
	v52 =	vtrunc.f32 v52  }
0x290: {  	v48 =	vsel vm4, v60, v6;
	v61 =	vld [tilespmem:s28+$0x110];
	v63 =	vtrunc.f32 v50;
	v52 =	vcvt.f32.s32 v52  }
0x291: {  	[tilespmem:v46+s16+$0x0] =	vst.idx.add.f32.msk $0xffff, v4;
	v54 =	vmul.f32 $2.048000000e+03, v62;
	v44 =	vcvt.f32.s32 v63  }
0x292: {  	[tilespmem:v57+s16+$0x0] =	vst.idx.add.f32.msk $0xffff, v4;
	v45 =	vtrunc.f32 v45;
	v53 =	vmul.f32 $2.048000000e+03, v59;
	vm5 =	vlt.s32 v52, v14  }
0x293: {  	v57 =	vld [tilespmem:s29+$0xFFFFFF80];
	v60 =	vadd.f32 v5, v54;
	vm6 =	vlt.s32 v44, v22;
	v58 =	vsel vm5, v52, v14  }
0x294: {  	v43 =	vmul.f32 $2.048000000e+03, v43;
	[tilespmem:v47+s16+$0x0] =	vst.idx.add.f32.msk $0xffff, v4;
	v53 =	vadd.f32 v29, v53;
	v44 =	vsel vm6, v44, v22  }
0x295: {  	v46 =	vtrunc.f32 v60;
	[tilespmem:v48+s16+$0x0] =	vst.idx.add.f32.msk $0xffff, v4;
	v49 =	vmul.f32 $2.048000000e+03, v61  }
0x296: {  	v51 =	vadd.f32 v37, v51;
	v46 =	vcvt.f32.s32 v46;
	v62 =	vld [tilespmem:s1+$0x20];
	v59 =	vtrunc.f32 v53  }
0x297: {  	v45 =	vcvt.f32.s32 v45;
	v53 =	vld [tilespmem:s28+$0xFFFFFFB0];
	v49 =	vadd.f32 v37, v49;
	v52 =	vcvt.f32.s32 v59  }
0x298: {  	v50 =	vmul.f32 $2.048000000e+03, v57;
	v43 =	vadd.f32 v13, v43;
	vm10 =	vlt.s32 v46, v6;
	[tilespmem:v58+s16+$0x0] =	vst.idx.add.f32.msk $0xffff, v4  }
0x299: {  	v49 =	vtrunc.f32 v49;
	vm7 =	vlt.s32 v52, v30;
	[tilespmem:v44+s16+$0x0] =	vst.idx.add.f32.msk $0xffff, v4;
	v58 =	vsel vm10, v46, v6  }
0x29a: {  	vm9 =	vlt.s32 v45, v20;
	v61 =	vcvt.f32.s32 v49;
	v52 =	vsel vm7, v52, v30;
	v57 =	vld [tilespmem:s31+$0x60]  }
0x29b: {  	v45 =	vsel vm9, v45, v20;
	v43 =	vtrunc.f32 v43;
	v59 =	vadd.f32 v25, v50;
	v60 =	vld [tilespmem:s30+$0xA0]  }
0x29c: {  	[tilespmem:v42+s16+$0x0] =	vst.idx.add.f32.msk $0xffff, v4;
	v63 =	vtrunc.f32 v51;
	v43 =	vcvt.f32.s32 v43;
	vm8 =	vlt.s32 v61, v38  }
0x29d: {  	v54 =	vld [tilespmem:s9+$0x100];
	v46 =	vtrunc.f32 v59;
	v49 =	vmul.f32 $2.048000000e+03, v62;
	v48 =	vsel vm8, v61, v38  }
0x29e: {  	vm11 =	vlt.s32 v43, v14;
	v46 =	vcvt.f32.s32 v46;
	v53 =	vmul.f32 $2.048000000e+03, v53;
	[tilespmem:v58+s16+$0x0] =	vst.idx.add.f32.msk $0xffff, v4  }
0x29f: {  	v43 =	vsel vm11, v43, v14;
	v49 =	vadd.f32 v7, v49;
	[tilespmem:v52+s16+$0x0] =	vst.idx.add.f32.msk $0xffff, v4;
	v61 =	vmul.f32 $2.048000000e+03, v57  }
0x2a0: {  	vm12 =	vlt.s32 v46, v26;
	v62 =	vadd.f32 v31, v53;
	v57 =	vmul.f32 $2.048000000e+03, v60;
	v58 =	vld [tilespmem:s1+$0xFFFFFEF0]  }
0x2a1: {  	v49 =	vtrunc.f32 v49;
	v60 =	vsel vm12, v46, v26;
	v52 =	vld [tilespmem:s29+$0xE0];
	v56 =	vadd.f32 v15, v61  }
0x2a2: {  	v47 =	vcvt.f32.s32 v63;
	v59 =	vcvt.f32.s32 v49;
	[tilespmem:v48+s16+$0x0] =	vst.idx.add.f32.msk $0xffff, v4;
	v48 =	vadd.f32 v23, v57  }
0x2a3: {  	v50 =	vtrunc.f32 v62;
	v63 =	vld [tilespmem:s28+$0x120];
	v44 =	vtrunc.f32 v56  }
0x2a4: {  	[tilespmem:v45+s16+$0x0] =	vst.idx.add.f32.msk $0xffff, v4;
	vm13 =	vlt.s32 v59, v8;
	v48 =	vtrunc.f32 v48;
	v44 =	vcvt.f32.s32 v44  }
0x2a5: {  	[tilespmem:v43+s16+$0x0] =	vst.idx.add.f32.msk $0xffff, v4;
	v41 =	vsel vm13, v59, v8;
	v48 =	vcvt.f32.s32 v48;
	v55 =	vmul.f32 $2.048000000e+03, v58  }
0x2a6: {  	[tilespmem:v60+s16+$0x0] =	vst.idx.add.f32.msk $0xffff, v4;
	v60 =	vcvt.f32.s32 v50;
	v61 =	vmul.f32 $2.048000000e+03, v52;
	vm14 =	vlt.s32 v44, v16  }
0x2a7: {  	v56 =	vld [tilespmem:s30+$0xFFFFFF60];
	vm15 =	vlt.s32 v48, v24;
	v45 =	vadd.f32 v7, v55;
	v44 =	vsel vm14, v44, v16  }
0x2a8: {  	v62 =	vmul.f32 $2.048000000e+03, v63;
	v63 =	vld [tilespmem:s31+$0xFFFFFF30];
	v46 =	vadd.f32 v31, v61;
	v48 =	vsel vm15, v48, v24  }
0x2a9: {  	v54 =	vmul.f32 $2.048000000e+03, v54;
	v58 =	vld [tilespmem:s29+$0xFFFFFF90];
	v45 =	vtrunc.f32 v45  }
0x2aa: {  	[tilespmem:v41+s16+$0x0] =	vst.idx.add.f32.msk $0xffff, v4;
	vm8 =	vlt.s32 v60, v32;
	v46 =	vtrunc.f32 v46;
	v45 =	vcvt.f32.s32 v45  }
0x2ab: {  	v54 =	vadd.f32 v35, v54;
	v61 =	vld [tilespmem:s1+$0x30];
	v49 =	vsel vm8, v60, v32;
	v57 =	vcvt.f32.s32 v46  }
0x2ac: {  	v51 =	vmul.f32 $2.048000000e+03, v56;
	v43 =	vadd.f32 v39, v62;
	vm7 =	vlt.s32 v45, v8;
	[tilespmem:v44+s16+$0x0] =	vst.idx.add.f32.msk $0xffff, v4  }
0x2ad: {  	v59 =	vmul.f32 $2.048000000e+03, v63;
	vm4 =	vlt.s32 v57, v32;
	[tilespmem:v48+s16+$0x0] =	vst.idx.add.f32.msk $0xffff, v4;
	v45 =	vsel vm7, v45, v8  }
0x2ae: {  	v51 =	vadd.f32 v21, v51;
	v43 =	vtrunc.f32 v43;
	v42 =	vsel vm4, v57, v32;
	v44 =	vld [tilespmem:s31+$0x70]  }
0x2af: {  	v46 =	vtrunc.f32 v54;
	v43 =	vcvt.f32.s32 v43;
	v63 =	vld [tilespmem:s30+$0xB0];
	v41 =	vadd.f32 v15, v59  }
0x2b0: {  	vm6 =	vlt.s32 v47, v38;
	v51 =	vtrunc.f32 v51;
	v56 =	vmul.f32 $2.048000000e+03, v61  }
0x2b1: {  	[tilespmem:v49+s16+$0x0] =	vst.idx.add.f32.msk $0xffff, v4;
	v57 =	vcvt.f32.s32 v51;
	vm5 =	vlt.s32 v43, v40;
	v41 =	vtrunc.f32 v41  }
0x2b2: {  	v62 =	vmul.f32 $2.048000000e+03, v58;
	v43 =	vsel vm5, v43, v40;
	v41 =	vcvt.f32.s32 v41;
	[tilespmem:v45+s16+$0x0] =	vst.idx.add.f32.msk $0xffff, v4  }
0x2b3: {  	vm10 =	vlt.s32 v57, v22;
	[tilespmem:v42+s16+$0x0] =	vst.idx.add.f32.msk $0xffff, v4;
	v42 =	vadd.f32 v9, v56;
	v44 =	vmul.f32 $2.048000000e+03, v44  }
0x2b4: {  	v50 =	vsel vm10, v57, v22;
	v45 =	vld [tilespmem:s1+$0xFFFFFF00];
	v60 =	vmul.f32 $2.048000000e+03, v63;
	vm9 =	vlt.s32 v41, v16  }
0x2b5: {  	v58 =	vld [tilespmem:s29+$0xF0];
	v59 =	vsel vm9, v41, v16;
	v42 =	vtrunc.f32 v42;
	v44 =	vadd.f32 v17, v44  }
0x2b6: {  	s19 =	simm.s32 $0x11D0;
	v49 =	vld [tilespmem:s28+$0xFFFFFFC0];
	v41 =	vsel vm6, v47, v38;
	v47 =	vadd.f32 v25, v60;
	v42 =	vcvt.f32.s32 v42  }
0x2b7: {  	v46 =	vcvt.f32.s32 v46;
	v48 =	vadd.f32 v27, v62;
	v57 =	vld [tilespmem:s19+$0xFFFFFED0];
	v44 =	vtrunc.f32 v44  }
0x2b8: {  	v63 =	vld [tilespmem:s19+$0x0];
	v47 =	vtrunc.f32 v47;
	vm11 =	vlt.s32 v42, v10;
	v61 =	vcvt.f32.s32 v44  }
0x2b9: {  	[tilespmem:v43+s16+$0x0] =	vst.idx.add.f32.msk $0xffff, v4;
	v45 =	vmul.f32 $2.048000000e+03, v45;
	v47 =	vcvt.f32.s32 v47;
	v42 =	vsel vm11, v42, v10  }
0x2ba: {  	v48 =	vtrunc.f32 v48;
	[tilespmem:v50+s16+$0x0] =	vst.idx.add.f32.msk $0xffff, v4;
	v51 =	vmul.f32 $2.048000000e+03, v58;
	vm12 =	vlt.s32 v61, v18  }
0x2bb: {  	v58 =	vld [tilespmem:s30+$0xFFFFFF70];
	v45 =	vadd.f32 v9, v45;
	vm14 =	vlt.s32 v47, v26;
	v43 =	vsel vm12, v61, v18  }
0x2bc: {  	v48 =	vcvt.f32.s32 v48;
	[tilespmem:v59+s16+$0x0] =	vst.idx.add.f32.msk $0xffff, v4;
	v51 =	vadd.f32 v33, v51;
	v47 =	vsel vm14, v47, v26  }
0x2bd: {  	vm13 =	vlt.s32 v46, v36;
	v59 =	vmul.f32 $2.048000000e+03, v63;
	v62 =	vld [tilespmem:s31+$0xFFFFFF40];
	v45 =	vtrunc.f32 v45  }
0x2be: {  	vm15 =	vlt.s32 v48, v28;
	v56 =	vtrunc.f32 v51;
	v45 =	vcvt.f32.s32 v45;
	[tilespmem:v42+s16+$0x0] =	vst.idx.add.f32.msk $0xffff, v4  }
0x2bf: {  	v46 =	vsel vm13, v46, v36;
	v48 =	vsel vm15, v48, v28;
	v50 =	vcvt.f32.s32 v56;
	v60 =	vld [tilespmem:s1+$0x40]  }
0x2c0: {  	v49 =	vmul.f32 $2.048000000e+03, v49;
	v42 =	vadd.f32 v2, v59;
	vm5 =	vlt.s32 v45, v10;
	[tilespmem:v43+s16+$0x0] =	vst.idx.add.f32.msk $0xffff, v4  }
0x2c1: {  	v61 =	vmul.f32 $2.048000000e+03, v57;
	vm4 =	vlt.s32 v50, v34;
	v45 =	vsel vm5, v45, v10;
	[tilespmem:v47+s16+$0x0] =	vst.idx.add.f32.msk $0xffff, v4  }
0x2c2: {  	v44 =	vmul.f32 $2.048000000e+03, v62;
	v42 =	vtrunc.f32 v42;
	v50 =	vsel vm4, v50, v34;
	v62 =	vld [tilespmem:s31+$0x80]  }
0x2c3: {  	v53 =	vmul.f32 $2.048000000e+03, v58;
	v43 =	vadd.f32 v2, v61;
	v47 =	vld [tilespmem:s30+$0xC0];
	v42 =	vcvt.f32.s32 v42  }
0x2c4: {  	[tilespmem:v46+s16+$0x0] =	vst.idx.add.f32.msk $0xffff, v4;
	v49 =	vadd.f32 v33, v49;
	v44 =	vadd.f32 v17, v44;
	v52 =	vmul.f32 $2.048000000e+03, v60  }
0x2c5: {  	[tilespmem:v48+s16+$0x0] =	vst.idx.add.f32.msk $0xffff, v4;
	v63 =	vadd.f32 v23, v53;
	v43 =	vtrunc.f32 v43;
	vm7 =	vlt.s32 v42, v3  }
0x2c6: {  	v43 =	vcvt.f32.s32 v43;
	v44 =	vtrunc.f32 v44;
	[tilespmem:v45+s16+$0x0] =	vst.idx.add.f32.msk $0xffff, v4;
	v57 =	vadd.f32 v11, v52  }
0x2c7: {  	v42 =	vsel vm7, v42, v3;
	v44 =	vcvt.f32.s32 v44;
	[tilespmem:v50+s16+$0x0] =	vst.idx.add.f32.msk $0xffff, v4;
	v51 =	vmul.f32 $2.048000000e+03, v62  }
0x2c8: {  	vm8 =	vlt.s32 v43, v3;
	v45 =	vld [tilespmem:s1+$0xFFFFFF10];
	v47 =	vmul.f32 $2.048000000e+03, v47;
	v48 =	vtrunc.f32 v57  }
0x2c9: {  	v43 =	vsel vm8, v43, v3;
	vm6 =	vlt.s32 v44, v18;
	v56 =	vld [tilespmem:s29+$0x100];
	v48 =	vcvt.f32.s32 v48  }
0x2ca: {  	v49 =	vtrunc.f32 v49;
	v58 =	vld [tilespmem:s29+$0xFFFFFFA0];
	v44 =	vsel vm6, v44, v18;
	v51 =	vadd.f32 v19, v51  }
0x2cb: {  	v53 =	vld [tilespmem:s26+$0xFFFFFFE0];
	v50 =	vtrunc.f32 v63;
	v47 =	vadd.f32 v27, v47;
	vm9 =	vlt.s32 v48, v12  }
0x2cc: {  	v54 =	vcvt.f32.s32 v50;
	[tilespmem:v42+s16+$0x0] =	vst.idx.add.f32.msk $0xffff, v4;
	v59 =	vtrunc.f32 v51;
	v48 =	vsel vm9, v48, v12  }
0x2cd: {  	v61 =	vtrunc.f32 v47;
	v55 =	vld [tilespmem:s19+$0x10];
	v46 =	vcvt.f32.s32 v59  }
0x2ce: {  	vm12 =	vlt.s32 v54, v24;
	v63 =	vmul.f32 $2.048000000e+03, v45;
	[tilespmem:v43+s16+$0x0] =	vst.idx.add.f32.msk $0xffff, v4;
	v60 =	vmul.f32 $2.048000000e+03, v56  }
0x2cf: {  	v59 =	vcvt.f32.s32 v49;
	[tilespmem:v44+s16+$0x0] =	vst.idx.add.f32.msk $0xffff, v4;
	vm10 =	vlt.s32 v46, v20;
	v44 =	vcvt.f32.s32 v61  }
0x2d0: {  	v42 =	vadd.f32 v11, v63;
	v62 =	vadd.f32 v35, v60;
	v46 =	vsel vm10, v46, v20;
	v56 =	vld [tilespmem:s11+$0x80]  }
0x2d1: {  	s22 =	simm.s32 $0xE40;
	v58 =	vmul.f32 $2.048000000e+03, v58;
	vm14 =	vlt.s32 v59, v34;
	vm11 =	vlt.s32 v44, v28;
	[tilespmem:v48+s16+$0x0] =	vst.idx.add.f32.msk $0xffff, v4  }
0x2d2: {  	s20 =	sand.u32 $0x3FE0, s22;
	v47 =	vtrunc.f32 v62;
	v57 =	vsel vm11, v44, v28;
	v48 =	vsel vm14, v59, v34;
	v59 =	vld [tilespmem:s19+$0xFFFFFEE0]  }
0x2d3: {  	v45 =	vsel vm12, v54, v24;
	v50 =	vmul.f32 $2.048000000e+03, v55;
	v47 =	vcvt.f32.s32 v47;
	v60 =	vld [tilespmem:s20+$0x180]  }
0x2d4: {  	v63 =	vmul.f32 $2.048000000e+03, v53;
	v42 =	vtrunc.f32 v42;
	v44 =	vadd.f32 v29, v58  }
0x2d5: {  	v42 =	vcvt.f32.s32 v42;
	v50 =	vadd.f32 v5, v50;
	vm13 =	vlt.s32 v47, v36;
	[tilespmem:v46+s16+$0x0] =	vst.idx.add.f32.msk $0xffff, v4  }
0x2d6: {  	v44 =	vtrunc.f32 v44;
	v61 =	vmul.f32 $2.048000000e+03, v56;
	v47 =	vsel vm13, v47, v36;
	v62 =	vld [tilespmem:s31+$0x90]  }
0x2d7: {  	v44 =	vcvt.f32.s32 v44;
	v50 =	vtrunc.f32 v50;
	[tilespmem:v57+s16+$0x0] =	vst.idx.add.f32.msk $0xffff, v4  }
0x2d8: {  	vm15 =	vlt.s32 v42, v12;
	v56 =	vld [tilespmem:s0+$0x200];
	v53 =	vmul.f32 $2.048000000e+03, v59;
	v49 =	vmul.f32 $2.048000000e+03, v60  }
0x2d9: {  	[tilespmem:v45+s16+$0x0] =	vst.idx.add.f32.msk $0xffff, v4;
	v42 =	vsel vm15, v42, v12;
	v46 =	vadd.f32 v19, v61;
	v57 =	vcvt.f32.s32 v50  }
0x2da: {  	vm4 =	vlt.s32 v44, v30;
	v61 =	vld [tilespmem:s30+$0xFFFFFF80];
	v53 =	vadd.f32 v5, v53;
	v49 =	vadd.f32 v13, v49  }
0x2db: {  	v44 =	vsel vm4, v44, v30;
	vm5 =	vlt.s32 v57, v6;
	[tilespmem:v47+s16+$0x0] =	vst.idx.add.f32.msk $0xffff, v4;
	v51 =	vmul.f32 $2.048000000e+03, v62  }
0x2dc: {  	v47 =	vsel vm5, v57, v6;
	v58 =	vld [tilespmem:s29+$0x110];
	v59 =	vtrunc.f32 v53;
	v49 =	vtrunc.f32 v49  }
0x2dd: {  	[tilespmem:v48+s16+$0x0] =	vst.idx.add.f32.msk $0xffff, v4;
	v51 =	vadd.f32 v21, v51;
	v52 =	vmul.f32 $2.048000000e+03, v56;
	v49 =	vcvt.f32.s32 v49  }
0x2de: {  	[tilespmem:v42+s16+$0x0] =	vst.idx.add.f32.msk $0xffff, v4;
	v48 =	vcvt.f32.s32 v59  }
0x2df: {  	v42 =	vld [tilespmem:s1+$0xFFFFFF20];
	v60 =	vtrunc.f32 v51;
	v52 =	vadd.f32 v29, v52;
	vm6 =	vlt.s32 v49, v14  }
0x2e0: {  	v43 =	vadd.f32 v37, v63;
	v57 =	vld [tilespmem:s17+$0x100];
	v45 =	vcvt.f32.s32 v60;
	v62 =	vsel vm6, v49, v14  }
0x2e1: {  	[tilespmem:v44+s16+$0x0] =	vst.idx.add.f32.msk $0xffff, v4;
	vm11 =	vlt.s32 v48, v6;
	v50 =	vmul.f32 $2.048000000e+03, v58;
	v63 =	vtrunc.f32 v52  }
0x2e2: {  	[tilespmem:v47+s16+$0x0] =	vst.idx.add.f32.msk $0xffff, v4;
	vm7 =	vlt.s32 v45, v22;
	v49 =	vcvt.f32.s32 v63;
	v63 =	vsel vm11, v48, v6  }
0x2e3: {  	v43 =	vtrunc.f32 v43;
	v52 =	vld [tilespmem:s29+$0xFFFFFFB0];
	v50 =	vadd.f32 v37, v50;
	v45 =	vsel vm7, v45, v22  }
0x2e4: {  	v46 =	vtrunc.f32 v46;
	v42 =	vmul.f32 $2.048000000e+03, v42;
	v60 =	vld [tilespmem:s19+$0x20]  }
0x2e5: {  	v61 =	vmul.f32 $2.048000000e+03, v61;
	vm9 =	vlt.s32 v49, v30;
	v56 =	vtrunc.f32 v50;
	[tilespmem:v62+s16+$0x0] =	vst.idx.add.f32.msk $0xffff, v4  }
0x2e6: {  	v42 =	vadd.f32 v13, v42;
	v49 =	vsel vm9, v49, v30;
	v58 =	vcvt.f32.s32 v56;
	v62 =	vld [tilespmem:s1+$0x60]  }
0x2e7: {  	v43 =	vcvt.f32.s32 v43;
	v46 =	vcvt.f32.s32 v46;
	[tilespmem:v63+s16+$0x0] =	vst.idx.add.f32.msk $0xffff, v4  }
0x2e8: {  	v44 =	vadd.f32 v25, v61;
	v42 =	vtrunc.f32 v42;
	vm10 =	vlt.s32 v58, v38;
	[tilespmem:v45+s16+$0x0] =	vst.idx.add.f32.msk $0xffff, v4  }
0x2e9: {  	v50 =	vmul.f32 $2.048000000e+03, v57;
	v57 =	vmul.f32 $2.048000000e+03, v60;
	v63 =	vld [tilespmem:s19+$0xFFFFFEF0];
	v47 =	vsel vm10, v58, v38  }
0x2ea: {  	v44 =	vtrunc.f32 v44;
	v42 =	vcvt.f32.s32 v42;
	v56 =	vld [tilespmem:s31+$0xA0]  }
0x2eb: {  	vm8 =	vlt.s32 v46, v20;
	v44 =	vcvt.f32.s32 v44;
	v58 =	vadd.f32 v7, v57;
	[tilespmem:v49+s16+$0x0] =	vst.idx.add.f32.msk $0xffff, v4  }
0x2ec: {  	v46 =	vsel vm8, v46, v20;
	vm12 =	vlt.s32 v42, v14;
	v53 =	vld [tilespmem:s30+$0xE0];
	v59 =	vmul.f32 $2.048000000e+03, v62  }
0x2ed: {  	vm13 =	vlt.s32 v44, v26;
	v42 =	vsel vm12, v42, v14;
	v61 =	vtrunc.f32 v58  }
0x2ee: {  	v44 =	vsel vm13, v44, v26;
	v45 =	vcvt.f32.s32 v61;
	[tilespmem:v47+s16+$0x0] =	vst.idx.add.f32.msk $0xffff, v4;
	v62 =	vadd.f32 v15, v59  }
0x2ef: {  	vm9 =	vlt.s32 v43, v38;
	v52 =	vmul.f32 $2.048000000e+03, v52;
	v48 =	vmul.f32 $2.048000000e+03, v56;
	v60 =	vld [tilespmem:s29+$0x120]  }
0x2f0: {  	v50 =	vadd.f32 v35, v50;
	vm14 =	vlt.s32 v45, v8;
	v56 =	vtrunc.f32 v62  }
0x2f1: {  	[tilespmem:v46+s16+$0x0] =	vst.idx.add.f32.msk $0xffff, v4;
	v57 =	vadd.f32 v23, v48;
	v58 =	vmul.f32 $2.048000000e+03, v53;
	v62 =	vmul.f32 $2.048000000e+03, v63  }
0x2f2: {  	v52 =	vadd.f32 v31, v52;
	[tilespmem:v42+s16+$0x0] =	vst.idx.add.f32.msk $0xffff, v4;
	v45 =	vsel vm14, v45, v8;
	v42 =	vcvt.f32.s32 v56  }
0x2f3: {  	v53 =	vld [tilespmem:s1+$0xFFFFFF30];
	v47 =	vtrunc.f32 v57;
	v48 =	vadd.f32 v31, v58;
	v57 =	vadd.f32 v7, v62  }
0x2f4: {  	vm15 =	vlt.s32 v42, v16;
	v47 =	vcvt.f32.s32 v47;
	v59 =	vmul.f32 $2.048000000e+03, v60;
	v60 =	vld [tilespmem:s31+$0xFFFFFF60]  }
0x2f5: {  	[tilespmem:v41+s16+$0x0] =	vst.idx.add.f32.msk $0xffff, v4;
	v52 =	vtrunc.f32 v52;
	v48 =	vtrunc.f32 v48;
	v42 =	vsel vm15, v42, v16  }
0x2f6: {  	[tilespmem:v44+s16+$0x0] =	vst.idx.add.f32.msk $0xffff, v4;
	v44 =	vtrunc.f32 v57;
	vm4 =	vlt.s32 v47, v24;
	v48 =	vcvt.f32.s32 v48  }
0x2f7: {  	v52 =	vcvt.f32.s32 v52;
	v63 =	vld [tilespmem:s30+$0xFFFFFF90];
	v44 =	vcvt.f32.s32 v44;
	v58 =	vsel vm4, v47, v24  }
0x2f8: {  	[tilespmem:v45+s16+$0x0] =	vst.idx.add.f32.msk $0xffff, v4;
	v53 =	vmul.f32 $2.048000000e+03, v53;
	v61 =	vadd.f32 v39, v59;
	vm5 =	vlt.s32 v48, v32  }
0x2f9: {  	vm8 =	vlt.s32 v44, v8;
	v48 =	vsel vm5, v48, v32;
	v59 =	vmul.f32 $2.048000000e+03, v60;
	v60 =	vld [tilespmem:s19+$0x30]  }
0x2fa: {  	v53 =	vadd.f32 v15, v53;
	v56 =	vtrunc.f32 v61;
	v44 =	vsel vm8, v44, v8;
	[tilespmem:v42+s16+$0x0] =	vst.idx.add.f32.msk $0xffff, v4  }
0x2fb: {  	v49 =	vtrunc.f32 v50;
	vm7 =	vlt.s32 v52, v32;
	v41 =	vcvt.f32.s32 v56;
	v50 =	vld [tilespmem:s1+$0x70]  }
0x2fc: {  	v52 =	vsel vm7, v52, v32;
	v62 =	vmul.f32 $2.048000000e+03, v63;
	v53 =	vtrunc.f32 v53;
	[tilespmem:v58+s16+$0x0] =	vst.idx.add.f32.msk $0xffff, v4  }
0x2fd: {  	v63 =	vcvt.f32.s32 v53;
	vm6 =	vlt.s32 v41, v40;
	v61 =	vadd.f32 v21, v59;
	v57 =	vld [tilespmem:s31+$0xB0]  }
0x2fe: {  	v59 =	vadd.f32 v27, v62;
	v41 =	vsel vm6, v41, v40;
	[tilespmem:v48+s16+$0x0] =	vst.idx.add.f32.msk $0xffff, v4  }
0x2ff: {  	vm10 =	vlt.s32 v63, v16;
	v42 =	vtrunc.f32 v61;
	[tilespmem:v44+s16+$0x0] =	vst.idx.add.f32.msk $0xffff, v4;
	v60 =	vmul.f32 $2.048000000e+03, v60  }
0x300: {  	v48 =	vcvt.f32.s32 v49;
	v46 =	vsel vm10, v63, v16;
	v58 =	vcvt.f32.s32 v42;
	v61 =	vld [tilespmem:s30+$0xF0]  }
0x301: {  	v62 =	vtrunc.f32 v59;
	v63 =	vld [tilespmem:s19+$0xFFFFFF00];
	v50 =	vmul.f32 $2.048000000e+03, v50;
	v45 =	vadd.f32 v9, v60  }
0x302: {  	[tilespmem:v52+s16+$0x0] =	vst.idx.add.f32.msk $0xffff, v4;
	v42 =	vsel vm9, v43, v38;
	v44 =	vcvt.f32.s32 v62;
	vm11 =	vlt.s32 v58, v22  }
0x303: {  	v47 =	vld [tilespmem:s25+$0xFFFFFFF0];
	v50 =	vadd.f32 v17, v50;
	v56 =	vmul.f32 $2.048000000e+03, v57;
	v45 =	vtrunc.f32 v45  }
0x304: {  	s7 =	simm.s32 $0x1430;
	v53 =	vld [tilespmem:s29+$0xFFFFFFC0];
	vm12 =	vlt.s32 v48, v36;
	v43 =	vsel vm11, v58, v22;
	v45 =	vcvt.f32.s32 v45  }
0x305: {  	v62 =	vld [tilespmem:s7+$0x0];
	v57 =	vtrunc.f32 v50;
	v58 =	vadd.f32 v25, v56;
	v49 =	vmul.f32 $2.048000000e+03, v61  }
0x306: {  	[tilespmem:v46+s16+$0x0] =	vst.idx.add.f32.msk $0xffff, v4;
	v51 =	vmul.f32 $2.048000000e+03, v63;
	v46 =	vcvt.f32.s32 v57;
	vm14 =	vlt.s32 v45, v10  }
0x307: {  	v59 =	vld [tilespmem:s1+$0xFFFFFF40];
	v61 =	vtrunc.f32 v58;
	v49 =	vadd.f32 v33, v49;
	v60 =	vsel vm14, v45, v10  }
0x308: {  	[tilespmem:v41+s16+$0x0] =	vst.idx.add.f32.msk $0xffff, v4;
	v57 =	vadd.f32 v9, v51;
	vm15 =	vlt.s32 v46, v18;
	v45 =	vcvt.f32.s32 v61  }
0x309: {  	v53 =	vmul.f32 $2.048000000e+03, v53;
	v63 =	vld [tilespmem:s7+$0xFFFFFED0];
	v46 =	vsel vm15, v46, v18;
	v49 =	vtrunc.f32 v49  }
0x30a: {  	[tilespmem:v43+s16+$0x0] =	vst.idx.add.f32.msk $0xffff, v4;
	v43 =	vtrunc.f32 v57;
	vm4 =	vlt.s32 v45, v26;
	v49 =	vcvt.f32.s32 v49  }
0x30b: {  	vm13 =	vlt.s32 v44, v28;
	v58 =	vld [tilespmem:s31+$0xFFFFFF70];
	v43 =	vcvt.f32.s32 v43;
	v45 =	vsel vm4, v45, v26  }
0x30c: {  	v53 =	vadd.f32 v33, v53;
	v52 =	vmul.f32 $2.048000000e+03, v59;
	vm5 =	vlt.s32 v49, v34;
	[tilespmem:v60+s16+$0x0] =	vst.idx.add.f32.msk $0xffff, v4  }
0x30d: {  	v59 =	vmul.f32 $2.048000000e+03, v62;
	vm6 =	vlt.s32 v43, v10;
	v49 =	vsel vm5, v49, v34;
	v60 =	vld [tilespmem:s19+$0x40]  }
0x30e: {  	v52 =	vadd.f32 v17, v52;
	v43 =	vsel vm6, v43, v10;
	[tilespmem:v46+s16+$0x0] =	vst.idx.add.f32.msk $0xffff, v4  }
0x30f: {  	v54 =	vmul.f32 $2.048000000e+03, v63;
	v41 =	vadd.f32 v2, v59;
	v46 =	vtrunc.f32 v53;
	v61 =	vld [tilespmem:s1+$0x80]  }
0x310: {  	v44 =	vsel vm13, v44, v28;
	v51 =	vmul.f32 $2.048000000e+03, v58;
	v52 =	vtrunc.f32 v52;
	[tilespmem:v45+s16+$0x0] =	vst.idx.add.f32.msk $0xffff, v4  }
0x311: {  	v62 =	vadd.f32 v2, v54;
	v41 =	vtrunc.f32 v41;
	v52 =	vcvt.f32.s32 v52;
	v63 =	vld [tilespmem:s31+$0xC0]  }
0x312: {  	v48 =	vsel vm12, v48, v36;
	v41 =	vcvt.f32.s32 v41;
	[tilespmem:v49+s16+$0x0] =	vst.idx.add.f32.msk $0xffff, v4;
	v50 =	vmul.f32 $2.048000000e+03, v60  }
0x313: {  	v56 =	vadd.f32 v23, v51;
	v45 =	vtrunc.f32 v62;
	vm7 =	vlt.s32 v52, v18;
	[tilespmem:v43+s16+$0x0] =	vst.idx.add.f32.msk $0xffff, v4  }
0x314: {  	vm8 =	vlt.s32 v41, v3;
	v51 =	vld [tilespmem:s30+$0x100];
	v58 =	vmul.f32 $2.048000000e+03, v61;
	v57 =	vadd.f32 v11, v50  }
0x315: {  	v45 =	vcvt.f32.s32 v45;
	v41 =	vsel vm8, v41, v3;
	v59 =	vsel vm7, v52, v18;
	v60 =	vld [tilespmem:s19+$0xFFFFFF10]  }
0x316: {  	[tilespmem:v44+s16+$0x0] =	vst.idx.add.f32.msk $0xffff, v4;
	v50 =	vadd.f32 v19, v58;
	v61 =	vmul.f32 $2.048000000e+03, v63;
	v44 =	vtrunc.f32 v57  }
0x317: {  	[tilespmem:v48+s16+$0x0] =	vst.idx.add.f32.msk $0xffff, v4;
	v49 =	vtrunc.f32 v56;
	vm9 =	vlt.s32 v45, v3;
	v44 =	vcvt.f32.s32 v44  }
0x318: {  	v62 =	vld [tilespmem:s30+$0xFFFFFFA0];
	v45 =	vsel vm9, v45, v3;
	v63 =	vtrunc.f32 v50;
	v56 =	vadd.f32 v27, v61  }
0x319: {  	v53 =	vld [tilespmem:s28+$0xFFFFFFE0];
	v51 =	vmul.f32 $2.048000000e+03, v51;
	v48 =	vcvt.f32.s32 v63;
	vm10 =	vlt.s32 v44, v12  }
0x31a: {  	[tilespmem:v59+s16+$0x0] =	vst.idx.add.f32.msk $0xffff, v4;
	v59 =	vmul.f32 $2.048000000e+03, v60;
	v44 =	vsel vm10, v44, v12  }
0x31b: {  	[tilespmem:v41+s16+$0x0] =	vst.idx.add.f32.msk $0xffff, v4;
	v57 =	vtrunc.f32 v56;
	v58 =	vadd.f32 v35, v51;
	vm11 =	vlt.s32 v48, v20  }
0x31c: {  	v60 =	vld [tilespmem:s7+$0x10];
	v41 =	vadd.f32 v11, v59;
	v43 =	vcvt.f32.s32 v57;
	v48 =	vsel vm11, v48, v20  }
0x31d: {  	v62 =	vmul.f32 $2.048000000e+03, v62;
	v61 =	vld [tilespmem:s20+$0x80];
	v50 =	vtrunc.f32 v58  }
0x31e: {  	s13 =	simm.s32 $0x10A0;
	[tilespmem:v45+s16+$0x0] =	vst.idx.add.f32.msk $0xffff, v4;
	v41 =	vtrunc.f32 v41;
	vm12 =	vlt.s32 v43, v28;
	v50 =	vcvt.f32.s32 v50  }
0x31f: {  	s10 =	sand.u32 $0x3FE0, s13;
	v47 =	vmul.f32 $2.048000000e+03, v47;
	v41 =	vcvt.f32.s32 v41;
	v43 =	vsel vm12, v43, v28;
	[tilespmem:v44+s16+$0x0] =	vst.idx.add.f32.msk $0xffff, v4  }
0x320: {  	v45 =	vadd.f32 v29, v62;
	v57 =	vmul.f32 $2.048000000e+03, v53;
	vm14 =	vlt.s32 v50, v36;
	v56 =	vld [tilespmem:s10+$0x180]  }
0x321: {  	v51 =	vmul.f32 $2.048000000e+03, v60;
	vm4 =	vlt.s32 v41, v12;
	v50 =	vsel vm14, v50, v36;
	[tilespmem:v48+s16+$0x0] =	vst.idx.add.f32.msk $0xffff, v4  }
0x322: {  	v49 =	vcvt.f32.s32 v49;
	v41 =	vsel vm4, v41, v12;
	v48 =	vadd.f32 v37, v57;
	v57 =	vld [tilespmem:s7+$0xFFFFFEE0]  }
0x323: {  	v47 =	vadd.f32 v39, v47;
	v45 =	vtrunc.f32 v45;
	v51 =	vadd.f32 v5, v51;
	v58 =	vld [tilespmem:s1+$0x90]  }
0x324: {  	vm13 =	vlt.s32 v49, v24;
	v63 =	vcvt.f32.s32 v46;
	v59 =	vcvt.f32.s32 v45;
	[tilespmem:v43+s16+$0x0] =	vst.idx.add.f32.msk $0xffff, v4  }
0x325: {  	v46 =	vsel vm13, v49, v24;
	v52 =	vmul.f32 $2.048000000e+03, v61;
	v51 =	vtrunc.f32 v51;
	v61 =	vld [tilespmem:s11+$0x200]  }
0x326: {  	vm15 =	vlt.s32 v63, v34;
	v62 =	vcvt.f32.s32 v51;
	[tilespmem:v50+s16+$0x0] =	vst.idx.add.f32.msk $0xffff, v4;
	v49 =	vmul.f32 $2.048000000e+03, v56  }
0x327: {  	vm5 =	vlt.s32 v59, v30;
	v44 =	vsel vm15, v63, v34;
	[tilespmem:v41+s16+$0x0] =	vst.idx.add.f32.msk $0xffff, v4  }
0x328: {  	vm6 =	vlt.s32 v62, v6;
	v63 =	vld [tilespmem:s30+$0x110];
	v53 =	vmul.f32 $2.048000000e+03, v58;
	v49 =	vadd.f32 v13, v49  }
0x329: {  	v60 =	vadd.f32 v19, v52;
	v50 =	vsel vm6, v62, v6;
	v54 =	vmul.f32 $2.048000000e+03, v57;
	v58 =	vld [tilespmem:s19+$0xFFFFFF20]  }
0x32a: {  	v53 =	vadd.f32 v21, v53;
	v52 =	vmul.f32 $2.048000000e+03, v61;
	v49 =	vtrunc.f32 v49  }
0x32b: {  	[tilespmem:v46+s16+$0x0] =	vst.idx.add.f32.msk $0xffff, v4;
	v45 =	vtrunc.f32 v60;
	v43 =	vsel vm5, v59, v30;
	v49 =	vcvt.f32.s32 v49  }
0x32c: {  	v60 =	vld [tilespmem:s31+$0xFFFFFF80];
	v54 =	vadd.f32 v5, v54;
	v59 =	vtrunc.f32 v53;
	v52 =	vadd.f32 v29, v52  }
0x32d: {  	[tilespmem:v44+s16+$0x0] =	vst.idx.add.f32.msk $0xffff, v4;
	v51 =	vmul.f32 $2.048000000e+03, v63;
	v46 =	vcvt.f32.s32 v59;
	vm7 =	vlt.s32 v49, v14  }
0x32e: {  	v57 =	vld [tilespmem:s8+$0x100];
	v63 =	vmul.f32 $2.048000000e+03, v58;
	v58 =	vtrunc.f32 v54;
	v61 =	vsel vm7, v49, v14  }
0x32f: {  	[tilespmem:v50+s16+$0x0] =	vst.idx.add.f32.msk $0xffff, v4;
	v62 =	vtrunc.f32 v52;
	v50 =	vcvt.f32.s32 v58;
	vm8 =	vlt.s32 v46, v22  }
0x330: {  	[tilespmem:v43+s16+$0x0] =	vst.idx.add.f32.msk $0xffff, v4;
	v51 =	vadd.f32 v37, v51;
	v49 =	vcvt.f32.s32 v62;
	v46 =	vsel vm8, v46, v22  }
0x331: {  	v60 =	vmul.f32 $2.048000000e+03, v60;
	v59 =	vld [tilespmem:s7+$0x20];
	v44 =	vadd.f32 v13, v63;
	vm12 =	vlt.s32 v50, v6  }
0x332: {  	v52 =	vld [tilespmem:s30+$0xFFFFFFB0];
	v56 =	vtrunc.f32 v51;
	vm10 =	vlt.s32 v49, v30;
	v62 =	vsel vm12, v50, v6  }
0x333: {  	v41 =	vtrunc.f32 v48;
	v48 =	vcvt.f32.s32 v56;
	v49 =	vsel vm10, v49, v30;
	[tilespmem:v61+s16+$0x0] =	vst.idx.add.f32.msk $0xffff, v4  }
0x334: {  	v43 =	vadd.f32 v25, v60;
	v44 =	vtrunc.f32 v44;
	v61 =	vld [tilespmem:s19+$0x60]  }
0x335: {  	v47 =	vtrunc.f32 v47;
	v44 =	vcvt.f32.s32 v44;
	vm11 =	vlt.s32 v48, v38;
	[tilespmem:v46+s16+$0x0] =	vst.idx.add.f32.msk $0xffff, v4  }
0x336: {  	v43 =	vtrunc.f32 v43;
	v54 =	vmul.f32 $2.048000000e+03, v59;
	v48 =	vsel vm11, v48, v38;
	v63 =	vld [tilespmem:s1+$0xA0]  }
0x337: {  	v45 =	vcvt.f32.s32 v45;
	v43 =	vcvt.f32.s32 v43;
	vm13 =	vlt.s32 v44, v14;
	[tilespmem:v62+s16+$0x0] =	vst.idx.add.f32.msk $0xffff, v4  }
0x338: {  	v51 =	vmul.f32 $2.048000000e+03, v57;
	v58 =	vadd.f32 v7, v54;
	v44 =	vsel vm13, v44, v14;
	[tilespmem:v49+s16+$0x0] =	vst.idx.add.f32.msk $0xffff, v4  }
0x339: {  	vm9 =	vlt.s32 v45, v20;
	v52 =	vmul.f32 $2.048000000e+03, v52;
	v49 =	vcvt.f32.s32 v41;
	v62 =	vld [tilespmem:s7+$0xFFFFFEF0]  }
0x33a: {  	v57 =	vadd.f32 v35, v51;
	v41 =	vcvt.f32.s32 v47;
	v47 =	vtrunc.f32 v58;
	v55 =	vld [tilespmem:s31+$0xE0]  }
0x33b: {  	v45 =	vsel vm9, v45, v20;
	v52 =	vadd.f32 v31, v52;
	v47 =	vcvt.f32.s32 v47;
	[tilespmem:v48+s16+$0x0] =	vst.idx.add.f32.msk $0xffff, v4  }
0x33c: {  	vm14 =	vlt.s32 v43, v26;
	v48 =	vtrunc.f32 v57;
	v59 =	vmul.f32 $2.048000000e+03, v61;
	v60 =	vld [tilespmem:s30+$0x120]  }
0x33d: {  	v43 =	vsel vm14, v43, v26;
	v61 =	vtrunc.f32 v52;
	[tilespmem:v44+s16+$0x0] =	vst.idx.add.f32.msk $0xffff, v4;
	v50 =	vmul.f32 $2.048000000e+03, v63  }
0x33e: {  	vm4 =	vlt.s32 v47, v8;
	v44 =	vcvt.f32.s32 v61;
	v46 =	vld [tilespmem:s19+$0xFFFFFF30];
	v51 =	vadd.f32 v15, v59  }
0x33f: {  	v48 =	vcvt.f32.s32 v48;
	v47 =	vsel vm4, v47, v8;
	v50 =	vadd.f32 v23, v50  }
0x340: {  	[tilespmem:v45+s16+$0x0] =	vst.idx.add.f32.msk $0xffff, v4;
	v63 =	vmul.f32 $2.048000000e+03, v55;
	vm9 =	vlt.s32 v44, v32;
	v51 =	vtrunc.f32 v51  }
0x341: {  	v58 =	vld [tilespmem:s1+$0xFFFFFF60];
	v44 =	vsel vm9, v44, v32;
	v51 =	vcvt.f32.s32 v51;
	v57 =	vmul.f32 $2.048000000e+03, v60  }
0x342: {  	[tilespmem:v42+s16+$0x0] =	vst.idx.add.f32.msk $0xffff, v4;
	v50 =	vtrunc.f32 v50;
	v54 =	vadd.f32 v31, v63;
	v60 =	vmul.f32 $2.048000000e+03, v62  }
0x343: {  	[tilespmem:v43+s16+$0x0] =	vst.idx.add.f32.msk $0xffff, v4;
	v59 =	vcvt.f32.s32 v50;
	v46 =	vmul.f32 $2.048000000e+03, v46;
	vm5 =	vlt.s32 v51, v16  }
0x344: {  	v63 =	vld [tilespmem:s31+$0xFFFFFF90];
	v45 =	vadd.f32 v39, v57;
	v62 =	vtrunc.f32 v54;
	v61 =	vsel vm5, v51, v16  }
0x345: {  	[tilespmem:v47+s16+$0x0] =	vst.idx.add.f32.msk $0xffff, v4;
	v43 =	vadd.f32 v7, v60;
	vm6 =	vlt.s32 v59, v24;
	v51 =	vcvt.f32.s32 v62  }
0x346: {  	v54 =	vld [tilespmem:s26+$0xFFFFFFF0];
	v57 =	vmul.f32 $2.048000000e+03, v58;
	v45 =	vtrunc.f32 v45;
	v42 =	vsel vm6, v59, v24  }
0x347: {  	v58 =	vld [tilespmem:s7+$0x30];
	v43 =	vtrunc.f32 v43;
	v45 =	vcvt.f32.s32 v45;
	vm7 =	vlt.s32 v51, v32  }
0x348: {  	v46 =	vadd.f32 v15, v46;
	[tilespmem:v44+s16+$0x0] =	vst.idx.add.f32.msk $0xffff, v4;
	v43 =	vcvt.f32.s32 v43;
	v51 =	vsel vm7, v51, v32  }
0x349: {  	v47 =	vadd.f32 v21, v57;
	v52 =	vmul.f32 $2.048000000e+03, v63;
	vm8 =	vlt.s32 v45, v40;
	[tilespmem:v61+s16+$0x0] =	vst.idx.add.f32.msk $0xffff, v4  }
0x34a: {  	v46 =	vtrunc.f32 v46;
	vm10 =	vlt.s32 v43, v8;
	v45 =	vsel vm8, v45, v40;
	v50 =	vld [tilespmem:s19+$0x70]  }
0x34b: {  	v46 =	vcvt.f32.s32 v46;
	v59 =	vtrunc.f32 v47;
	v43 =	vsel vm10, v43, v8;
	[tilespmem:v42+s16+$0x0] =	vst.idx.add.f32.msk $0xffff, v4  }
0x34c: {  	vm15 =	vlt.s32 v49, v38;
	vm13 =	vlt.s32 v48, v36;
	v60 =	vcvt.f32.s32 v59;
	v47 =	vld [tilespmem:s1+$0xB0]  }
0x34d: {  	v52 =	vadd.f32 v27, v52;
	v61 =	vmul.f32 $2.048000000e+03, v58;
	vm11 =	vlt.s32 v46, v16;
	[tilespmem:v51+s16+$0x0] =	vst.idx.add.f32.msk $0xffff, v4  }
0x34e: {  	v44 =	vsel vm13, v48, v36;
	v46 =	vsel vm11, v46, v16;
	vm12 =	vlt.s32 v60, v22;
	v63 =	vld [tilespmem:s31+$0xF0]  }
0x34f: {  	v62 =	vtrunc.f32 v52;
	v57 =	vadd.f32 v9, v61;
	[tilespmem:v45+s16+$0x0] =	vst.idx.add.f32.msk $0xffff, v4;
	v50 =	vmul.f32 $2.048000000e+03, v50  }
0x350: {  	v42 =	vsel vm15, v49, v38;
	v58 =	vsel vm12, v60, v22;
	v59 =	vcvt.f32.s32 v62;
	[tilespmem:v43+s16+$0x0] =	vst.idx.add.f32.msk $0xffff, v4  }
0x351: {  	v60 =	vtrunc.f32 v57;
	v51 =	vld [tilespmem:s7+$0xFFFFFF00];
	v47 =	vmul.f32 $2.048000000e+03, v47;
	v50 =	vadd.f32 v17, v50  }
0x352: {  	vm14 =	vlt.s32 v59, v28;
	v43 =	vmul.f32 $2.048000000e+03, v54;
	v52 =	vcvt.f32.s32 v60;
	v45 =	vld [tilespmem:s30+$0xFFFFFFC0]  }
0x353: {  	s14 =	simm.s32 $0x10;
	[tilespmem:v46+s16+$0x0] =	vst.idx.add.f32.msk $0xffff, v4;
	v62 =	vadd.f32 v25, v47;
	v63 =	vmul.f32 $2.048000000e+03, v63;
	v61 =	vtrunc.f32 v50  }
0x354: {  	s15 =	simm.s32 $0x1690;
	s22 =	simm.s32 $0x850;
	s21 =	simm.s32 $0xAB0;
	vm15 =	vlt.s32 v52, v10;
	v49 =	vld [tilespmem:s19+$0xFFFFFF40];
	v47 =	vsel vm14, v59, v28;
	v50 =	vcvt.f32.s32 v61  }
0x355: {  	s12 =	simm.s32 $0x5F0;
	s9 =	simm.s32 $0x8;
	s8 =	sshll.u32 s24, $0x1;
	[tilespmem:v58+s16+$0x0] =	vst.idx.add.f32.msk $0xffff, v4;
	v52 =	vsel vm15, v52, v10;
	v48 =	vtrunc.f32 v62;
	v46 =	vadd.f32 v33, v63  }
.LBB2_5:
0x356: {  	v53 =	vld [tilespmem:s15+$0x0];
	v51 =	vmul.f32 $2.048000000e+03, v51;
	vm0 =	vlt.s32 v50, v18;
	v48 =	vcvt.f32.s32 v48  }
0x357: {  	v54 =	vld [tilespmem:s15+$0xFFFFFED0];
	v50 =	vsel vm0, v50, v18;
	v46 =	vtrunc.f32 v46;
	v45 =	vmul.f32 $2.048000000e+03, v45  }
0x358: {  	v51 =	vadd.f32 v9, v51;
	v55 =	vld [tilespmem:s1+$0xFFFFFF70];
	vm0 =	vlt.s32 v48, v26;
	v46 =	vcvt.f32.s32 v46  }
0x359: {  	v49 =	vmul.f32 $2.048000000e+03, v49;
	v48 =	vsel vm0, v48, v26;
	[tilespmem:v47+s16+$0x0] =	vst.idx.add.f32.msk $0xffff, v4;
	v45 =	vadd.f32 v33, v45  }
0x35a: {  	v43 =	vadd.f32 v39, v43;
	v47 =	vtrunc.f32 v51;
	[tilespmem:v52+s16+$0x0] =	vst.idx.add.f32.msk $0xffff, v4;
	vm0 =	vlt.s32 v46, v34  }
0x35b: {  	v51 =	vmul.f32 $2.048000000e+03, v53;
	v47 =	vcvt.f32.s32 v47;
	v52 =	vld [tilespmem:s7+$0x40];
	v46 =	vsel vm0, v46, v34  }
0x35c: {  	v49 =	vadd.f32 v17, v49;
	v45 =	vtrunc.f32 v45;
	v53 =	vmul.f32 $2.048000000e+03, v54;
	[tilespmem:v50+s16+$0x0] =	vst.idx.add.f32.msk $0xffff, v4  }
0x35d: {  	v50 =	vadd.f32 v2, v51;
	vm0 =	vlt.s32 v47, v10;
	v51 =	vld [tilespmem:s19+$0x80];
	v54 =	vmul.f32 $2.048000000e+03, v55  }
0x35e: {  	v49 =	vtrunc.f32 v49;
	v53 =	vadd.f32 v2, v53;
	v47 =	vsel vm0, v47, v10;
	[tilespmem:v48+s16+$0x0] =	vst.idx.add.f32.msk $0xffff, v4  }
0x35f: {  	v49 =	vcvt.f32.s32 v49;
	v48 =	vtrunc.f32 v50;
	v50 =	vadd.f32 v23, v54;
	v54 =	vld [tilespmem:s1+$0xC0]  }
0x360: {  	vm0 =	vlt.s32 v41, v40;
	v48 =	vcvt.f32.s32 v48;
	v52 =	vmul.f32 $2.048000000e+03, v52;
	[tilespmem:v46+s16+$0x0] =	vst.idx.add.f32.msk $0xffff, v4  }
0x361: {  	s14 =	sadd.s32 $0x2, s14;
	v46 =	vtrunc.f32 v53;
	vm1 =	vlt.s32 v49, v18;
	v50 =	vtrunc.f32 v50;
	v53 =	vld [tilespmem:s31+$0x100]  }
0x362: {  	p0 =	slt.u32 s14, $0x1E;
	vm2 =	vlt.s32 v48, v3;
	v52 =	vadd.f32 v11, v52;
	v51 =	vmul.f32 $2.048000000e+03, v51;
	v55 =	vld [tilespmem:s31+$0xFFFFFFA0]  }
0x363: {  	v46 =	vcvt.f32.s32 v46;
	v48 =	vsel vm2, v48, v3;
	[tilespmem:v47+s16+$0x0] =	vst.idx.add.f32.msk $0xffff, v4;
	v47 =	vsel vm1, v49, v18  }
0x364: {  	v49 =	vld [tilespmem:s7+$0xFFFFFF10];
	v52 =	vtrunc.f32 v52;
	v51 =	vadd.f32 v19, v51;
	v54 =	vmul.f32 $2.048000000e+03, v54  }
0x365: {  	v50 =	vcvt.f32.s32 v50;
	vm1 =	vlt.s32 v46, v3;
	v52 =	vcvt.f32.s32 v52;
	[tilespmem:v44+s16+$0x0] =	vst.idx.add.f32.msk $0xffff, v4  }
0x366: {  	v44 =	vtrunc.f32 v51;
	v51 =	vadd.f32 v27, v54;
	v53 =	vmul.f32 $2.048000000e+03, v53;
	v54 =	vld [tilespmem:s22+$0xFFFFFFE0]  }
0x367: {  	v46 =	vsel vm1, v46, v3;
	vm1 =	vlt.s32 v52, v12;
	v44 =	vcvt.f32.s32 v44;
	[tilespmem:v42+s16+$0x0] =	vst.idx.add.f32.msk $0xffff, v4  }
0x368: {  	v42 =	vsel vm1, v52, v12;
	[tilespmem:v47+s16+$0x0] =	vst.idx.add.f32.msk $0xffff, v4;
	v47 =	vtrunc.f32 v51;
	v51 =	vadd.f32 v35, v53  }
0x369: {  	[tilespmem:v48+s16+$0x0] =	vst.idx.add.f32.msk $0xffff, v4;
	v48 =	vmul.f32 $2.048000000e+03, v49;
	vm1 =	vlt.s32 v44, v20;
	v47 =	vcvt.f32.s32 v47  }
0x36a: {  	v49 =	vld [tilespmem:s15+$0x10];
	v44 =	vsel vm1, v44, v20;
	vm1 =	vlt.s32 v50, v24;
	v51 =	vtrunc.f32 v51  }
0x36b: {  	v48 =	vadd.f32 v11, v48;
	v52 =	vld [tilespmem:s10+$0x80];
	vm2 =	vlt.s32 v47, v28;
	v51 =	vcvt.f32.s32 v51  }
0x36c: {  	s13 =	sadd.s32 $0x260, s13;
	[tilespmem:v46+s16+$0x0] =	vst.idx.add.f32.msk $0xffff, v4;
	v46 =	vsel vm1, v50, v24;
	v47 =	vsel vm2, v47, v28;
	v50 =	vmul.f32 $2.048000000e+03, v55  }
0x36d: {  	s17 =	sand.u32 $0x3FE0, s13;
	v48 =	vtrunc.f32 v48;
	[tilespmem:v42+s16+$0x0] =	vst.idx.add.f32.msk $0xffff, v4;
	vm1 =	vlt.s32 v51, v36;
	v42 =	vcvt.f32.s32 v45  }
0x36e: {  	v45 =	vcvt.f32.s32 v48;
	v48 =	vld [tilespmem:s17+$0x180];
	v50 =	vadd.f32 v29, v50;
	v51 =	vsel vm1, v51, v36  }
0x36f: {  	v49 =	vmul.f32 $2.048000000e+03, v49;
	[tilespmem:v44+s16+$0x0] =	vst.idx.add.f32.msk $0xffff, v4;
	vm1 =	vlt.s32 v42, v34;
	v44 =	vmul.f32 $2.048000000e+03, v54  }
0x370: {  	vm2 =	vlt.s32 v45, v12;
	v52 =	vmul.f32 $2.048000000e+03, v52;
	v53 =	vld [tilespmem:s19+$0x90];
	v50 =	vtrunc.f32 v50  }
0x371: {  	v49 =	vadd.f32 v5, v49;
	v45 =	vsel vm2, v45, v12;
	[tilespmem:v47+s16+$0x0] =	vst.idx.add.f32.msk $0xffff, v4;
	v47 =	vcvt.f32.s32 v50  }
0x372: {  	v42 =	vsel vm1, v42, v34;
	v44 =	vadd.f32 v37, v44;
	v50 =	vadd.f32 v19, v52;
	v52 =	vld [tilespmem:s20+$0x200]  }
0x373: {  	v49 =	vtrunc.f32 v49;
	v48 =	vmul.f32 $2.048000000e+03, v48;
	vm1 =	vlt.s32 v47, v30;
	[tilespmem:v51+s16+$0x0] =	vst.idx.add.f32.msk $0xffff, v4  }
0x374: {  	v49 =	vcvt.f32.s32 v49;
	v50 =	vtrunc.f32 v50;
	v47 =	vsel vm1, v47, v30;
	v51 =	vld [tilespmem:s31+$0x110]  }
0x375: {  	v54 =	vld [tilespmem:s15+$0xFFFFFEE0];
	v48 =	vadd.f32 v13, v48;
	v50 =	vcvt.f32.s32 v50;
	v53 =	vmul.f32 $2.048000000e+03, v53  }
0x376: {  	v43 =	vtrunc.f32 v43;
	v44 =	vtrunc.f32 v44;
	vm1 =	vlt.s32 v49, v6;
	[tilespmem:v45+s16+$0x0] =	vst.idx.add.f32.msk $0xffff, v4  }
0x377: {  	v45 =	vld [tilespmem:s7+$0xFFFFFF20];
	v48 =	vtrunc.f32 v48;
	v53 =	vadd.f32 v21, v53;
	v52 =	vmul.f32 $2.048000000e+03, v52  }
0x378: {  	v49 =	vsel vm1, v49, v6;
	vm1 =	vlt.s32 v50, v20;
	v48 =	vcvt.f32.s32 v48;
	[tilespmem:v46+s16+$0x0] =	vst.idx.add.f32.msk $0xffff, v4  }
0x379: {  	v46 =	vtrunc.f32 v53;
	v53 =	vld [tilespmem:s1+$0xFFFFFF80];
	v52 =	vadd.f32 v29, v52;
	v51 =	vmul.f32 $2.048000000e+03, v51  }
0x37a: {  	v54 =	vmul.f32 $2.048000000e+03, v54;
	vm2 =	vlt.s32 v48, v14;
	v46 =	vcvt.f32.s32 v46;
	[tilespmem:v47+s16+$0x0] =	vst.idx.add.f32.msk $0xffff, v4  }
0x37b: {  	v47 =	vsel vm2, v48, v14;
	v48 =	vtrunc.f32 v52;
	v52 =	vld [tilespmem:s31+$0xFFFFFFB0];
	v51 =	vadd.f32 v37, v51  }
0x37c: {  	v54 =	vadd.f32 v5, v54;
	vm2 =	vlt.s32 v46, v22;
	v48 =	vcvt.f32.s32 v48;
	[tilespmem:v42+s16+$0x0] =	vst.idx.add.f32.msk $0xffff, v4  }
0x37d: {  	v42 =	vmul.f32 $2.048000000e+03, v45;
	v45 =	vsel vm2, v46, v22;
	v46 =	vtrunc.f32 v51;
	v51 =	vld [tilespmem:s0+$0x100];
	s0 =	smov.u32 s11;
	s11 =	smov.u32 s20;
	s20 =	smov.u32 s10  }
0x37e: {  	s10 =	smov.u32 s17;
	v54 =	vtrunc.f32 v54;
	[tilespmem:v49+s16+$0x0] =	vst.idx.add.f32.msk $0xffff, v4;
	vm2 =	vlt.s32 v48, v30;
	v46 =	vcvt.f32.s32 v46  }
0x37f: {  	v42 =	vadd.f32 v13, v42;
	v49 =	vcvt.f32.s32 v54;
	v54 =	vld [tilespmem:s15+$0x20];
	v48 =	vsel vm2, v48, v30  }
0x380: {  	[tilespmem:v47+s16+$0x0] =	vst.idx.add.f32.msk $0xffff, v4;
	v47 =	vsel vm1, v50, v20;
	v50 =	vmul.f32 $2.048000000e+03, v53;
	vm1 =	vlt.s32 v46, v38  }
0x381: {  	v42 =	vtrunc.f32 v42;
	vm2 =	vlt.s32 v49, v6;
	v53 =	vld [tilespmem:s7+$0x60];
	v46 =	vsel vm1, v46, v38  }
0x382: {  	v42 =	vcvt.f32.s32 v42;
	v49 =	vsel vm2, v49, v6;
	[tilespmem:v45+s16+$0x0] =	vst.idx.add.f32.msk $0xffff, v4;
	v45 =	vadd.f32 v25, v50  }
0x383: {  	v55 =	vsel vm0, v41, v40;
	v52 =	vmul.f32 $2.048000000e+03, v52;
	v51 =	vmul.f32 $2.048000000e+03, v51;
	v50 =	vld [tilespmem:s19+$0xA0]  }
0x384: {  	v44 =	vcvt.f32.s32 v44;
	vm0 =	vlt.s32 v42, v14;
	v41 =	vtrunc.f32 v45;
	[tilespmem:v48+s16+$0x0] =	vst.idx.add.f32.msk $0xffff, v4  }
0x385: {  	v45 =	vmul.f32 $2.048000000e+03, v54;
	v42 =	vsel vm0, v42, v14;
	v48 =	vcvt.f32.s32 v41;
	v54 =	vld [tilespmem:s1+$0xE0]  }
0x386: {  	v52 =	vadd.f32 v31, v52;
	v41 =	vcvt.f32.s32 v43;
	[tilespmem:v46+s16+$0x0] =	vst.idx.add.f32.msk $0xffff, v4;
	v46 =	vadd.f32 v35, v51  }
0x387: {  	v43 =	vadd.f32 v7, v45;
	v45 =	vmul.f32 $2.048000000e+03, v53;
	vm0 =	vlt.s32 v48, v26;
	v51 =	vld [tilespmem:s31+$0x120]  }
0x388: {  	[tilespmem:v49+s16+$0x0] =	vst.idx.add.f32.msk $0xffff, v4;
	v48 =	vsel vm0, v48, v26;
	v49 =	vtrunc.f32 v52;
	v46 =	vtrunc.f32 v46  }
0x389: {  	v43 =	vtrunc.f32 v43;
	v45 =	vadd.f32 v15, v45;
	v50 =	vmul.f32 $2.048000000e+03, v50;
	v52 =	vld [tilespmem:s15+$0xFFFFFEF0]  }
0x38a: {  	vm0 =	vlt.s32 v44, v38;
	v43 =	vcvt.f32.s32 v43;
	[tilespmem:v42+s16+$0x0] =	vst.idx.add.f32.msk $0xffff, v4;
	v42 =	vcvt.f32.s32 v49  }
0x38b: {  	v45 =	vtrunc.f32 v45;
	v50 =	vadd.f32 v23, v50;
	v53 =	vmul.f32 $2.048000000e+03, v54;
	v49 =	vld [tilespmem:s7+$0xFFFFFF30]  }
0x38c: {  	vm1 =	vlt.s32 v43, v8;
	v45 =	vcvt.f32.s32 v45;
	[tilespmem:v47+s16+$0x0] =	vst.idx.add.f32.msk $0xffff, v4;
	v47 =	vmul.f32 $2.048000000e+03, v51  }
0x38d: {  	v43 =	vsel vm1, v43, v8;
	v50 =	vtrunc.f32 v50;
	v53 =	vadd.f32 v31, v53;
	v51 =	vld [tilespmem:s19+$0xFFFFFF60]  }
0x38e: {  	vm1 =	vlt.s32 v45, v16;
	v50 =	vcvt.f32.s32 v50;
	[tilespmem:v48+s16+$0x0] =	vst.idx.add.f32.msk $0xffff, v4;
	v47 =	vadd.f32 v39, v47  }
0x38f: {  	v48 =	vmul.f32 $2.048000000e+03, v52;
	v45 =	vsel vm1, v45, v16;
	v53 =	vtrunc.f32 v53;
	v52 =	vld [tilespmem:s1+$0xFFFFFF90]  }
0x390: {  	vm1 =	vlt.s32 v50, v24;
	v53 =	vcvt.f32.s32 v53;
	v47 =	vtrunc.f32 v47;
	v54 =	vld [tilespmem:s12+$0xFFFFFFF0];
	s12 =	smov.u32 s22;
	s22 =	smov.u32 s21;
	s21 =	smov.u32 s31  }
0x391: {  	v48 =	vadd.f32 v7, v48;
	v50 =	vsel vm1, v50, v24;
	s31 =	smov.u32 s1;
	s1 =	smov.u32 s19;
	s19 =	smov.u32 s7;
	v47 =	vcvt.f32.s32 v47;
	[tilespmem:v55+s16+$0x0] =	vst.idx.add.f32.msk $0xffff, v4  }
0x392: {  	s7 =	smov.u32 s15;
	vm1 =	vlt.s32 v53, v32;
	[tilespmem:v43+s16+$0x0] =	vst.idx.add.f32.msk $0xffff, v4;
	v43 =	vmul.f32 $2.048000000e+03, v49;
	v49 =	vmul.f32 $2.048000000e+03, v51  }
0x393: {  	v48 =	vtrunc.f32 v48;
	v53 =	vsel vm1, v53, v32;
	v51 =	vld [tilespmem:s15+$0x30];
	vm1 =	vlt.s32 v47, v40  }
0x394: {  	v48 =	vcvt.f32.s32 v48;
	v43 =	vadd.f32 v15, v43;
	[tilespmem:v45+s16+$0x0] =	vst.idx.add.f32.msk $0xffff, v4;
	v45 =	vsel vm1, v47, v40  }
0x395: {  	v49 =	vadd.f32 v21, v49;
	v52 =	vmul.f32 $2.048000000e+03, v52;
	vm1 =	vlt.s32 v42, v32;
	v47 =	vld [tilespmem:s19+$0x70]  }
0x396: {  	vm2 =	vlt.s32 v48, v8;
	v43 =	vtrunc.f32 v43;
	[tilespmem:v50+s16+$0x0] =	vst.idx.add.f32.msk $0xffff, v4;
	v50 =	vsel vm1, v42, v32  }
0x397: {  	v48 =	vsel vm2, v48, v8;
	v42 =	vtrunc.f32 v49;
	v43 =	vcvt.f32.s32 v43;
	v49 =	vld [tilespmem:s1+$0xB0]  }
0x398: {  	v46 =	vcvt.f32.s32 v46;
	v52 =	vadd.f32 v27, v52;
	v55 =	vcvt.f32.s32 v42;
	[tilespmem:v53+s16+$0x0] =	vst.idx.add.f32.msk $0xffff, v4  }
0x399: {  	v42 =	vsel vm0, v44, v38;
	v51 =	vmul.f32 $2.048000000e+03, v51;
	vm1 =	vlt.s32 v43, v16;
	[tilespmem:v45+s16+$0x0] =	vst.idx.add.f32.msk $0xffff, v4  }
0x39a: {  	vm0 =	vlt.s32 v55, v22;
	v53 =	vsel vm1, v43, v16;
	v43 =	vtrunc.f32 v52;
	v52 =	vld [tilespmem:s31+$0xF0]  }
0x39b: {  	v44 =	vadd.f32 v9, v51;
	v45 =	vmul.f32 $2.048000000e+03, v47;
	v55 =	vsel vm0, v55, v22;
	[tilespmem:v50+s16+$0x0] =	vst.idx.add.f32.msk $0xffff, v4  }
0x39c: {  	vm0 =	vlt.s32 v46, v36;
	v47 =	vcvt.f32.s32 v43;
	v43 =	vmul.f32 $2.048000000e+03, v54;
	[tilespmem:v48+s16+$0x0] =	vst.idx.add.f32.msk $0xffff, v4  }
.Ltmp1:
0x39d: {  	v44 =	vtrunc.f32 v44;
	v48 =	vadd.f32 v17, v45;
	v49 =	vmul.f32 $2.048000000e+03, v49;
	v51 =	vld [tilespmem:s15+$0xFFFFFF00];
	(pc) =	sbr.rel @p0 .LBB2_5-.Ltmp1, $4  }
0x39e: {  	v54 =	vcvt.f32.s32 v44;
	vm1 =	vlt.s32 v47, v28;
	v44 =	vsel vm0, v46, v36;
	v45 =	vld [tilespmem:s21+$0xFFFFFFC0]  }
0x39f: {  	v46 =	vtrunc.f32 v48;
	v48 =	vadd.f32 v25, v49;
	[tilespmem:v53+s16+$0x0] =	vst.idx.add.f32.msk $0xffff, v4;
	v53 =	vmul.f32 $2.048000000e+03, v52  }
0x3a0: {  	v47 =	vsel vm1, v47, v28;
	vm0 =	vlt.s32 v54, v10;
	v50 =	vcvt.f32.s32 v46;
	v49 =	vld [tilespmem:s19+$0xFFFFFF40]  }
0x3a1: {  	s15 =	sadd.s32 $0x260, s15;
	v52 =	vsel vm0, v54, v10;
	v48 =	vtrunc.f32 v48;
	[tilespmem:v55+s16+$0x0] =	vst.idx.add.f32.msk $0xffff, v4;
	v46 =	vadd.f32 v33, v53  }
0x3a2: {  	_ =	sdelay $0x1  }
0x3a3: {  	v51 =	vmul.f32 $2.048000000e+03, v51;
	_ =	sdelay $0x1  }
0x3a4: {  	[tilespmem:v52+s16+$0x0] =	vst.idx.add.f32.msk $0xffff, v4;
	v51 =	vadd.f32 v9, v51  }
0x3a5: {  	v52 =	vld [tilespmem:s7+$0x40]  }
0x3a6: {  	v51 =	vtrunc.f32 v51  }
0x3a7: {  	v51 =	vcvt.f32.s32 v51;
	_ =	sdelay $0x1  }
0x3a8: {  	vm0 =	vlt.s32 v51, v10  }
0x3a9: {  	v52 =	vmul.f32 $2.048000000e+03, v52;
	v51 =	vsel vm0, v51, v10;
	_ =	sdelay $0x1  }
0x3aa: {  	v52 =	vadd.f32 v11, v52;
	_ =	sdelay $0x1  }
0x3ab: {  	v52 =	vtrunc.f32 v52  }
0x3ac: {  	v52 =	vcvt.f32.s32 v52;
	[tilespmem:v51+s16+$0x0] =	vst.idx.add.f32.msk $0xffff, v4  }
0x3ad: {  	v51 =	vld [tilespmem:s7+$0xFFFFFF10]  }
0x3ae: {  	vm7 =	vlt.s32 v52, v12  }
0x3af: {  	v52 =	vsel vm7, v52, v12;
	_ =	sdelay $0x2  }
0x3b0: {  	v51 =	vmul.f32 $2.048000000e+03, v51  }
0x3b1: {  	s13 =	sadd.s32 $0x260, s13  }
0x3b2: {  	s13 =	sand.u32 $0x3FE0, s13;
	[tilespmem:v52+s16+$0x0] =	vst.idx.add.f32.msk $0xffff, v4;
	v51 =	vadd.f32 v11, v51  }
0x3b3: {  	v52 =	vld [tilespmem:s13+$0x180]  }
0x3b4: {  	v51 =	vtrunc.f32 v51  }
0x3b5: {  	v51 =	vcvt.f32.s32 v51;
	_ =	sdelay $0x1  }
0x3b6: {  	vm8 =	vlt.s32 v51, v12  }
0x3b7: {  	v52 =	vmul.f32 $2.048000000e+03, v52;
	v51 =	vsel vm8, v51, v12;
	_ =	sdelay $0x1  }
0x3b8: {  	v52 =	vadd.f32 v13, v52;
	_ =	sdelay $0x1  }
0x3b9: {  	v52 =	vtrunc.f32 v52  }
0x3ba: {  	v52 =	vcvt.f32.s32 v52;
	[tilespmem:v51+s16+$0x0] =	vst.idx.add.f32.msk $0xffff, v4  }
0x3bb: {  	v51 =	vld [tilespmem:s7+$0xFFFFFF20]  }
0x3bc: {  	vm9 =	vlt.s32 v52, v14  }
0x3bd: {  	v52 =	vsel vm9, v52, v14;
	_ =	sdelay $0x2  }
0x3be: {  	v51 =	vmul.f32 $2.048000000e+03, v51;
	_ =	sdelay $0x1  }
0x3bf: {  	[tilespmem:v52+s16+$0x0] =	vst.idx.add.f32.msk $0xffff, v4;
	v51 =	vadd.f32 v13, v51  }
0x3c0: {  	v52 =	vld [tilespmem:s7+$0x60]  }
0x3c1: {  	v51 =	vtrunc.f32 v51  }
0x3c2: {  	v51 =	vcvt.f32.s32 v51;
	_ =	sdelay $0x1  }
0x3c3: {  	vm10 =	vlt.s32 v51, v14  }
0x3c4: {  	v52 =	vmul.f32 $2.048000000e+03, v52;
	v51 =	vsel vm10, v51, v14;
	_ =	sdelay $0x1  }
0x3c5: {  	v52 =	vadd.f32 v15, v52;
	_ =	sdelay $0x1  }
0x3c6: {  	v52 =	vtrunc.f32 v52  }
0x3c7: {  	v52 =	vcvt.f32.s32 v52;
	[tilespmem:v51+s16+$0x0] =	vst.idx.add.f32.msk $0xffff, v4  }
0x3c8: {  	v51 =	vld [tilespmem:s7+$0xFFFFFF30]  }
0x3c9: {  	vm11 =	vlt.s32 v52, v16  }
0x3ca: {  	v52 =	vsel vm11, v52, v16;
	_ =	sdelay $0x2  }
0x3cb: {  	v51 =	vmul.f32 $2.048000000e+03, v51;
	_ =	sdelay $0x1  }
0x3cc: {  	[tilespmem:v52+s16+$0x0] =	vst.idx.add.f32.msk $0xffff, v4;
	v51 =	vadd.f32 v15, v51  }
0x3cd: {  	v52 =	vld [tilespmem:s7+$0x70]  }
0x3ce: {  	v51 =	vtrunc.f32 v51  }
0x3cf: {  	v51 =	vcvt.f32.s32 v51;
	_ =	sdelay $0x1  }
0x3d0: {  	vm12 =	vlt.s32 v51, v16  }
0x3d1: {  	v52 =	vmul.f32 $2.048000000e+03, v52;
	v51 =	vsel vm12, v51, v16;
	_ =	sdelay $0x1  }
0x3d2: {  	v52 =	vadd.f32 v17, v52;
	_ =	sdelay $0x1  }
0x3d3: {  	vm13 =	vlt.s32 v50, v18;
	v52 =	vtrunc.f32 v52  }
0x3d4: {  	v50 =	vsel vm13, v50, v18;
	v49 =	vmul.f32 $2.048000000e+03, v49;
	v52 =	vcvt.f32.s32 v52;
	[tilespmem:v51+s16+$0x0] =	vst.idx.add.f32.msk $0xffff, v4  }
0x3d5: {  	v51 =	vld [tilespmem:s7+$0xFFFFFF40]  }
0x3d6: {  	v49 =	vadd.f32 v17, v49;
	vm14 =	vlt.s32 v52, v18  }
0x3d7: {  	v63 =	vsel vm14, v52, v18  }
0x3d8: {  	v49 =	vtrunc.f32 v49  }
0x3d9: {  	[tilespmem:v50+s16+$0x0] =	vst.idx.add.f32.msk $0xffff, v4;
	v49 =	vcvt.f32.s32 v49  }
0x3da: {  	v56 =	vld [tilespmem:s19+$0x80];
	v51 =	vmul.f32 $2.048000000e+03, v51  }
0x3db: {  	vm15 =	vlt.s32 v49, v18  }
0x3dc: {  	v49 =	vsel vm15, v49, v18;
	[tilespmem:v63+s16+$0x0] =	vst.idx.add.f32.msk $0xffff, v4;
	v51 =	vadd.f32 v17, v51  }
0x3dd: {  	v59 =	vld [tilespmem:s7+$0x80]  }
0x3de: {  	v51 =	vtrunc.f32 v51  }
0x3df: {  	v58 =	vmul.f32 $2.048000000e+03, v56;
	v57 =	vcvt.f32.s32 v51;
	_ =	sdelay $0x1  }
0x3e0: {  	[tilespmem:v49+s16+$0x0] =	vst.idx.add.f32.msk $0xffff, v4;
	v51 =	vadd.f32 v19, v58;
	vm4 =	vlt.s32 v57, v18  }
0x3e1: {  	v61 =	vld [tilespmem:s10+$0x80];
	v60 =	vmul.f32 $2.048000000e+03, v59;
	v50 =	vsel vm4, v57, v18  }
0x3e2: {  	v51 =	vtrunc.f32 v51  }
0x3e3: {  	v51 =	vcvt.f32.s32 v51;
	v49 =	vadd.f32 v19, v60;
	_ =	sdelay $0x1  }
0x3e4: {  	vm5 =	vlt.s32 v51, v20;
	v49 =	vtrunc.f32 v49  }
0x3e5: {  	v52 =	vmul.f32 $2.048000000e+03, v61;
	v62 =	vsel vm5, v51, v20;
	v49 =	vcvt.f32.s32 v49;
	[tilespmem:v50+s16+$0x0] =	vst.idx.add.f32.msk $0xffff, v4  }
0x3e6: {  	v63 =	vld [tilespmem:s13+$0x80]  }
0x3e7: {  	v56 =	vadd.f32 v19, v52;
	vm6 =	vlt.s32 v49, v20  }
0x3e8: {  	v49 =	vsel vm6, v49, v20  }
0x3e9: {  	v50 =	vtrunc.f32 v56  }
0x3ea: {  	v50 =	vcvt.f32.s32 v50;
	[tilespmem:v62+s16+$0x0] =	vst.idx.add.f32.msk $0xffff, v4  }
0x3eb: {  	v57 =	vld [tilespmem:s19+$0x90];
	v51 =	vmul.f32 $2.048000000e+03, v63  }
0x3ec: {  	vm7 =	vlt.s32 v50, v20  }
0x3ed: {  	v50 =	vsel vm7, v50, v20;
	[tilespmem:v49+s16+$0x0] =	vst.idx.add.f32.msk $0xffff, v4;
	v51 =	vadd.f32 v19, v51  }
0x3ee: {  	v60 =	vld [tilespmem:s7+$0x90]  }
0x3ef: {  	v51 =	vtrunc.f32 v51  }
0x3f0: {  	v59 =	vmul.f32 $2.048000000e+03, v57;
	v58 =	vcvt.f32.s32 v51;
	_ =	sdelay $0x1  }
0x3f1: {  	[tilespmem:v50+s16+$0x0] =	vst.idx.add.f32.msk $0xffff, v4;
	v51 =	vadd.f32 v21, v59;
	vm8 =	vlt.s32 v58, v20  }
0x3f2: {  	v62 =	vld [tilespmem:s19+$0xFFFFFF60];
	v61 =	vmul.f32 $2.048000000e+03, v60;
	v49 =	vsel vm8, v58, v20  }
0x3f3: {  	v51 =	vtrunc.f32 v51  }
0x3f4: {  	v51 =	vcvt.f32.s32 v51;
	v50 =	vadd.f32 v21, v61;
	_ =	sdelay $0x1  }
0x3f5: {  	vm9 =	vlt.s32 v51, v22;
	v50 =	vtrunc.f32 v50  }
0x3f6: {  	v52 =	vmul.f32 $2.048000000e+03, v62;
	v63 =	vsel vm9, v51, v22;
	v50 =	vcvt.f32.s32 v50;
	[tilespmem:v49+s16+$0x0] =	vst.idx.add.f32.msk $0xffff, v4  }
0x3f7: {  	v56 =	vld [tilespmem:s7+$0xFFFFFF60]  }
0x3f8: {  	v57 =	vadd.f32 v21, v52;
	vm10 =	vlt.s32 v50, v22  }
0x3f9: {  	v53 =	vld [tilespmem:s1+$0xFFFFFF70];
	v50 =	vsel vm10, v50, v22  }
0x3fa: {  	v49 =	vtrunc.f32 v57  }
0x3fb: {  	v49 =	vcvt.f32.s32 v49;
	[tilespmem:v63+s16+$0x0] =	vst.idx.add.f32.msk $0xffff, v4  }
0x3fc: {  	v58 =	vld [tilespmem:s19+$0xA0];
	v51 =	vmul.f32 $2.048000000e+03, v56  }
0x3fd: {  	vm11 =	vlt.s32 v49, v22  }
0x3fe: {  	v53 =	vmul.f32 $2.048000000e+03, v53;
	v49 =	vsel vm11, v49, v22;
	[tilespmem:v50+s16+$0x0] =	vst.idx.add.f32.msk $0xffff, v4;
	v51 =	vadd.f32 v21, v51  }
0x3ff: {  	v61 =	vld [tilespmem:s7+$0xA0]  }
0x400: {  	v53 =	vadd.f32 v23, v53;
	v51 =	vtrunc.f32 v51  }
0x401: {  	v60 =	vmul.f32 $2.048000000e+03, v58;
	v59 =	vcvt.f32.s32 v51  }
0x402: {  	v53 =	vtrunc.f32 v53  }
0x403: {  	v53 =	vcvt.f32.s32 v53;
	[tilespmem:v49+s16+$0x0] =	vst.idx.add.f32.msk $0xffff, v4;
	v51 =	vadd.f32 v23, v60;
	vm12 =	vlt.s32 v59, v22  }
0x404: {  	v63 =	vld [tilespmem:s19+$0xFFFFFF70];
	v62 =	vmul.f32 $2.048000000e+03, v61;
	v50 =	vsel vm12, v59, v22  }
0x405: {  	v48 =	vcvt.f32.s32 v48;
	vm4 =	vlt.s32 v53, v24;
	v51 =	vtrunc.f32 v51  }
0x406: {  	v53 =	vsel vm4, v53, v24;
	v51 =	vcvt.f32.s32 v51;
	v49 =	vadd.f32 v23, v62;
	_ =	sdelay $0x1  }
0x407: {  	vm14 =	vlt.s32 v48, v26;
	vm13 =	vlt.s32 v51, v24;
	v49 =	vtrunc.f32 v49  }
0x408: {  	v52 =	vmul.f32 $2.048000000e+03, v63;
	v56 =	vsel vm13, v51, v24;
	v49 =	vcvt.f32.s32 v49;
	[tilespmem:v50+s16+$0x0] =	vst.idx.add.f32.msk $0xffff, v4  }
0x409: {  	v48 =	vsel vm14, v48, v26;
	v57 =	vld [tilespmem:s7+$0xFFFFFF70]  }
0x40a: {  	[tilespmem:v53+s16+$0x0] =	vst.idx.add.f32.msk $0xffff, v4;
	v58 =	vadd.f32 v23, v52;
	vm15 =	vlt.s32 v49, v24  }
0x40b: {  	v53 =	vld [tilespmem:s1+$0xFFFFFF80];
	v49 =	vsel vm15, v49, v24  }
0x40c: {  	v50 =	vtrunc.f32 v58  }
0x40d: {  	v60 =	vcvt.f32.s32 v50;
	[tilespmem:v56+s16+$0x0] =	vst.idx.add.f32.msk $0xffff, v4  }
0x40e: {  	v59 =	vld [tilespmem:s19+$0xB0];
	v51 =	vmul.f32 $2.048000000e+03, v57  }
0x40f: {  	[tilespmem:v48+s16+$0x0] =	vst.idx.add.f32.msk $0xffff, v4;
	vm5 =	vlt.s32 v60, v24  }
0x410: {  	v53 =	vmul.f32 $2.048000000e+03, v53;
	v48 =	vsel vm5, v60, v24;
	[tilespmem:v49+s16+$0x0] =	vst.idx.add.f32.msk $0xffff, v4;
	v51 =	vadd.f32 v23, v51  }
0x411: {  	v56 =	vld [tilespmem:s7+$0xB0]  }
0x412: {  	v53 =	vadd.f32 v25, v53;
	v51 =	vtrunc.f32 v51  }
0x413: {  	v61 =	vld [tilespmem:s1+$0xC0];
	v63 =	vmul.f32 $2.048000000e+03, v59;
	v62 =	vcvt.f32.s32 v51  }
0x414: {  	v53 =	vtrunc.f32 v53  }
0x415: {  	v53 =	vcvt.f32.s32 v53;
	[tilespmem:v48+s16+$0x0] =	vst.idx.add.f32.msk $0xffff, v4;
	v51 =	vadd.f32 v25, v63;
	vm6 =	vlt.s32 v62, v24  }
0x416: {  	v58 =	vld [tilespmem:s19+$0xFFFFFF80];
	v57 =	vmul.f32 $2.048000000e+03, v56;
	v49 =	vsel vm6, v62, v24  }
0x417: {  	vm10 =	vlt.s32 v53, v26;
	v51 =	vtrunc.f32 v51  }
0x418: {  	v50 =	vmul.f32 $2.048000000e+03, v61;
	v51 =	vcvt.f32.s32 v51;
	v48 =	vadd.f32 v25, v57  }
0x419: {  	v53 =	vsel vm10, v53, v26  }
0x41a: {  	v50 =	vadd.f32 v27, v50;
	vm7 =	vlt.s32 v51, v26;
	v48 =	vtrunc.f32 v48  }
0x41b: {  	v52 =	vmul.f32 $2.048000000e+03, v58;
	v60 =	vsel vm7, v51, v26;
	v48 =	vcvt.f32.s32 v48;
	[tilespmem:v49+s16+$0x0] =	vst.idx.add.f32.msk $0xffff, v4  }
0x41c: {  	v61 =	vld [tilespmem:s7+$0xFFFFFF80]  }
0x41d: {  	v59 =	vtrunc.f32 v50;
	v62 =	vadd.f32 v25, v52;
	vm9 =	vlt.s32 v48, v26  }
0x41e: {  	v49 =	vcvt.f32.s32 v59;
	v48 =	vsel vm9, v48, v26  }
0x41f: {  	[tilespmem:v53+s16+$0x0] =	vst.idx.add.f32.msk $0xffff, v4;
	v50 =	vtrunc.f32 v62  }
0x420: {  	v50 =	vcvt.f32.s32 v50;
	vm8 =	vlt.s32 v49, v28;
	[tilespmem:v60+s16+$0x0] =	vst.idx.add.f32.msk $0xffff, v4  }
0x421: {  	v49 =	vsel vm8, v49, v28;
	v63 =	vld [tilespmem:s19+$0xC0];
	v51 =	vmul.f32 $2.048000000e+03, v61  }
0x422: {  	v59 =	vld [tilespmem:s1+$0xFFFFFF90];
	vm11 =	vlt.s32 v50, v26  }
0x423: {  	v50 =	vsel vm11, v50, v26;
	[tilespmem:v48+s16+$0x0] =	vst.idx.add.f32.msk $0xffff, v4;
	v51 =	vadd.f32 v25, v51  }
0x424: {  	v58 =	vld [tilespmem:s7+$0xC0]  }
0x425: {  	[tilespmem:v47+s16+$0x0] =	vst.idx.add.f32.msk $0xffff, v4;
	v55 =	vtrunc.f32 v51  }
0x426: {  	[tilespmem:v49+s16+$0x0] =	vst.idx.add.f32.msk $0xffff, v4;
	v57 =	vmul.f32 $2.048000000e+03, v63;
	v56 =	vcvt.f32.s32 v55  }
0x427: {  	v60 =	vld [tilespmem:s20+$0x200]  }
0x428: {  	[tilespmem:v50+s16+$0x0] =	vst.idx.add.f32.msk $0xffff, v4;
	v49 =	vadd.f32 v27, v57;
	vm12 =	vlt.s32 v56, v26  }
0x429: {  	v63 =	vmul.f32 $2.048000000e+03, v59;
	v62 =	vmul.f32 $2.048000000e+03, v58;
	v58 =	vld [tilespmem:s31+$0xFFFFFFA0];
	v48 =	vsel vm12, v56, v26  }
0x42a: {  	v50 =	vld [tilespmem:s19+$0xFFFFFF90];
	v61 =	vtrunc.f32 v49  }
0x42b: {  	v51 =	vadd.f32 v27, v63;
	v47 =	vcvt.f32.s32 v61;
	_ =	sdelay $0x1  }
0x42c: {  	v51 =	vtrunc.f32 v51;
	v49 =	vadd.f32 v27, v62;
	vm13 =	vlt.s32 v47, v28  }
0x42d: {  	v56 =	vmul.f32 $2.048000000e+03, v60;
	v47 =	vsel vm13, v47, v28;
	v61 =	vmul.f32 $2.048000000e+03, v58;
	[tilespmem:v48+s16+$0x0] =	vst.idx.add.f32.msk $0xffff, v4  }
0x42e: {  	v51 =	vcvt.f32.s32 v51;
	v50 =	vmul.f32 $2.048000000e+03, v50;
	v57 =	vld [tilespmem:s7+$0xFFFFFF90]  }
0x42f: {  	v49 =	vtrunc.f32 v49;
	v48 =	vadd.f32 v29, v56;
	v52 =	vadd.f32 v29, v61  }
0x430: {  	vm15 =	vlt.s32 v51, v28;
	v49 =	vcvt.f32.s32 v49;
	v59 =	vadd.f32 v27, v50  }
0x431: {  	v51 =	vsel vm15, v51, v28;
	v48 =	vtrunc.f32 v48;
	v52 =	vtrunc.f32 v52  }
0x432: {  	vm14 =	vlt.s32 v49, v28;
	[tilespmem:v47+s16+$0x0] =	vst.idx.add.f32.msk $0xffff, v4;
	v48 =	vcvt.f32.s32 v48;
	v47 =	vtrunc.f32 v59  }
0x433: {  	v49 =	vsel vm14, v49, v28;
	v58 =	vcvt.f32.s32 v52;
	v62 =	vld [tilespmem:s10+$0x200];
	v60 =	vmul.f32 $2.048000000e+03, v57  }
0x434: {  	v47 =	vcvt.f32.s32 v47;
	vm4 =	vlt.s32 v48, v30  }
0x435: {  	vm7 =	vlt.s32 v58, v30;
	v48 =	vsel vm4, v48, v30;
	v50 =	vadd.f32 v27, v60  }
0x436: {  	[tilespmem:v51+s16+$0x0] =	vst.idx.add.f32.msk $0xffff, v4;
	vm5 =	vlt.s32 v47, v28;
	v61 =	vsel vm7, v58, v30  }
0x437: {  	v59 =	vld [tilespmem:s1+$0xFFFFFFA0];
	v47 =	vsel vm5, v47, v28;
	v50 =	vtrunc.f32 v50  }
0x438: {  	[tilespmem:v49+s16+$0x0] =	vst.idx.add.f32.msk $0xffff, v4;
	v56 =	vmul.f32 $2.048000000e+03, v62;
	v63 =	vcvt.f32.s32 v50  }
0x439: {  	v57 =	vld [tilespmem:s13+$0x200]  }
0x43a: {  	v50 =	vadd.f32 v29, v56;
	[tilespmem:v48+s16+$0x0] =	vst.idx.add.f32.msk $0xffff, v4;
	vm6 =	vlt.s32 v63, v28  }
0x43b: {  	[tilespmem:v61+s16+$0x0] =	vst.idx.add.f32.msk $0xffff, v4;
	v49 =	vsel vm6, v63, v28  }
0x43c: {  	v52 =	vmul.f32 $2.048000000e+03, v59;
	[tilespmem:v47+s16+$0x0] =	vst.idx.add.f32.msk $0xffff, v4;
	v60 =	vtrunc.f32 v50  }
0x43d: {  	v48 =	vcvt.f32.s32 v60;
	v63 =	vld [tilespmem:s19+$0xFFFFFFA0]  }
0x43e: {  	v46 =	vtrunc.f32 v46;
	v52 =	vadd.f32 v29, v52;
	v62 =	vmul.f32 $2.048000000e+03, v57;
	v56 =	vld [tilespmem:s1+$0xE0]  }
0x43f: {  	v46 =	vcvt.f32.s32 v46;
	v50 =	vld [tilespmem:s31+$0xFFFFFFB0];
	vm8 =	vlt.s32 v48, v30  }
0x440: {  	v52 =	vtrunc.f32 v52;
	v47 =	vadd.f32 v29, v62;
	v48 =	vsel vm8, v48, v30;
	[tilespmem:v49+s16+$0x0] =	vst.idx.add.f32.msk $0xffff, v4  }
0x441: {  	vm9 =	vlt.s32 v46, v34;
	v52 =	vcvt.f32.s32 v52;
	v49 =	vld [tilespmem:s7+$0xFFFFFFA0]  }
0x442: {  	v46 =	vsel vm9, v46, v34;
	v47 =	vtrunc.f32 v47;
	v51 =	vmul.f32 $2.048000000e+03, v63  }
0x443: {  	vm11 =	vlt.s32 v52, v30;
	v47 =	vcvt.f32.s32 v47  }
0x444: {  	v52 =	vsel vm11, v52, v30;
	v57 =	vadd.f32 v29, v51  }
0x445: {  	v58 =	vmul.f32 $2.048000000e+03, v56;
	v60 =	vmul.f32 $2.048000000e+03, v50;
	vm10 =	vlt.s32 v47, v30;
	[tilespmem:v48+s16+$0x0] =	vst.idx.add.f32.msk $0xffff, v4  }
0x446: {  	v47 =	vsel vm10, v47, v30;
	v59 =	vld [tilespmem:s19+$0xE0];
	v48 =	vtrunc.f32 v57;
	v49 =	vmul.f32 $2.048000000e+03, v49  }
0x447: {  	[tilespmem:v46+s16+$0x0] =	vst.idx.add.f32.msk $0xffff, v4;
	v46 =	vadd.f32 v31, v60;
	v51 =	vadd.f32 v31, v58;
	v48 =	vcvt.f32.s32 v48  }
0x448: {  	v49 =	vadd.f32 v29, v49  }
0x449: {  	[tilespmem:v52+s16+$0x0] =	vst.idx.add.f32.msk $0xffff, v4;
	v46 =	vtrunc.f32 v46;
	v63 =	vtrunc.f32 v51;
	vm12 =	vlt.s32 v48, v30  }
0x44a: {  	v52 =	vld [tilespmem:s1+$0xFFFFFFB0];
	v46 =	vcvt.f32.s32 v46;
	v48 =	vsel vm12, v48, v30;
	v49 =	vtrunc.f32 v49  }
0x44b: {  	[tilespmem:v47+s16+$0x0] =	vst.idx.add.f32.msk $0xffff, v4;
	v56 =	vmul.f32 $2.048000000e+03, v59;
	v62 =	vcvt.f32.s32 v49  }
0x44c: {  	v45 =	vmul.f32 $2.048000000e+03, v45;
	vm15 =	vlt.s32 v46, v32;
	v57 =	vld [tilespmem:s7+$0xE0];
	v49 =	vcvt.f32.s32 v63  }
0x44d: {  	v61 =	vld [tilespmem:s31+$0x100];
	v46 =	vsel vm15, v46, v32;
	v51 =	vadd.f32 v31, v56;
	vm13 =	vlt.s32 v62, v30  }
0x44e: {  	v45 =	vadd.f32 v33, v45;
	vm14 =	vlt.s32 v49, v32;
	v47 =	vsel vm13, v62, v30  }
0x44f: {  	v52 =	vmul.f32 $2.048000000e+03, v52;
	v51 =	vtrunc.f32 v51;
	[tilespmem:v48+s16+$0x0] =	vst.idx.add.f32.msk $0xffff, v4;
	v49 =	vsel vm14, v49, v32  }
0x450: {  	v51 =	vcvt.f32.s32 v51;
	v59 =	vld [tilespmem:s19+$0xFFFFFFB0]  }
0x451: {  	v45 =	vtrunc.f32 v45;
	v52 =	vadd.f32 v31, v52;
	v58 =	vmul.f32 $2.048000000e+03, v57  }
0x452: {  	v45 =	vcvt.f32.s32 v45;
	v50 =	vmul.f32 $2.048000000e+03, v61;
	[tilespmem:v46+s16+$0x0] =	vst.idx.add.f32.msk $0xffff, v4;
	vm4 =	vlt.s32 v51, v32  }
0x453: {  	v52 =	vtrunc.f32 v52;
	v48 =	vadd.f32 v31, v58;
	v61 =	vsel vm4, v51, v32;
	[tilespmem:v47+s16+$0x0] =	vst.idx.add.f32.msk $0xffff, v4  }
0x454: {  	vm8 =	vlt.s32 v45, v34;
	v50 =	vadd.f32 v35, v50;
	v63 =	vcvt.f32.s32 v52;
	[tilespmem:v49+s16+$0x0] =	vst.idx.add.f32.msk $0xffff, v4  }
0x455: {  	v45 =	vsel vm8, v45, v34;
	v48 =	vtrunc.f32 v48;
	v53 =	vmul.f32 $2.048000000e+03, v59;
	v62 =	vld [tilespmem:s7+$0xFFFFFFB0]  }
0x456: {  	v60 =	vtrunc.f32 v50;
	vm7 =	vlt.s32 v63, v32;
	v48 =	vcvt.f32.s32 v48;
	v49 =	vld [tilespmem:s1+$0xF0]  }
0x457: {  	v58 =	vld [tilespmem:s31+$0xFFFFFFC0];
	v46 =	vsel vm7, v63, v32;
	v47 =	vcvt.f32.s32 v60;
	v56 =	vadd.f32 v31, v53  }
0x458: {  	vm6 =	vlt.s32 v48, v32;
	[tilespmem:v61+s16+$0x0] =	vst.idx.add.f32.msk $0xffff, v4  }
0x459: {  	v48 =	vsel vm6, v48, v32;
	vm5 =	vlt.s32 v47, v36;
	v57 =	vld [tilespmem:s19+$0xF0];
	v50 =	vtrunc.f32 v56  }
0x45a: {  	v47 =	vsel vm5, v47, v36;
	v50 =	vcvt.f32.s32 v50;
	v51 =	vmul.f32 $2.048000000e+03, v62  }
0x45b: {  	[tilespmem:v45+s16+$0x0] =	vst.idx.add.f32.msk $0xffff, v4;
	v49 =	vmul.f32 $2.048000000e+03, v49  }
0x45c: {  	[tilespmem:v46+s16+$0x0] =	vst.idx.add.f32.msk $0xffff, v4;
	v62 =	vmul.f32 $2.048000000e+03, v58;
	vm9 =	vlt.s32 v50, v32;
	v51 =	vadd.f32 v31, v51  }
0x45d: {  	v56 =	vld [tilespmem:s1+$0xFFFFFFC0];
	v49 =	vadd.f32 v33, v49;
	v50 =	vsel vm9, v50, v32  }
0x45e: {  	[tilespmem:v48+s16+$0x0] =	vst.idx.add.f32.msk $0xffff, v4;
	v58 =	vadd.f32 v33, v62;
	v60 =	vmul.f32 $2.048000000e+03, v57;
	v59 =	vtrunc.f32 v51  }
0x45f: {  	[tilespmem:v47+s16+$0x0] =	vst.idx.add.f32.msk $0xffff, v4;
	v49 =	vtrunc.f32 v49;
	v47 =	vcvt.f32.s32 v59  }
0x460: {  	v61 =	vld [tilespmem:s7+$0xF0];
	v45 =	vtrunc.f32 v58;
	v63 =	vcvt.f32.s32 v49  }
0x461: {  	v48 =	vadd.f32 v33, v60;
	v45 =	vcvt.f32.s32 v45;
	vm10 =	vlt.s32 v47, v32  }
0x462: {  	v57 =	vld [tilespmem:s31+$0x110];
	vm11 =	vlt.s32 v63, v34;
	v47 =	vsel vm10, v47, v32  }
0x463: {  	v48 =	vtrunc.f32 v48;
	[tilespmem:v50+s16+$0x0] =	vst.idx.add.f32.msk $0xffff, v4;
	vm13 =	vlt.s32 v45, v34;
	v46 =	vsel vm11, v63, v34  }
0x464: {  	v49 =	vmul.f32 $2.048000000e+03, v56;
	v48 =	vcvt.f32.s32 v48;
	v60 =	vld [tilespmem:s19+$0xFFFFFFC0];
	v45 =	vsel vm13, v45, v34  }
0x465: {  	[tilespmem:v44+s16+$0x0] =	vst.idx.add.f32.msk $0xffff, v4;
	v59 =	vmul.f32 $2.048000000e+03, v61  }
0x466: {  	v49 =	vadd.f32 v33, v49;
	v63 =	vld [tilespmem:s0+$0x100];
	vm12 =	vlt.s32 v48, v34  }
0x467: {  	v50 =	vadd.f32 v33, v59;
	v48 =	vsel vm12, v48, v34;
	[tilespmem:v47+s16+$0x0] =	vst.idx.add.f32.msk $0xffff, v4  }
0x468: {  	v61 =	vmul.f32 $2.048000000e+03, v57;
	v49 =	vtrunc.f32 v49;
	[tilespmem:v46+s16+$0x0] =	vst.idx.add.f32.msk $0xffff, v4  }
0x469: {  	v50 =	vtrunc.f32 v50;
	v51 =	vmul.f32 $2.048000000e+03, v60;
	[tilespmem:v45+s16+$0x0] =	vst.idx.add.f32.msk $0xffff, v4  }
0x46a: {  	v59 =	vcvt.f32.s32 v49;
	v56 =	vcvt.f32.s32 v50;
	v47 =	vadd.f32 v37, v61;
	v62 =	vld [tilespmem:s7+$0xFFFFFFC0]  }
0x46b: {  	v57 =	vld [tilespmem:s1+$0x100];
	v60 =	vadd.f32 v33, v51  }
0x46c: {  	vm15 =	vlt.s32 v59, v34;
	vm14 =	vlt.s32 v56, v34;
	v58 =	vtrunc.f32 v47;
	[tilespmem:v48+s16+$0x0] =	vst.idx.add.f32.msk $0xffff, v4  }
0x46d: {  	v46 =	vsel vm14, v56, v34;
	v44 =	vcvt.f32.s32 v58;
	v58 =	vld [tilespmem:s11+$0x100];
	v48 =	vtrunc.f32 v60  }
0x46e: {  	v47 =	vsel vm15, v59, v34;
	v56 =	vcvt.f32.s32 v48  }
0x46f: {  	vm4 =	vlt.s32 v44, v38;
	v61 =	vmul.f32 $2.048000000e+03, v62;
	v62 =	vmul.f32 $2.048000000e+03, v63  }
0x470: {  	v63 =	vld [tilespmem:s19+$0x100];
	v50 =	vmul.f32 $2.048000000e+03, v57;
	v44 =	vsel vm4, v44, v38  }
0x471: {  	vm5 =	vlt.s32 v56, v34;
	v49 =	vadd.f32 v33, v61;
	v57 =	vadd.f32 v35, v62  }
0x472: {  	[tilespmem:v46+s16+$0x0] =	vst.idx.add.f32.msk $0xffff, v4;
	v50 =	vadd.f32 v35, v50;
	v45 =	vsel vm5, v56, v34;
	v56 =	vmul.f32 $2.048000000e+03, v58  }
0x473: {  	v61 =	vld [tilespmem:s7+$0x100];
	v49 =	vtrunc.f32 v49;
	v48 =	vtrunc.f32 v57  }
0x474: {  	[tilespmem:v47+s16+$0x0] =	vst.idx.add.f32.msk $0xffff, v4;
	v50 =	vtrunc.f32 v50;
	v59 =	vcvt.f32.s32 v49  }
0x475: {  	v60 =	vmul.f32 $2.048000000e+03, v63;
	v48 =	vcvt.f32.s32 v48;
	v63 =	vld [tilespmem:s20+$0x100]  }
0x476: {  	v62 =	vcvt.f32.s32 v50;
	[tilespmem:v44+s16+$0x0] =	vst.idx.add.f32.msk $0xffff, v4;
	v44 =	vadd.f32 v35, v56;
	vm6 =	vlt.s32 v59, v34  }
0x477: {  	v49 =	vadd.f32 v35, v60;
	vm7 =	vlt.s32 v48, v36;
	v46 =	vsel vm6, v59, v34  }
0x478: {  	v53 =	vld [tilespmem:s22+$0xFFFFFFE0];
	vm1 =	vlt.s32 v62, v36;
	v57 =	vmul.f32 $2.048000000e+03, v61;
	v44 =	vtrunc.f32 v44  }
0x479: {  	[tilespmem:v45+s16+$0x0] =	vst.idx.add.f32.msk $0xffff, v4;
	v47 =	vsel vm1, v62, v36;
	v44 =	vcvt.f32.s32 v44;
	v49 =	vtrunc.f32 v49  }
0x47a: {  	v48 =	vsel vm7, v48, v36;
	v59 =	vld [tilespmem:s10+$0x100];
	v51 =	vadd.f32 v35, v57;
	v49 =	vcvt.f32.s32 v49  }
0x47b: {  	v43 =	vadd.f32 v39, v43;
	v62 =	vld [tilespmem:s31+$0x120];
	v50 =	vmul.f32 $2.048000000e+03, v63;
	vm9 =	vlt.s32 v44, v36  }
0x47c: {  	v51 =	vtrunc.f32 v51;
	v44 =	vsel vm9, v44, v36;
	vm8 =	vlt.s32 v49, v36;
	[tilespmem:v46+s16+$0x0] =	vst.idx.add.f32.msk $0xffff, v4  }
0x47d: {  	v58 =	vmul.f32 $2.048000000e+03, v53;
	v63 =	vcvt.f32.s32 v51;
	v60 =	vsel vm8, v49, v36;
	v61 =	vld [tilespmem:s13+$0x100]  }
0x47e: {  	v50 =	vadd.f32 v35, v50;
	[tilespmem:v47+s16+$0x0] =	vst.idx.add.f32.msk $0xffff, v4  }
0x47f: {  	v43 =	vtrunc.f32 v43;
	v45 =	vadd.f32 v37, v58;
	[tilespmem:v48+s16+$0x0] =	vst.idx.add.f32.msk $0xffff, v4;
	vm10 =	vlt.s32 v63, v36  }
0x480: {  	v52 =	vmul.f32 $2.048000000e+03, v59;
	v56 =	vld [tilespmem:s1+$0x110];
	v50 =	vtrunc.f32 v50;
	v58 =	vsel vm10, v63, v36  }
0x481: {  	v43 =	vcvt.f32.s32 v43;
	v57 =	vcvt.f32.s32 v50;
	[tilespmem:v44+s16+$0x0] =	vst.idx.add.f32.msk $0xffff, v4  }
0x482: {  	v45 =	vtrunc.f32 v45;
	v59 =	vadd.f32 v35, v52;
	[tilespmem:v60+s16+$0x0] =	vst.idx.add.f32.msk $0xffff, v4;
	v49 =	vmul.f32 $2.048000000e+03, v61  }
0x483: {  	vm11 =	vlt.s32 v41, v40;
	v45 =	vcvt.f32.s32 v45;
	vm12 =	vlt.s32 v57, v36;
	v60 =	vld [tilespmem:s19+$0x110]  }
0x484: {  	v47 =	vtrunc.f32 v59;
	v48 =	vsel vm12, v57, v36;
	v61 =	vld [tilespmem:s21+$0xFFFFFFE0];
	v49 =	vadd.f32 v35, v49  }
0x485: {  	vm15 =	vlt.s32 v45, v38;
	v47 =	vcvt.f32.s32 v47;
	v51 =	vmul.f32 $2.048000000e+03, v56;
	[tilespmem:v58+s16+$0x0] =	vst.idx.add.f32.msk $0xffff, v4  }
0x486: {  	v53 =	vmul.f32 $2.048000000e+03, v62;
	v45 =	vsel vm15, v45, v38;
	v58 =	vld [tilespmem:s31+$0xFFFFFFE0];
	v62 =	vtrunc.f32 v49  }
0x487: {  	vm13 =	vlt.s32 v47, v36;
	v63 =	vadd.f32 v37, v51;
	v57 =	vld [tilespmem:s7+$0x110];
	v44 =	vcvt.f32.s32 v62  }
0x488: {  	v41 =	vsel vm11, v41, v40;
	v47 =	vsel vm13, v47, v36;
	v50 =	vmul.f32 $2.048000000e+03, v60  }
0x489: {  	v49 =	vtrunc.f32 v63;
	[tilespmem:v48+s16+$0x0] =	vst.idx.add.f32.msk $0xffff, v4;
	v52 =	vmul.f32 $2.048000000e+03, v61;
	vm14 =	vlt.s32 v44, v36  }
0x48a: {  	v49 =	vcvt.f32.s32 v49;
	v48 =	vld [tilespmem:s1+$0xFFFFFFE0];
	v50 =	vadd.f32 v37, v50;
	v44 =	vsel vm14, v44, v36  }
0x48b: {  	[tilespmem:v42+s16+$0x0] =	vst.idx.add.f32.msk $0xffff, v4;
	v56 =	vadd.f32 v39, v53;
	v60 =	vmul.f32 $2.048000000e+03, v58;
	v59 =	vadd.f32 v37, v52  }
0x48c: {  	[tilespmem:v45+s16+$0x0] =	vst.idx.add.f32.msk $0xffff, v4;
	vm4 =	vlt.s32 v49, v38;
	v51 =	vmul.f32 $2.048000000e+03, v57;
	v50 =	vtrunc.f32 v50  }
0x48d: {  	[tilespmem:v47+s16+$0x0] =	vst.idx.add.f32.msk $0xffff, v4;
	v52 =	vadd.f32 v37, v60;
	v42 =	vtrunc.f32 v59;
	v50 =	vcvt.f32.s32 v50  }
0x48e: {  	v49 =	vsel vm4, v49, v38;
	v47 =	vld [tilespmem:s19+$0xFFFFFFE0];
	v51 =	vadd.f32 v37, v51;
	v42 =	vcvt.f32.s32 v42  }
0x48f: {  	v48 =	vmul.f32 $2.048000000e+03, v48;
	v52 =	vtrunc.f32 v52;
	vm5 =	vlt.s32 v50, v38;
	[tilespmem:v44+s16+$0x0] =	vst.idx.add.f32.msk $0xffff, v4  }
0x490: {  	v51 =	vtrunc.f32 v51;
	vm7 =	vlt.s32 v42, v38;
	v61 =	vsel vm5, v50, v38;
	v62 =	vld [tilespmem:s7+$0xFFFFFFE0]  }
0x491: {  	v63 =	vld [tilespmem:s12+$0xFFFFFFF0];
	v58 =	vcvt.f32.s32 v52;
	v48 =	vadd.f32 v37, v48;
	v42 =	vsel vm7, v42, v38  }
0x492: {  	vm12 =	vlt.s32 v43, v40;
	v46 =	vtrunc.f32 v56;
	v52 =	vld [tilespmem:s22+$0xFFFFFFF0];
	v56 =	vcvt.f32.s32 v51  }
0x493: {  	[tilespmem:v49+s16+$0x0] =	vst.idx.add.f32.msk $0xffff, v4;
	v47 =	vmul.f32 $2.048000000e+03, v47;
	vm9 =	vlt.s32 v58, v38;
	v48 =	vtrunc.f32 v48  }
0x494: {  	v57 =	vld [tilespmem:s1+$0x120];
	vm8 =	vlt.s32 v56, v38;
	v45 =	vsel vm9, v58, v38;
	v48 =	vcvt.f32.s32 v48  }
0x495: {  	v59 =	vsel vm8, v56, v38;
	v47 =	vadd.f32 v37, v47;
	[tilespmem:v61+s16+$0x0] =	vst.idx.add.f32.msk $0xffff, v4;
	v60 =	vmul.f32 $2.048000000e+03, v62  }
0x496: {  	v46 =	vcvt.f32.s32 v46;
	v63 =	vmul.f32 $2.048000000e+03, v63;
	vm10 =	vlt.s32 v48, v38;
	[tilespmem:v42+s16+$0x0] =	vst.idx.add.f32.msk $0xffff, v4  }
0x497: {  	v47 =	vtrunc.f32 v47;
	v48 =	vsel vm10, v48, v38;
	v61 =	vld [tilespmem:s19+$0x120];
	v49 =	vadd.f32 v37, v60  }
0x498: {  	v43 =	vsel vm12, v43, v40;
	vm6 =	vlt.s32 v46, v40;
	v62 =	vcvt.f32.s32 v47;
	v56 =	vld [tilespmem:s21+$0xFFFFFFF0]  }
0x499: {  	v51 =	vmul.f32 $2.048000000e+03, v57;
	v47 =	vadd.f32 v39, v63;
	[tilespmem:v45+s16+$0x0] =	vst.idx.add.f32.msk $0xffff, v4;
	v49 =	vtrunc.f32 v49  }
0x49a: {  	v52 =	vmul.f32 $2.048000000e+03, v52;
	[tilespmem:v59+s16+$0x0] =	vst.idx.add.f32.msk $0xffff, v4;
	vm11 =	vlt.s32 v62, v38;
	v57 =	vcvt.f32.s32 v49  }
0x49b: {  	v51 =	vadd.f32 v39, v51;
	v59 =	vld [tilespmem:s7+$0x120];
	v47 =	vtrunc.f32 v47;
	v42 =	vsel vm11, v62, v38  }
0x49c: {  	v52 =	vadd.f32 v39, v52;
	v47 =	vcvt.f32.s32 v47;
	[tilespmem:v48+s16+$0x0] =	vst.idx.add.f32.msk $0xffff, v4;
	vm13 =	vlt.s32 v57, v38  }
0x49d: {  	v51 =	vtrunc.f32 v51;
	v58 =	vmul.f32 $2.048000000e+03, v61;
	v61 =	vld [tilespmem:s31+$0xFFFFFFF0];
	v44 =	vsel vm13, v57, v38  }
0x49e: {  	v46 =	vsel vm6, v46, v40;
	v60 =	vcvt.f32.s32 v51;
	v63 =	vld [tilespmem:s1+$0xFFFFFFF0];
	v53 =	vmul.f32 $2.048000000e+03, v56  }
0x49f: {  	v52 =	vtrunc.f32 v52;
	vm15 =	vlt.s32 v47, v40;
	v49 =	vadd.f32 v39, v58  }
0x4a0: {  	vm14 =	vlt.s32 v60, v40;
	v50 =	vmul.f32 $2.048000000e+03, v59;
	v53 =	vadd.f32 v39, v53;
	[tilespmem:v42+s16+$0x0] =	vst.idx.add.f32.msk $0xffff, v4  }
0x4a1: {  	v58 =	vsel vm15, v47, v40;
	v59 =	vcvt.f32.s32 v52;
	v42 =	vsel vm14, v60, v40;
	v57 =	vld [tilespmem:s19+$0xFFFFFFF0]  }
0x4a2: {  	v62 =	vtrunc.f32 v49;
	v50 =	vadd.f32 v39, v50;
	v53 =	vtrunc.f32 v53;
	[tilespmem:v44+s16+$0x0] =	vst.idx.add.f32.msk $0xffff, v4  }
0x4a3: {  	vm5 =	vlt.s32 v59, v40;
	v51 =	vmul.f32 $2.048000000e+03, v61;
	v49 =	vmul.f32 $2.048000000e+03, v63;
	v60 =	vld [tilespmem:s7+$0xFFFFFFF0]  }
0x4a4: {  	v56 =	vcvt.f32.s32 v62;
	v47 =	vsel vm5, v59, v40;
	v53 =	vcvt.f32.s32 v53  }
0x4a5: {  	v50 =	vtrunc.f32 v50;
	v51 =	vadd.f32 v39, v51;
	v49 =	vadd.f32 v39, v49  }
0x4a6: {  	vm4 =	vlt.s32 v56, v40;
	v50 =	vcvt.f32.s32 v50;
	v48 =	vmul.f32 $2.048000000e+03, v57  }
0x4a7: {  	vm7 =	vlt.s32 v53, v40;
	v61 =	vtrunc.f32 v51;
	v62 =	vtrunc.f32 v49  }
0x4a8: {  	[tilespmem:v41+s16+$0x0] =	vst.idx.add.f32.msk $0xffff, v4;
	v45 =	vsel vm4, v56, v40;
	v41 =	vcvt.f32.s32 v61;
	v52 =	vmul.f32 $2.048000000e+03, v60  }
0x4a9: {  	[tilespmem:v46+s16+$0x0] =	vst.idx.add.f32.msk $0xffff, v4;
	vm6 =	vlt.s32 v50, v40;
	v46 =	vcvt.f32.s32 v62;
	v48 =	vadd.f32 v39, v48  }
0x4aa: {  	v50 =	vsel vm6, v50, v40;
	vm8 =	vlt.s32 v41, v40;
	v63 =	vadd.f32 v39, v52  }
0x4ab: {  	[tilespmem:v43+s16+$0x0] =	vst.idx.add.f32.msk $0xffff, v4;
	vm9 =	vlt.s32 v46, v40;
	v48 =	vtrunc.f32 v48;
	v41 =	vsel vm8, v41, v40  }
0x4ac: {  	[tilespmem:v58+s16+$0x0] =	vst.idx.add.f32.msk $0xffff, v4;
	v52 =	vsel vm7, v53, v40;
	v53 =	vcvt.f32.s32 v48;
	v54 =	vtrunc.f32 v63  }
0x4ad: {  	[tilespmem:v42+s16+$0x0] =	vst.idx.add.f32.msk $0xffff, v4;
	v56 =	vsel vm9, v46, v40;
	v55 =	vcvt.f32.s32 v54  }
0x4ae: {  	[tilespmem:v47+s16+$0x0] =	vst.idx.add.f32.msk $0xffff, v4;
	vm10 =	vlt.s32 v53, v40  }
0x4af: {  	[tilespmem:v45+s16+$0x0] =	vst.idx.add.f32.msk $0xffff, v4;
	v42 =	vsel vm10, v53, v40;
	vm11 =	vlt.s32 v55, v40  }
0x4b0: {  	[tilespmem:v50+s16+$0x0] =	vst.idx.add.f32.msk $0xffff, v4;
	v44 =	vsel vm11, v55, v40  }
0x4b1: {  	[tilespmem:v41+s16+$0x0] =	vst.idx.add.f32.msk $0xffff, v4  }
0x4b2: {  	[tilespmem:v56+s16+$0x0] =	vst.idx.add.f32.msk $0xffff, v4  }
0x4b3: {  	[tilespmem:v52+s16+$0x0] =	vst.idx.add.f32.msk $0xffff, v4  }
0x4b4: {  	[tilespmem:v42+s16+$0x0] =	vst.idx.add.f32.msk $0xffff, v4  }
0x4b5: {  	s17 =	simm.s32 $0x4C10;
	[tilespmem:v44+s16+$0x0] =	vst.idx.add.f32.msk $0xffff, v4  }
0x4b6: {  	v46 =	vld [tilespmem:s17+$0x0]  }
0x4b7: {  	v42 =	vld [tilespmem:s17+$0xFFFFFFF0]  }
0x4b8: {  	s20 =	simm.s32 $0x4C30  }
0x4b9: {  	v47 =	vld [tilespmem:s20+$0x0]  }
0x4ba: {  	v41 =	vmul.u32 $0x13, v0;
	v45 =	vld [tilespmem:s20+$0xFFFFFFF0]  }
0x4bb: {  	s19 =	simm.s32 $0x0;
	v57 =	vadd.s32 s25, v46  }
0x4bc: {  	v58 =	vadd.s32 s19, v42;
	v43 =	vadd.s32 v41, v57  }
0x4bd: {  	v44 =	vadd.s32 v41, v58  }
0x4be: {  	s21 =	simm.s32 $0x260;
	v60 =	vadd.s32 s26, v47  }
0x4bf: {  	s22 =	simm.s32 $0x4C50;
	v61 =	vadd.s32 s21, v45;
	v62 =	vadd.s32 v41, v60  }
0x4c0: {  	v63 =	vld [tilespmem:s22+$0xFFFFFFF0];
	v49 =	vadd.s32 v41, v61  }
0x4c1: {  	v59 =	vld.idx.msk [tilespmem:v43+s2+$0x0], $0xffff  }
0x4c2: {  	v44 =	vld.idx.msk [tilespmem:v44+s2+$0x0], $0xffff  }
0x4c3: {  	v43 =	vld [tilespmem:s22+$0x0]  }
0x4c4: {  	v50 =	vld.idx.msk [tilespmem:v62+s2+$0x0], $0xffff  }
0x4c5: {  	s26 =	simm.s32 $0x4C70;
	v49 =	vld.idx.msk [tilespmem:v49+s2+$0x0], $0xffff  }
0x4c6: {  	s25 =	simm.s32 $0x4C0;
	v56 =	vld [tilespmem:s26+$0xFFFFFFF0]  }
0x4c7: {  	v52 =	vshll.u32 v42, $0xB;
	v61 =	vadd.s32 s25, v63  }
0x4c8: {  	v45 =	vshll.u32 v45, $0xB;
	v42 =	vld [tilespmem:s26+$0x0];
	v53 =	vadd.s32 v41, v61;
	v60 =	vadd.s32 s28, v43  }
0x4c9: {  	v48 =	vmul.f32 $2.048000000e+03, v59;
	v44 =	vmul.f32 $2.048000000e+03, v44;
	v54 =	vadd.s32 v41, v60  }
0x4ca: {  	v46 =	vshll.u32 v46, $0xB;
	v50 =	vmul.f32 $2.048000000e+03, v50;
	v49 =	vmul.f32 $2.048000000e+03, v49;
	s28 =	simm.s32 $0x720  }
0x4cb: {  	v60 =	vadd.s32 s28, v56;
	v48 =	vtrunc.f32 v48;
	v55 =	vtrunc.f32 v44  }
0x4cc: {  	v44 =	vshll.u32 v63, $0xB;
	v59 =	vtrunc.f32 v50;
	v48 =	vcvt.f32.s32 v48  }
0x4cd: {  	v53 =	vld.idx.msk [tilespmem:v53+s2+$0x0], $0xffff;
	v63 =	vadd.s32 s29, v42;
	v49 =	vtrunc.f32 v49;
	v62 =	vcvt.f32.s32 v55  }
0x4ce: {  	s29 =	simm.s32 $0x4C90;
	v57 =	vcvt.f32.s32 v59;
	v58 =	vadd.s32 v41, v63;
	vm12 =	vlt.s32 v48, $0x7FF;
	v54 =	vld.idx.msk [tilespmem:v54+s2+$0x0], $0xffff  }
0x4cf: {  	v59 =	vadd.s32 v41, v60;
	v50 =	vld [tilespmem:s29+$0xFFFFFFF0];
	v63 =	vshll.u32 v47, $0xB;
	v48 =	vnsel vm12, $0x7FF, v48  }
0x4d0: {  	vm13 =	vlt.s32 v62, $0x7FF;
	vm14 =	vlt.s32 v57, $0x7FF;
	v46 =	vadd.s32 v48, v46;
	v48 =	vld [tilespmem:s29+$0x0]  }
0x4d1: {  	v51 =	vnsel vm13, $0x7FF, v62;
	v62 =	vnsel vm14, $0x7FF, v57;
	v55 =	vadd.s32 $0x9800, v46  }
0x4d2: {  	v61 =	vadd.s32 v51, v52;
	v46 =	vshll.u32 v56, $0xB;
	v56 =	vcvt.f32.s32 v49  }
0x4d3: {  	s31 =	simm.s32 $0x980;
	v47 =	vadd.s32 $0x9800, v61;
	v61 =	vadd.s32 v62, v63;
	v60 =	vmul.f32 $2.048000000e+03, v54  }
0x4d4: {  	v52 =	vld.idx.msk [tilespmem:v58+s2+$0x0], $0xffff;
	v57 =	vadd.s32 s31, v50;
	v49 =	vadd.s32 $0x9800, v61;
	vm15 =	vlt.s32 v56, $0x7FF  }
0x4d5: {  	v51 =	vld.idx.msk [tilespmem:v59+s2+$0x0], $0xffff;
	v54 =	vmul.f32 $2.048000000e+03, v53;
	v62 =	vadd.s32 s30, v48;
	v63 =	vtrunc.f32 v60  }
0x4d6: {  	s0 =	simm.s32 $0x4CB0;
	[tilespmem:v55+s16+$0x0] =	vst.idx.add.f32.msk $0xffff, v4;
	v55 =	vnsel vm15, $0x7FF, v56;
	v53 =	vadd.s32 v41, v62;
	v56 =	vcvt.f32.s32 v63  }
.LBB2_7:
0x4d7: {  	v58 =	vld [tilespmem:s0+$0x0];
	s9 =	sadd.s32 $0x2, s9;
	v57 =	vadd.s32 v41, v57;
	v59 =	vshll.u32 v50, $0xB;
	v54 =	vtrunc.f32 v54  }
0x4d8: {  	v50 =	vld [tilespmem:s0+$0xFFFFFFF0];
	p0 =	slt.u32 s9, $0x1E;
	v60 =	vcvt.f32.s32 v54;
	vm0 =	vlt.s32 v56, $0x7FF;
	v54 =	vadd.s32 v55, v45;
	v45 =	vmovc v44;
	v44 =	vmovc v46  }
.Ltmp2:
0x4d9: {  	v55 =	vshll.u32 v43, $0xB;
	v43 =	vmovc v42;
	v42 =	vmovc v48;
	v61 =	vnsel vm0, $0x7FF, v56;
	v56 =	vadd.s32 $0x9800, v54;
	[tilespmem:v49+s16+$0x0] =	vst.idx.add.f32.msk $0xffff, v4;
	(pc) =	sbr.rel @p0 .LBB2_7-.Ltmp2, $4  }
0x4da: {  	v46 =	vmovc v59;
	v62 =	vmul.f32 $2.048000000e+03, v52;
	vm0 =	vlt.s32 v60, $0x7FF;
	v49 =	vadd.s32 v61, v55;
	[tilespmem:v47+s16+$0x0] =	vst.idx.add.f32.msk $0xffff, v4  }
0x4db: {  	s30 =	sadd.s32 $0x260, s30;
	v54 =	vmul.f32 $2.048000000e+03, v51;
	v47 =	vmov v56;
	v52 =	vld.idx.msk [tilespmem:v53+s2+$0x0], $0xffff;
	v49 =	vadd.s32 $0x9800, v49  }
0x4dc: {  	s1 =	sadd.s32 $0xFFFFFED0, s30;
	v56 =	vtrunc.f32 v62;
	v55 =	vnsel vm0, $0x7FF, v60;
	v53 =	vadd.s32 s30, v58;
	v51 =	vld.idx.msk [tilespmem:v57+s2+$0x0], $0xffff;
	v48 =	vmovc v58  }
0x4dd: {  	s0 =	sadd.s32 $0x20, s0;
	v56 =	vcvt.f32.s32 v56;
	v57 =	vadd.s32 s1, v50;
	v53 =	vadd.s32 v41, v53  }
0x4de: {  	v57 =	vadd.s32 v41, v57;
	_ =	sdelay $0x2  }
0x4df: {  	v50 =	vshll.u32 v50, $0xB;
	v54 =	vtrunc.f32 v54  }
0x4e0: {  	v53 =	vld.idx.msk [tilespmem:v53+s2+$0x0], $0xffff;
	v45 =	vadd.s32 v55, v45;
	v43 =	vshll.u32 v43, $0xB;
	v42 =	vshll.u32 v42, $0xB  }
0x4e1: {  	v48 =	vshll.u32 v48, $0xB;
	vm0 =	vlt.s32 v56, $0x7FF;
	v52 =	vmul.f32 $2.048000000e+03, v52;
	v63 =	vld.idx.msk [tilespmem:v57+s2+$0x0], $0xffff  }
0x4e2: {  	v54 =	vcvt.f32.s32 v54;
	v45 =	vadd.s32 $0x9800, v45;
	v62 =	vnsel vm0, $0x7FF, v56  }
0x4e3: {  	v51 =	vmul.f32 $2.048000000e+03, v51;
	v43 =	vadd.s32 v62, v43;
	v52 =	vtrunc.f32 v52  }
0x4e4: {  	vm0 =	vlt.s32 v54, $0x7FF;
	v43 =	vadd.s32 $0x9800, v43;
	v52 =	vcvt.f32.s32 v52  }
0x4e5: {  	v54 =	vnsel vm0, $0x7FF, v54;
	v51 =	vtrunc.f32 v51;
	v53 =	vmul.f32 $2.048000000e+03, v53  }
0x4e6: {  	v44 =	vadd.s32 v54, v44;
	v51 =	vcvt.f32.s32 v51;
	v59 =	vmul.f32 $2.048000000e+03, v63  }
0x4e7: {  	v44 =	vadd.s32 $0x9800, v44;
	vm0 =	vlt.s32 v52, $0x7FF;
	v53 =	vtrunc.f32 v53  }
0x4e8: {  	v52 =	vnsel vm0, $0x7FF, v52;
	v53 =	vcvt.f32.s32 v53;
	v54 =	vtrunc.f32 v59  }
0x4e9: {  	vm0 =	vlt.s32 v51, $0x7FF;
	v42 =	vadd.s32 v52, v42;
	v60 =	vcvt.f32.s32 v54  }
0x4ea: {  	v61 =	vnsel vm0, $0x7FF, v51;
	vm1 =	vlt.s32 v53, $0x7FF;
	v42 =	vadd.s32 $0x9800, v42  }
0x4eb: {  	[tilespmem:v49+s16+$0x0] =	vst.idx.add.f32.msk $0xffff, v4;
	v46 =	vadd.s32 v61, v46;
	v53 =	vnsel vm1, $0x7FF, v53;
	vm0 =	vlt.s32 v60, $0x7FF  }
0x4ec: {  	[tilespmem:v47+s16+$0x0] =	vst.idx.add.f32.msk $0xffff, v4;
	v49 =	vadd.s32 $0x9800, v46;
	v48 =	vadd.s32 v53, v48;
	v63 =	vnsel vm0, $0x7FF, v60  }
0x4ed: {  	p0 =	seq.s32 s24, $0x1F;
	[tilespmem:v45+s16+$0x0] =	vst.idx.add.f32.msk $0xffff, v4;
	v62 =	vadd.s32 $0x9800, v48;
	v51 =	vadd.s32 v63, v50  }
0x4ee: {  	s0 =	sadd.s32 @!p0 $0x2, s8;
	[tilespmem:v43+s16+$0x0] =	vst.idx.add.f32.msk $0xffff, v4;
	v52 =	vadd.s32 $0x9800, v51  }
0x4ef: {  	s1 =	smul.u32 @!p0 $0x2600, s0;
	[tilespmem:v44+s16+$0x0] =	vst.idx.add.f32.msk $0xffff, v4  }
0x4f0: {  	[tilespmem:v42+s16+$0x0] =	vst.idx.add.f32.msk $0xffff, v4  }
0x4f1: {  	s0 =	sshll.u32 @!p0 s0, $0x9;
	s1 =	sadd.s32 @!p0 s4, s1;
	[tilespmem:v49+s16+$0x0] =	vst.idx.add.f32.msk $0xffff, v4  }
0x4f2: {  	s0 =	sadd.s32 @!p0 s6, s0;
	s1 =	sshrl.u32 @!p0 s1, $0x3;
	[tilespmem:v62+s16+$0x0] =	vst.idx.add.f32.msk $0xffff, v4  }
0x4f3: {  	s7 =	simm.s32 @!p0 $0x0;
	s0 =	sshrl.u32 @!p0 s0, $0x3;
	s1 =	sadd.s32 @!p0 s3, s1;
	[tilespmem:v52+s16+$0x0] =	vst.idx.add.f32.msk $0xffff, v4  }
0x4f4: {  	[tilespmem:s7], [sflag:$0x1] =	stream.linear.gather @!p0 [hbm4b:s1+s7], $0x2600, $0x38;
	[tilespmem:$0x18000] =	vst v63  }
0x4f5: {  	s9 =	simm.s32 $0x2;
	s0 =	sadd.s32 @!p0 s5, s0;
	s1 =	simm.s32 @!p0 $0x4C00  }
0x4f6: {  	[tilespmem:s1], [sflag:$0x3] =	stream.linear.gather @!p0 [hbm4b:s0+s7], $0x200, $0x38;
	[tilespmem:$0x18000] =	vst v63  }
0x4f7: {  	_ =	swait.ge [sflag:s9], $0x2600  }
0x4f8: {  	[sflag:s9] =	ssyncset.done $0x0  }
0x4f9: {  	[sflag:s9] =	ssyncadd.s32 $0xFFFFDA00  }
0x4fa: {  	_ =	swait.ge [sflag:s18], $0x200  }
0x4fb: {  	s10 =	simm.s32 $0x0;
	[sflag:s18] =	ssyncset.done $0x0  }
0x4fc: {  	s10 =	sand.u32 $0x3FE0, s10;
	[sflag:s18] =	ssyncadd.s32 $0xFFFFFE00  }
0x4fd: {  	v53 =	vld [tilespmem:s10+$0x2600];
	_ =	sdelay $0x4  }
0x4fe: {  	v42 =	vmul.f32 $2.048000000e+03, v53;
	_ =	sdelay $0x1  }
0x4ff: {  	v42 =	vadd.f32 v2, v42;
	_ =	sdelay $0x1  }
0x500: {  	v42 =	vtrunc.f32 v42  }
0x501: {  	v42 =	vcvt.f32.s32 v42;
	_ =	sdelay $0x1  }
0x502: {  	vm0 =	vlt.s32 v42, v3  }
0x503: {  	v42 =	vsel vm0, v42, v3;
	_ =	sdelay $0x4  }
0x504: {  	s19 =	simm.s32 $0x2850;
	[tilespmem:v42+s16+$0x0] =	vst.idx.add.f32.msk $0xffff, v4  }
0x505: {  	v42 =	vld [tilespmem:s19+$0xFFFFFDC0];
	_ =	sdelay $0x4  }
0x506: {  	v42 =	vmul.f32 $2.048000000e+03, v42;
	_ =	sdelay $0x1  }
0x507: {  	v42 =	vadd.f32 v5, v42;
	_ =	sdelay $0x1  }
0x508: {  	v42 =	vtrunc.f32 v42  }
0x509: {  	v42 =	vcvt.f32.s32 v42;
	_ =	sdelay $0x1  }
0x50a: {  	vm0 =	vlt.s32 v42, v6  }
0x50b: {  	v42 =	vsel vm0, v42, v6;
	_ =	sdelay $0x4  }
0x50c: {  	[tilespmem:v42+s16+$0x0] =	vst.idx.add.f32.msk $0xffff, v4  }
0x50d: {  	v42 =	vld [tilespmem:s19+$0xFFFFFDD0];
	_ =	sdelay $0x4  }
0x50e: {  	v42 =	vmul.f32 $2.048000000e+03, v42;
	_ =	sdelay $0x1  }
0x50f: {  	v42 =	vadd.f32 v7, v42;
	_ =	sdelay $0x1  }
0x510: {  	v42 =	vtrunc.f32 v42  }
0x511: {  	v42 =	vcvt.f32.s32 v42;
	_ =	sdelay $0x1  }
0x512: {  	vm0 =	vlt.s32 v42, v8  }
0x513: {  	v42 =	vsel vm0, v42, v8;
	_ =	sdelay $0x3  }
0x514: {  	v54 =	vld [tilespmem:s19+$0xFFFFFEE0]  }
0x515: {  	[tilespmem:v42+s16+$0x0] =	vst.idx.add.f32.msk $0xffff, v4  }
0x516: {  	v42 =	vld [tilespmem:s19+$0xFFFFFDE0];
	_ =	sdelay $0x2  }
0x517: {  	v43 =	vmul.f32 $2.048000000e+03, v54;
	_ =	sdelay $0x1  }
0x518: {  	v43 =	vadd.f32 v2, v43;
	v42 =	vmul.f32 $2.048000000e+03, v42;
	_ =	sdelay $0x1  }
0x519: {  	v43 =	vtrunc.f32 v43;
	v42 =	vadd.f32 v9, v42  }
0x51a: {  	v43 =	vcvt.f32.s32 v43  }
0x51b: {  	v42 =	vtrunc.f32 v42  }
0x51c: {  	vm0 =	vlt.s32 v43, v3;
	v42 =	vcvt.f32.s32 v42  }
0x51d: {  	v43 =	vsel vm0, v43, v3  }
0x51e: {  	vm0 =	vlt.s32 v42, v10  }
0x51f: {  	s11 =	simm.s32 $0x260;
	v42 =	vsel vm0, v42, v10  }
0x520: {  	s0 =	sand.u32 $0x3FE0, s11  }
0x521: {  	v55 =	vld [tilespmem:s0+$0x2600]  }
0x522: {  	[tilespmem:v43+s16+$0x0] =	vst.idx.add.f32.msk $0xffff, v4  }
0x523: {  	v43 =	vld [tilespmem:s19+$0xFFFFFEF0]  }
0x524: {  	[tilespmem:v42+s16+$0x0] =	vst.idx.add.f32.msk $0xffff, v4  }
0x525: {  	v42 =	vld [tilespmem:s19+$0xFFFFFDF0]  }
0x526: {  	v44 =	vmul.f32 $2.048000000e+03, v55;
	_ =	sdelay $0x1  }
0x527: {  	v44 =	vadd.f32 v2, v44;
	v43 =	vmul.f32 $2.048000000e+03, v43;
	_ =	sdelay $0x1  }
0x528: {  	v44 =	vtrunc.f32 v44;
	v43 =	vadd.f32 v5, v43;
	v42 =	vmul.f32 $2.048000000e+03, v42  }
0x529: {  	v44 =	vcvt.f32.s32 v44  }
0x52a: {  	v43 =	vtrunc.f32 v43;
	v42 =	vadd.f32 v11, v42  }
0x52b: {  	v43 =	vcvt.f32.s32 v43;
	vm0 =	vlt.s32 v44, v3  }
0x52c: {  	v44 =	vsel vm0, v44, v3;
	v42 =	vtrunc.f32 v42  }
0x52d: {  	vm0 =	vlt.s32 v43, v6;
	v42 =	vcvt.f32.s32 v42  }
0x52e: {  	v43 =	vsel vm0, v43, v6  }
0x52f: {  	vm0 =	vlt.s32 v42, v12  }
0x530: {  	v42 =	vsel vm0, v42, v12  }
0x531: {  	s1 =	simm.s32 $0x2AB0;
	[tilespmem:v44+s16+$0x0] =	vst.idx.add.f32.msk $0xffff, v4  }
0x532: {  	v44 =	vld [tilespmem:s1+$0xFFFFFDC0]  }
0x533: {  	[tilespmem:v43+s16+$0x0] =	vst.idx.add.f32.msk $0xffff, v4  }
0x534: {  	v43 =	vld [tilespmem:s19+$0xFFFFFF00]  }
0x535: {  	[tilespmem:v42+s16+$0x0] =	vst.idx.add.f32.msk $0xffff, v4  }
0x536: {  	v42 =	vld [tilespmem:s19+$0xFFFFFE00]  }
0x537: {  	v44 =	vmul.f32 $2.048000000e+03, v44;
	_ =	sdelay $0x1  }
0x538: {  	v43 =	vmul.f32 $2.048000000e+03, v43;
	v44 =	vadd.f32 v5, v44;
	_ =	sdelay $0x1  }
0x539: {  	v43 =	vadd.f32 v7, v43;
	v44 =	vtrunc.f32 v44;
	v42 =	vmul.f32 $2.048000000e+03, v42  }
0x53a: {  	v44 =	vcvt.f32.s32 v44  }
0x53b: {  	v43 =	vtrunc.f32 v43;
	v42 =	vadd.f32 v13, v42  }
0x53c: {  	v43 =	vcvt.f32.s32 v43;
	vm0 =	vlt.s32 v44, v6  }
0x53d: {  	v44 =	vsel vm0, v44, v6;
	v42 =	vtrunc.f32 v42  }
0x53e: {  	vm0 =	vlt.s32 v43, v8;
	v42 =	vcvt.f32.s32 v42  }
0x53f: {  	v43 =	vsel vm0, v43, v8  }
0x540: {  	vm0 =	vlt.s32 v42, v14  }
0x541: {  	v42 =	vsel vm0, v42, v14  }
0x542: {  	[tilespmem:v44+s16+$0x0] =	vst.idx.add.f32.msk $0xffff, v4  }
0x543: {  	v44 =	vld [tilespmem:s1+$0xFFFFFDD0]  }
0x544: {  	[tilespmem:v43+s16+$0x0] =	vst.idx.add.f32.msk $0xffff, v4  }
0x545: {  	v43 =	vld [tilespmem:s19+$0xFFFFFF10]  }
0x546: {  	[tilespmem:v42+s16+$0x0] =	vst.idx.add.f32.msk $0xffff, v4  }
0x547: {  	v42 =	vld [tilespmem:s19+$0xFFFFFE10]  }
0x548: {  	v44 =	vmul.f32 $2.048000000e+03, v44;
	_ =	sdelay $0x1  }
0x549: {  	v56 =	vld [tilespmem:s1+$0xFFFFFEE0];
	v43 =	vmul.f32 $2.048000000e+03, v43;
	v44 =	vadd.f32 v7, v44;
	_ =	sdelay $0x1  }
0x54a: {  	v43 =	vadd.f32 v9, v43;
	v44 =	vtrunc.f32 v44;
	v42 =	vmul.f32 $2.048000000e+03, v42  }
0x54b: {  	v44 =	vcvt.f32.s32 v44  }
0x54c: {  	v43 =	vtrunc.f32 v43;
	v42 =	vadd.f32 v15, v42  }
0x54d: {  	v45 =	vmul.f32 $2.048000000e+03, v56;
	v43 =	vcvt.f32.s32 v43;
	vm0 =	vlt.s32 v44, v8  }
0x54e: {  	v44 =	vsel vm0, v44, v8;
	v42 =	vtrunc.f32 v42  }
0x54f: {  	v45 =	vadd.f32 v2, v45;
	vm0 =	vlt.s32 v43, v10;
	v42 =	vcvt.f32.s32 v42  }
0x550: {  	v43 =	vsel vm0, v43, v10  }
0x551: {  	v45 =	vtrunc.f32 v45;
	vm0 =	vlt.s32 v42, v16  }
0x552: {  	v45 =	vcvt.f32.s32 v45;
	v42 =	vsel vm0, v42, v16  }
0x553: {  	[tilespmem:v44+s16+$0x0] =	vst.idx.add.f32.msk $0xffff, v4  }
0x554: {  	v44 =	vld [tilespmem:s1+$0xFFFFFDE0];
	vm0 =	vlt.s32 v45, v3  }
0x555: {  	[tilespmem:v43+s16+$0x0] =	vst.idx.add.f32.msk $0xffff, v4;
	v57 =	vsel vm0, v45, v3  }
0x556: {  	v58 =	vld [tilespmem:s19+$0xFFFFFF20]  }
0x557: {  	[tilespmem:v42+s16+$0x0] =	vst.idx.add.f32.msk $0xffff, v4  }
0x558: {  	v42 =	vld [tilespmem:s19+$0xFFFFFE20]  }
0x559: {  	v44 =	vmul.f32 $2.048000000e+03, v44  }
0x55a: {  	[tilespmem:v57+s16+$0x0] =	vst.idx.add.f32.msk $0xffff, v4  }
0x55b: {  	v59 =	vmul.f32 $2.048000000e+03, v58;
	v44 =	vadd.f32 v9, v44;
	v60 =	vld [tilespmem:s1+$0xFFFFFEF0];
	_ =	sdelay $0x1  }
0x55c: {  	v43 =	vadd.f32 v11, v59;
	v44 =	vtrunc.f32 v44;
	v42 =	vmul.f32 $2.048000000e+03, v42  }
0x55d: {  	v44 =	vcvt.f32.s32 v44  }
0x55e: {  	v43 =	vtrunc.f32 v43;
	v42 =	vadd.f32 v17, v42  }
0x55f: {  	v43 =	vcvt.f32.s32 v43;
	vm0 =	vlt.s32 v44, v10;
	v45 =	vmul.f32 $2.048000000e+03, v60  }
0x560: {  	v44 =	vsel vm0, v44, v10;
	v42 =	vtrunc.f32 v42  }
0x561: {  	vm0 =	vlt.s32 v43, v12;
	v45 =	vadd.f32 v5, v45;
	v42 =	vcvt.f32.s32 v42  }
0x562: {  	s12 =	simm.s32 $0x4C0;
	v43 =	vsel vm0, v43, v12  }
0x563: {  	s9 =	sand.u32 $0x3FE0, s12;
	v45 =	vtrunc.f32 v45;
	vm0 =	vlt.s32 v42, v18  }
0x564: {  	v61 =	vld [tilespmem:s9+$0x2600];
	v45 =	vcvt.f32.s32 v45;
	v42 =	vsel vm0, v42, v18  }
0x565: {  	[tilespmem:v44+s16+$0x0] =	vst.idx.add.f32.msk $0xffff, v4  }
0x566: {  	v44 =	vld [tilespmem:s1+$0xFFFFFDF0];
	vm0 =	vlt.s32 v45, v6  }
0x567: {  	[tilespmem:v43+s16+$0x0] =	vst.idx.add.f32.msk $0xffff, v4;
	v62 =	vsel vm0, v45, v6  }
0x568: {  	v63 =	vld [tilespmem:s10+$0x2780]  }
0x569: {  	v46 =	vmul.f32 $2.048000000e+03, v61;
	[tilespmem:v42+s16+$0x0] =	vst.idx.add.f32.msk $0xffff, v4  }
0x56a: {  	v42 =	vld [tilespmem:s10+$0x2680]  }
0x56b: {  	v46 =	vadd.f32 v2, v46;
	v44 =	vmul.f32 $2.048000000e+03, v44  }
0x56c: {  	[tilespmem:v62+s16+$0x0] =	vst.idx.add.f32.msk $0xffff, v4  }
0x56d: {  	v46 =	vtrunc.f32 v46;
	v44 =	vadd.f32 v11, v44;
	v43 =	vld [tilespmem:s1+$0xFFFFFF00]  }
0x56e: {  	v46 =	vcvt.f32.s32 v46;
	v45 =	vmul.f32 $2.048000000e+03, v63  }
0x56f: {  	v44 =	vtrunc.f32 v44;
	v42 =	vmul.f32 $2.048000000e+03, v42  }
0x570: {  	v44 =	vcvt.f32.s32 v44;
	vm0 =	vlt.s32 v46, v3;
	v45 =	vadd.f32 v13, v45  }
0x571: {  	v46 =	vsel vm0, v46, v3;
	v42 =	vadd.f32 v19, v42  }
0x572: {  	vm0 =	vlt.s32 v44, v12;
	v45 =	vtrunc.f32 v45;
	v43 =	vmul.f32 $2.048000000e+03, v43  }
0x573: {  	v44 =	vsel vm0, v44, v12;
	v45 =	vcvt.f32.s32 v45;
	v42 =	vtrunc.f32 v42  }
0x574: {  	v43 =	vadd.f32 v7, v43;
	v42 =	vcvt.f32.s32 v42  }
0x575: {  	vm0 =	vlt.s32 v45, v14  }
0x576: {  	s25 =	simm.s32 $0x2D10;
	[tilespmem:v46+s16+$0x0] =	vst.idx.add.f32.msk $0xffff, v4;
	v45 =	vsel vm0, v45, v14;
	v43 =	vtrunc.f32 v43;
	vm0 =	vlt.s32 v42, v20  }
0x577: {  	v46 =	vld [tilespmem:s25+$0xFFFFFDC0];
	v43 =	vcvt.f32.s32 v43;
	v42 =	vsel vm0, v42, v20  }
0x578: {  	[tilespmem:v44+s16+$0x0] =	vst.idx.add.f32.msk $0xffff, v4  }
0x579: {  	v44 =	vld [tilespmem:s1+$0xFFFFFE00];
	vm0 =	vlt.s32 v43, v8  }
0x57a: {  	v43 =	vsel vm0, v43, v8  }
0x57b: {  	[tilespmem:v45+s16+$0x0] =	vst.idx.add.f32.msk $0xffff, v4  }
0x57c: {  	v48 =	vmul.f32 $2.048000000e+03, v46;
	[tilespmem:v42+s16+$0x0] =	vst.idx.add.f32.msk $0xffff, v4  }
0x57d: {  	v42 =	vld [tilespmem:s19+$0xFFFFFE40]  }
0x57e: {  	v44 =	vmul.f32 $2.048000000e+03, v44;
	v49 =	vld [tilespmem:s19+$0xFFFFFF40];
	v45 =	vadd.f32 v5, v48  }
0x57f: {  	[tilespmem:v43+s16+$0x0] =	vst.idx.add.f32.msk $0xffff, v4  }
0x580: {  	v44 =	vadd.f32 v13, v44;
	v45 =	vtrunc.f32 v45;
	v43 =	vld [tilespmem:s1+$0xFFFFFF10]  }
0x581: {  	v45 =	vcvt.f32.s32 v45  }
0x582: {  	v44 =	vtrunc.f32 v44;
	v42 =	vmul.f32 $2.048000000e+03, v42  }
0x583: {  	v50 =	vld [tilespmem:s25+$0xFFFFFEE0];
	v44 =	vcvt.f32.s32 v44;
	vm0 =	vlt.s32 v45, v6  }
0x584: {  	v46 =	vmul.f32 $2.048000000e+03, v49;
	v45 =	vsel vm0, v45, v6;
	v42 =	vadd.f32 v21, v42  }
0x585: {  	vm0 =	vlt.s32 v44, v14;
	v43 =	vmul.f32 $2.048000000e+03, v43  }
0x586: {  	v46 =	vadd.f32 v15, v46;
	v44 =	vsel vm0, v44, v14;
	v42 =	vtrunc.f32 v42  }
0x587: {  	v43 =	vadd.f32 v9, v43;
	v42 =	vcvt.f32.s32 v42  }
0x588: {  	v47 =	vmul.f32 $2.048000000e+03, v50;
	v46 =	vtrunc.f32 v46  }
0x589: {  	v46 =	vcvt.f32.s32 v46;
	[tilespmem:v45+s16+$0x0] =	vst.idx.add.f32.msk $0xffff, v4;
	v43 =	vtrunc.f32 v43;
	vm0 =	vlt.s32 v42, v22  }
0x58a: {  	v51 =	vadd.f32 v2, v47;
	v52 =	vld [tilespmem:s25+$0xFFFFFDD0];
	v43 =	vcvt.f32.s32 v43;
	v42 =	vsel vm0, v42, v22  }
0x58b: {  	[tilespmem:v44+s16+$0x0] =	vst.idx.add.f32.msk $0xffff, v4;
	vm0 =	vlt.s32 v46, v16  }
0x58c: {  	v45 =	vtrunc.f32 v51;
	v54 =	vld [tilespmem:s1+$0xFFFFFE10];
	v53 =	vsel vm0, v46, v16;
	vm0 =	vlt.s32 v43, v10  }
0x58d: {  	v45 =	vcvt.f32.s32 v45;
	v43 =	vsel vm0, v43, v10;
	_ =	sdelay $0x1  }
0x58e: {  	v55 =	vmul.f32 $2.048000000e+03, v52;
	vm0 =	vlt.s32 v45, v3;
	[tilespmem:v42+s16+$0x0] =	vst.idx.add.f32.msk $0xffff, v4  }
0x58f: {  	v45 =	vsel vm0, v45, v3;
	v56 =	vld [tilespmem:s19+$0xFFFFFE50]  }
0x590: {  	v57 =	vmul.f32 $2.048000000e+03, v54;
	v42 =	vadd.f32 v7, v55;
	[tilespmem:v53+s16+$0x0] =	vst.idx.add.f32.msk $0xffff, v4  }
0x591: {  	[tilespmem:v43+s16+$0x0] =	vst.idx.add.f32.msk $0xffff, v4  }
0x592: {  	v44 =	vadd.f32 v15, v57;
	v42 =	vtrunc.f32 v42;
	v43 =	vld [tilespmem:s1+$0xFFFFFF20]  }
0x593: {  	v58 =	vld [tilespmem:s19+$0xFFFFFF50];
	v42 =	vcvt.f32.s32 v42  }
0x594: {  	v44 =	vtrunc.f32 v44;
	[tilespmem:v45+s16+$0x0] =	vst.idx.add.f32.msk $0xffff, v4  }
0x595: {  	v44 =	vcvt.f32.s32 v44;
	v60 =	vld [tilespmem:s25+$0xFFFFFEF0];
	vm0 =	vlt.s32 v42, v8;
	v59 =	vmul.f32 $2.048000000e+03, v56  }
0x596: {  	v42 =	vsel vm0, v42, v8  }
0x597: {  	vm0 =	vlt.s32 v44, v16;
	v45 =	vadd.f32 v23, v59;
	v43 =	vmul.f32 $2.048000000e+03, v43  }
0x598: {  	v44 =	vsel vm0, v44, v16  }
0x599: {  	v46 =	vmul.f32 $2.048000000e+03, v58;
	v45 =	vtrunc.f32 v45;
	v43 =	vadd.f32 v11, v43  }
0x59a: {  	v47 =	vmul.f32 $2.048000000e+03, v60;
	v45 =	vcvt.f32.s32 v45  }
0x59b: {  	v46 =	vadd.f32 v17, v46;
	[tilespmem:v42+s16+$0x0] =	vst.idx.add.f32.msk $0xffff, v4;
	v43 =	vtrunc.f32 v43  }
0x59c: {  	v62 =	vadd.f32 v5, v47;
	v63 =	vld [tilespmem:s25+$0xFFFFFDE0];
	vm0 =	vlt.s32 v45, v24;
	v61 =	vcvt.f32.s32 v43  }
0x59d: {  	v46 =	vtrunc.f32 v46;
	[tilespmem:v44+s16+$0x0] =	vst.idx.add.f32.msk $0xffff, v4;
	v45 =	vsel vm0, v45, v24  }
0x59e: {  	v48 =	vcvt.f32.s32 v46;
	v43 =	vtrunc.f32 v62;
	v49 =	vld [tilespmem:s1+$0xFFFFFE20];
	vm0 =	vlt.s32 v61, v12  }
0x59f: {  	v43 =	vcvt.f32.s32 v43;
	v42 =	vsel vm0, v61, v12  }
0x5a0: {  	vm0 =	vlt.s32 v48, v18  }
0x5a1: {  	v44 =	vsel vm0, v48, v18;
	vm0 =	vlt.s32 v43, v6;
	v50 =	vmul.f32 $2.048000000e+03, v63  }
0x5a2: {  	v43 =	vsel vm0, v43, v6;
	[tilespmem:v45+s16+$0x0] =	vst.idx.add.f32.msk $0xffff, v4  }
0x5a3: {  	v46 =	vmul.f32 $2.048000000e+03, v49;
	v45 =	vadd.f32 v9, v50;
	v51 =	vld [tilespmem:s19+$0xFFFFFE60]  }
0x5a4: {  	[tilespmem:v42+s16+$0x0] =	vst.idx.add.f32.msk $0xffff, v4  }
0x5a5: {  	v46 =	vadd.f32 v17, v46;
	v45 =	vtrunc.f32 v45;
	v42 =	vld [tilespmem:s0+$0x2780]  }
0x5a6: {  	[tilespmem:v44+s16+$0x0] =	vst.idx.add.f32.msk $0xffff, v4;
	v52 =	vcvt.f32.s32 v45  }
0x5a7: {  	v54 =	vtrunc.f32 v46;
	[tilespmem:v43+s16+$0x0] =	vst.idx.add.f32.msk $0xffff, v4  }
0x5a8: {  	s13 =	simm.s32 $0x720;
	v45 =	vcvt.f32.s32 v54;
	v55 =	vld [tilespmem:s25+$0xFFFFFF00];
	vm0 =	vlt.s32 v52, v10;
	v53 =	vmul.f32 $2.048000000e+03, v51  }
0x5a9: {  	s14 =	sand.u32 $0x3FE0, s13;
	v56 =	vld [tilespmem:s19+$0xFFFFFF60];
	v44 =	vsel vm0, v52, v10  }
0x5aa: {  	v57 =	vld [tilespmem:s14+$0x2600];
	vm0 =	vlt.s32 v45, v18;
	v43 =	vadd.f32 v25, v53  }
0x5ab: {  	v45 =	vsel vm0, v45, v18  }
0x5ac: {  	v42 =	vmul.f32 $2.048000000e+03, v42;
	v43 =	vtrunc.f32 v43  }
0x5ad: {  	v46 =	vmul.f32 $2.048000000e+03, v55;
	v43 =	vcvt.f32.s32 v43  }
0x5ae: {  	v47 =	vmul.f32 $2.048000000e+03, v56;
	v42 =	vadd.f32 v13, v42;
	[tilespmem:v44+s16+$0x0] =	vst.idx.add.f32.msk $0xffff, v4  }
0x5af: {  	v48 =	vmul.f32 $2.048000000e+03, v57;
	v58 =	vadd.f32 v7, v46;
	v59 =	vld [tilespmem:s25+$0xFFFFFDF0];
	vm0 =	vlt.s32 v43, v26  }
0x5b0: {  	v60 =	vadd.f32 v19, v47;
	v42 =	vtrunc.f32 v42;
	[tilespmem:v45+s16+$0x0] =	vst.idx.add.f32.msk $0xffff, v4;
	v43 =	vsel vm0, v43, v26  }
0x5b1: {  	v48 =	vadd.f32 v2, v48;
	v42 =	vcvt.f32.s32 v42;
	v61 =	vld [tilespmem:s0+$0x2680];
	v44 =	vtrunc.f32 v58  }
0x5b2: {  	v45 =	vtrunc.f32 v60;
	v44 =	vcvt.f32.s32 v44  }
0x5b3: {  	v48 =	vtrunc.f32 v48;
	v45 =	vcvt.f32.s32 v45;
	vm0 =	vlt.s32 v42, v14  }
0x5b4: {  	v42 =	vsel vm0, v42, v14;
	vm0 =	vlt.s32 v44, v8;
	v62 =	vmul.f32 $2.048000000e+03, v59  }
0x5b5: {  	v48 =	vcvt.f32.s32 v48;
	v44 =	vsel vm0, v44, v8;
	[tilespmem:v43+s16+$0x0] =	vst.idx.add.f32.msk $0xffff, v4  }
0x5b6: {  	v47 =	vmul.f32 $2.048000000e+03, v61;
	vm0 =	vlt.s32 v45, v20;
	v43 =	vadd.f32 v11, v62;
	v63 =	vld [tilespmem:s19+$0xFFFFFE70]  }
0x5b7: {  	v45 =	vsel vm0, v45, v20;
	vm0 =	vlt.s32 v48, v3  }
0x5b8: {  	v52 =	vadd.f32 v19, v47;
	v48 =	vsel vm0, v48, v3;
	v51 =	vtrunc.f32 v43  }
0x5b9: {  	[tilespmem:v42+s16+$0x0] =	vst.idx.add.f32.msk $0xffff, v4;
	v42 =	vcvt.f32.s32 v51  }
0x5ba: {  	v53 =	vld [tilespmem:s1+$0xFFFFFF40];
	v43 =	vtrunc.f32 v52  }
0x5bb: {  	[tilespmem:v44+s16+$0x0] =	vst.idx.add.f32.msk $0xffff, v4;
	v43 =	vcvt.f32.s32 v43;
	vm0 =	vlt.s32 v42, v12;
	v54 =	vmul.f32 $2.048000000e+03, v63  }
0x5bc: {  	v55 =	vld [tilespmem:s25+$0xFFFFFF10];
	v42 =	vsel vm0, v42, v12  }
0x5bd: {  	s26 =	simm.s32 $0x2F70;
	vm0 =	vlt.s32 v43, v20;
	[tilespmem:v48+s16+$0x0] =	vst.idx.add.f32.msk $0xffff, v4;
	v44 =	vadd.f32 v27, v54  }
0x5be: {  	v43 =	vsel vm0, v43, v20;
	v57 =	vld [tilespmem:s26+$0xFFFFFDC0]  }
0x5bf: {  	v44 =	vtrunc.f32 v44  }
0x5c0: {  	v56 =	vmul.f32 $2.048000000e+03, v53;
	v44 =	vcvt.f32.s32 v44  }
0x5c1: {  	v46 =	vmul.f32 $2.048000000e+03, v55;
	[tilespmem:v42+s16+$0x0] =	vst.idx.add.f32.msk $0xffff, v4  }
0x5c2: {  	v58 =	vadd.f32 v15, v56;
	v60 =	vld [tilespmem:s25+$0xFFFFFE00];
	vm0 =	vlt.s32 v44, v28  }
0x5c3: {  	v59 =	vadd.f32 v9, v46;
	[tilespmem:v43+s16+$0x0] =	vst.idx.add.f32.msk $0xffff, v4;
	v47 =	vmul.f32 $2.048000000e+03, v57;
	v44 =	vsel vm0, v44, v28  }
0x5c4: {  	v42 =	vtrunc.f32 v58;
	v62 =	vld [tilespmem:s1+$0xFFFFFE40]  }
0x5c5: {  	v42 =	vcvt.f32.s32 v42;
	v61 =	vtrunc.f32 v59;
	v47 =	vadd.f32 v5, v47  }
0x5c6: {  	[tilespmem:v45+s16+$0x0] =	vst.idx.add.f32.msk $0xffff, v4;
	v43 =	vcvt.f32.s32 v61  }
0x5c7: {  	v63 =	vld [tilespmem:s19+$0xFFFFFF70];
	vm1 =	vlt.s32 v42, v16;
	v47 =	vtrunc.f32 v47;
	v52 =	vmul.f32 $2.048000000e+03, v60  }
0x5c8: {  	v42 =	vsel vm1, v42, v16;
	vm0 =	vlt.s32 v43, v10;
	v47 =	vcvt.f32.s32 v47;
	[tilespmem:v44+s16+$0x0] =	vst.idx.add.f32.msk $0xffff, v4  }
0x5c9: {  	v43 =	vsel vm0, v43, v10;
	v45 =	vmul.f32 $2.048000000e+03, v62;
	v44 =	vadd.f32 v13, v52;
	v53 =	vld [tilespmem:s19+$0xFFFFFE80];
	_ =	sdelay $0x1  }
0x5ca: {  	v54 =	vld [tilespmem:s26+$0xFFFFFEE0];
	vm0 =	vlt.s32 v47, v6;
	v45 =	vadd.f32 v21, v45;
	v44 =	vtrunc.f32 v44  }
0x5cb: {  	v56 =	vsel vm0, v47, v6;
	v44 =	vcvt.f32.s32 v44  }
0x5cc: {  	v48 =	vmul.f32 $2.048000000e+03, v63;
	[tilespmem:v42+s16+$0x0] =	vst.idx.add.f32.msk $0xffff, v4;
	v45 =	vtrunc.f32 v45  }
0x5cd: {  	[tilespmem:v43+s16+$0x0] =	vst.idx.add.f32.msk $0xffff, v4;
	v45 =	vcvt.f32.s32 v45;
	vm0 =	vlt.s32 v44, v14;
	v55 =	vmul.f32 $2.048000000e+03, v53  }
0x5ce: {  	v48 =	vadd.f32 v21, v48;
	v58 =	vld [tilespmem:s25+$0xFFFFFF20];
	v44 =	vsel vm0, v44, v14  }
0x5cf: {  	v59 =	vmul.f32 $2.048000000e+03, v54;
	v60 =	vld [tilespmem:s1+$0xFFFFFF50];
	vm0 =	vlt.s32 v45, v22;
	v43 =	vadd.f32 v29, v55  }
0x5d0: {  	v57 =	vtrunc.f32 v48;
	[tilespmem:v56+s16+$0x0] =	vst.idx.add.f32.msk $0xffff, v4;
	v45 =	vsel vm0, v45, v22  }
0x5d1: {  	v47 =	vcvt.f32.s32 v57;
	v42 =	vadd.f32 v2, v59;
	v62 =	vld [tilespmem:s26+$0xFFFFFDD0];
	v43 =	vtrunc.f32 v43  }
0x5d2: {  	v43 =	vcvt.f32.s32 v43  }
0x5d3: {  	v42 =	vtrunc.f32 v42;
	vm0 =	vlt.s32 v47, v22;
	v61 =	vmul.f32 $2.048000000e+03, v58;
	[tilespmem:v44+s16+$0x0] =	vst.idx.add.f32.msk $0xffff, v4  }
0x5d4: {  	v42 =	vcvt.f32.s32 v42;
	v47 =	vsel vm0, v47, v22;
	v52 =	vld [tilespmem:s25+$0xFFFFFE10];
	vm0 =	vlt.s32 v43, v30  }
0x5d5: {  	v63 =	vmul.f32 $2.048000000e+03, v60;
	v46 =	vadd.f32 v11, v61;
	[tilespmem:v45+s16+$0x0] =	vst.idx.add.f32.msk $0xffff, v4;
	v43 =	vsel vm0, v43, v30  }
0x5d6: {  	v48 =	vmul.f32 $2.048000000e+03, v62;
	v54 =	vld [tilespmem:s1+$0xFFFFFE50];
	vm0 =	vlt.s32 v42, v3  }
0x5d7: {  	v44 =	vadd.f32 v17, v63;
	v53 =	vtrunc.f32 v46;
	v42 =	vsel vm0, v42, v3  }
0x5d8: {  	v55 =	vadd.f32 v7, v48;
	v45 =	vcvt.f32.s32 v53  }
0x5d9: {  	v44 =	vtrunc.f32 v44;
	v56 =	vmul.f32 $2.048000000e+03, v52  }
0x5da: {  	v44 =	vcvt.f32.s32 v44;
	v58 =	vtrunc.f32 v55;
	vm0 =	vlt.s32 v45, v12;
	[tilespmem:v43+s16+$0x0] =	vst.idx.add.f32.msk $0xffff, v4  }
0x5db: {  	v45 =	vsel vm0, v45, v12;
	v46 =	vmul.f32 $2.048000000e+03, v54;
	v59 =	vadd.f32 v15, v56;
	v57 =	vld [tilespmem:s19+$0xFFFFFE90]  }
0x5dc: {  	vm0 =	vlt.s32 v44, v18;
	[tilespmem:v42+s16+$0x0] =	vst.idx.add.f32.msk $0xffff, v4;
	v42 =	vcvt.f32.s32 v58  }
0x5dd: {  	v44 =	vsel vm0, v44, v18;
	v46 =	vadd.f32 v23, v46;
	v60 =	vld [tilespmem:s26+$0xFFFFFEF0];
	v43 =	vtrunc.f32 v59  }
0x5de: {  	[tilespmem:v47+s16+$0x0] =	vst.idx.add.f32.msk $0xffff, v4;
	vm0 =	vlt.s32 v42, v8;
	v43 =	vcvt.f32.s32 v43  }
0x5df: {  	v61 =	vld [tilespmem:s19+$0xFFFFFF80];
	v46 =	vtrunc.f32 v46;
	v42 =	vsel vm0, v42, v8  }
0x5e0: {  	[tilespmem:v45+s16+$0x0] =	vst.idx.add.f32.msk $0xffff, v4;
	v62 =	vcvt.f32.s32 v46;
	vm0 =	vlt.s32 v43, v16;
	v48 =	vmul.f32 $2.048000000e+03, v57  }
0x5e1: {  	v63 =	vld [tilespmem:s9+$0x2780];
	v43 =	vsel vm0, v43, v16  }
0x5e2: {  	[tilespmem:v44+s16+$0x0] =	vst.idx.add.f32.msk $0xffff, v4;
	vm0 =	vlt.s32 v62, v24;
	v47 =	vmul.f32 $2.048000000e+03, v60;
	v48 =	vadd.f32 v31, v48  }
0x5e3: {  	v59 =	vld [tilespmem:s1+$0xFFFFFF60];
	v45 =	vsel vm0, v62, v24  }
0x5e4: {  	v49 =	vmul.f32 $2.048000000e+03, v61;
	v47 =	vadd.f32 v5, v47;
	[tilespmem:v42+s16+$0x0] =	vst.idx.add.f32.msk $0xffff, v4;
	v52 =	vtrunc.f32 v48  }
0x5e5: {  	v54 =	vld [tilespmem:s26+$0xFFFFFDE0];
	v44 =	vcvt.f32.s32 v52  }
0x5e6: {  	v53 =	vadd.f32 v23, v49;
	v47 =	vtrunc.f32 v47;
	[tilespmem:v43+s16+$0x0] =	vst.idx.add.f32.msk $0xffff, v4  }
0x5e7: {  	v46 =	vmul.f32 $2.048000000e+03, v63;
	v47 =	vcvt.f32.s32 v47;
	v56 =	vld [tilespmem:s25+$0xFFFFFE20];
	vm0 =	vlt.s32 v44, v32  }
0x5e8: {  	v42 =	vtrunc.f32 v53;
	[tilespmem:v45+s16+$0x0] =	vst.idx.add.f32.msk $0xffff, v4;
	v55 =	vsel vm0, v44, v32  }
0x5e9: {  	v42 =	vcvt.f32.s32 v42;
	v46 =	vadd.f32 v13, v46;
	v58 =	vld [tilespmem:s1+$0xFFFFFE60];
	vm0 =	vlt.s32 v47, v6  }
0x5ea: {  	v57 =	vsel vm0, v47, v6;
	v48 =	vmul.f32 $2.048000000e+03, v54  }
0x5eb: {  	v46 =	vtrunc.f32 v46;
	vm0 =	vlt.s32 v42, v24  }
0x5ec: {  	v42 =	vsel vm0, v42, v24;
	v60 =	vadd.f32 v9, v48;
	v44 =	vmul.f32 $2.048000000e+03, v56  }
0x5ed: {  	v63 =	vmul.f32 $2.048000000e+03, v59;
	v46 =	vcvt.f32.s32 v46;
	[tilespmem:v55+s16+$0x0] =	vst.idx.add.f32.msk $0xffff, v4  }
0x5ee: {  	v62 =	vmul.f32 $2.048000000e+03, v58;
	v43 =	vtrunc.f32 v60;
	v44 =	vadd.f32 v17, v44;
	v61 =	vld [tilespmem:s19+$0xFFFFFEA0]  }
0x5ef: {  	v53 =	vadd.f32 v19, v63;
	[tilespmem:v57+s16+$0x0] =	vst.idx.add.f32.msk $0xffff, v4;
	v43 =	vcvt.f32.s32 v43  }
0x5f0: {  	vm0 =	vlt.s32 v46, v14;
	v45 =	vadd.f32 v25, v62;
	v52 =	vld [tilespmem:s26+$0xFFFFFF00];
	v44 =	vtrunc.f32 v44  }
0x5f1: {  	v46 =	vsel vm0, v46, v14;
	[tilespmem:v42+s16+$0x0] =	vst.idx.add.f32.msk $0xffff, v4;
	vm0 =	vlt.s32 v43, v10;
	v44 =	vcvt.f32.s32 v44  }
0x5f2: {  	s15 =	simm.s32 $0x980;
	v42 =	vtrunc.f32 v53;
	v54 =	vld [tilespmem:s19+$0xFFFFFF90];
	v45 =	vtrunc.f32 v45;
	v43 =	vsel vm0, v43, v10  }
0x5f3: {  	s7 =	sand.u32 $0x3FE0, s15;
	v45 =	vcvt.f32.s32 v45;
	vm0 =	vlt.s32 v44, v18;
	v48 =	vmul.f32 $2.048000000e+03, v61  }
0x5f4: {  	v57 =	vld [tilespmem:s7+$0x2600];
	v42 =	vcvt.f32.s32 v42;
	v44 =	vsel vm0, v44, v18  }
0x5f5: {  	vm0 =	vlt.s32 v45, v26;
	v56 =	vmul.f32 $2.048000000e+03, v52;
	v55 =	vadd.f32 v33, v48  }
0x5f6: {  	[tilespmem:v46+s16+$0x0] =	vst.idx.add.f32.msk $0xffff, v4;
	v45 =	vsel vm0, v45, v26;
	vm0 =	vlt.s32 v42, v20  }
0x5f7: {  	v49 =	vld [tilespmem:s25+$0xFFFFFF40];
	v47 =	vmul.f32 $2.048000000e+03, v54;
	v48 =	vadd.f32 v7, v56;
	v46 =	vtrunc.f32 v55  }
0x5f8: {  	v42 =	vsel vm0, v42, v20;
	[tilespmem:v43+s16+$0x0] =	vst.idx.add.f32.msk $0xffff, v4;
	v46 =	vcvt.f32.s32 v46  }
0x5f9: {  	v50 =	vmul.f32 $2.048000000e+03, v57;
	v59 =	vld [tilespmem:s26+$0xFFFFFDF0];
	v47 =	vadd.f32 v25, v47;
	v58 =	vtrunc.f32 v48  }
0x5fa: {  	[tilespmem:v44+s16+$0x0] =	vst.idx.add.f32.msk $0xffff, v4;
	v43 =	vcvt.f32.s32 v58;
	vm0 =	vlt.s32 v46, v34  }
0x5fb: {  	v52 =	vadd.f32 v2, v50;
	v61 =	vld [tilespmem:s9+$0x2680];
	v47 =	vtrunc.f32 v47;
	v60 =	vsel vm0, v46, v34  }
0x5fc: {  	[tilespmem:v45+s16+$0x0] =	vst.idx.add.f32.msk $0xffff, v4;
	v62 =	vcvt.f32.s32 v47;
	vm0 =	vlt.s32 v43, v8  }
0x5fd: {  	[tilespmem:v42+s16+$0x0] =	vst.idx.add.f32.msk $0xffff, v4;
	v42 =	vtrunc.f32 v52;
	v43 =	vsel vm0, v43, v8  }
0x5fe: {  	v63 =	vld [tilespmem:s1+$0xFFFFFE70];
	v42 =	vcvt.f32.s32 v42;
	vm0 =	vlt.s32 v62, v26  }
0x5ff: {  	v53 =	vld [tilespmem:s1+$0xFFFFFF70];
	v48 =	vmul.f32 $2.048000000e+03, v59;
	v45 =	vsel vm0, v62, v26  }
0x600: {  	vm0 =	vlt.s32 v42, v3;
	[tilespmem:v60+s16+$0x0] =	vst.idx.add.f32.msk $0xffff, v4  }
0x601: {  	v54 =	vadd.f32 v11, v48;
	v46 =	vmul.f32 $2.048000000e+03, v61;
	v42 =	vsel vm0, v42, v3;
	v55 =	vld [tilespmem:s10+$0x2700]  }
0x602: {  	v59 =	vmul.f32 $2.048000000e+03, v49;
	[tilespmem:v43+s16+$0x0] =	vst.idx.add.f32.msk $0xffff, v4  }
0x603: {  	v58 =	vmul.f32 $2.048000000e+03, v63;
	v56 =	vtrunc.f32 v54;
	v57 =	vadd.f32 v19, v46;
	v60 =	vld [tilespmem:s26+$0xFFFFFF10]  }
0x604: {  	v47 =	vadd.f32 v15, v59;
	v43 =	vcvt.f32.s32 v56;
	[tilespmem:v45+s16+$0x0] =	vst.idx.add.f32.msk $0xffff, v4  }
0x605: {  	v50 =	vmul.f32 $2.048000000e+03, v53;
	v46 =	vadd.f32 v27, v58;
	v44 =	vtrunc.f32 v57;
	v62 =	vld [tilespmem:s19+$0xFFFFFFA0]  }
0x606: {  	s28 =	simm.s32 $0x31D0;
	v61 =	vtrunc.f32 v47;
	vm0 =	vlt.s32 v43, v12;
	v44 =	vcvt.f32.s32 v44;
	[tilespmem:v42+s16+$0x0] =	vst.idx.add.f32.msk $0xffff, v4  }
0x607: {  	v50 =	vadd.f32 v21, v50;
	v46 =	vtrunc.f32 v46;
	v43 =	vsel vm0, v43, v12;
	v52 =	vld [tilespmem:s28+$0xFFFFFDC0]  }
0x608: {  	v45 =	vcvt.f32.s32 v61;
	v46 =	vcvt.f32.s32 v46;
	vm0 =	vlt.s32 v44, v20  }
0x609: {  	v50 =	vtrunc.f32 v50;
	v48 =	vmul.f32 $2.048000000e+03, v55;
	v44 =	vsel vm0, v44, v20  }
0x60a: {  	vm0 =	vlt.s32 v46, v28;
	v55 =	vcvt.f32.s32 v50;
	v49 =	vmul.f32 $2.048000000e+03, v60  }
0x60b: {  	v46 =	vsel vm0, v46, v28;
	v63 =	vadd.f32 v35, v48;
	v47 =	vmul.f32 $2.048000000e+03, v62  }
0x60c: {  	vm0 =	vlt.s32 v45, v16;
	v49 =	vadd.f32 v9, v49;
	[tilespmem:v43+s16+$0x0] =	vst.idx.add.f32.msk $0xffff, v4;
	v48 =	vmul.f32 $2.048000000e+03, v52  }
0x60d: {  	v45 =	vsel vm0, v45, v16;
	v42 =	vtrunc.f32 v63;
	v54 =	vld [tilespmem:s26+$0xFFFFFE00];
	v47 =	vadd.f32 v27, v47  }
0x60e: {  	v53 =	vtrunc.f32 v49;
	[tilespmem:v44+s16+$0x0] =	vst.idx.add.f32.msk $0xffff, v4;
	v42 =	vcvt.f32.s32 v42;
	v48 =	vadd.f32 v5, v48  }
0x60f: {  	v43 =	vcvt.f32.s32 v53;
	v56 =	vld [tilespmem:s25+$0xFFFFFE40];
	v47 =	vtrunc.f32 v47  }
0x610: {  	vm1 =	vlt.s32 v55, v22;
	[tilespmem:v46+s16+$0x0] =	vst.idx.add.f32.msk $0xffff, v4;
	v57 =	vcvt.f32.s32 v47;
	v48 =	vtrunc.f32 v48  }
0x611: {  	v44 =	vsel vm1, v55, v22;
	v46 =	vld [tilespmem:s1+$0xFFFFFE80];
	vm0 =	vlt.s32 v43, v10;
	v48 =	vcvt.f32.s32 v48  }
0x612: {  	v43 =	vsel vm0, v43, v10;
	v49 =	vmul.f32 $2.048000000e+03, v54;
	vm0 =	vlt.s32 v57, v28  }
0x613: {  	vm2 =	vlt.s32 v42, v36;
	[tilespmem:v45+s16+$0x0] =	vst.idx.add.f32.msk $0xffff, v4;
	v45 =	vsel vm0, v57, v28  }
0x614: {  	v58 =	vld [tilespmem:s28+$0xFFFFFEE0];
	vm0 =	vlt.s32 v48, v6;
	v49 =	vadd.f32 v13, v49;
	v50 =	vmul.f32 $2.048000000e+03, v56  }
0x615: {  	v42 =	vsel vm2, v42, v36;
	v59 =	vld [tilespmem:s25+$0xFFFFFF50];
	v63 =	vsel vm0, v48, v6  }
0x616: {  	[tilespmem:v44+s16+$0x0] =	vst.idx.add.f32.msk $0xffff, v4;
	v46 =	vmul.f32 $2.048000000e+03, v46;
	v60 =	vtrunc.f32 v49;
	v61 =	vadd.f32 v21, v50  }
0x617: {  	[tilespmem:v43+s16+$0x0] =	vst.idx.add.f32.msk $0xffff, v4;
	v43 =	vcvt.f32.s32 v60  }
0x618: {  	v55 =	vld [tilespmem:s1+$0xFFFFFF80];
	v46 =	vadd.f32 v29, v46;
	v53 =	vtrunc.f32 v61  }
0x619: {  	v62 =	vld [tilespmem:s26+$0xFFFFFF20];
	vm0 =	vlt.s32 v43, v14;
	v54 =	vcvt.f32.s32 v53  }
0x61a: {  	v47 =	vmul.f32 $2.048000000e+03, v58;
	[tilespmem:v42+s16+$0x0] =	vst.idx.add.f32.msk $0xffff, v4;
	v46 =	vtrunc.f32 v46;
	v43 =	vsel vm0, v43, v14  }
0x61b: {  	[tilespmem:v63+s16+$0x0] =	vst.idx.add.f32.msk $0xffff, v4;
	v46 =	vcvt.f32.s32 v46;
	vm0 =	vlt.s32 v54, v22  }
0x61c: {  	v47 =	vadd.f32 v2, v47;
	v60 =	vld [tilespmem:s28+$0xFFFFFDD0];
	v44 =	vsel vm0, v54, v22  }
0x61d: {  	v56 =	vmul.f32 $2.048000000e+03, v59;
	v57 =	vld [tilespmem:s19+$0xFFFFFEC0];
	vm0 =	vlt.s32 v46, v30  }
0x61e: {  	v59 =	vtrunc.f32 v47;
	[tilespmem:v45+s16+$0x0] =	vst.idx.add.f32.msk $0xffff, v4;
	v58 =	vmul.f32 $2.048000000e+03, v62;
	v46 =	vsel vm0, v46, v30  }
0x61f: {  	v42 =	vcvt.f32.s32 v59;
	v49 =	vadd.f32 v17, v56;
	[tilespmem:v43+s16+$0x0] =	vst.idx.add.f32.msk $0xffff, v4  }
0x620: {  	v48 =	vmul.f32 $2.048000000e+03, v55;
	v45 =	vadd.f32 v11, v58;
	v62 =	vld [tilespmem:s26+$0xFFFFFE10]  }
0x621: {  	v61 =	vtrunc.f32 v49;
	vm0 =	vlt.s32 v42, v3;
	v63 =	vmul.f32 $2.048000000e+03, v60;
	[tilespmem:v44+s16+$0x0] =	vst.idx.add.f32.msk $0xffff, v4  }
0x622: {  	v48 =	vadd.f32 v23, v48;
	v42 =	vsel vm0, v42, v3;
	v45 =	vtrunc.f32 v45;
	v44 =	vld [tilespmem:s25+$0xFFFFFE50]  }
0x623: {  	v54 =	vmul.f32 $2.048000000e+03, v57;
	v45 =	vcvt.f32.s32 v45;
	[tilespmem:v46+s16+$0x0] =	vst.idx.add.f32.msk $0xffff, v4;
	v46 =	vadd.f32 v7, v63  }
0x624: {  	v48 =	vtrunc.f32 v48;
	v43 =	vcvt.f32.s32 v61  }
0x625: {  	v48 =	vcvt.f32.s32 v48;
	v55 =	vld [tilespmem:s1+$0xFFFFFE90];
	vm0 =	vlt.s32 v45, v12;
	v57 =	vtrunc.f32 v46  }
0x626: {  	v56 =	vld [tilespmem:s10+$0x2800];
	v45 =	vsel vm0, v45, v12;
	vm0 =	vlt.s32 v43, v18;
	v49 =	vmul.f32 $2.048000000e+03, v62  }
0x627: {  	[tilespmem:v42+s16+$0x0] =	vst.idx.add.f32.msk $0xffff, v4;
	v42 =	vcvt.f32.s32 v57;
	v43 =	vsel vm0, v43, v18  }
0x628: {  	vm0 =	vlt.s32 v48, v24;
	v58 =	vadd.f32 v15, v49;
	v44 =	vmul.f32 $2.048000000e+03, v44  }
0x629: {  	v59 =	vld [tilespmem:s28+$0xFFFFFEF0];
	v48 =	vsel vm0, v48, v24;
	vm0 =	vlt.s32 v42, v8  }
0x62a: {  	v61 =	vmul.f32 $2.048000000e+03, v55;
	v60 =	vtrunc.f32 v58;
	v44 =	vadd.f32 v23, v44  }
0x62b: {  	v62 =	vmul.f32 $2.048000000e+03, v56;
	v42 =	vsel vm0, v42, v8;
	[tilespmem:v45+s16+$0x0] =	vst.idx.add.f32.msk $0xffff, v4;
	v45 =	vcvt.f32.s32 v60  }
0x62c: {  	v47 =	vadd.f32 v37, v54;
	v55 =	vadd.f32 v31, v61;
	v63 =	vld [tilespmem:s14+$0x2780];
	v54 =	vtrunc.f32 v44  }
0x62d: {  	v56 =	vadd.f32 v29, v62;
	[tilespmem:v43+s16+$0x0] =	vst.idx.add.f32.msk $0xffff, v4;
	vm0 =	vlt.s32 v45, v16;
	v43 =	vcvt.f32.s32 v54  }
0x62e: {  	v49 =	vmul.f32 $2.048000000e+03, v59;
	v57 =	vld [tilespmem:s25+$0xFFFFFF60];
	v44 =	vtrunc.f32 v55;
	v45 =	vsel vm0, v45, v16  }
0x62f: {  	v47 =	vtrunc.f32 v47;
	[tilespmem:v48+s16+$0x0] =	vst.idx.add.f32.msk $0xffff, v4;
	v44 =	vcvt.f32.s32 v44;
	vm0 =	vlt.s32 v43, v24  }
0x630: {  	v46 =	vtrunc.f32 v56;
	v49 =	vadd.f32 v5, v49;
	[tilespmem:v42+s16+$0x0] =	vst.idx.add.f32.msk $0xffff, v4;
	v43 =	vsel vm0, v43, v24  }
0x631: {  	v47 =	vcvt.f32.s32 v47;
	v46 =	vcvt.f32.s32 v46;
	v59 =	vld [tilespmem:s28+$0xFFFFFDE0];
	vm0 =	vlt.s32 v44, v32  }
0x632: {  	v48 =	vld [tilespmem:s1+$0xFFFFFF90];
	v49 =	vtrunc.f32 v49;
	v58 =	vmul.f32 $2.048000000e+03, v63;
	v44 =	vsel vm0, v44, v32  }
0x633: {  	v49 =	vcvt.f32.s32 v49;
	vm0 =	vlt.s32 v47, v38;
	v50 =	vmul.f32 $2.048000000e+03, v57;
	[tilespmem:v45+s16+$0x0] =	vst.idx.add.f32.msk $0xffff, v4  }
0x634: {  	v60 =	vsel vm0, v47, v38;
	vm0 =	vlt.s32 v46, v30;
	v42 =	vadd.f32 v13, v58;
	v61 =	vld [tilespmem:s26+$0xFFFFFE20]  }
0x635: {  	v46 =	vsel vm0, v46, v30;
	vm0 =	vlt.s32 v49, v6;
	[tilespmem:v43+s16+$0x0] =	vst.idx.add.f32.msk $0xffff, v4  }
0x636: {  	v50 =	vadd.f32 v19, v50;
	v62 =	vsel vm0, v49, v6;
	v54 =	vmul.f32 $2.048000000e+03, v59;
	v63 =	vld [tilespmem:s25+$0xFFFFFE60]  }
0x637: {  	v42 =	vtrunc.f32 v42;
	[tilespmem:v44+s16+$0x0] =	vst.idx.add.f32.msk $0xffff, v4  }
0x638: {  	v42 =	vcvt.f32.s32 v42;
	v50 =	vtrunc.f32 v50;
	v44 =	vadd.f32 v9, v54;
	v55 =	vld [tilespmem:s1+$0xFFFFFEA0]  }
0x639: {  	v50 =	vcvt.f32.s32 v50;
	[tilespmem:v60+s16+$0x0] =	vst.idx.add.f32.msk $0xffff, v4;
	v60 =	vmul.f32 $2.048000000e+03, v48  }
0x63a: {  	vm0 =	vlt.s32 v42, v14;
	[tilespmem:v46+s16+$0x0] =	vst.idx.add.f32.msk $0xffff, v4;
	v57 =	vtrunc.f32 v44;
	v56 =	vmul.f32 $2.048000000e+03, v61  }
0x63b: {  	v42 =	vsel vm0, v42, v14;
	vm0 =	vlt.s32 v50, v20;
	[tilespmem:v62+s16+$0x0] =	vst.idx.add.f32.msk $0xffff, v4;
	v43 =	vcvt.f32.s32 v57  }
0x63c: {  	v46 =	vadd.f32 v25, v60;
	v62 =	vld [tilespmem:s28+$0xFFFFFF00];
	v58 =	vadd.f32 v17, v56;
	v59 =	vmul.f32 $2.048000000e+03, v63  }
0x63d: {  	s17 =	simm.s32 $0xBE0;
	v61 =	vsel vm0, v50, v20;
	v63 =	vld [tilespmem:s19+$0xFFFFFFC0];
	vm0 =	vlt.s32 v43, v10;
	v55 =	vmul.f32 $2.048000000e+03, v55  }
0x63e: {  	s30 =	sand.u32 $0x3FE0, s17;
	v43 =	vsel vm0, v43, v10;
	v44 =	vtrunc.f32 v58;
	v45 =	vadd.f32 v25, v59  }
0x63f: {  	v58 =	vld [tilespmem:s30+$0x2600];
	v56 =	vcvt.f32.s32 v44  }
0x640: {  	v46 =	vtrunc.f32 v46;
	[tilespmem:v42+s16+$0x0] =	vst.idx.add.f32.msk $0xffff, v4;
	v50 =	vadd.f32 v33, v55;
	v45 =	vtrunc.f32 v45  }
0x641: {  	v57 =	vld [tilespmem:s26+$0xFFFFFF40];
	v48 =	vmul.f32 $2.048000000e+03, v62;
	vm0 =	vlt.s32 v56, v18;
	v45 =	vcvt.f32.s32 v45  }
0x642: {  	v50 =	vtrunc.f32 v50;
	v59 =	vmul.f32 $2.048000000e+03, v63;
	v42 =	vsel vm0, v56, v18  }
0x643: {  	v60 =	vcvt.f32.s32 v50;
	v48 =	vadd.f32 v7, v48;
	[tilespmem:v43+s16+$0x0] =	vst.idx.add.f32.msk $0xffff, v4;
	vm0 =	vlt.s32 v45, v26  }
0x644: {  	v46 =	vcvt.f32.s32 v46;
	v47 =	vadd.f32 v31, v59;
	v63 =	vld [tilespmem:s28+$0xFFFFFDF0];
	v45 =	vsel vm0, v45, v26  }
0x645: {  	[tilespmem:v61+s16+$0x0] =	vst.idx.add.f32.msk $0xffff, v4;
	v62 =	vmul.f32 $2.048000000e+03, v58;
	vm0 =	vlt.s32 v60, v34;
	v61 =	vtrunc.f32 v48  }
0x646: {  	v50 =	vld [tilespmem:s25+$0xFFFFFF70];
	v44 =	vmul.f32 $2.048000000e+03, v57;
	v49 =	vsel vm0, v60, v34;
	vm0 =	vlt.s32 v46, v26  }
0x647: {  	v43 =	vcvt.f32.s32 v61;
	v56 =	vtrunc.f32 v47;
	v57 =	vadd.f32 v2, v62;
	[tilespmem:v42+s16+$0x0] =	vst.idx.add.f32.msk $0xffff, v4  }
0x648: {  	v55 =	vsel vm0, v46, v26;
	v46 =	vcvt.f32.s32 v56;
	v54 =	vadd.f32 v15, v44;
	v58 =	vld [tilespmem:s14+$0x2680]  }
0x649: {  	vm0 =	vlt.s32 v43, v8;
	v59 =	vtrunc.f32 v57;
	v51 =	vmul.f32 $2.048000000e+03, v63;
	[tilespmem:v45+s16+$0x0] =	vst.idx.add.f32.msk $0xffff, v4  }
0x64a: {  	s29 =	simm.s32 $0x3430;
	v43 =	vsel vm0, v43, v8;
	v42 =	vtrunc.f32 v54;
	v45 =	vcvt.f32.s32 v59;
	v60 =	vld [tilespmem:s25+$0xFFFFFE70]  }
0x64b: {  	vm0 =	vlt.s32 v46, v32;
	v59 =	vmul.f32 $2.048000000e+03, v50;
	v50 =	vld [tilespmem:s29+$0xFFFFFEE0];
	v42 =	vcvt.f32.s32 v42  }
0x64c: {  	v46 =	vsel vm0, v46, v32;
	[tilespmem:v49+s16+$0x0] =	vst.idx.add.f32.msk $0xffff, v4;
	v61 =	vadd.f32 v11, v51  }
0x64d: {  	v49 =	vld [tilespmem:s0+$0x2700];
	vm1 =	vlt.s32 v45, v3;
	vm0 =	vlt.s32 v42, v16;
	v48 =	vmul.f32 $2.048000000e+03, v58  }
0x64e: {  	[tilespmem:v55+s16+$0x0] =	vst.idx.add.f32.msk $0xffff, v4;
	v45 =	vsel vm1, v45, v3;
	v63 =	vtrunc.f32 v61;
	v42 =	vsel vm0, v42, v16  }
0x64f: {  	[tilespmem:v43+s16+$0x0] =	vst.idx.add.f32.msk $0xffff, v4;
	v43 =	vcvt.f32.s32 v63;
	v53 =	vadd.f32 v19, v48;
	v47 =	vmul.f32 $2.048000000e+03, v60  }
0x650: {  	v54 =	vld [tilespmem:s28+$0xFFFFFF10];
	v50 =	vmul.f32 $2.048000000e+03, v50  }
0x651: {  	v62 =	vld [tilespmem:s1+$0xFFFFFFA0];
	vm0 =	vlt.s32 v43, v12;
	v44 =	vtrunc.f32 v53;
	v55 =	vadd.f32 v27, v47  }
0x652: {  	[tilespmem:v46+s16+$0x0] =	vst.idx.add.f32.msk $0xffff, v4;
	v56 =	vmul.f32 $2.048000000e+03, v49;
	v43 =	vsel vm0, v43, v12;
	v44 =	vcvt.f32.s32 v44  }
0x653: {  	v50 =	vadd.f32 v2, v50;
	[tilespmem:v45+s16+$0x0] =	vst.idx.add.f32.msk $0xffff, v4;
	v57 =	vtrunc.f32 v55  }
0x654: {  	[tilespmem:v42+s16+$0x0] =	vst.idx.add.f32.msk $0xffff, v4;
	v58 =	vadd.f32 v35, v56;
	vm0 =	vlt.s32 v44, v20;
	v42 =	vcvt.f32.s32 v57  }
0x655: {  	v47 =	vadd.f32 v21, v59;
	v61 =	vld [tilespmem:s29+$0xFFFFFDC0];
	v60 =	vmul.f32 $2.048000000e+03, v54;
	v44 =	vsel vm0, v44, v20  }
0x656: {  	v49 =	vld [tilespmem:s19+$0xFFFFFFD0];
	v51 =	vmul.f32 $2.048000000e+03, v62;
	v46 =	vtrunc.f32 v58;
	vm0 =	vlt.s32 v42, v28  }
0x657: {  	v46 =	vcvt.f32.s32 v46;
	v45 =	vadd.f32 v9, v60;
	[tilespmem:v43+s16+$0x0] =	vst.idx.add.f32.msk $0xffff, v4;
	v42 =	vsel vm0, v42, v28  }
0x658: {  	v50 =	vtrunc.f32 v50;
	v62 =	vtrunc.f32 v47;
	v63 =	vld [tilespmem:s28+$0xFFFFFE00]  }
0x659: {  	v52 =	vld [tilespmem:s19+$0xFFFFFED0];
	v51 =	vadd.f32 v27, v51;
	vm0 =	vlt.s32 v46, v36;
	v45 =	vtrunc.f32 v45  }
0x65a: {  	v48 =	vmul.f32 $2.048000000e+03, v61;
	v46 =	vsel vm0, v46, v36;
	v45 =	vcvt.f32.s32 v45;
	[tilespmem:v44+s16+$0x0] =	vst.idx.add.f32.msk $0xffff, v4  }
0x65b: {  	v43 =	vcvt.f32.s32 v62;
	v51 =	vtrunc.f32 v51;
	v56 =	vld [tilespmem:s26+$0xFFFFFE40]  }
0x65c: {  	v57 =	vmul.f32 $2.048000000e+03, v49;
	v48 =	vadd.f32 v5, v48;
	vm0 =	vlt.s32 v45, v10;
	[tilespmem:v42+s16+$0x0] =	vst.idx.add.f32.msk $0xffff, v4  }
0x65d: {  	v58 =	vcvt.f32.s32 v51;
	v45 =	vsel vm0, v45, v10;
	v47 =	vmul.f32 $2.048000000e+03, v63;
	v59 =	vld [tilespmem:s25+$0xFFFFFE80]  }
0x65e: {  	v53 =	vld [tilespmem:s26+$0xFFFFFF50];
	v44 =	vmul.f32 $2.048000000e+03, v52;
	v48 =	vtrunc.f32 v48  }
0x65f: {  	vm0 =	vlt.s32 v43, v22;
	v60 =	vcvt.f32.s32 v48;
	[tilespmem:v46+s16+$0x0] =	vst.idx.add.f32.msk $0xffff, v4;
	v47 =	vadd.f32 v13, v47  }
0x660: {  	v43 =	vsel vm0, v43, v22;
	vm0 =	vlt.s32 v58, v28;
	v61 =	vld [tilespmem:s1+$0xFFFFFEC0];
	v52 =	vmul.f32 $2.048000000e+03, v56  }
0x661: {  	v49 =	vsel vm0, v58, v28;
	vm0 =	vlt.s32 v60, v6;
	v62 =	vtrunc.f32 v47  }
0x662: {  	[tilespmem:v45+s16+$0x0] =	vst.idx.add.f32.msk $0xffff, v4;
	v45 =	vcvt.f32.s32 v62;
	v63 =	vadd.f32 v21, v52;
	v51 =	vmul.f32 $2.048000000e+03, v59  }
0x663: {  	v42 =	vadd.f32 v33, v57;
	v46 =	vsel vm0, v60, v6;
	v56 =	vmul.f32 $2.048000000e+03, v53;
	v57 =	vld [tilespmem:s28+$0xFFFFFF20]  }
0x664: {  	vm0 =	vlt.s32 v45, v14;
	v47 =	vtrunc.f32 v63;
	v51 =	vadd.f32 v29, v51  }
0x665: {  	[tilespmem:v43+s16+$0x0] =	vst.idx.add.f32.msk $0xffff, v4;
	v48 =	vmul.f32 $2.048000000e+03, v61;
	v45 =	vsel vm0, v45, v14;
	v58 =	vcvt.f32.s32 v47  }
0x666: {  	v62 =	vcvt.f32.s32 v50;
	v59 =	vld [tilespmem:s25+$0xFFFFFF80];
	v51 =	vtrunc.f32 v51  }
0x667: {  	[tilespmem:v49+s16+$0x0] =	vst.idx.add.f32.msk $0xffff, v4;
	v48 =	vadd.f32 v37, v48;
	vm0 =	vlt.s32 v58, v22;
	v60 =	vcvt.f32.s32 v51  }
0x668: {  	v52 =	vadd.f32 v17, v56;
	[tilespmem:v46+s16+$0x0] =	vst.idx.add.f32.msk $0xffff, v4;
	v53 =	vmul.f32 $2.048000000e+03, v57;
	v43 =	vsel vm0, v58, v22  }
0x669: {  	vm1 =	vlt.s32 v62, v3;
	v56 =	vld [tilespmem:s29+$0xFFFFFDD0];
	v48 =	vtrunc.f32 v48;
	vm0 =	vlt.s32 v60, v30  }
0x66a: {  	v61 =	vcvt.f32.s32 v48;
	v63 =	vadd.f32 v11, v53;
	[tilespmem:v45+s16+$0x0] =	vst.idx.add.f32.msk $0xffff, v4;
	v49 =	vsel vm0, v60, v30  }
0x66b: {  	v52 =	vtrunc.f32 v52;
	v47 =	vmul.f32 $2.048000000e+03, v59;
	v58 =	vld [tilespmem:s28+$0xFFFFFE10];
	v60 =	vsel vm1, v62, v3  }
0x66c: {  	v52 =	vcvt.f32.s32 v52;
	v51 =	vld [tilespmem:s0+$0x2800];
	vm0 =	vlt.s32 v61, v38;
	v57 =	vtrunc.f32 v63  }
0x66d: {  	v47 =	vadd.f32 v23, v47;
	v46 =	vsel vm0, v61, v38;
	v45 =	vcvt.f32.s32 v57;
	[tilespmem:v43+s16+$0x0] =	vst.idx.add.f32.msk $0xffff, v4  }
0x66e: {  	v42 =	vtrunc.f32 v42;
	v59 =	vadd.f32 v39, v44;
	v62 =	vmul.f32 $2.048000000e+03, v56;
	v61 =	vld [tilespmem:s26+$0xFFFFFE50]  }
0x66f: {  	vm0 =	vlt.s32 v52, v18;
	v47 =	vtrunc.f32 v47;
	vm1 =	vlt.s32 v45, v12;
	[tilespmem:v49+s16+$0x0] =	vst.idx.add.f32.msk $0xffff, v4  }
0x670: {  	v55 =	vadd.f32 v7, v62;
	v45 =	vsel vm1, v45, v12;
	v56 =	vmul.f32 $2.048000000e+03, v58;
	[tilespmem:v60+s16+$0x0] =	vst.idx.add.f32.msk $0xffff, v4  }
0x671: {  	v42 =	vcvt.f32.s32 v42;
	v47 =	vcvt.f32.s32 v47;
	v52 =	vsel vm0, v52, v18;
	v63 =	vld [tilespmem:s25+$0xFFFFFE90]  }
0x672: {  	v43 =	vtrunc.f32 v59;
	v58 =	vtrunc.f32 v55;
	[tilespmem:v46+s16+$0x0] =	vst.idx.add.f32.msk $0xffff, v4;
	v49 =	vadd.f32 v15, v56  }
0x673: {  	vm0 =	vlt.s32 v47, v24;
	vm1 =	vlt.s32 v42, v34;
	v44 =	vcvt.f32.s32 v58;
	v59 =	vld [tilespmem:s29+$0xFFFFFEF0]  }
0x674: {  	v47 =	vsel vm0, v47, v24;
	v57 =	vld [tilespmem:s1+$0xFFFFFED0];
	v60 =	vtrunc.f32 v49;
	v48 =	vmul.f32 $2.048000000e+03, v61  }
0x675: {  	v51 =	vmul.f32 $2.048000000e+03, v51;
	v42 =	vsel vm1, v42, v34;
	[tilespmem:v45+s16+$0x0] =	vst.idx.add.f32.msk $0xffff, v4;
	v45 =	vcvt.f32.s32 v60  }
0x676: {  	vm0 =	vlt.s32 v44, v8;
	[tilespmem:v52+s16+$0x0] =	vst.idx.add.f32.msk $0xffff, v4;
	v48 =	vadd.f32 v23, v48;
	v53 =	vmul.f32 $2.048000000e+03, v63  }
0x677: {  	v51 =	vadd.f32 v29, v51;
	v44 =	vsel vm0, v44, v8;
	v52 =	vld [tilespmem:s26+$0xFFFFFF60];
	vm0 =	vlt.s32 v45, v16  }
0x678: {  	v61 =	vld [tilespmem:s7+$0x2780];
	v46 =	vmul.f32 $2.048000000e+03, v59;
	v48 =	vtrunc.f32 v48;
	v53 =	vadd.f32 v31, v53  }
0x679: {  	v43 =	vcvt.f32.s32 v43;
	[tilespmem:v47+s16+$0x0] =	vst.idx.add.f32.msk $0xffff, v4;
	v45 =	vsel vm0, v45, v16;
	v48 =	vcvt.f32.s32 v48  }
0x67a: {  	v51 =	vtrunc.f32 v51;
	[tilespmem:v42+s16+$0x0] =	vst.idx.add.f32.msk $0xffff, v4;
	v46 =	vadd.f32 v5, v46;
	v62 =	vtrunc.f32 v53  }
0x67b: {  	v63 =	vcvt.f32.s32 v51;
	v56 =	vld [tilespmem:s19+$0xFFFFFFE0];
	vm0 =	vlt.s32 v48, v24;
	v47 =	vcvt.f32.s32 v62  }
0x67c: {  	v50 =	vmul.f32 $2.048000000e+03, v57;
	[tilespmem:v44+s16+$0x0] =	vst.idx.add.f32.msk $0xffff, v4;
	v46 =	vtrunc.f32 v46;
	v48 =	vsel vm0, v48, v24  }
0x67d: {  	vm1 =	vlt.s32 v63, v30;
	v59 =	vld [tilespmem:s29+$0xFFFFFDE0];
	v46 =	vcvt.f32.s32 v46;
	vm0 =	vlt.s32 v47, v32  }
0x67e: {  	v50 =	vadd.f32 v39, v50;
	v57 =	vmul.f32 $2.048000000e+03, v61;
	[tilespmem:v45+s16+$0x0] =	vst.idx.add.f32.msk $0xffff, v4;
	v47 =	vsel vm0, v47, v32  }
0x67f: {  	v58 =	vmul.f32 $2.048000000e+03, v52;
	v42 =	vsel vm1, v63, v30;
	v61 =	vld [tilespmem:s28+$0xFFFFFE20];
	vm1 =	vlt.s32 v46, v6  }
0x680: {  	v53 =	vld [tilespmem:s25+$0xFFFFFF90];
	v60 =	vtrunc.f32 v50;
	v44 =	vadd.f32 v13, v57;
	v46 =	vsel vm1, v46, v6  }
0x681: {  	v49 =	vadd.f32 v19, v58;
	v51 =	vmul.f32 $2.048000000e+03, v56;
	v45 =	vcvt.f32.s32 v60;
	[tilespmem:v48+s16+$0x0] =	vst.idx.add.f32.msk $0xffff, v4  }
0x682: {  	v44 =	vtrunc.f32 v44;
	v62 =	vmul.f32 $2.048000000e+03, v59;
	v48 =	vld [tilespmem:s26+$0xFFFFFE60]  }
0x683: {  	v49 =	vtrunc.f32 v49;
	v44 =	vcvt.f32.s32 v44;
	[tilespmem:v47+s16+$0x0] =	vst.idx.add.f32.msk $0xffff, v4  }
0x684: {  	vm0 =	vlt.s32 v43, v40;
	v50 =	vmul.f32 $2.048000000e+03, v61;
	v47 =	vadd.f32 v9, v62;
	v63 =	vld [tilespmem:s25+$0xFFFFFEA0]  }
0x685: {  	v49 =	vcvt.f32.s32 v49;
	v43 =	vsel vm0, v43, v40;
	vm1 =	vlt.s32 v44, v14;
	[tilespmem:v46+s16+$0x0] =	vst.idx.add.f32.msk $0xffff, v4  }
0x686: {  	v44 =	vsel vm1, v44, v14;
	v57 =	vadd.f32 v17, v50;
	v60 =	vld [tilespmem:s29+$0xFFFFFF00];
	v56 =	vtrunc.f32 v47  }
0x687: {  	s20 =	simm.s32 $0xE40;
	[tilespmem:v42+s16+$0x0] =	vst.idx.add.f32.msk $0xffff, v4;
	vm1 =	vlt.s32 v49, v20;
	v42 =	vcvt.f32.s32 v56;
	v58 =	vmul.f32 $2.048000000e+03, v48  }
0x688: {  	s31 =	sand.u32 $0x3FE0, s20;
	v53 =	vmul.f32 $2.048000000e+03, v53;
	v49 =	vsel vm1, v49, v20;
	v46 =	vtrunc.f32 v57  }
0x689: {  	v57 =	vld [tilespmem:s31+$0x2600];
	vm1 =	vlt.s32 v42, v10;
	v47 =	vadd.f32 v25, v58;
	v52 =	vmul.f32 $2.048000000e+03, v63  }
0x68a: {  	v59 =	vadd.f32 v25, v53;
	v61 =	vld [tilespmem:s1+$0xFFFFFFC0];
	v62 =	vcvt.f32.s32 v46;
	v42 =	vsel vm1, v42, v10  }
0x68b: {  	[tilespmem:v44+s16+$0x0] =	vst.idx.add.f32.msk $0xffff, v4;
	v58 =	vmul.f32 $2.048000000e+03, v60;
	v47 =	vtrunc.f32 v47;
	v52 =	vadd.f32 v33, v52  }
0x68c: {  	v48 =	vtrunc.f32 v59;
	v63 =	vld [tilespmem:s28+$0xFFFFFF40];
	vm1 =	vlt.s32 v62, v18;
	v47 =	vcvt.f32.s32 v47  }
0x68d: {  	[tilespmem:v43+s16+$0x0] =	vst.idx.add.f32.msk $0xffff, v4;
	v44 =	vsel vm1, v62, v18;
	v43 =	vadd.f32 v7, v58;
	v59 =	vtrunc.f32 v52  }
0x68e: {  	[tilespmem:v49+s16+$0x0] =	vst.idx.add.f32.msk $0xffff, v4;
	v62 =	vmul.f32 $2.048000000e+03, v57;
	vm1 =	vlt.s32 v47, v26;
	v50 =	vcvt.f32.s32 v59  }
0x68f: {  	v48 =	vcvt.f32.s32 v48;
	v60 =	vmul.f32 $2.048000000e+03, v61;
	v52 =	vld [tilespmem:s26+$0xFFFFFF70];
	v47 =	vsel vm1, v47, v26  }
0x690: {  	v61 =	vtrunc.f32 v43;
	v43 =	vadd.f32 v2, v62;
	[tilespmem:v42+s16+$0x0] =	vst.idx.add.f32.msk $0xffff, v4;
	vm1 =	vlt.s32 v50, v34  }
0x691: {  	v49 =	vadd.f32 v31, v60;
	v46 =	vmul.f32 $2.048000000e+03, v63;
	v63 =	vld [tilespmem:s29+$0xFFFFFDF0];
	v50 =	vsel vm1, v50, v34  }
0x692: {  	v42 =	vcvt.f32.s32 v61;
	[tilespmem:v44+s16+$0x0] =	vst.idx.add.f32.msk $0xffff, v4;
	v43 =	vtrunc.f32 v43;
	vm1 =	vlt.s32 v48, v26  }
0x693: {  	v58 =	vld [tilespmem:s7+$0x2680];
	v43 =	vcvt.f32.s32 v43;
	v56 =	vsel vm1, v48, v26  }
0x694: {  	v57 =	vtrunc.f32 v49;
	v55 =	vadd.f32 v15, v46;
	vm1 =	vlt.s32 v42, v8;
	[tilespmem:v47+s16+$0x0] =	vst.idx.add.f32.msk $0xffff, v4  }
0x695: {  	v48 =	vcvt.f32.s32 v57;
	vm2 =	vlt.s32 v43, v3;
	v42 =	vsel vm1, v42, v8;
	v47 =	vld [tilespmem:s26+$0xFFFFFE70]  }
0x696: {  	v51 =	vadd.f32 v35, v51;
	v44 =	vtrunc.f32 v55;
	v43 =	vsel vm2, v43, v3;
	[tilespmem:v50+s16+$0x0] =	vst.idx.add.f32.msk $0xffff, v4  }
0x697: {  	v44 =	vcvt.f32.s32 v44;
	vm1 =	vlt.s32 v48, v32;
	v53 =	vmul.f32 $2.048000000e+03, v63;
	v60 =	vld [tilespmem:s9+$0x2700]  }
0x698: {  	v59 =	vtrunc.f32 v51;
	v48 =	vsel vm1, v48, v32;
	[tilespmem:v56+s16+$0x0] =	vst.idx.add.f32.msk $0xffff, v4  }
0x699: {  	vm1 =	vlt.s32 v44, v16;
	v49 =	vmul.f32 $2.048000000e+03, v58;
	v61 =	vadd.f32 v11, v53;
	v53 =	vld [tilespmem:s25+$0xFFFFFFA0]  }
0x69a: {  	vm0 =	vlt.s32 v45, v40;
	v50 =	vcvt.f32.s32 v59;
	v44 =	vsel vm1, v44, v16;
	[tilespmem:v42+s16+$0x0] =	vst.idx.add.f32.msk $0xffff, v4  }
0x69b: {  	v49 =	vadd.f32 v19, v49;
	v46 =	vtrunc.f32 v61;
	v42 =	vsel vm0, v45, v40;
	[tilespmem:v43+s16+$0x0] =	vst.idx.add.f32.msk $0xffff, v4  }
0x69c: {  	vm0 =	vlt.s32 v50, v36;
	v62 =	vld [tilespmem:s29+$0xFFFFFF10];
	v46 =	vcvt.f32.s32 v46;
	v47 =	vmul.f32 $2.048000000e+03, v47  }
0x69d: {  	s0 =	simm.s32 $0x3690;
	v57 =	vmul.f32 $2.048000000e+03, v52;
	v63 =	vtrunc.f32 v49;
	v50 =	vsel vm0, v50, v36;
	[tilespmem:v48+s16+$0x0] =	vst.idx.add.f32.msk $0xffff, v4  }
0x69e: {  	v48 =	vcvt.f32.s32 v63;
	v63 =	vld [tilespmem:s0+$0xFFFFFDC0];
	vm1 =	vlt.s32 v46, v12;
	v47 =	vadd.f32 v27, v47  }
0x69f: {  	v52 =	vld [tilespmem:s1+$0xFFFFFFD0];
	v56 =	vmul.f32 $2.048000000e+03, v60;
	v46 =	vsel vm1, v46, v12  }
0x6a0: {  	[tilespmem:v44+s16+$0x0] =	vst.idx.add.f32.msk $0xffff, v4;
	v60 =	vadd.f32 v21, v57;
	vm1 =	vlt.s32 v48, v20;
	v58 =	vtrunc.f32 v47  }
0x6a1: {  	v57 =	vld [tilespmem:s0+$0xFFFFFEE0];
	v53 =	vmul.f32 $2.048000000e+03, v53;
	v59 =	vadd.f32 v35, v56;
	v61 =	vcvt.f32.s32 v58  }
0x6a2: {  	v48 =	vsel vm1, v48, v20;
	v62 =	vmul.f32 $2.048000000e+03, v62;
	v49 =	vtrunc.f32 v60;
	[tilespmem:v50+s16+$0x0] =	vst.idx.add.f32.msk $0xffff, v4  }
0x6a3: {  	v58 =	vld [tilespmem:s28+$0xFFFFFF50];
	v45 =	vmul.f32 $2.048000000e+03, v63;
	v47 =	vtrunc.f32 v59;
	vm1 =	vlt.s32 v61, v28  }
0x6a4: {  	v54 =	vld [tilespmem:s19+$0xFFFFFFF0];
	v44 =	vadd.f32 v9, v62;
	v47 =	vcvt.f32.s32 v47;
	v43 =	vsel vm1, v61, v28  }
0x6a5: {  	v49 =	vcvt.f32.s32 v49;
	v59 =	vadd.f32 v27, v53;
	[tilespmem:v46+s16+$0x0] =	vst.idx.add.f32.msk $0xffff, v4;
	v45 =	vadd.f32 v5, v45  }
0x6a6: {  	v63 =	vmul.f32 $2.048000000e+03, v57;
	v44 =	vtrunc.f32 v44;
	v60 =	vld [tilespmem:s29+$0xFFFFFE00];
	vm0 =	vlt.s32 v47, v36  }
0x6a7: {  	[tilespmem:v48+s16+$0x0] =	vst.idx.add.f32.msk $0xffff, v4;
	v46 =	vtrunc.f32 v59;
	v44 =	vcvt.f32.s32 v44;
	v47 =	vsel vm0, v47, v36  }
0x6a8: {  	v61 =	vmul.f32 $2.048000000e+03, v52;
	v62 =	vld [tilespmem:s28+$0xFFFFFE40];
	v46 =	vcvt.f32.s32 v46;
	vm0 =	vlt.s32 v49, v22  }
0x6a9: {  	v45 =	vtrunc.f32 v45;
	v48 =	vsel vm0, v49, v22;
	vm0 =	vlt.s32 v44, v10;
	[tilespmem:v43+s16+$0x0] =	vst.idx.add.f32.msk $0xffff, v4  }
0x6aa: {  	v57 =	vmul.f32 $2.048000000e+03, v58;
	v45 =	vcvt.f32.s32 v45;
	v44 =	vsel vm0, v44, v10;
	v58 =	vld [tilespmem:s26+$0xFFFFFE80]  }
0x6ab: {  	v49 =	vadd.f32 v33, v61;
	vm0 =	vlt.s32 v46, v28;
	v53 =	vmul.f32 $2.048000000e+03, v60  }
0x6ac: {  	v54 =	vmul.f32 $2.048000000e+03, v54;
	v51 =	vadd.f32 v17, v57;
	v46 =	vsel vm0, v46, v28;
	[tilespmem:v47+s16+$0x0] =	vst.idx.add.f32.msk $0xffff, v4  }
0x6ad: {  	vm0 =	vlt.s32 v45, v6;
	v52 =	vmul.f32 $2.048000000e+03, v62;
	v59 =	vadd.f32 v13, v53;
	v47 =	vld [tilespmem:s25+$0xFFFFFEC0]  }
0x6ae: {  	v54 =	vadd.f32 v37, v54;
	v45 =	vsel vm0, v45, v6;
	[tilespmem:v48+s16+$0x0] =	vst.idx.add.f32.msk $0xffff, v4  }
0x6af: {  	v61 =	vadd.f32 v21, v52;
	[tilespmem:v44+s16+$0x0] =	vst.idx.add.f32.msk $0xffff, v4;
	v60 =	vtrunc.f32 v59;
	v62 =	vmul.f32 $2.048000000e+03, v58  }
0x6b0: {  	v43 =	vadd.f32 v2, v63;
	v49 =	vtrunc.f32 v49;
	v63 =	vld [tilespmem:s29+$0xFFFFFF20];
	v44 =	vcvt.f32.s32 v60  }
0x6b1: {  	v49 =	vcvt.f32.s32 v49;
	v56 =	vtrunc.f32 v61;
	[tilespmem:v46+s16+$0x0] =	vst.idx.add.f32.msk $0xffff, v4;
	v57 =	vadd.f32 v29, v62  }
0x6b2: {  	v58 =	vld [tilespmem:s26+$0xFFFFFF80];
	v48 =	vcvt.f32.s32 v56;
	vm0 =	vlt.s32 v44, v14;
	v47 =	vmul.f32 $2.048000000e+03, v47  }
0x6b3: {  	v43 =	vtrunc.f32 v43;
	v61 =	vld [tilespmem:s9+$0x2800];
	v44 =	vsel vm0, v44, v14;
	v59 =	vtrunc.f32 v57  }
0x6b4: {  	[tilespmem:v45+s16+$0x0] =	vst.idx.add.f32.msk $0xffff, v4;
	vm0 =	vlt.s32 v48, v22;
	v47 =	vadd.f32 v37, v47;
	v46 =	vcvt.f32.s32 v59  }
0x6b5: {  	v43 =	vcvt.f32.s32 v43;
	v60 =	vtrunc.f32 v51;
	v56 =	vld [tilespmem:s0+$0xFFFFFDD0];
	v48 =	vsel vm0, v48, v22  }
0x6b6: {  	v53 =	vmul.f32 $2.048000000e+03, v63;
	v47 =	vtrunc.f32 v47;
	vm0 =	vlt.s32 v46, v30  }
0x6b7: {  	v50 =	vcvt.f32.s32 v60;
	v62 =	vcvt.f32.s32 v47;
	v46 =	vsel vm0, v46, v30  }
0x6b8: {  	v52 =	vmul.f32 $2.048000000e+03, v58;
	v63 =	vadd.f32 v11, v53;
	[tilespmem:v44+s16+$0x0] =	vst.idx.add.f32.msk $0xffff, v4;
	vm0 =	vlt.s32 v43, v3  }
0x6b9: {  	v59 =	vmul.f32 $2.048000000e+03, v61;
	v58 =	vld [tilespmem:s29+$0xFFFFFE10];
	vm1 =	vlt.s32 v62, v38;
	v43 =	vsel vm0, v43, v3  }
0x6ba: {  	v61 =	vmul.f32 $2.048000000e+03, v56;
	v57 =	vtrunc.f32 v63;
	[tilespmem:v48+s16+$0x0] =	vst.idx.add.f32.msk $0xffff, v4;
	v45 =	vsel vm1, v62, v38  }
0x6bb: {  	v52 =	vadd.f32 v23, v52;
	vm0 =	vlt.s32 v50, v18;
	v44 =	vcvt.f32.s32 v57;
	v51 =	vld [tilespmem:s28+$0xFFFFFE50]  }
0x6bc: {  	v63 =	vadd.f32 v7, v61;
	v48 =	vsel vm0, v50, v18;
	[tilespmem:v46+s16+$0x0] =	vst.idx.add.f32.msk $0xffff, v4  }
0x6bd: {  	v52 =	vtrunc.f32 v52;
	vm0 =	vlt.s32 v49, v34;
	vm1 =	vlt.s32 v44, v12;
	v53 =	vld [tilespmem:s26+$0xFFFFFE90]  }
0x6be: {  	v60 =	vcvt.f32.s32 v52;
	v44 =	vsel vm1, v44, v12;
	v47 =	vmul.f32 $2.048000000e+03, v58;
	[tilespmem:v43+s16+$0x0] =	vst.idx.add.f32.msk $0xffff, v4  }
0x6bf: {  	v54 =	vtrunc.f32 v54;
	v50 =	vadd.f32 v29, v59;
	v49 =	vsel vm0, v49, v34;
	[tilespmem:v45+s16+$0x0] =	vst.idx.add.f32.msk $0xffff, v4  }
0x6c0: {  	vm0 =	vlt.s32 v60, v24;
	v51 =	vmul.f32 $2.048000000e+03, v51;
	v59 =	vld [tilespmem:s0+$0xFFFFFEF0];
	v47 =	vadd.f32 v15, v47  }
0x6c1: {  	v62 =	vtrunc.f32 v50;
	v46 =	vsel vm0, v60, v24;
	v58 =	vtrunc.f32 v63;
	[tilespmem:v48+s16+$0x0] =	vst.idx.add.f32.msk $0xffff, v4  }
0x6c2: {  	v45 =	vcvt.f32.s32 v58;
	v57 =	vld [tilespmem:s25+$0xFFFFFED0];
	v51 =	vadd.f32 v23, v51;
	v60 =	vtrunc.f32 v47  }
0x6c3: {  	v43 =	vcvt.f32.s32 v62;
	[tilespmem:v44+s16+$0x0] =	vst.idx.add.f32.msk $0xffff, v4;
	v44 =	vcvt.f32.s32 v60  }
0x6c4: {  	v63 =	vld [tilespmem:s28+$0xFFFFFF60];
	vm1 =	vlt.s32 v45, v8;
	v51 =	vtrunc.f32 v51;
	v53 =	vmul.f32 $2.048000000e+03, v53  }
0x6c5: {  	vm0 =	vlt.s32 v43, v30;
	v61 =	vld [tilespmem:s30+$0x2780];
	v45 =	vsel vm1, v45, v8;
	v51 =	vcvt.f32.s32 v51  }
0x6c6: {  	[tilespmem:v49+s16+$0x0] =	vst.idx.add.f32.msk $0xffff, v4;
	vm1 =	vlt.s32 v44, v16;
	v56 =	vmul.f32 $2.048000000e+03, v59;
	v53 =	vadd.f32 v31, v53  }
0x6c7: {  	v43 =	vsel vm0, v43, v30;
	[tilespmem:v46+s16+$0x0] =	vst.idx.add.f32.msk $0xffff, v4;
	v62 =	vmul.f32 $2.048000000e+03, v57;
	v44 =	vsel vm1, v44, v16  }
0x6c8: {  	v58 =	vld [tilespmem:s26+$0xFFFFFF90];
	vm1 =	vlt.s32 v51, v24;
	v46 =	vadd.f32 v5, v56;
	v57 =	vtrunc.f32 v53  }
0x6c9: {  	v60 =	vmul.f32 $2.048000000e+03, v63;
	v59 =	vsel vm1, v51, v24;
	v51 =	vld [tilespmem:s1+$0xFFFFFFE0];
	v50 =	vcvt.f32.s32 v57  }
0x6ca: {  	v48 =	vadd.f32 v39, v62;
	v47 =	vmul.f32 $2.048000000e+03, v61;
	[tilespmem:v45+s16+$0x0] =	vst.idx.add.f32.msk $0xffff, v4;
	v46 =	vtrunc.f32 v46  }
0x6cb: {  	v62 =	vadd.f32 v19, v60;
	v61 =	vld [tilespmem:s0+$0xFFFFFDE0];
	v46 =	vcvt.f32.s32 v46;
	vm1 =	vlt.s32 v50, v32  }
0x6cc: {  	v49 =	vcvt.f32.s32 v54;
	v47 =	vadd.f32 v13, v47;
	[tilespmem:v44+s16+$0x0] =	vst.idx.add.f32.msk $0xffff, v4;
	v50 =	vsel vm1, v50, v32  }
0x6cd: {  	v63 =	vmul.f32 $2.048000000e+03, v58;
	v48 =	vtrunc.f32 v48;
	v57 =	vld [tilespmem:s29+$0xFFFFFE20];
	vm0 =	vlt.s32 v46, v6  }
0x6ce: {  	v48 =	vcvt.f32.s32 v48;
	v47 =	vtrunc.f32 v47;
	[tilespmem:v59+s16+$0x0] =	vst.idx.add.f32.msk $0xffff, v4;
	v46 =	vsel vm0, v46, v6  }
0x6cf: {  	v44 =	vtrunc.f32 v62;
	v47 =	vcvt.f32.s32 v47;
	v58 =	vld [tilespmem:s28+$0xFFFFFE60]  }
0x6d0: {  	[tilespmem:v43+s16+$0x0] =	vst.idx.add.f32.msk $0xffff, v4;
	v45 =	vadd.f32 v25, v63;
	v44 =	vcvt.f32.s32 v44;
	v51 =	vmul.f32 $2.048000000e+03, v51  }
0x6d1: {  	vm0 =	vlt.s32 v48, v40;
	v59 =	vmul.f32 $2.048000000e+03, v61;
	vm1 =	vlt.s32 v47, v14;
	[tilespmem:v50+s16+$0x0] =	vst.idx.add.f32.msk $0xffff, v4  }
0x6d2: {  	v61 =	vadd.f32 v35, v51;
	v47 =	vsel vm1, v47, v14;
	v53 =	vmul.f32 $2.048000000e+03, v57;
	v60 =	vld [tilespmem:s26+$0xFFFFFEA0]  }
0x6d3: {  	v45 =	vtrunc.f32 v45;
	vm1 =	vlt.s32 v44, v20;
	v50 =	vadd.f32 v9, v59;
	[tilespmem:v46+s16+$0x0] =	vst.idx.add.f32.msk $0xffff, v4  }
0x6d4: {  	v44 =	vsel vm1, v44, v20;
	v57 =	vmul.f32 $2.048000000e+03, v58;
	v58 =	vld [tilespmem:s25+$0xFFFFFFC0];
	v63 =	vadd.f32 v17, v53  }
0x6d5: {  	s21 =	simm.s32 $0x10A0;
	v45 =	vcvt.f32.s32 v45;
	vm1 =	vlt.s32 v49, v38;
	v62 =	vtrunc.f32 v50;
	v50 =	vld [tilespmem:s0+$0xFFFFFF00]  }
0x6d6: {  	s20 =	sand.u32 $0x3FE0, s21;
	v46 =	vcvt.f32.s32 v62;
	v59 =	vadd.f32 v25, v57;
	v51 =	vtrunc.f32 v63  }
0x6d7: {  	v43 =	vtrunc.f32 v61;
	v49 =	vsel vm1, v49, v38;
	v62 =	vld [tilespmem:s20+$0x2600];
	v51 =	vcvt.f32.s32 v51  }
0x6d8: {  	[tilespmem:v47+s16+$0x0] =	vst.idx.add.f32.msk $0xffff, v4;
	vm1 =	vlt.s32 v46, v10;
	v47 =	vtrunc.f32 v59;
	v52 =	vmul.f32 $2.048000000e+03, v60  }
0x6d9: {  	[tilespmem:v44+s16+$0x0] =	vst.idx.add.f32.msk $0xffff, v4;
	v46 =	vsel vm1, v46, v10;
	v47 =	vcvt.f32.s32 v47;
	v54 =	vmul.f32 $2.048000000e+03, v58  }
0x6da: {  	v60 =	vld [tilespmem:s29+$0xFFFFFF40];
	v50 =	vmul.f32 $2.048000000e+03, v50;
	vm1 =	vlt.s32 v51, v18;
	v61 =	vadd.f32 v33, v52  }
0x6db: {  	vm2 =	vlt.s32 v45, v26;
	v63 =	vld [tilespmem:s28+$0xFFFFFF70];
	v51 =	vsel vm1, v51, v18;
	vm1 =	vlt.s32 v47, v26  }
0x6dc: {  	[tilespmem:v42+s16+$0x0] =	vst.idx.add.f32.msk $0xffff, v4;
	v58 =	vadd.f32 v31, v54;
	v56 =	vadd.f32 v7, v50;
	v44 =	vtrunc.f32 v61  }
0x6dd: {  	[tilespmem:v49+s16+$0x0] =	vst.idx.add.f32.msk $0xffff, v4;
	v59 =	vmul.f32 $2.048000000e+03, v62;
	v47 =	vsel vm1, v47, v26;
	v44 =	vcvt.f32.s32 v44  }
0x6de: {  	v45 =	vsel vm2, v45, v26;
	v50 =	vtrunc.f32 v58;
	[tilespmem:v46+s16+$0x0] =	vst.idx.add.f32.msk $0xffff, v4;
	v42 =	vtrunc.f32 v56  }
0x6df: {  	v57 =	vmul.f32 $2.048000000e+03, v60;
	v60 =	vld [tilespmem:s0+$0xFFFFFDF0];
	v42 =	vcvt.f32.s32 v42;
	vm1 =	vlt.s32 v44, v34  }
0x6e0: {  	v61 =	vmul.f32 $2.048000000e+03, v63;
	v46 =	vadd.f32 v2, v59;
	[tilespmem:v51+s16+$0x0] =	vst.idx.add.f32.msk $0xffff, v4;
	v44 =	vsel vm1, v44, v34  }
0x6e1: {  	v50 =	vcvt.f32.s32 v50;
	v49 =	vadd.f32 v15, v57;
	vm1 =	vlt.s32 v42, v8;
	v62 =	vld [tilespmem:s30+$0x2680]  }
0x6e2: {  	v46 =	vtrunc.f32 v46;
	v58 =	vadd.f32 v21, v61;
	[tilespmem:v47+s16+$0x0] =	vst.idx.add.f32.msk $0xffff, v4;
	v63 =	vsel vm1, v42, v8  }
0x6e3: {  	v46 =	vcvt.f32.s32 v46;
	v49 =	vtrunc.f32 v49;
	v42 =	vsel vm0, v48, v40;
	v56 =	vld [tilespmem:s28+$0xFFFFFE70]  }
0x6e4: {  	[tilespmem:v45+s16+$0x0] =	vst.idx.add.f32.msk $0xffff, v4;
	vm0 =	vlt.s32 v50, v32;
	v55 =	vcvt.f32.s32 v49;
	v57 =	vmul.f32 $2.048000000e+03, v60  }
0x6e5: {  	v50 =	vsel vm0, v50, v32;
	vm1 =	vlt.s32 v46, v3;
	[tilespmem:v44+s16+$0x0] =	vst.idx.add.f32.msk $0xffff, v4  }
0x6e6: {  	vm0 =	vlt.s32 v55, v16;
	v60 =	vadd.f32 v11, v57;
	v61 =	vmul.f32 $2.048000000e+03, v62;
	v59 =	vld [tilespmem:s14+$0x2700]  }
0x6e7: {  	v46 =	vsel vm1, v46, v3;
	v47 =	vsel vm0, v55, v16;
	[tilespmem:v63+s16+$0x0] =	vst.idx.add.f32.msk $0xffff, v4  }
0x6e8: {  	v48 =	vmul.f32 $2.048000000e+03, v56;
	v63 =	vld [tilespmem:s26+$0xFFFFFFA0];
	v45 =	vtrunc.f32 v60;
	v49 =	vadd.f32 v19, v61  }
0x6e9: {  	v43 =	vcvt.f32.s32 v43;
	v62 =	vld [tilespmem:s0+$0xFFFFFF10];
	v45 =	vcvt.f32.s32 v45  }
0x6ea: {  	[tilespmem:v50+s16+$0x0] =	vst.idx.add.f32.msk $0xffff, v4;
	v48 =	vadd.f32 v27, v48;
	v49 =	vtrunc.f32 v49  }
0x6eb: {  	vm0 =	vlt.s32 v43, v36;
	v51 =	vld [tilespmem:s25+$0xFFFFFFD0];
	vm1 =	vlt.s32 v45, v12;
	v49 =	vcvt.f32.s32 v49  }
0x6ec: {  	[tilespmem:v46+s16+$0x0] =	vst.idx.add.f32.msk $0xffff, v4;
	v57 =	vtrunc.f32 v48;
	v56 =	vmul.f32 $2.048000000e+03, v59;
	v45 =	vsel vm1, v45, v12  }
0x6ed: {  	s11 =	simm.s32 $0x38F0;
	v44 =	vtrunc.f32 v58;
	[tilespmem:v47+s16+$0x0] =	vst.idx.add.f32.msk $0xffff, v4;
	v47 =	vcvt.f32.s32 v57;
	vm1 =	vlt.s32 v49, v20  }
0x6ee: {  	v60 =	vld [tilespmem:s11+$0xFFFFFDC0];
	v59 =	vmul.f32 $2.048000000e+03, v62;
	v58 =	vadd.f32 v35, v56;
	v49 =	vsel vm1, v49, v20  }
0x6ef: {  	v44 =	vcvt.f32.s32 v44;
	v61 =	vmul.f32 $2.048000000e+03, v63;
	v63 =	vld [tilespmem:s29+$0xFFFFFF50];
	vm1 =	vlt.s32 v47, v28  }
0x6f0: {  	v62 =	vld [tilespmem:s11+$0xFFFFFEE0];
	v46 =	vadd.f32 v9, v59;
	v47 =	vsel vm1, v47, v28;
	v48 =	vtrunc.f32 v58  }
0x6f1: {  	v43 =	vsel vm0, v43, v36;
	vm0 =	vlt.s32 v44, v22;
	v48 =	vcvt.f32.s32 v48;
	[tilespmem:v45+s16+$0x0] =	vst.idx.add.f32.msk $0xffff, v4  }
0x6f2: {  	v44 =	vsel vm0, v44, v22;
	v52 =	vadd.f32 v27, v61;
	v55 =	vtrunc.f32 v46;
	v57 =	vld [tilespmem:s0+$0xFFFFFE00]  }
0x6f3: {  	v50 =	vmul.f32 $2.048000000e+03, v60;
	v45 =	vcvt.f32.s32 v55;
	vm1 =	vlt.s32 v48, v36;
	[tilespmem:v49+s16+$0x0] =	vst.idx.add.f32.msk $0xffff, v4  }
0x6f4: {  	v56 =	vmul.f32 $2.048000000e+03, v51;
	v52 =	vtrunc.f32 v52;
	v48 =	vsel vm1, v48, v36;
	v59 =	vld [tilespmem:s29+$0xFFFFFE40]  }
0x6f5: {  	v50 =	vadd.f32 v5, v50;
	v58 =	vmul.f32 $2.048000000e+03, v62;
	vm0 =	vlt.s32 v45, v10;
	[tilespmem:v47+s16+$0x0] =	vst.idx.add.f32.msk $0xffff, v4  }
0x6f6: {  	v52 =	vcvt.f32.s32 v52;
	v60 =	vmul.f32 $2.048000000e+03, v63;
	v45 =	vsel vm0, v45, v10;
	v61 =	vld [tilespmem:s28+$0xFFFFFE80]  }
0x6f7: {  	[tilespmem:v43+s16+$0x0] =	vst.idx.add.f32.msk $0xffff, v4;
	v46 =	vadd.f32 v33, v56;
	v50 =	vtrunc.f32 v50;
	v49 =	vadd.f32 v2, v58  }
0x6f8: {  	[tilespmem:v44+s16+$0x0] =	vst.idx.add.f32.msk $0xffff, v4;
	v47 =	vadd.f32 v17, v60;
	vm0 =	vlt.s32 v52, v28;
	v51 =	vmul.f32 $2.048000000e+03, v57  }
0x6f9: {  	v62 =	vcvt.f32.s32 v50;
	v49 =	vtrunc.f32 v49;
	v56 =	vsel vm0, v52, v28;
	[tilespmem:v48+s16+$0x0] =	vst.idx.add.f32.msk $0xffff, v4  }
0x6fa: {  	v49 =	vcvt.f32.s32 v49;
	v51 =	vadd.f32 v13, v51;
	v57 =	vmul.f32 $2.048000000e+03, v59;
	v63 =	vld [tilespmem:s26+$0xFFFFFEC0]  }
0x6fb: {  	vm0 =	vlt.s32 v62, v6;
	[tilespmem:v45+s16+$0x0] =	vst.idx.add.f32.msk $0xffff, v4;
	v45 =	vtrunc.f32 v47;
	v60 =	vmul.f32 $2.048000000e+03, v61  }
0x6fc: {  	v61 =	vsel vm0, v62, v6;
	v62 =	vld [tilespmem:s28+$0xFFFFFF80];
	vm0 =	vlt.s32 v49, v3;
	v58 =	vtrunc.f32 v51  }
0x6fd: {  	v59 =	vld [tilespmem:s0+$0xFFFFFF20];
	v52 =	vadd.f32 v21, v57;
	v47 =	vcvt.f32.s32 v58;
	v53 =	vadd.f32 v29, v60  }
0x6fe: {  	v46 =	vtrunc.f32 v46;
	[tilespmem:v56+s16+$0x0] =	vst.idx.add.f32.msk $0xffff, v4;
	v49 =	vsel vm0, v49, v3  }
0x6ff: {  	v57 =	vld [tilespmem:s14+$0x2800];
	v52 =	vtrunc.f32 v52;
	vm1 =	vlt.s32 v47, v14;
	v53 =	vtrunc.f32 v53  }
0x700: {  	v58 =	vld [tilespmem:s1+$0xFFFFFFF0];
	v50 =	vmul.f32 $2.048000000e+03, v63;
	v63 =	vcvt.f32.s32 v52;
	v47 =	vsel vm1, v47, v14  }
0x701: {  	v44 =	vcvt.f32.s32 v46;
	v53 =	vcvt.f32.s32 v53;
	[tilespmem:v61+s16+$0x0] =	vst.idx.add.f32.msk $0xffff, v4  }
0x702: {  	v51 =	vmul.f32 $2.048000000e+03, v59;
	v59 =	vld [tilespmem:s19+$0x0];
	v50 =	vadd.f32 v37, v50;
	vm1 =	vlt.s32 v63, v22  }
0x703: {  	v45 =	vcvt.f32.s32 v45;
	v48 =	vmul.f32 $2.048000000e+03, v62;
	v61 =	vld [tilespmem:s11+$0xFFFFFDD0];
	v43 =	vsel vm1, v63, v22  }
0x704: {  	[tilespmem:v49+s16+$0x0] =	vst.idx.add.f32.msk $0xffff, v4;
	v60 =	vadd.f32 v11, v51;
	vm1 =	vlt.s32 v53, v30;
	v50 =	vtrunc.f32 v50  }
0x705: {  	vm0 =	vlt.s32 v45, v18;
	v53 =	vsel vm1, v53, v30;
	v50 =	vcvt.f32.s32 v50;
	[tilespmem:v47+s16+$0x0] =	vst.idx.add.f32.msk $0xffff, v4  }
0x706: {  	v45 =	vsel vm0, v45, v18;
	v48 =	vadd.f32 v23, v48;
	v46 =	vtrunc.f32 v60;
	v60 =	vld [tilespmem:s11+$0xFFFFFEF0]  }
0x707: {  	vm0 =	vlt.s32 v44, v34;
	v62 =	vmul.f32 $2.048000000e+03, v57;
	v47 =	vld [tilespmem:s0+$0xFFFFFE10];
	vm1 =	vlt.s32 v50, v38  }
0x708: {  	v48 =	vtrunc.f32 v48;
	v46 =	vcvt.f32.s32 v46;
	v50 =	vsel vm1, v50, v38;
	[tilespmem:v43+s16+$0x0] =	vst.idx.add.f32.msk $0xffff, v4  }
0x709: {  	v44 =	vsel vm0, v44, v34;
	v63 =	vmul.f32 $2.048000000e+03, v58;
	v48 =	vcvt.f32.s32 v48;
	v57 =	vld [tilespmem:s29+$0xFFFFFE50]  }
0x70a: {  	v51 =	vmul.f32 $2.048000000e+03, v61;
	vm1 =	vlt.s32 v46, v12;
	v43 =	vadd.f32 v29, v62;
	[tilespmem:v53+s16+$0x0] =	vst.idx.add.f32.msk $0xffff, v4  }
0x70b: {  	v52 =	vadd.f32 v37, v63;
	v55 =	vmul.f32 $2.048000000e+03, v59;
	v46 =	vsel vm1, v46, v12;
	v53 =	vld [tilespmem:s28+$0xFFFFFE90]  }
0x70c: {  	[tilespmem:v42+s16+$0x0] =	vst.idx.add.f32.msk $0xffff, v4;
	v58 =	vadd.f32 v7, v51;
	v43 =	vtrunc.f32 v43;
	v47 =	vmul.f32 $2.048000000e+03, v47  }
0x70d: {  	vm0 =	vlt.s32 v48, v24;
	v52 =	vtrunc.f32 v52;
	v49 =	vcvt.f32.s32 v43;
	[tilespmem:v50+s16+$0x0] =	vst.idx.add.f32.msk $0xffff, v4  }
0x70e: {  	v48 =	vsel vm0, v48, v24;
	v50 =	vtrunc.f32 v58;
	v47 =	vadd.f32 v15, v47;
	v59 =	vld [tilespmem:s26+$0xFFFFFED0]  }
0x70f: {  	[tilespmem:v45+s16+$0x0] =	vst.idx.add.f32.msk $0xffff, v4;
	vm0 =	vlt.s32 v49, v30;
	v58 =	vmul.f32 $2.048000000e+03, v60;
	v54 =	vmul.f32 $2.048000000e+03, v57  }
0x710: {  	v50 =	vcvt.f32.s32 v50;
	[tilespmem:v46+s16+$0x0] =	vst.idx.add.f32.msk $0xffff, v4;
	v49 =	vsel vm0, v49, v30;
	v53 =	vmul.f32 $2.048000000e+03, v53  }
0x711: {  	v47 =	vtrunc.f32 v47;
	v61 =	vld [tilespmem:s31+$0x2780];
	v60 =	vadd.f32 v5, v58;
	v54 =	vadd.f32 v23, v54  }
0x712: {  	v57 =	vld [tilespmem:s29+$0xFFFFFF60];
	vm1 =	vlt.s32 v50, v8;
	v47 =	vcvt.f32.s32 v47;
	v53 =	vadd.f32 v31, v53  }
0x713: {  	[tilespmem:v44+s16+$0x0] =	vst.idx.add.f32.msk $0xffff, v4;
	v50 =	vsel vm1, v50, v8;
	v63 =	vtrunc.f32 v54;
	v62 =	vmul.f32 $2.048000000e+03, v59  }
0x714: {  	[tilespmem:v48+s16+$0x0] =	vst.idx.add.f32.msk $0xffff, v4;
	vm1 =	vlt.s32 v47, v16;
	v51 =	vcvt.f32.s32 v63;
	v53 =	vtrunc.f32 v53  }
0x715: {  	v44 =	vtrunc.f32 v60;
	v47 =	vsel vm1, v47, v16;
	v59 =	vld [tilespmem:s28+$0xFFFFFF90];
	v53 =	vcvt.f32.s32 v53  }
0x716: {  	[tilespmem:v49+s16+$0x0] =	vst.idx.add.f32.msk $0xffff, v4;
	v61 =	vmul.f32 $2.048000000e+03, v61;
	v45 =	vadd.f32 v39, v62;
	vm1 =	vlt.s32 v51, v24  }
0x717: {  	v44 =	vcvt.f32.s32 v44;
	v62 =	vmul.f32 $2.048000000e+03, v57;
	v48 =	vsel vm1, v51, v24;
	v51 =	vld [tilespmem:s25+$0xFFFFFFE0]  }
0x718: {  	vm1 =	vlt.s32 v53, v32;
	[tilespmem:v50+s16+$0x0] =	vst.idx.add.f32.msk $0xffff, v4;
	v42 =	vadd.f32 v13, v61;
	v45 =	vtrunc.f32 v45  }
0x719: {  	vm0 =	vlt.s32 v44, v6;
	v63 =	vsel vm1, v53, v32;
	v57 =	vld [tilespmem:s11+$0xFFFFFDE0];
	v45 =	vcvt.f32.s32 v45  }
0x71a: {  	v58 =	vadd.f32 v19, v62;
	[tilespmem:v47+s16+$0x0] =	vst.idx.add.f32.msk $0xffff, v4;
	v59 =	vmul.f32 $2.048000000e+03, v59;
	v42 =	vtrunc.f32 v42  }
0x71b: {  	v46 =	vcvt.f32.s32 v52;
	v44 =	vsel vm0, v44, v6;
	v60 =	vld [tilespmem:s0+$0xFFFFFE20];
	v42 =	vcvt.f32.s32 v42  }
0x71c: {  	v47 =	vtrunc.f32 v58;
	vm1 =	vlt.s32 v45, v40;
	v52 =	vadd.f32 v25, v59;
	v59 =	vld [tilespmem:s26+$0xFFFFFFC0]  }
0x71d: {  	v47 =	vcvt.f32.s32 v47;
	v45 =	vsel vm1, v45, v40;
	v51 =	vmul.f32 $2.048000000e+03, v51;
	[tilespmem:v48+s16+$0x0] =	vst.idx.add.f32.msk $0xffff, v4  }
0x71e: {  	vm0 =	vlt.s32 v42, v14;
	vm1 =	vlt.s32 v46, v38;
	v48 =	vld [tilespmem:s29+$0xFFFFFE60];
	v61 =	vmul.f32 $2.048000000e+03, v57  }
0x71f: {  	[tilespmem:v63+s16+$0x0] =	vst.idx.add.f32.msk $0xffff, v4;
	v42 =	vsel vm0, v42, v14;
	vm0 =	vlt.s32 v47, v20;
	v52 =	vtrunc.f32 v52  }
0x720: {  	v51 =	vadd.f32 v35, v51;
	v62 =	vld [tilespmem:s28+$0xFFFFFEA0];
	v63 =	vcvt.f32.s32 v52;
	v50 =	vadd.f32 v9, v61  }
0x721: {  	[tilespmem:v44+s16+$0x0] =	vst.idx.add.f32.msk $0xffff, v4;
	v46 =	vsel vm1, v46, v38;
	v47 =	vsel vm0, v47, v20;
	v54 =	vmul.f32 $2.048000000e+03, v60  }
0x722: {  	s22 =	simm.s32 $0x1300;
	v57 =	vtrunc.f32 v51;
	v51 =	vld [tilespmem:s11+$0xFFFFFF00];
	vm0 =	vlt.s32 v63, v26;
	v50 =	vtrunc.f32 v50  }
0x723: {  	s8 =	sand.u32 $0x3FE0, s22;
	v58 =	vadd.f32 v17, v54;
	v49 =	vcvt.f32.s32 v57;
	v50 =	vcvt.f32.s32 v50  }
0x724: {  	v44 =	vsel vm0, v63, v26;
	v57 =	vld [tilespmem:s8+$0x2600];
	v54 =	vmul.f32 $2.048000000e+03, v59;
	v48 =	vmul.f32 $2.048000000e+03, v48  }
0x725: {  	[tilespmem:v45+s16+$0x0] =	vst.idx.add.f32.msk $0xffff, v4;
	v52 =	vtrunc.f32 v58;
	v61 =	vmul.f32 $2.048000000e+03, v62;
	vm1 =	vlt.s32 v50, v10  }
0x726: {  	[tilespmem:v42+s16+$0x0] =	vst.idx.add.f32.msk $0xffff, v4;
	v60 =	vadd.f32 v25, v48;
	v52 =	vcvt.f32.s32 v52;
	v50 =	vsel vm1, v50, v10  }
0x727: {  	v62 =	vld [tilespmem:s0+$0xFFFFFF40];
	v63 =	vadd.f32 v33, v61;
	v51 =	vmul.f32 $2.048000000e+03, v51;
	v61 =	vadd.f32 v31, v54  }
0x728: {  	[tilespmem:v46+s16+$0x0] =	vst.idx.add.f32.msk $0xffff, v4;
	vm1 =	vlt.s32 v49, v36;
	v42 =	vtrunc.f32 v60;
	vm0 =	vlt.s32 v52, v18  }
0x729: {  	[tilespmem:v47+s16+$0x0] =	vst.idx.add.f32.msk $0xffff, v4;
	v48 =	vmul.f32 $2.048000000e+03, v57;
	v42 =	vcvt.f32.s32 v42;
	v52 =	vsel vm0, v52, v18  }
0x72a: {  	v58 =	vld [tilespmem:s29+$0xFFFFFF70];
	v49 =	vsel vm1, v49, v36;
	v47 =	vtrunc.f32 v63;
	v59 =	vadd.f32 v7, v51  }
0x72b: {  	[tilespmem:v44+s16+$0x0] =	vst.idx.add.f32.msk $0xffff, v4;
	v51 =	vtrunc.f32 v61;
	v47 =	vcvt.f32.s32 v47;
	vm0 =	vlt.s32 v42, v26  }
0x72c: {  	v60 =	vmul.f32 $2.048000000e+03, v62;
	v45 =	vtrunc.f32 v59;
	v42 =	vsel vm0, v42, v26;
	[tilespmem:v50+s16+$0x0] =	vst.idx.add.f32.msk $0xffff, v4  }
0x72d: {  	v48 =	vadd.f32 v2, v48;
	vm0 =	vlt.s32 v47, v34;
	v45 =	vcvt.f32.s32 v45;
	v50 =	vld [tilespmem:s11+$0xFFFFFDF0]  }
0x72e: {  	v51 =	vcvt.f32.s32 v51;
	v46 =	vadd.f32 v15, v60;
	v47 =	vsel vm0, v47, v34;
	[tilespmem:v52+s16+$0x0] =	vst.idx.add.f32.msk $0xffff, v4  }
0x72f: {  	v62 =	vmul.f32 $2.048000000e+03, v58;
	v48 =	vtrunc.f32 v48;
	vm0 =	vlt.s32 v45, v8;
	v63 =	vld [tilespmem:s31+$0x2680]  }
0x730: {  	v48 =	vcvt.f32.s32 v48;
	[tilespmem:v49+s16+$0x0] =	vst.idx.add.f32.msk $0xffff, v4;
	v46 =	vtrunc.f32 v46;
	v45 =	vsel vm0, v45, v8  }
0x731: {  	v56 =	vadd.f32 v21, v62;
	v46 =	vcvt.f32.s32 v46;
	[tilespmem:v42+s16+$0x0] =	vst.idx.add.f32.msk $0xffff, v4  }
0x732: {  	vm0 =	vlt.s32 v51, v32;
	vm1 =	vlt.s32 v48, v3;
	v57 =	vld [tilespmem:s29+$0xFFFFFE70];
	v50 =	vmul.f32 $2.048000000e+03, v50  }
0x733: {  	v58 =	vsel vm0, v51, v32;
	v48 =	vsel vm1, v48, v3;
	[tilespmem:v47+s16+$0x0] =	vst.idx.add.f32.msk $0xffff, v4  }
0x734: {  	vm0 =	vlt.s32 v46, v16;
	v59 =	vld [tilespmem:s7+$0x2700];
	v60 =	vadd.f32 v11, v50;
	v61 =	vmul.f32 $2.048000000e+03, v63  }
0x735: {  	v43 =	vadd.f32 v39, v55;
	v42 =	vtrunc.f32 v56;
	v62 =	vsel vm0, v46, v16;
	[tilespmem:v45+s16+$0x0] =	vst.idx.add.f32.msk $0xffff, v4  }
0x736: {  	v42 =	vcvt.f32.s32 v42;
	v63 =	vld [tilespmem:s11+$0xFFFFFF10];
	v44 =	vtrunc.f32 v60;
	v50 =	vadd.f32 v19, v61  }
0x737: {  	v56 =	vld [tilespmem:s28+$0xFFFFFFA0];
	v52 =	vmul.f32 $2.048000000e+03, v57;
	v44 =	vcvt.f32.s32 v44  }
0x738: {  	v43 =	vtrunc.f32 v43;
	vm0 =	vlt.s32 v42, v22;
	[tilespmem:v58+s16+$0x0] =	vst.idx.add.f32.msk $0xffff, v4;
	v57 =	vtrunc.f32 v50  }
0x739: {  	s9 =	simm.s32 $0x3B50;
	[tilespmem:v48+s16+$0x0] =	vst.idx.add.f32.msk $0xffff, v4;
	v51 =	vmul.f32 $2.048000000e+03, v59;
	v58 =	vadd.f32 v27, v52;
	vm1 =	vlt.s32 v44, v12  }
0x73a: {  	v42 =	vsel vm0, v42, v22;
	v48 =	vld [tilespmem:s9+$0xFFFFFDC0];
	v47 =	vcvt.f32.s32 v57;
	v44 =	vsel vm1, v44, v12  }
0x73b: {  	[tilespmem:v62+s16+$0x0] =	vst.idx.add.f32.msk $0xffff, v4;
	v61 =	vadd.f32 v35, v51;
	v46 =	vmul.f32 $2.048000000e+03, v63;
	v60 =	vtrunc.f32 v58  }
0x73c: {  	v62 =	vmul.f32 $2.048000000e+03, v56;
	v59 =	vld [tilespmem:s26+$0xFFFFFFD0];
	vm0 =	vlt.s32 v47, v20;
	v45 =	vcvt.f32.s32 v60  }
0x73d: {  	v57 =	vld [tilespmem:s0+$0xFFFFFF50];
	v47 =	vsel vm0, v47, v20;
	v50 =	vtrunc.f32 v61;
	v46 =	vadd.f32 v9, v46  }
0x73e: {  	v43 =	vcvt.f32.s32 v43;
	v63 =	vld [tilespmem:s9+$0xFFFFFEE0];
	v50 =	vcvt.f32.s32 v50;
	vm0 =	vlt.s32 v45, v28  }
0x73f: {  	v51 =	vadd.f32 v27, v62;
	[tilespmem:v42+s16+$0x0] =	vst.idx.add.f32.msk $0xffff, v4;
	v58 =	vtrunc.f32 v46;
	v45 =	vsel vm0, v45, v28  }
0x740: {  	v48 =	vmul.f32 $2.048000000e+03, v48;
	[tilespmem:v44+s16+$0x0] =	vst.idx.add.f32.msk $0xffff, v4;
	vm0 =	vlt.s32 v50, v36;
	v44 =	vcvt.f32.s32 v58  }
0x741: {  	v51 =	vtrunc.f32 v51;
	v52 =	vmul.f32 $2.048000000e+03, v59;
	v59 =	vld [tilespmem:s11+$0xFFFFFE00];
	v50 =	vsel vm0, v50, v36  }
0x742: {  	v48 =	vadd.f32 v5, v48;
	v54 =	vmul.f32 $2.048000000e+03, v57;
	[tilespmem:v47+s16+$0x0] =	vst.idx.add.f32.msk $0xffff, v4;
	vm1 =	vlt.s32 v44, v10  }
0x743: {  	v60 =	vcvt.f32.s32 v51;
	v62 =	vmul.f32 $2.048000000e+03, v63;
	v63 =	vld [tilespmem:s0+$0xFFFFFE40];
	v44 =	vsel vm1, v44, v10  }
0x744: {  	v61 =	vadd.f32 v33, v52;
	v48 =	vtrunc.f32 v48;
	v54 =	vadd.f32 v17, v54;
	[tilespmem:v45+s16+$0x0] =	vst.idx.add.f32.msk $0xffff, v4  }
0x745: {  	v48 =	vcvt.f32.s32 v48;
	v57 =	vadd.f32 v2, v62;
	vm1 =	vlt.s32 v60, v28;
	v58 =	vld [tilespmem:s29+$0xFFFFFE80]  }
0x746: {  	v51 =	vtrunc.f32 v61;
	v47 =	vsel vm1, v60, v28;
	v46 =	vmul.f32 $2.048000000e+03, v59;
	[tilespmem:v50+s16+$0x0] =	vst.idx.add.f32.msk $0xffff, v4  }
0x747: {  	v51 =	vcvt.f32.s32 v51;
	v45 =	vtrunc.f32 v57;
	v50 =	vld [tilespmem:s28+$0xFFFFFEC0]  }
0x748: {  	v60 =	vtrunc.f32 v54;
	v45 =	vcvt.f32.s32 v45;
	v46 =	vadd.f32 v13, v46;
	[tilespmem:v44+s16+$0x0] =	vst.idx.add.f32.msk $0xffff, v4  }
0x749: {  	vm1 =	vlt.s32 v48, v6;
	v59 =	vmul.f32 $2.048000000e+03, v63;
	v63 =	vld [tilespmem:s29+$0xFFFFFF80];
	v44 =	vcvt.f32.s32 v60  }
0x74a: {  	v62 =	vsel vm1, v48, v6;
	vm1 =	vlt.s32 v45, v3;
	v61 =	vld [tilespmem:s11+$0xFFFFFF20];
	v46 =	vtrunc.f32 v46  }
0x74b: {  	[tilespmem:v47+s16+$0x0] =	vst.idx.add.f32.msk $0xffff, v4;
	v49 =	vadd.f32 v21, v59;
	vm2 =	vlt.s32 v44, v18;
	v52 =	vmul.f32 $2.048000000e+03, v58  }
0x74c: {  	v45 =	vsel vm1, v45, v3;
	v59 =	vld [tilespmem:s25+$0xFFFFFFF0];
	v46 =	vcvt.f32.s32 v46;
	v44 =	vsel vm2, v44, v18  }
0x74d: {  	v58 =	vld [tilespmem:s7+$0x2800];
	v49 =	vtrunc.f32 v49;
	v50 =	vmul.f32 $2.048000000e+03, v50;
	v52 =	vadd.f32 v29, v52  }
0x74e: {  	v55 =	vld [tilespmem:s1+$0x0];
	vm1 =	vlt.s32 v46, v14;
	v57 =	vcvt.f32.s32 v49;
	v48 =	vmul.f32 $2.048000000e+03, v63  }
0x74f: {  	[tilespmem:v62+s16+$0x0] =	vst.idx.add.f32.msk $0xffff, v4;
	v46 =	vsel vm1, v46, v14;
	v50 =	vadd.f32 v37, v50;
	v53 =	vmul.f32 $2.048000000e+03, v61  }
0x750: {  	v61 =	vld [tilespmem:s9+$0xFFFFFDD0];
	v52 =	vtrunc.f32 v52;
	vm1 =	vlt.s32 v57, v22;
	v48 =	vadd.f32 v23, v48  }
0x751: {  	[tilespmem:v45+s16+$0x0] =	vst.idx.add.f32.msk $0xffff, v4;
	v63 =	vmul.f32 $2.048000000e+03, v59;
	v52 =	vcvt.f32.s32 v52;
	v47 =	vsel vm1, v57, v22  }
0x752: {  	v50 =	vtrunc.f32 v50;
	v60 =	vadd.f32 v11, v53;
	v62 =	vmul.f32 $2.048000000e+03, v58;
	v57 =	vld [tilespmem:s9+$0xFFFFFEF0]  }
0x753: {  	[tilespmem:v44+s16+$0x0] =	vst.idx.add.f32.msk $0xffff, v4;
	v50 =	vcvt.f32.s32 v50;
	v48 =	vtrunc.f32 v48;
	vm1 =	vlt.s32 v52, v30  }
0x754: {  	v42 =	vtrunc.f32 v60;
	v59 =	vadd.f32 v29, v62;
	v52 =	vsel vm1, v52, v30;
	[tilespmem:v46+s16+$0x0] =	vst.idx.add.f32.msk $0xffff, v4  }
0x755: {  	v49 =	vadd.f32 v37, v63;
	vm1 =	vlt.s32 v50, v38;
	v42 =	vcvt.f32.s32 v42;
	v46 =	vld [tilespmem:s11+$0xFFFFFE10]  }
0x756: {  	v60 =	vmul.f32 $2.048000000e+03, v61;
	v50 =	vsel vm1, v50, v38;
	v62 =	vtrunc.f32 v59;
	[tilespmem:v47+s16+$0x0] =	vst.idx.add.f32.msk $0xffff, v4  }
0x757: {  	v48 =	vcvt.f32.s32 v48;
	vm1 =	vlt.s32 v51, v34;
	v45 =	vcvt.f32.s32 v62;
	v62 =	vld [tilespmem:s0+$0xFFFFFF60]  }
0x758: {  	vm2 =	vlt.s32 v42, v12;
	v51 =	vsel vm1, v51, v34;
	v47 =	vadd.f32 v7, v60;
	v54 =	vld [tilespmem:s0+$0xFFFFFE50]  }
0x759: {  	v61 =	vmul.f32 $2.048000000e+03, v55;
	v49 =	vtrunc.f32 v49;
	v56 =	vsel vm2, v42, v12;
	[tilespmem:v52+s16+$0x0] =	vst.idx.add.f32.msk $0xffff, v4  }
0x75a: {  	vm0 =	vlt.s32 v43, v40;
	v49 =	vcvt.f32.s32 v49;
	v47 =	vtrunc.f32 v47;
	v52 =	vld [tilespmem:s29+$0xFFFFFE90]  }
0x75b: {  	vm1 =	vlt.s32 v48, v24;
	v47 =	vcvt.f32.s32 v47;
	[tilespmem:v50+s16+$0x0] =	vst.idx.add.f32.msk $0xffff, v4;
	v46 =	vmul.f32 $2.048000000e+03, v46  }
0x75c: {  	v42 =	vsel vm0, v43, v40;
	v48 =	vsel vm1, v48, v24;
	v43 =	vadd.f32 v39, v61;
	v63 =	vld [tilespmem:s28+$0xFFFFFED0]  }
0x75d: {  	vm1 =	vlt.s32 v47, v8;
	[tilespmem:v51+s16+$0x0] =	vst.idx.add.f32.msk $0xffff, v4;
	v46 =	vadd.f32 v15, v46;
	v58 =	vmul.f32 $2.048000000e+03, v54  }
0x75e: {  	vm0 =	vlt.s32 v45, v30;
	v62 =	vmul.f32 $2.048000000e+03, v62;
	[tilespmem:v56+s16+$0x0] =	vst.idx.add.f32.msk $0xffff, v4;
	v47 =	vsel vm1, v47, v8  }
0x75f: {  	v60 =	vld [tilespmem:s26+$0xFFFFFFE0];
	v46 =	vtrunc.f32 v46;
	v53 =	vadd.f32 v23, v58;
	v52 =	vmul.f32 $2.048000000e+03, v52  }
0x760: {  	v45 =	vsel vm0, v45, v30;
	v59 =	vld [tilespmem:s20+$0x2780];
	v54 =	vadd.f32 v19, v62;
	v46 =	vcvt.f32.s32 v46  }
0x761: {  	[tilespmem:v48+s16+$0x0] =	vst.idx.add.f32.msk $0xffff, v4;
	v61 =	vmul.f32 $2.048000000e+03, v63;
	v53 =	vtrunc.f32 v53;
	v52 =	vadd.f32 v31, v52  }
0x762: {  	v63 =	vmul.f32 $2.048000000e+03, v57;
	v57 =	vld [tilespmem:s29+$0xFFFFFF90];
	vm1 =	vlt.s32 v46, v16;
	v53 =	vcvt.f32.s32 v53  }
0x763: {  	[tilespmem:v47+s16+$0x0] =	vst.idx.add.f32.msk $0xffff, v4;
	v44 =	vadd.f32 v39, v61;
	v46 =	vsel vm1, v46, v16;
	v56 =	vtrunc.f32 v52  }
0x764: {  	v48 =	vadd.f32 v5, v63;
	v63 =	vld [tilespmem:s9+$0xFFFFFDE0];
	vm1 =	vlt.s32 v53, v24;
	v50 =	vcvt.f32.s32 v56  }
0x765: {  	v60 =	vmul.f32 $2.048000000e+03, v60;
	v61 =	vmul.f32 $2.048000000e+03, v59;
	v58 =	vsel vm1, v53, v24  }
0x766: {  	v44 =	vtrunc.f32 v44;
	v48 =	vtrunc.f32 v48;
	vm1 =	vlt.s32 v50, v32  }
0x767: {  	[tilespmem:v45+s16+$0x0] =	vst.idx.add.f32.msk $0xffff, v4;
	v59 =	vadd.f32 v13, v61;
	v48 =	vcvt.f32.s32 v48;
	v50 =	vsel vm1, v50, v32  }
0x768: {  	v51 =	vadd.f32 v35, v60;
	v44 =	vcvt.f32.s32 v44;
	v52 =	vmul.f32 $2.048000000e+03, v57;
	[tilespmem:v46+s16+$0x0] =	vst.idx.add.f32.msk $0xffff, v4  }
0x769: {  	vm0 =	vlt.s32 v48, v6;
	v46 =	vtrunc.f32 v59;
	v63 =	vmul.f32 $2.048000000e+03, v63;
	v47 =	vld [tilespmem:s11+$0xFFFFFE20]  }
0x76a: {  	v61 =	vtrunc.f32 v54;
	v48 =	vsel vm0, v48, v6;
	v46 =	vcvt.f32.s32 v46;
	[tilespmem:v58+s16+$0x0] =	vst.idx.add.f32.msk $0xffff, v4  }
0x76b: {  	vm1 =	vlt.s32 v44, v40;
	v62 =	vadd.f32 v25, v52;
	v59 =	vadd.f32 v9, v63;
	v56 =	vld [tilespmem:s0+$0xFFFFFE60]  }
0x76c: {  	v53 =	vcvt.f32.s32 v61;
	v44 =	vsel vm1, v44, v40;
	vm0 =	vlt.s32 v46, v14;
	[tilespmem:v50+s16+$0x0] =	vst.idx.add.f32.msk $0xffff, v4  }
0x76d: {  	v58 =	vtrunc.f32 v62;
	v55 =	vsel vm0, v46, v14;
	v46 =	vtrunc.f32 v59;
	v57 =	vld [tilespmem:s29+$0xFFFFFEA0]  }
0x76e: {  	vm0 =	vlt.s32 v53, v20;
	v54 =	vcvt.f32.s32 v46;
	v46 =	vld [tilespmem:s28+$0xFFFFFFC0];
	v47 =	vmul.f32 $2.048000000e+03, v47  }
0x76f: {  	v61 =	vtrunc.f32 v51;
	v60 =	vcvt.f32.s32 v58;
	v50 =	vsel vm0, v53, v20;
	[tilespmem:v48+s16+$0x0] =	vst.idx.add.f32.msk $0xffff, v4  }
0x770: {  	vm1 =	vlt.s32 v49, v38;
	v53 =	vld [tilespmem:s9+$0xFFFFFF00];
	v47 =	vadd.f32 v17, v47;
	v62 =	vmul.f32 $2.048000000e+03, v56  }
0x771: {  	v45 =	vsel vm1, v49, v38;
	vm1 =	vlt.s32 v60, v26;
	[tilespmem:v44+s16+$0x0] =	vst.idx.add.f32.msk $0xffff, v4;
	v44 =	vcvt.f32.s32 v61  }
0x772: {  	s12 =	simm.s32 $0x1560;
	[tilespmem:v55+s16+$0x0] =	vst.idx.add.f32.msk $0xffff, v4;
	v63 =	vtrunc.f32 v47;
	v49 =	vadd.f32 v25, v62;
	v47 =	vmul.f32 $2.048000000e+03, v57  }
0x773: {  	s10 =	simm.s32 $0x10;
	s1 =	simm.s32 $0x8;
	s7 =	simm.s32 $0x3B50;
	v48 =	vsel vm1, v60, v26;
	vm0 =	vlt.s32 v54, v10;
	v52 =	vld [tilespmem:s11+$0xFFFFFF40];
	v51 =	vcvt.f32.s32 v63  }
.LBB2_9:
0x774: {  	s13 =	sand.u32 $0x3FE0, s12;
	v54 =	vsel vm0, v54, v10;
	v49 =	vtrunc.f32 v49;
	[tilespmem:v50+s16+$0x0] =	vst.idx.add.f32.msk $0xffff, v4;
	v47 =	vadd.f32 v33, v47  }
0x775: {  	v50 =	vld [tilespmem:s13+$0x2600];
	v53 =	vmul.f32 $2.048000000e+03, v53;
	vm0 =	vlt.s32 v51, v18;
	v49 =	vcvt.f32.s32 v49  }
0x776: {  	v51 =	vsel vm0, v51, v18;
	v55 =	vld [tilespmem:s0+$0xFFFFFF70];
	v47 =	vtrunc.f32 v47;
	v46 =	vmul.f32 $2.048000000e+03, v46  }
0x777: {  	v53 =	vadd.f32 v7, v53;
	vm0 =	vlt.s32 v49, v26;
	v47 =	vcvt.f32.s32 v47;
	[tilespmem:v45+s16+$0x0] =	vst.idx.add.f32.msk $0xffff, v4  }
0x778: {  	v45 =	vmul.f32 $2.048000000e+03, v52;
	v49 =	vsel vm0, v49, v26;
	[tilespmem:v48+s16+$0x0] =	vst.idx.add.f32.msk $0xffff, v4;
	v46 =	vadd.f32 v31, v46  }
0x779: {  	vm0 =	vlt.s32 v44, v36;
	[tilespmem:v54+s16+$0x0] =	vst.idx.add.f32.msk $0xffff, v4;
	v48 =	vtrunc.f32 v53;
	vm1 =	vlt.s32 v47, v34  }
0x77a: {  	v50 =	vmul.f32 $2.048000000e+03, v50;
	v52 =	vld [tilespmem:s9+$0xFFFFFDF0];
	v48 =	vcvt.f32.s32 v48;
	v47 =	vsel vm1, v47, v34  }
0x77b: {  	v45 =	vadd.f32 v15, v45;
	v46 =	vtrunc.f32 v46;
	[tilespmem:v51+s16+$0x0] =	vst.idx.add.f32.msk $0xffff, v4;
	v51 =	vmul.f32 $2.048000000e+03, v55  }
0x77c: {  	v46 =	vcvt.f32.s32 v46;
	v50 =	vadd.f32 v2, v50;
	vm1 =	vlt.s32 v48, v8;
	v53 =	vld [tilespmem:s20+$0x2680]  }
0x77d: {  	v45 =	vtrunc.f32 v45;
	v48 =	vsel vm1, v48, v8;
	[tilespmem:v49+s16+$0x0] =	vst.idx.add.f32.msk $0xffff, v4;
	v49 =	vadd.f32 v21, v51  }
0x77e: {  	v45 =	vcvt.f32.s32 v45;
	vm1 =	vlt.s32 v46, v32;
	v50 =	vtrunc.f32 v50;
	v51 =	vld [tilespmem:s0+$0xFFFFFE70]  }
0x77f: {  	s10 =	sadd.s32 $0x2, s10;
	v46 =	vsel vm1, v46, v32;
	v50 =	vcvt.f32.s32 v50;
	v52 =	vmul.f32 $2.048000000e+03, v52;
	[tilespmem:v47+s16+$0x0] =	vst.idx.add.f32.msk $0xffff, v4  }
0x780: {  	p0 =	slt.u32 s10, $0x1E;
	v44 =	vsel vm0, v44, v36;
	vm1 =	vlt.s32 v45, v16;
	v47 =	vtrunc.f32 v49;
	v49 =	vld [tilespmem:s30+$0x2700]  }
0x781: {  	vm0 =	vlt.s32 v50, v3;
	v52 =	vadd.f32 v11, v52;
	v53 =	vmul.f32 $2.048000000e+03, v53;
	v54 =	vld [tilespmem:s29+$0xFFFFFFA0]  }
0x782: {  	v45 =	vsel vm1, v45, v16;
	v47 =	vcvt.f32.s32 v47;
	v50 =	vsel vm0, v50, v3;
	[tilespmem:v48+s16+$0x0] =	vst.idx.add.f32.msk $0xffff, v4  }
0x783: {  	v48 =	vtrunc.f32 v52;
	v52 =	vld [tilespmem:s9+$0xFFFFFF10];
	v53 =	vadd.f32 v19, v53;
	v51 =	vmul.f32 $2.048000000e+03, v51  }
0x784: {  	v43 =	vtrunc.f32 v43;
	vm0 =	vlt.s32 v47, v22;
	v48 =	vcvt.f32.s32 v48;
	[tilespmem:v46+s16+$0x0] =	vst.idx.add.f32.msk $0xffff, v4  }
0x785: {  	v46 =	vtrunc.f32 v53;
	v51 =	vadd.f32 v27, v51;
	v49 =	vmul.f32 $2.048000000e+03, v49;
	v53 =	vld [tilespmem:s28+$0xFFFFFFD0]  }
0x786: {  	v47 =	vsel vm0, v47, v22;
	vm1 =	vlt.s32 v48, v12;
	v46 =	vcvt.f32.s32 v46;
	[tilespmem:v44+s16+$0x0] =	vst.idx.add.f32.msk $0xffff, v4  }
0x787: {  	v44 =	vsel vm1, v48, v12;
	[tilespmem:v45+s16+$0x0] =	vst.idx.add.f32.msk $0xffff, v4;
	v45 =	vtrunc.f32 v51;
	v48 =	vadd.f32 v35, v49  }
0x788: {  	s9 =	sadd.s32 $0x260, s9;
	[tilespmem:v50+s16+$0x0] =	vst.idx.add.f32.msk $0xffff, v4;
	v49 =	vmul.f32 $2.048000000e+03, v52;
	vm0 =	vlt.s32 v46, v20;
	v45 =	vcvt.f32.s32 v45  }
0x789: {  	v51 =	vmul.f32 $2.048000000e+03, v54;
	v50 =	vld [tilespmem:s9+$0xFFFFFDC0];
	v46 =	vsel vm0, v46, v20;
	v48 =	vtrunc.f32 v48  }
0x78a: {  	v52 =	vld [tilespmem:s9+$0xFFFFFEE0];
	v49 =	vadd.f32 v9, v49;
	vm0 =	vlt.s32 v45, v28;
	v48 =	vcvt.f32.s32 v48  }
0x78b: {  	v51 =	vadd.f32 v27, v51;
	v53 =	vmul.f32 $2.048000000e+03, v53;
	v54 =	vld [tilespmem:s11+$0xFFFFFF50];
	v45 =	vsel vm0, v45, v28  }
0x78c: {  	v43 =	vcvt.f32.s32 v43;
	[tilespmem:v44+s16+$0x0] =	vst.idx.add.f32.msk $0xffff, v4;
	v44 =	vtrunc.f32 v49;
	vm0 =	vlt.s32 v48, v36  }
0x78d: {  	v51 =	vtrunc.f32 v51;
	v49 =	vld [tilespmem:s7+$0xFFFFFE00];
	v44 =	vcvt.f32.s32 v44;
	v48 =	vsel vm0, v48, v36  }
0x78e: {  	v50 =	vmul.f32 $2.048000000e+03, v50;
	[tilespmem:v46+s16+$0x0] =	vst.idx.add.f32.msk $0xffff, v4;
	v46 =	vcvt.f32.s32 v51;
	v51 =	vadd.f32 v33, v53  }
0x78f: {  	vm0 =	vlt.s32 v43, v40;
	v52 =	vmul.f32 $2.048000000e+03, v52;
	vm1 =	vlt.s32 v44, v10;
	v53 =	vld [tilespmem:s11+$0xFFFFFE40]  }
0x790: {  	v50 =	vadd.f32 v5, v50;
	v44 =	vsel vm1, v44, v10;
	v54 =	vmul.f32 $2.048000000e+03, v54;
	[tilespmem:v45+s16+$0x0] =	vst.idx.add.f32.msk $0xffff, v4  }
0x791: {  	vm1 =	vlt.s32 v46, v28;
	v51 =	vtrunc.f32 v51;
	v45 =	vadd.f32 v2, v52;
	v52 =	vld [tilespmem:s0+$0xFFFFFE80]  }
0x792: {  	v50 =	vtrunc.f32 v50;
	v49 =	vmul.f32 $2.048000000e+03, v49;
	v54 =	vadd.f32 v17, v54;
	[tilespmem:v48+s16+$0x0] =	vst.idx.add.f32.msk $0xffff, v4  }
0x793: {  	v46 =	vsel vm1, v46, v28;
	v48 =	vcvt.f32.s32 v50;
	v45 =	vtrunc.f32 v45;
	v50 =	vld [tilespmem:s29+$0xFFFFFEC0]  }
0x794: {  	v45 =	vcvt.f32.s32 v45;
	v49 =	vadd.f32 v13, v49;
	v53 =	vmul.f32 $2.048000000e+03, v53;
	[tilespmem:v47+s16+$0x0] =	vst.idx.add.f32.msk $0xffff, v4  }
0x795: {  	v47 =	vcvt.f32.s32 v51;
	vm1 =	vlt.s32 v48, v6;
	[tilespmem:v44+s16+$0x0] =	vst.idx.add.f32.msk $0xffff, v4;
	v44 =	vtrunc.f32 v54  }
0x796: {  	v49 =	vtrunc.f32 v49;
	v51 =	vld [tilespmem:s7+$0xFFFFFF20];
	v53 =	vadd.f32 v21, v53;
	v52 =	vmul.f32 $2.048000000e+03, v52  }
0x797: {  	v48 =	vsel vm1, v48, v6;
	vm1 =	vlt.s32 v45, v3;
	v49 =	vcvt.f32.s32 v49;
	v54 =	vld [tilespmem:s0+$0xFFFFFF80]  }
0x798: {  	v53 =	vtrunc.f32 v53;
	v52 =	vadd.f32 v29, v52;
	v50 =	vmul.f32 $2.048000000e+03, v50;
	[tilespmem:v46+s16+$0x0] =	vst.idx.add.f32.msk $0xffff, v4  }
0x799: {  	v45 =	vsel vm1, v45, v3;
	vm1 =	vlt.s32 v49, v14;
	v46 =	vcvt.f32.s32 v53;
	v53 =	vld [tilespmem:s30+$0x2800];
	s30 =	smov.u32 s31;
	s31 =	smov.u32 s20;
	s20 =	smov.u32 s8  }
0x79a: {  	s8 =	smov.u32 s13;
	v49 =	vsel vm1, v49, v14;
	v52 =	vtrunc.f32 v52;
	v50 =	vadd.f32 v37, v50;
	v55 =	vld [tilespmem:s26+$0xFFFFFFF0]  }
0x79b: {  	v51 =	vmul.f32 $2.048000000e+03, v51;
	vm1 =	vlt.s32 v46, v22;
	v52 =	vcvt.f32.s32 v52;
	v56 =	vld [tilespmem:s25+$0x0];
	s25 =	smov.u32 s26;
	s26 =	smov.u32 s28;
	s28 =	smov.u32 s29  }
0x79c: {  	v44 =	vcvt.f32.s32 v44;
	s29 =	smov.u32 s0;
	s0 =	smov.u32 s11;
	s11 =	smov.u32 s7;
	v46 =	vsel vm1, v46, v22;
	v50 =	vtrunc.f32 v50;
	[tilespmem:v42+s16+$0x0] =	vst.idx.add.f32.msk $0xffff, v4  }
0x79d: {  	s7 =	smov.u32 s9;
	[tilespmem:v48+s16+$0x0] =	vst.idx.add.f32.msk $0xffff, v4;
	v42 =	vadd.f32 v11, v51;
	vm1 =	vlt.s32 v52, v30;
	v48 =	vcvt.f32.s32 v50  }
0x79e: {  	vm2 =	vlt.s32 v44, v18;
	v50 =	vld [tilespmem:s9+$0xFFFFFDD0];
	v51 =	vsel vm1, v52, v30;
	v52 =	vmul.f32 $2.048000000e+03, v54  }
0x79f: {  	v44 =	vsel vm2, v44, v18;
	[tilespmem:v49+s16+$0x0] =	vst.idx.add.f32.msk $0xffff, v4;
	v42 =	vtrunc.f32 v42;
	vm1 =	vlt.s32 v48, v38  }
0x7a0: {  	v49 =	vld [tilespmem:s11+$0xFFFFFE10];
	v42 =	vcvt.f32.s32 v42;
	v52 =	vadd.f32 v23, v52;
	v48 =	vsel vm1, v48, v38  }
0x7a1: {  	vm1 =	vlt.s32 v47, v34;
	[tilespmem:v46+s16+$0x0] =	vst.idx.add.f32.msk $0xffff, v4;
	v46 =	vmul.f32 $2.048000000e+03, v53;
	v53 =	vmul.f32 $2.048000000e+03, v55  }
0x7a2: {  	v47 =	vsel vm1, v47, v34;
	vm2 =	vlt.s32 v42, v12;
	v54 =	vld [tilespmem:s0+$0xFFFFFE50];
	v52 =	vtrunc.f32 v52  }
0x7a3: {  	v55 =	vsel vm2, v42, v12;
	[tilespmem:v51+s16+$0x0] =	vst.idx.add.f32.msk $0xffff, v4;
	v51 =	vcvt.f32.s32 v52;
	v42 =	vadd.f32 v29, v46  }
0x7a4: {  	v46 =	vmul.f32 $2.048000000e+03, v50;
	v52 =	vadd.f32 v37, v53;
	v53 =	vmul.f32 $2.048000000e+03, v56;
	v50 =	vld [tilespmem:s29+$0xFFFFFE90]  }
0x7a5: {  	vm1 =	vlt.s32 v51, v24;
	[tilespmem:v48+s16+$0x0] =	vst.idx.add.f32.msk $0xffff, v4;
	v48 =	vtrunc.f32 v42;
	v42 =	vsel vm0, v43, v40  }
0x7a6: {  	v46 =	vadd.f32 v7, v46;
	v49 =	vmul.f32 $2.048000000e+03, v49;
	v51 =	vsel vm1, v51, v24;
	v56 =	vld [tilespmem:s28+$0xFFFFFED0]  }
0x7a7: {  	v43 =	vadd.f32 v39, v53;
	[tilespmem:v45+s16+$0x0] =	vst.idx.add.f32.msk $0xffff, v4;
	v45 =	vcvt.f32.s32 v48;
	v48 =	vtrunc.f32 v52  }
0x7a8: {  	v46 =	vtrunc.f32 v46;
	v49 =	vadd.f32 v15, v49;
	v53 =	vmul.f32 $2.048000000e+03, v54;
	v52 =	vld [tilespmem:s9+$0xFFFFFEF0]  }
0x7a9: {  	v46 =	vcvt.f32.s32 v46;
	v48 =	vcvt.f32.s32 v48;
	[tilespmem:v55+s16+$0x0] =	vst.idx.add.f32.msk $0xffff, v4;
	vm0 =	vlt.s32 v45, v30  }
0x7aa: {  	v49 =	vtrunc.f32 v49;
	v53 =	vadd.f32 v23, v53;
	v50 =	vmul.f32 $2.048000000e+03, v50;
	v54 =	vld [tilespmem:s20+$0x2780]  }
0x7ab: {  	vm1 =	vlt.s32 v46, v8;
	v49 =	vcvt.f32.s32 v49;
	[tilespmem:v44+s16+$0x0] =	vst.idx.add.f32.msk $0xffff, v4;
	v44 =	vmul.f32 $2.048000000e+03, v56  }
0x7ac: {  	v46 =	vsel vm1, v46, v8;
	v53 =	vtrunc.f32 v53;
	v50 =	vadd.f32 v31, v50;
	v55 =	vld [tilespmem:s0+$0xFFFFFF60]  }
0x7ad: {  	vm1 =	vlt.s32 v49, v16;
	v53 =	vcvt.f32.s32 v53;
	[tilespmem:v51+s16+$0x0] =	vst.idx.add.f32.msk $0xffff, v4;
	v44 =	vadd.f32 v39, v44  }
0x7ae: {  	v51 =	vmul.f32 $2.048000000e+03, v52;
	v49 =	vsel vm1, v49, v16;
	v50 =	vtrunc.f32 v50;
	v52 =	vld [tilespmem:s29+$0xFFFFFF90]  }
0x7af: {  	vm1 =	vlt.s32 v53, v24;
	v50 =	vcvt.f32.s32 v50;
	v44 =	vtrunc.f32 v44;
	[tilespmem:v47+s16+$0x0] =	vst.idx.add.f32.msk $0xffff, v4  }
0x7b0: {  	v47 =	vadd.f32 v5, v51;
	v51 =	vsel vm1, v53, v24;
	v44 =	vcvt.f32.s32 v44;
	v53 =	vld [tilespmem:s26+$0xFFFFFFE0]  }
0x7b1: {  	vm1 =	vlt.s32 v50, v32;
	[tilespmem:v46+s16+$0x0] =	vst.idx.add.f32.msk $0xffff, v4;
	v46 =	vmul.f32 $2.048000000e+03, v54;
	v54 =	vmul.f32 $2.048000000e+03, v55  }
0x7b2: {  	v47 =	vtrunc.f32 v47;
	v50 =	vsel vm1, v50, v32;
	v55 =	vld [tilespmem:s9+$0xFFFFFDE0];
	vm1 =	vlt.s32 v44, v40  }
0x7b3: {  	v47 =	vcvt.f32.s32 v47;
	[tilespmem:v49+s16+$0x0] =	vst.idx.add.f32.msk $0xffff, v4;
	v46 =	vadd.f32 v13, v46;
	v44 =	vsel vm1, v44, v40  }
0x7b4: {  	v45 =	vsel vm0, v45, v30;
	v54 =	vadd.f32 v19, v54;
	v52 =	vmul.f32 $2.048000000e+03, v52;
	v49 =	vld [tilespmem:s11+$0xFFFFFE20]  }
0x7b5: {  	vm0 =	vlt.s32 v47, v6;
	v46 =	vtrunc.f32 v46;
	[tilespmem:v51+s16+$0x0] =	vst.idx.add.f32.msk $0xffff, v4;
	v51 =	vmul.f32 $2.048000000e+03, v53  }
0x7b6: {  	v47 =	vsel vm0, v47, v6;
	v53 =	vtrunc.f32 v54;
	v46 =	vcvt.f32.s32 v46;
	v56 =	vld [tilespmem:s0+$0xFFFFFE60]  }
0x7b7: {  	v53 =	vcvt.f32.s32 v53;
	[tilespmem:v50+s16+$0x0] =	vst.idx.add.f32.msk $0xffff, v4;
	v50 =	vadd.f32 v25, v52;
	v51 =	vadd.f32 v35, v51  }
0x7b8: {  	vm1 =	vlt.s32 v48, v38;
	v52 =	vmul.f32 $2.048000000e+03, v55;
	vm0 =	vlt.s32 v46, v14;
	[tilespmem:v44+s16+$0x0] =	vst.idx.add.f32.msk $0xffff, v4  }
0x7b9: {  	v55 =	vsel vm0, v46, v14;
	vm0 =	vlt.s32 v53, v20;
	v57 =	vld [tilespmem:s29+$0xFFFFFEA0];
	v44 =	vtrunc.f32 v50  }
0x7ba: {  	v46 =	vadd.f32 v9, v52;
	v49 =	vmul.f32 $2.048000000e+03, v49;
	v50 =	vsel vm0, v53, v20;
	[tilespmem:v45+s16+$0x0] =	vst.idx.add.f32.msk $0xffff, v4  }
.Ltmp3:
0x7bb: {  	v58 =	vcvt.f32.s32 v44;
	v44 =	vtrunc.f32 v51;
	v45 =	vsel vm1, v48, v38;
	[tilespmem:v47+s16+$0x0] =	vst.idx.add.f32.msk $0xffff, v4;
	(pc) =	sbr.rel @p0 .LBB2_9-.Ltmp3, $4  }
0x7bc: {  	v46 =	vtrunc.f32 v46;
	v47 =	vadd.f32 v17, v49;
	v48 =	vmul.f32 $2.048000000e+03, v56;
	v53 =	vld [tilespmem:s9+$0xFFFFFF00]  }
0x7bd: {  	v44 =	vcvt.f32.s32 v44;
	v54 =	vcvt.f32.s32 v46;
	vm1 =	vlt.s32 v58, v26;
	v46 =	vld [tilespmem:s28+$0xFFFFFFC0]  }
0x7be: {  	v51 =	vtrunc.f32 v47;
	v49 =	vadd.f32 v25, v48;
	[tilespmem:v55+s16+$0x0] =	vst.idx.add.f32.msk $0xffff, v4;
	v47 =	vmul.f32 $2.048000000e+03, v57  }
0x7bf: {  	s12 =	sadd.s32 $0x260, s12;
	v48 =	vsel vm1, v58, v26;
	vm0 =	vlt.s32 v54, v10;
	v51 =	vcvt.f32.s32 v51;
	v52 =	vld [tilespmem:s11+$0xFFFFFF40]  }
0x7c0: {  	_ = 	snop  }
0x7c1: {  	v53 =	vmul.f32 $2.048000000e+03, v53;
	_ =	sdelay $0x1  }
0x7c2: {  	v53 =	vadd.f32 v7, v53;
	_ =	sdelay $0x1  }
0x7c3: {  	v53 =	vtrunc.f32 v53  }
0x7c4: {  	v53 =	vcvt.f32.s32 v53;
	_ =	sdelay $0x1  }
0x7c5: {  	vm1 =	vlt.s32 v53, v8  }
0x7c6: {  	v53 =	vsel vm1, v53, v8;
	_ =	sdelay $0x4  }
0x7c7: {  	[tilespmem:v53+s16+$0x0] =	vst.idx.add.f32.msk $0xffff, v4  }
0x7c8: {  	v53 =	vld [tilespmem:s9+$0xFFFFFF10];
	_ =	sdelay $0x3  }
0x7c9: {  	v54 =	vsel vm0, v54, v10  }
0x7ca: {  	v53 =	vmul.f32 $2.048000000e+03, v53;
	_ =	sdelay $0x1  }
0x7cb: {  	v53 =	vadd.f32 v9, v53;
	_ =	sdelay $0x1  }
0x7cc: {  	[tilespmem:v54+s16+$0x0] =	vst.idx.add.f32.msk $0xffff, v4;
	v53 =	vtrunc.f32 v53  }
0x7cd: {  	v54 =	vld [tilespmem:s9+$0xFFFFFDF0];
	v53 =	vcvt.f32.s32 v53;
	_ =	sdelay $0x1  }
0x7ce: {  	vm14 =	vlt.s32 v53, v10  }
0x7cf: {  	v53 =	vsel vm14, v53, v10;
	_ =	sdelay $0x1  }
0x7d0: {  	v54 =	vmul.f32 $2.048000000e+03, v54;
	_ =	sdelay $0x1  }
0x7d1: {  	v54 =	vadd.f32 v11, v54  }
0x7d2: {  	[tilespmem:v53+s16+$0x0] =	vst.idx.add.f32.msk $0xffff, v4  }
0x7d3: {  	v54 =	vtrunc.f32 v54;
	v53 =	vld [tilespmem:s7+$0xFFFFFF20]  }
0x7d4: {  	v54 =	vcvt.f32.s32 v54;
	_ =	sdelay $0x1  }
0x7d5: {  	vm15 =	vlt.s32 v54, v12  }
0x7d6: {  	v54 =	vsel vm15, v54, v12  }
0x7d7: {  	v53 =	vmul.f32 $2.048000000e+03, v53;
	_ =	sdelay $0x1  }
0x7d8: {  	v53 =	vadd.f32 v11, v53;
	_ =	sdelay $0x1  }
0x7d9: {  	[tilespmem:v54+s16+$0x0] =	vst.idx.add.f32.msk $0xffff, v4;
	v53 =	vtrunc.f32 v53  }
0x7da: {  	v54 =	vld [tilespmem:s7+$0xFFFFFE00];
	v53 =	vcvt.f32.s32 v53;
	_ =	sdelay $0x1  }
0x7db: {  	vm4 =	vlt.s32 v53, v12  }
0x7dc: {  	v53 =	vsel vm4, v53, v12;
	_ =	sdelay $0x1  }
0x7dd: {  	v54 =	vmul.f32 $2.048000000e+03, v54;
	_ =	sdelay $0x1  }
0x7de: {  	v54 =	vadd.f32 v13, v54  }
0x7df: {  	[tilespmem:v53+s16+$0x0] =	vst.idx.add.f32.msk $0xffff, v4  }
0x7e0: {  	v54 =	vtrunc.f32 v54;
	v53 =	vld [tilespmem:s8+$0x2780]  }
0x7e1: {  	v52 =	vmul.f32 $2.048000000e+03, v52;
	v54 =	vcvt.f32.s32 v54;
	_ =	sdelay $0x1  }
0x7e2: {  	v52 =	vadd.f32 v15, v52;
	vm5 =	vlt.s32 v54, v14  }
0x7e3: {  	v54 =	vsel vm5, v54, v14  }
0x7e4: {  	v52 =	vtrunc.f32 v52;
	v53 =	vmul.f32 $2.048000000e+03, v53  }
0x7e5: {  	v52 =	vcvt.f32.s32 v52  }
0x7e6: {  	v53 =	vadd.f32 v13, v53  }
0x7e7: {  	vm8 =	vlt.s32 v52, v16  }
0x7e8: {  	v52 =	vsel vm8, v52, v16;
	[tilespmem:v54+s16+$0x0] =	vst.idx.add.f32.msk $0xffff, v4;
	v53 =	vtrunc.f32 v53  }
0x7e9: {  	v54 =	vld [tilespmem:s7+$0xFFFFFE10];
	v53 =	vcvt.f32.s32 v53;
	_ =	sdelay $0x1  }
0x7ea: {  	vm6 =	vlt.s32 v53, v14  }
0x7eb: {  	v53 =	vsel vm6, v53, v14  }
0x7ec: {  	[tilespmem:v52+s16+$0x0] =	vst.idx.add.f32.msk $0xffff, v4  }
0x7ed: {  	v52 =	vld [tilespmem:s11+$0xFFFFFF50];
	v54 =	vmul.f32 $2.048000000e+03, v54;
	_ =	sdelay $0x1  }
0x7ee: {  	v54 =	vadd.f32 v15, v54  }
0x7ef: {  	[tilespmem:v53+s16+$0x0] =	vst.idx.add.f32.msk $0xffff, v4  }
0x7f0: {  	v54 =	vtrunc.f32 v54;
	v53 =	vld [tilespmem:s7+$0xFFFFFF40]  }
0x7f1: {  	v52 =	vmul.f32 $2.048000000e+03, v52;
	v54 =	vcvt.f32.s32 v54;
	_ =	sdelay $0x1  }
0x7f2: {  	v52 =	vadd.f32 v17, v52;
	vm7 =	vlt.s32 v54, v16  }
0x7f3: {  	v54 =	vsel vm7, v54, v16  }
0x7f4: {  	vm10 =	vlt.s32 v51, v18;
	v52 =	vtrunc.f32 v52;
	v53 =	vmul.f32 $2.048000000e+03, v53  }
0x7f5: {  	v51 =	vsel vm10, v51, v18;
	v52 =	vcvt.f32.s32 v52  }
0x7f6: {  	v53 =	vadd.f32 v15, v53  }
0x7f7: {  	vm12 =	vlt.s32 v52, v18  }
0x7f8: {  	v52 =	vsel vm12, v52, v18;
	[tilespmem:v54+s16+$0x0] =	vst.idx.add.f32.msk $0xffff, v4;
	v53 =	vtrunc.f32 v53  }
0x7f9: {  	v54 =	vld [tilespmem:s7+$0xFFFFFE20];
	v53 =	vcvt.f32.s32 v53  }
0x7fa: {  	[tilespmem:v51+s16+$0x0] =	vst.idx.add.f32.msk $0xffff, v4  }
0x7fb: {  	v51 =	vld [tilespmem:s20+$0x2680];
	vm9 =	vlt.s32 v53, v16  }
0x7fc: {  	v53 =	vsel vm9, v53, v16  }
0x7fd: {  	[tilespmem:v52+s16+$0x0] =	vst.idx.add.f32.msk $0xffff, v4  }
0x7fe: {  	v52 =	vld [tilespmem:s11+$0xFFFFFF60];
	v54 =	vmul.f32 $2.048000000e+03, v54;
	_ =	sdelay $0x1  }
0x7ff: {  	v51 =	vmul.f32 $2.048000000e+03, v51;
	v54 =	vadd.f32 v17, v54  }
0x800: {  	[tilespmem:v53+s16+$0x0] =	vst.idx.add.f32.msk $0xffff, v4  }
0x801: {  	v51 =	vadd.f32 v19, v51;
	v54 =	vtrunc.f32 v54;
	v53 =	vld [tilespmem:s7+$0xFFFFFF50]  }
0x802: {  	v52 =	vmul.f32 $2.048000000e+03, v52;
	v54 =	vcvt.f32.s32 v54  }
0x803: {  	v51 =	vtrunc.f32 v51  }
0x804: {  	v51 =	vcvt.f32.s32 v51;
	v52 =	vadd.f32 v19, v52;
	vm11 =	vlt.s32 v54, v18  }
0x805: {  	v54 =	vsel vm11, v54, v18  }
0x806: {  	vm14 =	vlt.s32 v51, v20;
	v52 =	vtrunc.f32 v52;
	v53 =	vmul.f32 $2.048000000e+03, v53  }
0x807: {  	v51 =	vsel vm14, v51, v20;
	v52 =	vcvt.f32.s32 v52  }
0x808: {  	v53 =	vadd.f32 v17, v53  }
0x809: {  	vm4 =	vlt.s32 v52, v20  }
0x80a: {  	v52 =	vsel vm4, v52, v20;
	[tilespmem:v54+s16+$0x0] =	vst.idx.add.f32.msk $0xffff, v4;
	v53 =	vtrunc.f32 v53  }
0x80b: {  	v54 =	vld [tilespmem:s8+$0x2680];
	v53 =	vcvt.f32.s32 v53  }
0x80c: {  	[tilespmem:v51+s16+$0x0] =	vst.idx.add.f32.msk $0xffff, v4  }
0x80d: {  	v51 =	vld [tilespmem:s11+$0xFFFFFE40];
	vm13 =	vlt.s32 v53, v18  }
0x80e: {  	v53 =	vsel vm13, v53, v18  }
0x80f: {  	[tilespmem:v52+s16+$0x0] =	vst.idx.add.f32.msk $0xffff, v4  }
0x810: {  	v52 =	vld [tilespmem:s11+$0xFFFFFF70];
	v54 =	vmul.f32 $2.048000000e+03, v54;
	_ =	sdelay $0x1  }
0x811: {  	v51 =	vmul.f32 $2.048000000e+03, v51;
	v54 =	vadd.f32 v19, v54  }
0x812: {  	[tilespmem:v53+s16+$0x0] =	vst.idx.add.f32.msk $0xffff, v4  }
0x813: {  	v59 =	vadd.f32 v21, v51;
	v54 =	vtrunc.f32 v54;
	v53 =	vld [tilespmem:s7+$0xFFFFFF60]  }
0x814: {  	v52 =	vmul.f32 $2.048000000e+03, v52;
	v54 =	vcvt.f32.s32 v54  }
0x815: {  	[tilespmem:v50+s16+$0x0] =	vst.idx.add.f32.msk $0xffff, v4;
	v50 =	vtrunc.f32 v59  }
0x816: {  	v60 =	vld [tilespmem:s0+$0xFFFFFF70];
	v50 =	vcvt.f32.s32 v50;
	v52 =	vadd.f32 v21, v52;
	vm15 =	vlt.s32 v54, v20  }
0x817: {  	v54 =	vsel vm15, v54, v20  }
0x818: {  	v52 =	vtrunc.f32 v52;
	vm6 =	vlt.s32 v50, v22;
	v53 =	vmul.f32 $2.048000000e+03, v53  }
0x819: {  	v52 =	vcvt.f32.s32 v52;
	v50 =	vsel vm6, v50, v22  }
0x81a: {  	v53 =	vadd.f32 v19, v53  }
0x81b: {  	v51 =	vmul.f32 $2.048000000e+03, v60;
	vm9 =	vlt.s32 v52, v22  }
0x81c: {  	v52 =	vsel vm9, v52, v22;
	[tilespmem:v54+s16+$0x0] =	vst.idx.add.f32.msk $0xffff, v4;
	v53 =	vtrunc.f32 v53  }
0x81d: {  	v51 =	vadd.f32 v21, v51;
	v54 =	vld [tilespmem:s7+$0xFFFFFE40];
	v53 =	vcvt.f32.s32 v53  }
0x81e: {  	[tilespmem:v50+s16+$0x0] =	vst.idx.add.f32.msk $0xffff, v4  }
0x81f: {  	v51 =	vtrunc.f32 v51;
	v50 =	vld [tilespmem:s11+$0xFFFFFE50];
	vm5 =	vlt.s32 v53, v20  }
0x820: {  	v51 =	vcvt.f32.s32 v51;
	v53 =	vsel vm5, v53, v20  }
0x821: {  	[tilespmem:v52+s16+$0x0] =	vst.idx.add.f32.msk $0xffff, v4  }
0x822: {  	vm8 =	vlt.s32 v51, v22;
	v52 =	vld [tilespmem:s11+$0xFFFFFF80];
	v54 =	vmul.f32 $2.048000000e+03, v54  }
0x823: {  	v51 =	vsel vm8, v51, v22  }
0x824: {  	v50 =	vmul.f32 $2.048000000e+03, v50;
	v54 =	vadd.f32 v21, v54  }
0x825: {  	[tilespmem:v53+s16+$0x0] =	vst.idx.add.f32.msk $0xffff, v4  }
0x826: {  	v50 =	vadd.f32 v23, v50;
	v54 =	vtrunc.f32 v54;
	v53 =	vld [tilespmem:s7+$0xFFFFFF70]  }
0x827: {  	v52 =	vmul.f32 $2.048000000e+03, v52;
	v54 =	vcvt.f32.s32 v54  }
0x828: {  	[tilespmem:v51+s16+$0x0] =	vst.idx.add.f32.msk $0xffff, v4;
	v50 =	vtrunc.f32 v50  }
0x829: {  	v51 =	vld [tilespmem:s0+$0xFFFFFF80];
	v50 =	vcvt.f32.s32 v50;
	v52 =	vadd.f32 v23, v52;
	vm7 =	vlt.s32 v54, v22  }
0x82a: {  	v54 =	vsel vm7, v54, v22  }
0x82b: {  	vm12 =	vlt.s32 v50, v24;
	v52 =	vtrunc.f32 v52;
	v53 =	vmul.f32 $2.048000000e+03, v53  }
0x82c: {  	v50 =	vsel vm12, v50, v24;
	v52 =	vcvt.f32.s32 v52  }
0x82d: {  	v49 =	vtrunc.f32 v49;
	v53 =	vadd.f32 v21, v53  }
0x82e: {  	v49 =	vcvt.f32.s32 v49;
	v51 =	vmul.f32 $2.048000000e+03, v51;
	vm15 =	vlt.s32 v52, v24  }
0x82f: {  	v52 =	vsel vm15, v52, v24;
	[tilespmem:v54+s16+$0x0] =	vst.idx.add.f32.msk $0xffff, v4;
	v53 =	vtrunc.f32 v53  }
0x830: {  	v51 =	vadd.f32 v23, v51;
	vm11 =	vlt.s32 v49, v26;
	v54 =	vld [tilespmem:s7+$0xFFFFFE50];
	v53 =	vcvt.f32.s32 v53  }
0x831: {  	v49 =	vsel vm11, v49, v26;
	[tilespmem:v50+s16+$0x0] =	vst.idx.add.f32.msk $0xffff, v4  }
0x832: {  	v51 =	vtrunc.f32 v51;
	v50 =	vld [tilespmem:s11+$0xFFFFFE60];
	vm10 =	vlt.s32 v53, v22  }
0x833: {  	v51 =	vcvt.f32.s32 v51;
	v53 =	vsel vm10, v53, v22  }
0x834: {  	[tilespmem:v52+s16+$0x0] =	vst.idx.add.f32.msk $0xffff, v4  }
0x835: {  	vm14 =	vlt.s32 v51, v24;
	v52 =	vld [tilespmem:s11+$0xFFFFFF90];
	v54 =	vmul.f32 $2.048000000e+03, v54  }
0x836: {  	v51 =	vsel vm14, v51, v24;
	[tilespmem:v49+s16+$0x0] =	vst.idx.add.f32.msk $0xffff, v4  }
0x837: {  	v62 =	vld [tilespmem:s0+$0xFFFFFE70];
	v50 =	vmul.f32 $2.048000000e+03, v50;
	v54 =	vadd.f32 v23, v54  }
0x838: {  	[tilespmem:v53+s16+$0x0] =	vst.idx.add.f32.msk $0xffff, v4  }
0x839: {  	v50 =	vadd.f32 v25, v50;
	v54 =	vtrunc.f32 v54;
	v53 =	vld [tilespmem:s7+$0xFFFFFF80]  }
0x83a: {  	v52 =	vmul.f32 $2.048000000e+03, v52;
	v61 =	vcvt.f32.s32 v54  }
0x83b: {  	[tilespmem:v51+s16+$0x0] =	vst.idx.add.f32.msk $0xffff, v4;
	v50 =	vtrunc.f32 v50  }
0x83c: {  	v57 =	vld [tilespmem:s0+$0xFFFFFF90];
	v52 =	vadd.f32 v25, v52;
	v54 =	vmul.f32 $2.048000000e+03, v62;
	vm13 =	vlt.s32 v61, v24  }
0x83d: {  	v50 =	vcvt.f32.s32 v50;
	v49 =	vsel vm13, v61, v24  }
0x83e: {  	v52 =	vtrunc.f32 v52;
	v54 =	vadd.f32 v27, v54;
	v53 =	vmul.f32 $2.048000000e+03, v53  }
0x83f: {  	vm6 =	vlt.s32 v50, v26;
	v52 =	vcvt.f32.s32 v52  }
0x840: {  	v50 =	vsel vm6, v50, v26;
	v54 =	vtrunc.f32 v54;
	v53 =	vadd.f32 v23, v53  }
0x841: {  	vm9 =	vlt.s32 v52, v26;
	v63 =	vcvt.f32.s32 v54;
	v54 =	vmul.f32 $2.048000000e+03, v57  }
0x842: {  	v52 =	vsel vm9, v52, v26;
	[tilespmem:v49+s16+$0x0] =	vst.idx.add.f32.msk $0xffff, v4;
	v53 =	vtrunc.f32 v53  }
0x843: {  	vm5 =	vlt.s32 v63, v28;
	v54 =	vadd.f32 v25, v54;
	v49 =	vld [tilespmem:s7+$0xFFFFFE60];
	v53 =	vcvt.f32.s32 v53  }
0x844: {  	[tilespmem:v48+s16+$0x0] =	vst.idx.add.f32.msk $0xffff, v4;
	v51 =	vsel vm5, v63, v28  }
0x845: {  	v48 =	vld [tilespmem:s29+$0xFFFFFFA0];
	v54 =	vtrunc.f32 v54;
	vm4 =	vlt.s32 v53, v24  }
0x846: {  	[tilespmem:v50+s16+$0x0] =	vst.idx.add.f32.msk $0xffff, v4;
	v54 =	vcvt.f32.s32 v54;
	v53 =	vsel vm4, v53, v24  }
0x847: {  	v50 =	vld [tilespmem:s11+$0xFFFFFE70]  }
0x848: {  	[tilespmem:v52+s16+$0x0] =	vst.idx.add.f32.msk $0xffff, v4;
	vm8 =	vlt.s32 v54, v26;
	v49 =	vmul.f32 $2.048000000e+03, v49  }
0x849: {  	[tilespmem:v51+s16+$0x0] =	vst.idx.add.f32.msk $0xffff, v4;
	v54 =	vsel vm8, v54, v26  }
0x84a: {  	v48 =	vmul.f32 $2.048000000e+03, v48;
	v51 =	vld [tilespmem:s0+$0xFFFFFE80];
	v49 =	vadd.f32 v25, v49  }
0x84b: {  	[tilespmem:v53+s16+$0x0] =	vst.idx.add.f32.msk $0xffff, v4  }
0x84c: {  	v48 =	vadd.f32 v27, v48;
	v49 =	vtrunc.f32 v49;
	v53 =	vld [tilespmem:s7+$0xFFFFFF90]  }
0x84d: {  	v52 =	vld [tilespmem:s11+$0xFFFFFFA0];
	v49 =	vcvt.f32.s32 v49  }
0x84e: {  	v48 =	vtrunc.f32 v48;
	v50 =	vmul.f32 $2.048000000e+03, v50;
	[tilespmem:v54+s16+$0x0] =	vst.idx.add.f32.msk $0xffff, v4  }
0x84f: {  	v48 =	vcvt.f32.s32 v48;
	v54 =	vld [tilespmem:s0+$0xFFFFFFA0];
	vm7 =	vlt.s32 v49, v26  }
0x850: {  	v50 =	vadd.f32 v27, v50;
	v51 =	vmul.f32 $2.048000000e+03, v51;
	v49 =	vsel vm7, v49, v26  }
0x851: {  	v53 =	vmul.f32 $2.048000000e+03, v53  }
0x852: {  	vm11 =	vlt.s32 v48, v28;
	v50 =	vtrunc.f32 v50;
	v51 =	vadd.f32 v29, v51  }
0x853: {  	v50 =	vcvt.f32.s32 v50;
	v52 =	vmul.f32 $2.048000000e+03, v52;
	v53 =	vadd.f32 v25, v53  }
0x854: {  	v48 =	vsel vm11, v48, v28;
	v51 =	vtrunc.f32 v51;
	v54 =	vmul.f32 $2.048000000e+03, v54  }
0x855: {  	vm13 =	vlt.s32 v50, v28;
	v51 =	vcvt.f32.s32 v51;
	[tilespmem:v49+s16+$0x0] =	vst.idx.add.f32.msk $0xffff, v4;
	v53 =	vtrunc.f32 v53  }
0x856: {  	v50 =	vsel vm13, v50, v28;
	v54 =	vadd.f32 v27, v54;
	v49 =	vld [tilespmem:s7+$0xFFFFFE70];
	v53 =	vcvt.f32.s32 v53  }
0x857: {  	v52 =	vadd.f32 v27, v52;
	vm12 =	vlt.s32 v51, v30  }
0x858: {  	v51 =	vsel vm12, v51, v30;
	v54 =	vtrunc.f32 v54;
	vm10 =	vlt.s32 v53, v26  }
0x859: {  	[tilespmem:v48+s16+$0x0] =	vst.idx.add.f32.msk $0xffff, v4;
	v52 =	vtrunc.f32 v52;
	v54 =	vcvt.f32.s32 v54;
	v53 =	vsel vm10, v53, v26  }
0x85a: {  	v59 =	vld [tilespmem:s30+$0x2800];
	v60 =	vcvt.f32.s32 v52  }
0x85b: {  	[tilespmem:v50+s16+$0x0] =	vst.idx.add.f32.msk $0xffff, v4;
	vm15 =	vlt.s32 v54, v28;
	v49 =	vmul.f32 $2.048000000e+03, v49  }
0x85c: {  	v50 =	vld [tilespmem:s11+$0xFFFFFE80];
	vm4 =	vlt.s32 v60, v28;
	v54 =	vsel vm15, v54, v28  }
0x85d: {  	v46 =	vmul.f32 $2.048000000e+03, v46;
	[tilespmem:v51+s16+$0x0] =	vst.idx.add.f32.msk $0xffff, v4;
	v51 =	vsel vm4, v60, v28;
	v49 =	vadd.f32 v27, v49  }
0x85e: {  	[tilespmem:v53+s16+$0x0] =	vst.idx.add.f32.msk $0xffff, v4  }
0x85f: {  	v46 =	vadd.f32 v31, v46;
	v49 =	vtrunc.f32 v49;
	v53 =	vld [tilespmem:s7+$0xFFFFFFA0]  }
0x860: {  	v61 =	vld [tilespmem:s0+$0xFFFFFE90];
	v58 =	vcvt.f32.s32 v49;
	v49 =	vmul.f32 $2.048000000e+03, v59  }
0x861: {  	v47 =	vadd.f32 v33, v47;
	v46 =	vtrunc.f32 v46;
	[tilespmem:v54+s16+$0x0] =	vst.idx.add.f32.msk $0xffff, v4  }
0x862: {  	v50 =	vmul.f32 $2.048000000e+03, v50;
	[tilespmem:v51+s16+$0x0] =	vst.idx.add.f32.msk $0xffff, v4;
	vm14 =	vlt.s32 v58, v28;
	v49 =	vadd.f32 v29, v49  }
0x863: {  	v47 =	vtrunc.f32 v47;
	v46 =	vcvt.f32.s32 v46;
	v54 =	vld [tilespmem:s31+$0x2800];
	v48 =	vsel vm14, v58, v28  }
0x864: {  	v50 =	vadd.f32 v29, v50;
	v51 =	vld [tilespmem:s20+$0x2800];
	v49 =	vtrunc.f32 v49;
	v53 =	vmul.f32 $2.048000000e+03, v53  }
0x865: {  	vm8 =	vlt.s32 v46, v32;
	v52 =	vmul.f32 $2.048000000e+03, v61;
	v49 =	vcvt.f32.s32 v49  }
0x866: {  	v46 =	vsel vm8, v46, v32;
	v50 =	vtrunc.f32 v50;
	v53 =	vadd.f32 v27, v53  }
0x867: {  	v50 =	vcvt.f32.s32 v50;
	v52 =	vadd.f32 v31, v52;
	vm7 =	vlt.s32 v49, v30  }
0x868: {  	v54 =	vmul.f32 $2.048000000e+03, v54;
	[tilespmem:v48+s16+$0x0] =	vst.idx.add.f32.msk $0xffff, v4;
	v49 =	vsel vm7, v49, v30;
	v53 =	vtrunc.f32 v53  }
0x869: {  	vm9 =	vlt.s32 v50, v30;
	v51 =	vmul.f32 $2.048000000e+03, v51;
	v48 =	vld [tilespmem:s7+$0xFFFFFE80];
	v53 =	vcvt.f32.s32 v53  }
0x86a: {  	v47 =	vcvt.f32.s32 v47;
	v50 =	vsel vm9, v50, v30;
	v52 =	vtrunc.f32 v52  }
0x86b: {  	v54 =	vadd.f32 v29, v54;
	v51 =	vadd.f32 v29, v51;
	vm5 =	vlt.s32 v53, v28  }
0x86c: {  	[tilespmem:v46+s16+$0x0] =	vst.idx.add.f32.msk $0xffff, v4;
	v52 =	vcvt.f32.s32 v52;
	v53 =	vsel vm5, v53, v28  }
0x86d: {  	vm6 =	vlt.s32 v47, v34;
	v54 =	vtrunc.f32 v54;
	v51 =	vtrunc.f32 v51;
	[tilespmem:v49+s16+$0x0] =	vst.idx.add.f32.msk $0xffff, v4  }
0x86e: {  	v47 =	vsel vm6, v47, v34;
	v62 =	vcvt.f32.s32 v54;
	v48 =	vmul.f32 $2.048000000e+03, v48;
	v49 =	vld [tilespmem:s29+$0xFFFFFFC0]  }
0x86f: {  	[tilespmem:v50+s16+$0x0] =	vst.idx.add.f32.msk $0xffff, v4;
	v56 =	vcvt.f32.s32 v51;
	vm10 =	vlt.s32 v52, v32  }
0x870: {  	v63 =	vld [tilespmem:s11+$0xFFFFFE90];
	vm12 =	vlt.s32 v62, v30;
	v52 =	vsel vm10, v52, v32;
	v48 =	vadd.f32 v29, v48  }
0x871: {  	vm13 =	vlt.s32 v56, v30;
	v50 =	vsel vm12, v62, v30;
	[tilespmem:v53+s16+$0x0] =	vst.idx.add.f32.msk $0xffff, v4  }
0x872: {  	v46 =	vsel vm13, v56, v30;
	v48 =	vtrunc.f32 v48;
	v53 =	vld [tilespmem:s8+$0x2800]  }
0x873: {  	[tilespmem:v47+s16+$0x0] =	vst.idx.add.f32.msk $0xffff, v4;
	v48 =	vcvt.f32.s32 v48;
	v49 =	vmul.f32 $2.048000000e+03, v49  }
0x874: {  	v47 =	vld [tilespmem:s30+$0x2700]  }
0x875: {  	[tilespmem:v52+s16+$0x0] =	vst.idx.add.f32.msk $0xffff, v4;
	vm11 =	vlt.s32 v48, v30;
	v49 =	vadd.f32 v31, v49  }
0x876: {  	v54 =	vmul.f32 $2.048000000e+03, v63;
	[tilespmem:v50+s16+$0x0] =	vst.idx.add.f32.msk $0xffff, v4;
	v48 =	vsel vm11, v48, v30  }
0x877: {  	[tilespmem:v46+s16+$0x0] =	vst.idx.add.f32.msk $0xffff, v4;
	v49 =	vtrunc.f32 v49;
	v53 =	vmul.f32 $2.048000000e+03, v53  }
0x878: {  	v52 =	vld [tilespmem:s0+$0xFFFFFEA0];
	v49 =	vcvt.f32.s32 v49  }
0x879: {  	v54 =	vadd.f32 v31, v54;
	v60 =	vld [tilespmem:s0+$0xFFFFFFC0];
	v53 =	vadd.f32 v29, v53  }
0x87a: {  	v47 =	vmul.f32 $2.048000000e+03, v47;
	v63 =	vld [tilespmem:s11+$0xFFFFFFC0];
	vm15 =	vlt.s32 v49, v32  }
0x87b: {  	v54 =	vtrunc.f32 v54;
	[tilespmem:v48+s16+$0x0] =	vst.idx.add.f32.msk $0xffff, v4;
	v49 =	vsel vm15, v49, v32;
	v57 =	vtrunc.f32 v53  }
0x87c: {  	v47 =	vadd.f32 v35, v47;
	v62 =	vcvt.f32.s32 v54;
	v48 =	vld [tilespmem:s7+$0xFFFFFE90];
	v51 =	vcvt.f32.s32 v57  }
0x87d: {  	v59 =	vmul.f32 $2.048000000e+03, v52  }
0x87e: {  	v47 =	vtrunc.f32 v47;
	vm4 =	vlt.s32 v62, v32;
	vm14 =	vlt.s32 v51, v30  }
0x87f: {  	v52 =	vmul.f32 $2.048000000e+03, v60;
	v61 =	vadd.f32 v33, v59;
	v51 =	vsel vm14, v51, v30  }
0x880: {  	v47 =	vcvt.f32.s32 v47;
	v50 =	vsel vm4, v62, v32;
	v54 =	vmul.f32 $2.048000000e+03, v63;
	[tilespmem:v49+s16+$0x0] =	vst.idx.add.f32.msk $0xffff, v4  }
0x881: {  	v52 =	vadd.f32 v31, v52;
	v46 =	vtrunc.f32 v61;
	v48 =	vmul.f32 $2.048000000e+03, v48;
	v49 =	vld [tilespmem:s29+$0xFFFFFFD0]  }
0x882: {  	v58 =	vld [tilespmem:s28+$0xFFFFFFD0];
	v54 =	vadd.f32 v31, v54;
	v46 =	vcvt.f32.s32 v46;
	vm5 =	vlt.s32 v47, v36  }
0x883: {  	v52 =	vtrunc.f32 v52;
	v47 =	vsel vm5, v47, v36;
	v48 =	vadd.f32 v31, v48  }
0x884: {  	vm6 =	vlt.s32 v46, v34;
	v57 =	vcvt.f32.s32 v52;
	[tilespmem:v51+s16+$0x0] =	vst.idx.add.f32.msk $0xffff, v4  }
0x885: {  	v54 =	vtrunc.f32 v54;
	v46 =	vsel vm6, v46, v34;
	v48 =	vtrunc.f32 v48;
	v51 =	vld [tilespmem:s7+$0xFFFFFFC0]  }
0x886: {  	[tilespmem:v50+s16+$0x0] =	vst.idx.add.f32.msk $0xffff, v4;
	v48 =	vcvt.f32.s32 v48;
	v59 =	vmul.f32 $2.048000000e+03, v49;
	vm8 =	vlt.s32 v57, v32  }
0x887: {  	v54 =	vcvt.f32.s32 v54;
	v53 =	vmul.f32 $2.048000000e+03, v58;
	v58 =	vld [tilespmem:s11+$0xFFFFFEA0];
	v50 =	vsel vm8, v57, v32  }
0x888: {  	[tilespmem:v47+s16+$0x0] =	vst.idx.add.f32.msk $0xffff, v4;
	vm7 =	vlt.s32 v48, v32;
	v47 =	vadd.f32 v33, v59  }
0x889: {  	vm9 =	vlt.s32 v54, v32;
	v48 =	vsel vm7, v48, v32  }
0x88a: {  	v47 =	vtrunc.f32 v47;
	v53 =	vadd.f32 v33, v53;
	v51 =	vmul.f32 $2.048000000e+03, v51  }
0x88b: {  	v62 =	vsel vm9, v54, v32;
	[tilespmem:v46+s16+$0x0] =	vst.idx.add.f32.msk $0xffff, v4;
	v47 =	vcvt.f32.s32 v47  }
0x88c: {  	v61 =	vtrunc.f32 v53;
	v52 =	vmul.f32 $2.048000000e+03, v58;
	[tilespmem:v50+s16+$0x0] =	vst.idx.add.f32.msk $0xffff, v4;
	v51 =	vadd.f32 v31, v51  }
0x88d: {  	vm12 =	vlt.s32 v47, v34;
	v63 =	vcvt.f32.s32 v61;
	v50 =	vld [tilespmem:s0+$0xFFFFFFD0]  }
0x88e: {  	[tilespmem:v48+s16+$0x0] =	vst.idx.add.f32.msk $0xffff, v4;
	v47 =	vsel vm12, v47, v34;
	v52 =	vadd.f32 v33, v52;
	v51 =	vtrunc.f32 v51  }
0x88f: {  	v56 =	vld [tilespmem:s7+$0xFFFFFEA0];
	vm11 =	vlt.s32 v63, v34;
	v60 =	vcvt.f32.s32 v51  }
0x890: {  	[tilespmem:v62+s16+$0x0] =	vst.idx.add.f32.msk $0xffff, v4;
	v48 =	vsel vm11, v63, v34;
	v52 =	vtrunc.f32 v52  }
0x891: {  	v58 =	vld [tilespmem:s11+$0xFFFFFFD0];
	v57 =	vcvt.f32.s32 v52;
	vm10 =	vlt.s32 v60, v32  }
0x892: {  	v59 =	vld [tilespmem:s31+$0x2700];
	v50 =	vmul.f32 $2.048000000e+03, v50;
	v49 =	vsel vm10, v60, v32  }
0x893: {  	[tilespmem:v47+s16+$0x0] =	vst.idx.add.f32.msk $0xffff, v4;
	vm13 =	vlt.s32 v57, v34  }
0x894: {  	v61 =	vld [tilespmem:s29+$0xFFFFFFE0];
	v46 =	vsel vm13, v57, v34;
	v50 =	vadd.f32 v33, v50;
	v51 =	vmul.f32 $2.048000000e+03, v56  }
0x895: {  	[tilespmem:v48+s16+$0x0] =	vst.idx.add.f32.msk $0xffff, v4  }
0x896: {  	v52 =	vmul.f32 $2.048000000e+03, v58;
	v48 =	vld [tilespmem:s28+$0xFFFFFFE0];
	v50 =	vtrunc.f32 v50;
	v51 =	vadd.f32 v33, v51  }
0x897: {  	v62 =	vcvt.f32.s32 v50;
	[tilespmem:v49+s16+$0x0] =	vst.idx.add.f32.msk $0xffff, v4  }
0x898: {  	v52 =	vadd.f32 v33, v52;
	v51 =	vtrunc.f32 v51;
	v49 =	vld [tilespmem:s7+$0xFFFFFFD0]  }
0x899: {  	v53 =	vmul.f32 $2.048000000e+03, v59;
	[tilespmem:v46+s16+$0x0] =	vst.idx.add.f32.msk $0xffff, v4;
	vm4 =	vlt.s32 v62, v34;
	v60 =	vcvt.f32.s32 v51  }
0x89a: {  	v52 =	vtrunc.f32 v52;
	v63 =	vld [tilespmem:s20+$0x2700];
	v46 =	vsel vm4, v62, v34  }
0x89b: {  	v58 =	vadd.f32 v35, v53;
	v57 =	vld [tilespmem:s29+$0xFFFFFEC0];
	v52 =	vcvt.f32.s32 v52;
	vm15 =	vlt.s32 v60, v34  }
0x89c: {  	vm14 =	vlt.s32 v44, v36;
	v47 =	vsel vm15, v60, v34  }
0x89d: {  	[tilespmem:v45+s16+$0x0] =	vst.idx.add.f32.msk $0xffff, v4;
	v45 =	vtrunc.f32 v58;
	vm6 =	vlt.s32 v52, v34;
	v49 =	vmul.f32 $2.048000000e+03, v49  }
0x89e: {  	v44 =	vsel vm14, v44, v36;
	v45 =	vcvt.f32.s32 v45;
	v52 =	vsel vm6, v52, v34  }
0x89f: {  	v48 =	vmul.f32 $2.048000000e+03, v48;
	v50 =	vmul.f32 $2.048000000e+03, v63;
	[tilespmem:v46+s16+$0x0] =	vst.idx.add.f32.msk $0xffff, v4;
	v49 =	vadd.f32 v33, v49  }
0x8a0: {  	v51 =	vmul.f32 $2.048000000e+03, v61;
	v61 =	vmul.f32 $2.048000000e+03, v57;
	v57 =	vld [tilespmem:s0+$0xFFFFFFE0]  }
0x8a1: {  	v50 =	vadd.f32 v35, v50;
	[tilespmem:v47+s16+$0x0] =	vst.idx.add.f32.msk $0xffff, v4;
	v49 =	vtrunc.f32 v49  }
0x8a2: {  	vm8 =	vlt.s32 v45, v36;
	v48 =	vadd.f32 v35, v48;
	v62 =	vld [tilespmem:s8+$0x2700];
	v59 =	vcvt.f32.s32 v49  }
0x8a3: {  	v43 =	vtrunc.f32 v43;
	[tilespmem:v44+s16+$0x0] =	vst.idx.add.f32.msk $0xffff, v4;
	v45 =	vsel vm8, v45, v36;
	v50 =	vtrunc.f32 v50  }
0x8a4: {  	v48 =	vtrunc.f32 v48;
	[tilespmem:v52+s16+$0x0] =	vst.idx.add.f32.msk $0xffff, v4;
	v50 =	vcvt.f32.s32 v50;
	vm7 =	vlt.s32 v59, v34  }
0x8a5: {  	v43 =	vcvt.f32.s32 v43;
	v56 =	vcvt.f32.s32 v48;
	v52 =	vld [tilespmem:s11+$0xFFFFFFE0];
	v44 =	vsel vm7, v59, v34  }
0x8a6: {  	v51 =	vadd.f32 v35, v51;
	vm2 =	vlt.s32 v50, v36;
	v48 =	vmul.f32 $2.048000000e+03, v57  }
0x8a7: {  	vm9 =	vlt.s32 v56, v36;
	v60 =	vld [tilespmem:s26+$0xFFFFFFF0];
	v50 =	vsel vm2, v50, v36;
	v53 =	vmul.f32 $2.048000000e+03, v62  }
0x8a8: {  	[tilespmem:v45+s16+$0x0] =	vst.idx.add.f32.msk $0xffff, v4;
	v51 =	vtrunc.f32 v51;
	v47 =	vsel vm9, v56, v36;
	v48 =	vadd.f32 v35, v48  }
0x8a9: {  	v63 =	vadd.f32 v37, v61;
	v61 =	vld [tilespmem:s0+$0xFFFFFEC0];
	v51 =	vcvt.f32.s32 v51;
	v53 =	vadd.f32 v35, v53  }
0x8aa: {  	v52 =	vmul.f32 $2.048000000e+03, v52;
	v48 =	vtrunc.f32 v48;
	[tilespmem:v44+s16+$0x0] =	vst.idx.add.f32.msk $0xffff, v4  }
0x8ab: {  	vm10 =	vlt.s32 v51, v36;
	v48 =	vcvt.f32.s32 v48;
	v53 =	vtrunc.f32 v53;
	v59 =	vld [tilespmem:s7+$0xFFFFFFE0]  }
0x8ac: {  	[tilespmem:v50+s16+$0x0] =	vst.idx.add.f32.msk $0xffff, v4;
	v49 =	vmul.f32 $2.048000000e+03, v60;
	v60 =	vsel vm10, v51, v36;
	v62 =	vcvt.f32.s32 v53  }
0x8ad: {  	vm5 =	vlt.s32 v43, v40;
	v46 =	vtrunc.f32 v63;
	[tilespmem:v47+s16+$0x0] =	vst.idx.add.f32.msk $0xffff, v4;
	vm13 =	vlt.s32 v48, v36  }
0x8ae: {  	v52 =	vadd.f32 v35, v52;
	v50 =	vld [tilespmem:s11+$0xFFFFFEC0];
	v48 =	vsel vm13, v48, v36;
	vm12 =	vlt.s32 v62, v36  }
0x8af: {  	v43 =	vsel vm5, v43, v40;
	v58 =	vcvt.f32.s32 v46;
	v63 =	vld [tilespmem:s28+$0xFFFFFFF0];
	v47 =	vsel vm12, v62, v36  }
0x8b0: {  	v52 =	vtrunc.f32 v52;
	v49 =	vadd.f32 v37, v49;
	v46 =	vmul.f32 $2.048000000e+03, v59  }
0x8b1: {  	vm11 =	vlt.s32 v58, v38;
	v56 =	vcvt.f32.s32 v52;
	v51 =	vmul.f32 $2.048000000e+03, v61;
	[tilespmem:v60+s16+$0x0] =	vst.idx.add.f32.msk $0xffff, v4  }
0x8b2: {  	v49 =	vtrunc.f32 v49;
	v57 =	vld [tilespmem:s29+$0xFFFFFFF0];
	v44 =	vsel vm11, v58, v38;
	v46 =	vadd.f32 v35, v46  }
0x8b3: {  	vm14 =	vlt.s32 v56, v36;
	v50 =	vmul.f32 $2.048000000e+03, v50;
	v49 =	vcvt.f32.s32 v49;
	[tilespmem:v48+s16+$0x0] =	vst.idx.add.f32.msk $0xffff, v4  }
0x8b4: {  	v45 =	vsel vm14, v56, v36;
	v53 =	vmul.f32 $2.048000000e+03, v63;
	[tilespmem:v47+s16+$0x0] =	vst.idx.add.f32.msk $0xffff, v4;
	v46 =	vtrunc.f32 v46  }
0x8b5: {  	vm4 =	vlt.s32 v49, v38;
	v58 =	vadd.f32 v37, v51;
	v61 =	vld [tilespmem:s7+$0xFFFFFEC0];
	v46 =	vcvt.f32.s32 v46  }
0x8b6: {  	v50 =	vadd.f32 v37, v50;
	v60 =	vadd.f32 v37, v53;
	v62 =	vsel vm4, v49, v38;
	v63 =	vld [tilespmem:s0+$0xFFFFFFF0]  }
0x8b7: {  	v52 =	vmul.f32 $2.048000000e+03, v57;
	[tilespmem:v44+s16+$0x0] =	vst.idx.add.f32.msk $0xffff, v4;
	v44 =	vtrunc.f32 v58;
	vm15 =	vlt.s32 v46, v36  }
0x8b8: {  	v50 =	vtrunc.f32 v50;
	v59 =	vld [tilespmem:s29+$0xFFFFFED0];
	v44 =	vcvt.f32.s32 v44;
	v46 =	vsel vm15, v46, v36  }
0x8b9: {  	[tilespmem:v45+s16+$0x0] =	vst.idx.add.f32.msk $0xffff, v4;
	v50 =	vcvt.f32.s32 v50;
	v47 =	vtrunc.f32 v60;
	v52 =	vadd.f32 v37, v52  }
0x8ba: {  	v57 =	vld [tilespmem:s11+$0xFFFFFFF0];
	v47 =	vcvt.f32.s32 v47;
	vm5 =	vlt.s32 v44, v38;
	v53 =	vmul.f32 $2.048000000e+03, v61  }
0x8bb: {  	v54 =	vld [tilespmem:s25+$0x0];
	vm7 =	vlt.s32 v50, v38;
	v49 =	vmul.f32 $2.048000000e+03, v63;
	v44 =	vsel vm5, v44, v38  }
0x8bc: {  	[tilespmem:v62+s16+$0x0] =	vst.idx.add.f32.msk $0xffff, v4;
	v52 =	vtrunc.f32 v52;
	vm6 =	vlt.s32 v47, v38;
	v53 =	vadd.f32 v37, v53  }
0x8bd: {  	v58 =	vsel vm6, v47, v38;
	v56 =	vmul.f32 $2.048000000e+03, v59;
	v59 =	vcvt.f32.s32 v52;
	[tilespmem:v46+s16+$0x0] =	vst.idx.add.f32.msk $0xffff, v4  }
0x8be: {  	v49 =	vadd.f32 v37, v49;
	v61 =	vsel vm7, v50, v38;
	v53 =	vtrunc.f32 v53;
	v60 =	vld [tilespmem:s7+$0xFFFFFFF0]  }
0x8bf: {  	v51 =	vmul.f32 $2.048000000e+03, v57;
	v50 =	vld [tilespmem:s26+$0x0];
	vm8 =	vlt.s32 v59, v38;
	v62 =	vcvt.f32.s32 v53  }
0x8c0: {  	[tilespmem:v44+s16+$0x0] =	vst.idx.add.f32.msk $0xffff, v4;
	v44 =	vsel vm8, v59, v38  }
0x8c1: {  	v49 =	vtrunc.f32 v49;
	v51 =	vadd.f32 v37, v51;
	v53 =	vld [tilespmem:s0+$0xFFFFFED0];
	vm9 =	vlt.s32 v62, v38  }
0x8c2: {  	v63 =	vcvt.f32.s32 v49;
	[tilespmem:v58+s16+$0x0] =	vst.idx.add.f32.msk $0xffff, v4;
	v47 =	vsel vm9, v62, v38  }
0x8c3: {  	v57 =	vtrunc.f32 v51;
	[tilespmem:v61+s16+$0x0] =	vst.idx.add.f32.msk $0xffff, v4;
	v52 =	vmul.f32 $2.048000000e+03, v60  }
0x8c4: {  	v54 =	vmul.f32 $2.048000000e+03, v54;
	v45 =	vadd.f32 v39, v56;
	v48 =	vcvt.f32.s32 v57;
	v61 =	vld [tilespmem:s28+$0x0]  }
0x8c5: {  	vm10 =	vlt.s32 v63, v38;
	[tilespmem:v44+s16+$0x0] =	vst.idx.add.f32.msk $0xffff, v4;
	v58 =	vadd.f32 v37, v52  }
0x8c6: {  	v59 =	vadd.f32 v39, v54;
	vm12 =	vlt.s32 v48, v38;
	v56 =	vmul.f32 $2.048000000e+03, v53;
	v53 =	vld [tilespmem:s29+$0x0]  }
0x8c7: {  	v45 =	vtrunc.f32 v45;
	v48 =	vsel vm12, v48, v38;
	[tilespmem:v47+s16+$0x0] =	vst.idx.add.f32.msk $0xffff, v4;
	v49 =	vtrunc.f32 v58  }
0x8c8: {  	v50 =	vmul.f32 $2.048000000e+03, v50;
	v46 =	vsel vm10, v63, v38;
	v60 =	vld [tilespmem:s11+$0xFFFFFED0];
	v62 =	vcvt.f32.s32 v49  }
0x8c9: {  	v45 =	vcvt.f32.s32 v45;
	v63 =	vtrunc.f32 v59;
	v59 =	vld [tilespmem:s7+$0xFFFFFED0]  }
0x8ca: {  	v50 =	vadd.f32 v39, v50;
	v61 =	vmul.f32 $2.048000000e+03, v61;
	vm13 =	vlt.s32 v62, v38  }
0x8cb: {  	[tilespmem:v42+s16+$0x0] =	vst.idx.add.f32.msk $0xffff, v4;
	v57 =	vadd.f32 v39, v56;
	v53 =	vmul.f32 $2.048000000e+03, v53;
	v44 =	vsel vm13, v62, v38  }
0x8cc: {  	v50 =	vtrunc.f32 v50;
	[tilespmem:v48+s16+$0x0] =	vst.idx.add.f32.msk $0xffff, v4;
	v47 =	vadd.f32 v39, v61;
	v49 =	vcvt.f32.s32 v63  }
0x8cd: {  	[tilespmem:v46+s16+$0x0] =	vst.idx.add.f32.msk $0xffff, v4;
	v53 =	vadd.f32 v39, v53;
	v58 =	vmul.f32 $2.048000000e+03, v60;
	v60 =	vtrunc.f32 v57  }
0x8ce: {  	vm11 =	vlt.s32 v45, v40;
	v63 =	vcvt.f32.s32 v50;
	v57 =	vld [tilespmem:s11+$0x0];
	v52 =	vmul.f32 $2.048000000e+03, v59  }
0x8cf: {  	v45 =	vsel vm11, v45, v40;
	v59 =	vtrunc.f32 v47;
	v61 =	vtrunc.f32 v53;
	v62 =	vld [tilespmem:s0+$0x0]  }
0x8d0: {  	v46 =	vcvt.f32.s32 v60;
	v42 =	vcvt.f32.s32 v61;
	vm14 =	vlt.s32 v49, v40;
	[tilespmem:v44+s16+$0x0] =	vst.idx.add.f32.msk $0xffff, v4  }
0x8d1: {  	v51 =	vadd.f32 v39, v58;
	vm4 =	vlt.s32 v63, v40;
	v52 =	vadd.f32 v39, v52;
	v60 =	vld [tilespmem:s7+$0x0]  }
0x8d2: {  	v49 =	vsel vm14, v49, v40;
	vm15 =	vlt.s32 v46, v40;
	v48 =	vsel vm4, v63, v40  }
0x8d3: {  	v56 =	vtrunc.f32 v51;
	v58 =	vsel vm15, v46, v40;
	v46 =	vcvt.f32.s32 v59  }
0x8d4: {  	vm8 =	vlt.s32 v42, v40;
	v52 =	vtrunc.f32 v52;
	v51 =	vmul.f32 $2.048000000e+03, v57  }
0x8d5: {  	v42 =	vsel vm8, v42, v40;
	v50 =	vcvt.f32.s32 v56;
	v54 =	vmul.f32 $2.048000000e+03, v62  }
0x8d6: {  	v52 =	vcvt.f32.s32 v52;
	v51 =	vadd.f32 v39, v51;
	v47 =	vmul.f32 $2.048000000e+03, v60  }
0x8d7: {  	vm6 =	vlt.s32 v46, v40;
	vm5 =	vlt.s32 v50, v40;
	v54 =	vadd.f32 v39, v54  }
0x8d8: {  	[tilespmem:v43+s16+$0x0] =	vst.idx.add.f32.msk $0xffff, v4;
	v46 =	vsel vm6, v46, v40;
	v51 =	vtrunc.f32 v51;
	v47 =	vadd.f32 v39, v47  }
0x8d9: {  	[tilespmem:v45+s16+$0x0] =	vst.idx.add.f32.msk $0xffff, v4;
	vm7 =	vlt.s32 v52, v40;
	v53 =	vcvt.f32.s32 v51;
	v62 =	vtrunc.f32 v54  }
0x8da: {  	v50 =	vsel vm5, v50, v40;
	[tilespmem:v49+s16+$0x0] =	vst.idx.add.f32.msk $0xffff, v4;
	v45 =	vcvt.f32.s32 v62;
	v47 =	vtrunc.f32 v47  }
0x8db: {  	v63 =	vsel vm7, v52, v40;
	[tilespmem:v48+s16+$0x0] =	vst.idx.add.f32.msk $0xffff, v4;
	vm10 =	vlt.s32 v53, v40;
	v47 =	vcvt.f32.s32 v47  }
0x8dc: {  	[tilespmem:v58+s16+$0x0] =	vst.idx.add.f32.msk $0xffff, v4;
	v44 =	vsel vm10, v53, v40;
	vm9 =	vlt.s32 v45, v40  }
0x8dd: {  	[tilespmem:v42+s16+$0x0] =	vst.idx.add.f32.msk $0xffff, v4;
	v45 =	vsel vm9, v45, v40;
	vm11 =	vlt.s32 v47, v40  }
0x8de: {  	[tilespmem:v46+s16+$0x0] =	vst.idx.add.f32.msk $0xffff, v4;
	v54 =	vsel vm11, v47, v40  }
0x8df: {  	[tilespmem:v50+s16+$0x0] =	vst.idx.add.f32.msk $0xffff, v4  }
0x8e0: {  	[tilespmem:v63+s16+$0x0] =	vst.idx.add.f32.msk $0xffff, v4  }
0x8e1: {  	[tilespmem:v44+s16+$0x0] =	vst.idx.add.f32.msk $0xffff, v4  }
0x8e2: {  	s30 =	simm.s32 $0x10;
	[tilespmem:v45+s16+$0x0] =	vst.idx.add.f32.msk $0xffff, v4  }
0x8e3: {  	s31 =	simm.s32 $0x0;
	s0 =	sand.u32 $0x1F0, s30;
	[tilespmem:v54+s16+$0x0] =	vst.idx.add.f32.msk $0xffff, v4  }
0x8e4: {  	s7 =	sand.u32 $0x1E0, s31;
	v43 =	vld [tilespmem:s0+$0x4E00]  }
0x8e5: {  	s11 =	simm.s32 $0x20;
	v44 =	vld [tilespmem:s7+$0x4E00]  }
0x8e6: {  	s10 =	simm.s32 $0x30;
	s12 =	sand.u32 $0x1E0, s11  }
0x8e7: {  	s0 =	sand.u32 $0x1F0, s10;
	v49 =	vld [tilespmem:s12+$0x4E00]  }
0x8e8: {  	s14 =	simm.s32 $0x50;
	s8 =	simm.s32 $0x2730;
	v46 =	vld [tilespmem:s0+$0x4E00]  }
0x8e9: {  	s9 =	simm.s32 $0x2600;
	s7 =	sand.u32 $0x1F0, s14;
	v55 =	vadd.s32 s8, v43  }
0x8ea: {  	v51 =	vld [tilespmem:s7+$0x4E00];
	v56 =	vadd.s32 s9, v44;
	v42 =	vadd.s32 v41, v55  }
0x8eb: {  	s15 =	simm.s32 $0x2860;
	v45 =	vadd.s32 v41, v56  }
0x8ec: {  	s13 =	simm.s32 $0x2990;
	s22 =	simm.s32 $0x60;
	v59 =	vadd.s32 s15, v49  }
0x8ed: {  	s25 =	sand.u32 $0x1E0, s22;
	v58 =	vadd.s32 s13, v46;
	v48 =	vadd.s32 v41, v59  }
0x8ee: {  	s19 =	simm.s32 $0x2BF0;
	v55 =	vshll.u32 v43, $0xB;
	v43 =	vld [tilespmem:s25+$0x4E00];
	v60 =	vadd.s32 v41, v58  }
0x8ef: {  	s17 =	simm.s32 $0x40;
	v61 =	vadd.s32 s19, v51;
	v57 =	vld.idx.msk [tilespmem:v42+s2+$0x0], $0xffff  }
0x8f0: {  	s0 =	sand.u32 $0x1E0, s17;
	v52 =	vadd.s32 v41, v61;
	v45 =	vld.idx.msk [tilespmem:v45+s2+$0x0], $0xffff  }
0x8f1: {  	v42 =	vld [tilespmem:s0+$0x4E00]  }
0x8f2: {  	s21 =	simm.s32 $0x70;
	v48 =	vld.idx.msk [tilespmem:v48+s2+$0x0], $0xffff  }
0x8f3: {  	s0 =	sand.u32 $0x1F0, s21;
	v50 =	vld.idx.msk [tilespmem:v60+s2+$0x0], $0xffff  }
0x8f4: {  	v54 =	vld [tilespmem:s0+$0x4E00]  }
0x8f5: {  	s20 =	simm.s32 $0x2AC0;
	v44 =	vshll.u32 v44, $0xB;
	v56 =	vld.idx.msk [tilespmem:v52+s2+$0x0], $0xffff;
	v45 =	vmul.f32 $2.048000000e+03, v45  }
0x8f6: {  	s28 =	simm.s32 $0x2D20;
	v49 =	vshll.u32 v49, $0xB;
	v46 =	vshll.u32 v46, $0xB;
	v62 =	vadd.s32 s20, v42  }
0x8f7: {  	v60 =	vadd.s32 s28, v43;
	v53 =	vadd.s32 v41, v62;
	v45 =	vtrunc.f32 v45  }
0x8f8: {  	s26 =	simm.s32 $0x2E50;
	s29 =	simm.s32 $0x90;
	v59 =	vadd.s32 v41, v60;
	v47 =	vmul.f32 $2.048000000e+03, v57;
	v45 =	vcvt.f32.s32 v45  }
0x8f9: {  	s0 =	sand.u32 $0x1F0, s29;
	v48 =	vmul.f32 $2.048000000e+03, v48;
	v50 =	vmul.f32 $2.048000000e+03, v50;
	v63 =	vadd.s32 s26, v54  }
0x8fa: {  	v52 =	vld [tilespmem:s0+$0x4E00];
	v62 =	vmul.f32 $2.048000000e+03, v56;
	v47 =	vtrunc.f32 v47;
	vm12 =	vlt.s32 v45, $0x7FF  }
0x8fb: {  	v61 =	vtrunc.f32 v48;
	v47 =	vcvt.f32.s32 v47;
	v45 =	vnsel vm12, $0x7FF, v45  }
0x8fc: {  	s30 =	simm.s32 $0x80;
	v58 =	vadd.s32 v41, v63;
	v60 =	vcvt.f32.s32 v61;
	v53 =	vld.idx.msk [tilespmem:v53+s2+$0x0], $0xffff;
	v44 =	vadd.s32 v45, v44  }
0x8fd: {  	s31 =	sand.u32 $0x1E0, s30;
	v50 =	vtrunc.f32 v50;
	vm13 =	vlt.s32 v47, $0x7FF;
	v57 =	vadd.s32 $0x9800, v44  }
0x8fe: {  	s0 =	simm.s32 $0x30B0;
	v61 =	vcvt.f32.s32 v50;
	vm14 =	vlt.s32 v60, $0x7FF;
	v45 =	vnsel vm13, $0x7FF, v47;
	v47 =	vld [tilespmem:s31+$0x4E00]  }
0x8ff: {  	v48 =	vshll.u32 v51, $0xB;
	v56 =	vadd.s32 s0, v52;
	v63 =	vnsel vm14, $0x7FF, v60  }
0x900: {  	v51 =	vld.idx.msk [tilespmem:v59+s2+$0x0], $0xffff;
	vm15 =	vlt.s32 v61, $0x7FF;
	v49 =	vadd.s32 v63, v49;
	v45 =	vadd.s32 v45, v55  }
0x901: {  	v50 =	vld.idx.msk [tilespmem:v58+s2+$0x0], $0xffff;
	v44 =	vshll.u32 v54, $0xB;
	v45 =	vadd.s32 $0x9800, v45;
	v54 =	vmul.f32 $2.048000000e+03, v53  }
0x902: {  	s7 =	simm.s32 $0xB0;
	s8 =	simm.s32 $0x2F80;
	v55 =	vtrunc.f32 v62;
	v49 =	vadd.s32 $0x9800, v49;
	v53 =	vnsel vm15, $0x7FF, v61;
	[tilespmem:v57+s16+$0x0] =	vst.idx.add.f32.msk $0xffff, v4  }
.LBB2_11:
0x903: {  	s9 =	sadd.s32 $0xFFFFFFF0, s7;
	s10 =	sand.u32 $0x1F0, s7;
	s1 =	sadd.s32 $0x2, s1;
	v57 =	vadd.s32 s8, v47;
	v56 =	vadd.s32 v41, v56;
	v54 =	vtrunc.f32 v54;
	v58 =	vmovc v47  }
0x904: {  	v55 =	vcvt.f32.s32 v55;
	s8 =	sand.u32 $0x1E0, s9;
	v59 =	vld [tilespmem:s10+$0x4E00];
	p0 =	slt.u32 s1, $0x1E;
	v57 =	vadd.s32 v41, v57;
	v54 =	vcvt.f32.s32 v54  }
.Ltmp4:
0x905: {  	v53 =	vadd.s32 v53, v46;
	v46 =	vmovc v48;
	v48 =	vmov v44;
	v44 =	vshll.u32 v52, $0xB;
	v47 =	vld [tilespmem:s8+$0x4E00];
	(pc) =	sbr.rel @p0 .LBB2_11-.Ltmp4, $4  }
0x906: {  	vm1 =	vlt.s32 v55, $0x7FF;
	vm0 =	vlt.s32 v54, $0x7FF;
	[tilespmem:v45+s16+$0x0] =	vst.idx.add.f32.msk $0xffff, v4;
	v45 =	vadd.s32 $0x9800, v53  }
0x907: {  	v60 =	vshll.u32 v42, $0xB;
	v42 =	vmovc v43;
	v43 =	vmovc v58;
	v61 =	vmul.f32 $2.048000000e+03, v50;
	v53 =	vnsel vm0, $0x7FF, v54;
	[tilespmem:v49+s16+$0x0] =	vst.idx.add.f32.msk $0xffff, v4  }
0x908: {  	s0 =	sadd.s32 $0x260, s0;
	v54 =	vmul.f32 $2.048000000e+03, v51;
	v50 =	vld.idx.msk [tilespmem:v56+s2+$0x0], $0xffff;
	v49 =	vadd.s32 v53, v60;
	v53 =	vnsel vm1, $0x7FF, v55  }
0x909: {  	s7 =	sadd.s32 $0x20, s7;
	s8 =	sadd.s32 $0xFFFFFED0, s0;
	v55 =	vtrunc.f32 v61;
	v56 =	vadd.s32 s0, v59;
	v51 =	vld.idx.msk [tilespmem:v57+s2+$0x0], $0xffff;
	v49 =	vadd.s32 $0x9800, v49;
	v52 =	vmovc v59  }
0x90a: {  	v57 =	vadd.s32 s8, v47;
	v59 =	vadd.s32 v41, v56  }
0x90b: {  	v57 =	vadd.s32 v41, v57;
	_ =	sdelay $0x2  }
0x90c: {  	v54 =	vtrunc.f32 v54;
	v55 =	vcvt.f32.s32 v55;
	v52 =	vshll.u32 v52, $0xB  }
0x90d: {  	v46 =	vadd.s32 v53, v46;
	v42 =	vshll.u32 v42, $0xB;
	v54 =	vcvt.f32.s32 v54;
	v41 =	vld.idx.msk [tilespmem:v59+s2+$0x0], $0xffff  }
0x90e: {  	v43 =	vshll.u32 v43, $0xB;
	v63 =	vshll.u32 v47, $0xB;
	vm1 =	vlt.s32 v55, $0x7FF;
	v60 =	vld.idx.msk [tilespmem:v57+s2+$0x0], $0xffff  }
0x90f: {  	vm0 =	vlt.s32 v54, $0x7FF;
	v50 =	vmul.f32 $2.048000000e+03, v50;
	v51 =	vmul.f32 $2.048000000e+03, v51  }
0x910: {  	v46 =	vadd.s32 $0x9800, v46;
	v61 =	vnsel vm1, $0x7FF, v55;
	v54 =	vnsel vm0, $0x7FF, v54  }
0x911: {  	v48 =	vadd.s32 v61, v48;
	v50 =	vtrunc.f32 v50;
	v51 =	vtrunc.f32 v51  }
0x912: {  	v42 =	vadd.s32 v54, v42;
	v50 =	vcvt.f32.s32 v50;
	v41 =	vmul.f32 $2.048000000e+03, v41  }
0x913: {  	v48 =	vadd.s32 $0x9800, v48;
	v51 =	vcvt.f32.s32 v51;
	v53 =	vmul.f32 $2.048000000e+03, v60  }
0x914: {  	v42 =	vadd.s32 $0x9800, v42;
	vm13 =	vlt.s32 v50, $0x7FF;
	v41 =	vtrunc.f32 v41  }
0x915: {  	vm12 =	vlt.s32 v51, $0x7FF;
	v53 =	vtrunc.f32 v53;
	v41 =	vcvt.f32.s32 v41  }
0x916: {  	v50 =	vnsel vm13, $0x7FF, v50;
	v51 =	vnsel vm12, $0x7FF, v51;
	v53 =	vcvt.f32.s32 v53  }
0x917: {  	v44 =	vadd.s32 v50, v44;
	v43 =	vadd.s32 v51, v43;
	vm15 =	vlt.s32 v41, $0x7FF  }
0x918: {  	[tilespmem:v45+s16+$0x0] =	vst.idx.add.f32.msk $0xffff, v4;
	v44 =	vadd.s32 $0x9800, v44;
	vm14 =	vlt.s32 v53, $0x7FF;
	v41 =	vnsel vm15, $0x7FF, v41  }
0x919: {  	[tilespmem:v49+s16+$0x0] =	vst.idx.add.f32.msk $0xffff, v4;
	v43 =	vadd.s32 $0x9800, v43;
	v62 =	vnsel vm14, $0x7FF, v53;
	v41 =	vadd.s32 v41, v52  }
0x91a: {  	s24 =	sadd.s32 $0x1, s24;
	[tilespmem:v46+s16+$0x0] =	vst.idx.add.f32.msk $0xffff, v4;
	v45 =	vadd.s32 v62, v63;
	v41 =	vadd.s32 $0x9800, v41  }
0x91b: {  	p0 =	sne.s32 s24, $0x20;
	[tilespmem:v48+s16+$0x0] =	vst.idx.add.f32.msk $0xffff, v4;
	v45 =	vadd.s32 $0x9800, v45  }
.Ltmp5:
0x91c: {  	[tilespmem:v42+s16+$0x0] =	vst.idx.add.f32.msk $0xffff, v4;
	(pc) =	sbr.rel @p0 .LBB2_4-.Ltmp5, $4  }
0x91d: {  	[tilespmem:v44+s16+$0x0] =	vst.idx.add.f32.msk $0xffff, v4  }
0x91e: {  	[tilespmem:v43+s16+$0x0] =	vst.idx.add.f32.msk $0xffff, v4  }
0x91f: {  	[tilespmem:v41+s16+$0x0] =	vst.idx.add.f32.msk $0xffff, v4  }
0x920: {  	[tilespmem:v45+s16+$0x0] =	vst.idx.add.f32.msk $0xffff, v4  }
0x921: {  	s0 =	rddreg [dreg:$0x4]  }
0x922: {  	s1 =	simm.s32 $0x80;
	s7 =	simm.s32 $0x400;
	s29 =	simm.s32 $0x5  }
0x923: {  	[hbm4b:s0+s1] =	stream.strided.scatter [tilespmem:s16], [sflag:$0x5], $0x13000, s7, s1, $0x38;
	[tilespmem:$0x18000] =	vst v63  }
0x924: {  	_ =	swait.ge [sflag:s29], $0x13000  }
0x925: {  	s30 =	rddreg [dreg:$0x6]  }
0x926: {  	s31 =	rddreg [dreg:$0x5];
	s7 =	sadd.s32 $0x1, s30  }
0x927: {  	p0 =	sne.s32 s7, s31  }
.Ltmp6:
0x928: {  	_ = 	snop;
	(pc) =	sbr.rel @p0 .LBB2_1-.Ltmp6, $3  }
0x929: {  	_ =	sdelay $0x1  }
0x92a: {  	[sflag:s29] =	ssyncset.done $0x0  }
0x92b: {  	[sflag:s29] =	ssyncadd.s32 $0xFFFED000  }
0x92c: {  	_ =	sfence.sel $0x180000  }
0x92d: {  	[bflag:$0x0] =	sbarrier.arrive $0xFFFF  }
0x92e: {  	_ =	strace $0x9000004A  }
0x92f: {  	s0 =	stileid.u32;
	[bflag:$0x2] =	sbarrier.arrive $0xFFFF  }
0x930: {  	p0 =	sne.s32 s0, $0x0;
	s0 =	rddreg [dreg:$0x1]  }
0x931: {  	s0 =	sadd.s32 @!p0 $0x100000, s0  }
0x932: {  	[sflag:s0] =	ssyncadd.tile.s32 @!p0 $0x1;
	_ =	shalt  }
.Lfunc_end2:
_tile_overlayer_lowered:
.L_overlay_start_2:
0x933: {  	(tag) =	ssettag $0x2  }
0x934: {  	s0 =	rddreg [dreg:$0x0];
	s2 =	stileid.u32  }
0x935: {  	s1 =	rddreg [dreg:$0x1];
	p0 =	sne.s32 s2, $0x0  }
0x936: {  	s3 =	rddreg [dreg:$0x2];
	[bflag:$0x3] =	sbarrier.arrive $0xFFFF;
	s2 =	simm.s32 @!p0 $0x1C05  }
0x937: {  	[timem:s3], [sflag:s2] =	dma.local @!p0 [hbm:s0], s1  }
0x938: {  	s0 =	simm.s32 @!p0 $0x5  }
0x939: {  	_ =	swait.ge @!p0 [sflag:s0], s1  }
0x93a: {  	s1 =	ssub.s32 @!p0 $0x0, s1;
	[sflag:s0] =	ssyncset.done @!p0 $0x0  }
0x93b: {  	[sflag:s0] =	ssyncadd.s32 @!p0 s1  }
0x93c: {  	[bflag:$0x3] =	sbarrier.arrive $0xFFFF  }
0x93d: {  	_ =	shalt  }

// kernel: sparse-core-data-format-call.cloned.1.call-start
scs
called_computation_lowered:
.L_overlay_start_0:
0x0: {  	s2 =	sld [smem:$0x3FD9]  }
0x1: {  	s3 =	sld [smem:$0x3FFE];
	_ =	sdelay $0x1  }
0x2: {  	s1 =	srdreg.scid  }
0x3: {  	s0 =	sand.u32 $0x1, s1  }
0x4: {  	s18 =	sshll.u32 s0, $0xA;
	s2 =	sadd.s32 s3, s2  }
0x5: {  	s2 =	sadd.s32 s2, s18  }
0x6: {  	[smem:$0x3FC6] =	sst s2  }
0x7: {  	_ = 	snop  }
0x8: {  	s2 =	sld [smem:$0x3FC9];
	(tm) =	ssettm $0x1  }
0x9: {  	s19 =	sld [smem:$0x3FFB];
	_ =	sdelay $0x3  }
0xa: {  	_ =	strace s19  }
0xb: {  	s3 =	sld [smem:$0x3FFC];
	_ =	sdelay $0x3  }
0xc: {  	_ =	strace s3  }
0xd: {  	s3 =	sld [smem:$0x3FFD];
	_ =	sdelay $0x3  }
0xe: {  	_ =	strace s3  }
0xf: {  	_ =	strace $0x8FFFFFFF  }
0x10: {  	s20 =	sld [smem:$0x3FDB];
	_ =	sdelay $0x1  }
0x11: {  	s4 =	simm.s32 $_scs_section_size  }
0x12: {  	s5 =	simm.s32 $_size__tile_overlayer_lowered;
	s6 =	simm.s32 $_tile_overlayer_lowered  }
0x13: {  	s23 =	simm.s32 $0x1BFF;
	s22 =	sshll.u32 s6, $0x1;
	s3 =	sadd.s32 s4, s20  }
0x14: {  	s7 =	simm.s32 $0x0;
	s21 =	sshll.u32 s5, $0x1;
	s5 =	sadd.s32 s22, s3  }
0x15: {  	[timem:s7], [sflag:s23] =	dma.local [hbm:s5], s21  }
0x16: {  	_ =	swait.ge [sflag:s23], s21  }
0x17: {  	s4 =	ssub.s32 $0x0, s21;
	[sflag:s23] =	ssyncset.done $0x0  }
0x18: {  	[sflag:s23] =	ssyncadd.s32 s4;
	_ =	sdelay $0x1  }
0x19: {  	s24 =	simm.s32 $0x1B8B  }
0x1a: {  	_ =	swait.ge [sflag:s24], $0x1  }
0x1b: {  	[sflag:s24] =	ssyncset.done $0x0  }
0x1c: {  	s26 =	simm.s32 $0x1B8E;
	s25 =	sld [smem:$0x3FFE];
	[sflag:s24] =	ssyncadd.s32 $0xFFFFFFFF  }
0x1d: {  	s27 =	simm.s32 $execute0_lowered;
	[smem:$0x3FD2] =	sst s26  }
0x1e: {  	s5 =	sshll.u32 s27, $0x1;
	_ =	strace $0x80000046;
	[dreg:$0x1] =	wrdreg $0xFFFFFFFF  }
0x1f: {  	s28 =	simm.s32 $_size_execute0_lowered;
	s3 =	sadd.s32 s3, s5;
	[dreg:$0x0] =	wrdreg $0x0  }
0x20: {  	s5 =	sshll.u32 s28, $0x1;
	[dreg:$0x2] =	wrdreg s3  }
0x21: {  	[dreg:$0x3] =	wrdreg s5  }
0x22: {  	[dreg:$0x4] =	wrdreg $0xC0  }
0x23: {  	_ =	task [dreg:s7], $0x5FFFF  }
0x24: {  	[dreg:$0x1] =	wrdreg $0xFFFFFFFF  }
0x25: {  	[dreg:$0x0] =	wrdreg $0x60  }
0x26: {  	[dreg:$0x2] =	wrdreg s2  }
0x27: {  	[dreg:$0x3] =	wrdreg s25  }
0x28: {  	[dreg:$0x4] =	wrdreg $0x9  }
0x29: {  	_ =	task.clear_ibuf [dreg:s7], $0x5FFFF;
	_ =	strace $0x90000046  }
0x2a: {  	s29 =	simm.s32 $0x9;
	_ =	strace $0x80000048  }
0x2b: {  	_ =	swait.ge [sflag:s29], $0x1  }
0x2c: {  	[sflag:s29] =	ssyncadd.s32 $0xFFFFFFFF  }
0x2d: {  	_ =	strace $0x90000048  }
0x2e: {  	_ =	sfence  }
0x2f: {  	s30 =	sld [smem:$0x0];
	_ =	sdelay $0x2  }
0x30: {  	s31 =	sshll.u32 s1, $0xD;
	s1 =	sshrl.u32 s1, $0x2  }
0x31: {  	s3 =	sand.u32 $0x4000, s31;
	s1 =	sadd.s32 s1, s30  }
0x32: {  	s0 =	sor.u32 s3, s0;
	s1 =	sshll.u32 s1, $0x11  }
0x33: {  	s0 =	sor.u32 s1, s0  }
0x34: {  	s0 =	sadd.s32 $0x8F2B, s0  }
0x35: {  	[sflag:s0] =	ssyncadd.remote.s32 $0x1  }
0x36: {  	_ =	sfence.sel $0xFFFF  }
0x37: {  	[dreg:$0x0] =	wrdreg $0xFFFFFFFF;
	(pc) =	sbr.abs _section_cstart, $3  }
0x38: {  	[dreg:$0x1] =	wrdreg $0xFFFFFFFF  }
0x39: {  	_ =	task.clear_ibuf [dreg:s7], $0x2FFFF;
	_ =	strace $0x9FFFFFFF  }
0x3a: {  	(tm) =	ssettm $0x7FFFFFFF  }
0x3b: {  	_ =	shalt  }
tec
execute0_lowered:
.L_overlay_start_1:
0x0: {  	(tag) =	ssettag $0x1  }
0x1: {  	s0 =	srdreg.scid  }
0x2: {  	s1 =	sshll.u32 s0, $0x4  }
0x3: {  	s2 =	rddreg [dreg:$0x0];
	s0 =	stileid.u32;
	s1 =	sand.u32 $0x10, s1  }
0x4: {  	s4 =	rddreg [dreg:$0x1];
	s7 =	simm.s32 $0x1;
	s1 =	sor.u32 s0, s1  }
0x5: {  	s8 =	simm.s32 $0x2;
	s9 =	simm.s32 $0x0;
	s3 =	sshll.u32 s1, $0x2  }
0x6: {  	s12 =	simm.s32 $0x0;
	s11 =	simm.s32 $0x0;
	s6 =	ssub.s32 $0x1300, s3  }
.Ltmp0:
0x7: {  	s4 =	sadd.s32 $0xA00, s4;
	s5 =	sand.u32 $0x7C, s6;
	(pc) =	sbr.rel .LBB1_1-.Ltmp0, $4  }
0x8: {  	s1 =	rddreg [dreg:$0x2];
	_ =	strace $0x80000047;
	p0 =	sne.s32 s5, $0x0  }
0x9: {  	s6 =	sshrl.u32 s6, $0x7;
	s5 =	simm.s32 $0x1;
	s7 =	simm.s32 @!p0 $0x0  }
0xa: {  	s10 =	smov.u32 s3;
	[sflag:s5] =	ssyncpa.u1 $0x0;
	s6 =	sadd.s32 s7, s6  }
0xb: {  	[sflag:s8] =	ssyncpa.u1 $0x0;
	s8 =	simm.s32 $0x0;
	s7 =	sadd.s32 $0x1, s6  }
.LBB1_9:
0xc: {  	s14 =	sadd.s32 $0x80, s10  }
0xd: {  	p1 =	sgt.s32 s14, $0x12FF  }
0xe: {  	s14 =	smov.u32 @p1 s3;
	p1 =	sne.s32 s11, s7  }
.Ltmp1:
0xf: {  	p0 =	slt.u32 s11, $0x2;
	(pc) =	sbr.rel @!p1 .LBB1_10-.Ltmp1, $4  }
0x10: {  	s13 =	simm.s32 @!p0 $0x2  }
0x11: {  	s15 =	sadd.s32 $0x1, s11;
	_ =	swait.ge @!p0 [sflag:s13], $0x4000  }
0x12: {  	s12 =	smov.u32 s10;
	s9 =	sadd.s32 $0x4000, s9;
	[sflag:s13] =	ssyncset.done @!p0 $0x0  }
0x13: {  	s11 =	smov.u32 s15;
	s10 =	smov.u32 s14;
	[sflag:s13] =	ssyncadd.s32 @!p0 $0xFFFFC000  }
.LBB1_1:
0x14: {  	p0 =	sge.u32 s11, s6  }
0x15: {  	s13 =	sxor.u32 @!p0 $0xFFFFFFFF, s11  }
0x16: {  	s31 =	sadd.s32 $0xFFFFFFFF, s11;
	s14 =	sshll.u32 @!p0 s10, $0x9;
	s13 =	sshll.u32 @!p0 s13, $0xE  }
0x17: {  	s15 =	simm.s32 @!p0 $0x0;
	s14 =	sadd.s32 @!p0 s2, s14;
	s13 =	sand.u32 @!p0 $0x4000, s13  }
0x18: {  	[tilespmem:s13], [sflag:$0x1] =	stream.linear.gather @!p0 [hbm4b:s14+s15], $0x4000, $0x38;
	[tilespmem:$0x10000] =	vst v63  }
0x19: {  	p0 =	sge.u32 s31, s6  }
.Ltmp2:
0x1a: {  	_ = 	snop;
	(pc) =	sbr.rel @p0 .LBB1_9-.Ltmp2, $1  }
0x1b: {  	_ =	sdelay $0x3  }
0x1c: {  	s14 =	sand.u32 $0x4000, s9  }
0x1d: {  	_ =	swait.ge [sflag:s5], $0x4000;
	s15 =	sshll.u32 s11, $0xE;
	s16 =	simm.s32 $0x0  }
0x1e: {  	s13 =	sor.u32 $0x40, s14;
	[sflag:s5] =	ssyncset.done $0x0;
	s15 =	sand.u32 $0x4000, s15  }
0x1f: {  	s14 =	sor.u32 $0x8040, s14;
	[sflag:s5] =	ssyncadd.s32 $0xFFFFC000;
	s15 =	sor.u32 $0x8000, s15  }
.LBB1_3:
0x20: {  	s17 =	smov.u32 s14;
	s18 =	smov.u32 s13;
	s19 =	simm.s32 $0x0  }
.LBB1_4:
0x21: {  	v0 =	vmov s17;
	v2 =	vld [tilespmem:s18+$0x30]  }
0x22: {  	v4 =	vld [tilespmem:s18+$0xFFFFFFD0]  }
0x23: {  	v6 =	vld [tilespmem:s18+$0xFFFFFFE0]  }
0x24: {  	v7 =	vld [tilespmem:s18+$0xFFFFFFF0]  }
0x25: {  	s20 =	simm.s32 $0x0;
	v1 =	vld [tilespmem:s18+$0x0]  }
0x26: {  	v3 =	vld [tilespmem:s18+$0x10];
	[tilespmem:v0+s20+$0x30 ss:$0x1] =	vst.idx.msk $0xffff, v2  }
0x27: {  	v5 =	vld [tilespmem:s18+$0x20];
	[tilespmem:v0+s20+$0xFFFFFFD0 ss:$0x1] =	vst.idx.msk $0xffff, v4  }
0x28: {  	s21 =	sadd.s32 $0x80, s18;
	v2 =	vld [tilespmem:s18+$0xFFFFFFC0];
	[tilespmem:v0+s20+$0xFFFFFFE0 ss:$0x1] =	vst.idx.msk $0xffff, v6  }
0x29: {  	s22 =	simm.s32 $0x800;
	s23 =	simm.s32 $0x1000;
	v4 =	vld [tilespmem:s21+$0x30];
	[tilespmem:v0+s20+$0xFFFFFFF0 ss:$0x1] =	vst.idx.msk $0xffff, v7  }
.LBB1_5:
0x2a: {  	p0 =	sne.s32 s23, $0x3800;
	v6 =	vld [tilespmem:s21+$0xFFFFFFD0];
	[tilespmem:v0+s20+$0x0 ss:$0x1] =	vst.idx.msk $0xffff, v1  }
0x2b: {  	v7 =	vld [tilespmem:s21+$0xFFFFFFE0];
	[tilespmem:v0+s20+$0x10 ss:$0x1] =	vst.idx.msk $0xffff, v3  }
0x2c: {  	v8 =	vld [tilespmem:s21+$0xFFFFFFF0];
	[tilespmem:v0+s20+$0x20 ss:$0x1] =	vst.idx.msk $0xffff, v5  }
.Ltmp3:
0x2d: {  	v1 =	vld [tilespmem:s21+$0x0];
	[tilespmem:v0+s20+$0xFFFFFFC0 ss:$0x1] =	vst.idx.msk $0xffff, v2;
	s20 =	sshra.s32 s22, $0x2;
	s22 =	smov.u32 s23;
	(pc) =	sbr.rel @p0 .LBB1_5-.Ltmp3, $4  }
0x2e: {  	v3 =	vld [tilespmem:s21+$0x10];
	[tilespmem:v0+s20+$0x30 ss:$0x1] =	vst.idx.msk $0xffff, v4  }
0x2f: {  	[tilespmem:v0+s20+$0xFFFFFFD0 ss:$0x1] =	vst.idx.msk $0xffff, v6;
	v5 =	vld [tilespmem:s21+$0x20]  }
0x30: {  	v2 =	vld [tilespmem:s21+$0xFFFFFFC0];
	[tilespmem:v0+s20+$0xFFFFFFE0 ss:$0x1] =	vst.idx.msk $0xffff, v7;
	s21 =	sadd.s32 $0x80, s21  }
0x31: {  	s23 =	sadd.s32 $0x800, s23;
	v4 =	vld [tilespmem:s21+$0x30];
	[tilespmem:v0+s20+$0xFFFFFFF0 ss:$0x1] =	vst.idx.msk $0xffff, v8  }
0x32: {  	_ =	sdelay $0x3  }
0x33: {  	v6 =	vld [tilespmem:s21+$0xFFFFFFD0];
	[tilespmem:v0+s20+$0x0 ss:$0x1] =	vst.idx.msk $0xffff, v1  }
0x34: {  	v58 =	vld [tilespmem:s21+$0xFFFFFFE0];
	[tilespmem:v0+s20+$0x10 ss:$0x1] =	vst.idx.msk $0xffff, v3  }
0x35: {  	v59 =	vld [tilespmem:s21+$0xFFFFFFF0];
	[tilespmem:v0+s20+$0x20 ss:$0x1] =	vst.idx.msk $0xffff, v5  }
0x36: {  	s22 =	sshra.s32 s22, $0x2;
	v60 =	vld [tilespmem:s21+$0x0];
	[tilespmem:v0+s20+$0xFFFFFFC0 ss:$0x1] =	vst.idx.msk $0xffff, v2  }
0x37: {  	v61 =	vld [tilespmem:s21+$0x10];
	[tilespmem:v0+s22+$0x30 ss:$0x1] =	vst.idx.msk $0xffff, v4  }
0x38: {  	v62 =	vld [tilespmem:s21+$0x20];
	s19 =	sadd.s32 $0x1, s19;
	[tilespmem:v0+s22+$0xFFFFFFD0 ss:$0x1] =	vst.idx.msk $0xffff, v6  }
0x39: {  	v63 =	vld [tilespmem:s21+$0xFFFFFFC0];
	p0 =	sne.s32 s19, $0x4;
	[tilespmem:v0+s22+$0xFFFFFFE0 ss:$0x1] =	vst.idx.msk $0xffff, v58  }
.Ltmp4:
0x3a: {  	[tilespmem:v0+s22+$0xFFFFFFF0 ss:$0x1] =	vst.idx.msk $0xffff, v59;
	(pc) =	sbr.rel @p0 .LBB1_4-.Ltmp4, $4  }
0x3b: {  	[tilespmem:v0+s22+$0x0 ss:$0x1] =	vst.idx.msk $0xffff, v60  }
0x3c: {  	[tilespmem:v0+s22+$0x10 ss:$0x1] =	vst.idx.msk $0xffff, v61  }
0x3d: {  	[tilespmem:v0+s22+$0x20 ss:$0x1] =	vst.idx.msk $0xffff, v62  }
0x3e: {  	s18 =	sadd.s32 $0x400, s18;
	s17 =	sadd.s32 $0x80, s17;
	[tilespmem:v0+s22+$0xFFFFFFC0 ss:$0x1] =	vst.idx.msk $0xffff, v63  }
0x3f: {  	s16 =	sadd.s32 $0x1, s16  }
0x40: {  	p0 =	sne.s32 s16, $0x4  }
.Ltmp5:
0x41: {  	_ = 	snop;
	(pc) =	sbr.rel @p0 .LBB1_3-.Ltmp5, $2  }
0x42: {  	_ =	sdelay $0x2  }
0x43: {  	s13 =	sadd.s32 $0x1000, s13;
	s14 =	sadd.s32 $0x1000, s14  }
.Ltmp6:
0x44: {  	(pc) =	sbr.rel .LBB1_9-.Ltmp6, $4  }
0x45: {  	_ = 	snop  }
0x46: {  	s12 =	sshll.u32 s12, $0x9  }
0x47: {  	s12 =	sadd.s32 s4, s12  }
0x48: {  	[hbm4b:s12+s8] =	stream.linear.scatter [tilespmem:s15], [sflag:$0x2], $0x4000, $0x38;
	[tilespmem:$0x10000] =	vst v63  }
.LBB1_10:
0x49: {  	_ =	sfence.sel $0x180000  }
0x4a: {  	s2 =	simm.s32 $0x1;
	[bflag:$0x0] =	sbarrier.arrive $0xFFFF  }
0x4b: {  	s31 =	simm.s32 $0x2;
	[sflag:s2] =	ssyncpa.u1 $0x1  }
0x4c: {  	[sflag:s31] =	ssyncpa.u1 $0x1  }
0x4d: {  	p0 =	sne.s32 s0, $0x0;
	_ =	strace $0x90000047  }
0x4e: {  	s0 =	sadd.s32 @!p0 $0x100000, s1;
	[bflag:$0x2] =	sbarrier.arrive $0xFFFF  }
0x4f: {  	[sflag:s0] =	ssyncadd.tile.s32 @!p0 $0x1;
	_ =	shalt  }
.Lfunc_end1:
_tile_overlayer_lowered:
.L_overlay_start_2:
0x50: {  	(tag) =	ssettag $0x2  }
0x51: {  	s0 =	rddreg [dreg:$0x0];
	s2 =	stileid.u32  }
0x52: {  	s1 =	rddreg [dreg:$0x1];
	p0 =	sne.s32 s2, $0x0  }
0x53: {  	s3 =	rddreg [dreg:$0x2];
	[bflag:$0x3] =	sbarrier.arrive $0xFFFF;
	s2 =	simm.s32 @!p0 $0x1C01  }
0x54: {  	[timem:s3], [sflag:s2] =	dma.local @!p0 [hbm:s0], s1  }
0x55: {  	s0 =	simm.s32 @!p0 $0x1  }
0x56: {  	_ =	swait.ge @!p0 [sflag:s0], s1  }
0x57: {  	s1 =	ssub.s32 @!p0 $0x0, s1;
	[sflag:s0] =	ssyncset.done @!p0 $0x0  }
0x58: {  	[sflag:s0] =	ssyncadd.s32 @!p0 s1  }
0x59: {  	[bflag:$0x3] =	sbarrier.arrive $0xFFFF  }
0x5a: {  	_ =	shalt  }

</sc_bundles>
